<compile_context>
chip_gen: v7x
topology: tpu7x:2x2x1
jax: 0.10.2.dev20260603
libtpu: 0.0.44.dev20260713+nightly
codegen_flags: <defaults>
</compile_context>

<pallas_src>
import functools

import jax
import jax.numpy as jnp
from jax import lax
from jax.experimental import pallas as pl
from jax.experimental.pallas import tpu as pltpu
from jax.experimental.pallas import tpu_sc as plsc

NC = 2
NS = 16
NW = NC * NS

N = 10000
E = 320000
D = 128

NPAD = 10240
RPS = NPAD // NS
K = 128
CHUNKS = 2560
EPAD = CHUNKS * K
PPC = 32
FAST_P = 4
SLOW_P = 1
FAST_CPT = FAST_P * PPC
SLOW_CPT = SLOW_P * PPC
assert NS * (FAST_CPT + SLOW_CPT) == CHUNKS

_MESH = plsc.VectorSubcoreMesh(
    core_axis_name="c", subcore_axis_name="s", num_cores=NC, num_subcores=NS)
_SC_PARAMS = pltpu.CompilerParams(needs_layout_passes=False)


def _zero_rows(rows):
  z16 = jnp.zeros((16,), jnp.float32)

  def body(r, _):
    for k in range(D // 16):
      rows[r, pl.ds(k * 16, 16)] = z16
    return _
  lax.fori_loop(0, K, body, None)


def _zero_acc(rows, acc, sid, sem):
  del sem
  for t in range(RPS // K):
    pltpu.sync_copy(rows, acc.at[pl.ds(sid * RPS + t * K, K)])


@functools.partial(
    pl.kernel,
    out_type=jax.ShapeDtypeStruct((NC, NPAD, D), jnp.float32),
    mesh=_MESH,
    compiler_params=_SC_PARAMS,
    scratch_types=[
        pltpu.VMEM((PPC, K), jnp.int32),
        pltpu.VMEM((PPC, K), jnp.int32),
        pltpu.VMEM((K, D), jnp.float32),
        pltpu.VMEM((K, D), jnp.float32),
        pltpu.VMEM_SHARED((NPAD, D), jnp.float32),
        pltpu.SemaphoreType.DMA,
        pltpu.SemaphoreType.DMA,
        pltpu.SemaphoreType.DMA,
        pltpu.SemaphoreType.DMA,
    ],
)
def _seg_sum(x_hbm, idxin_hbm, idxout_hbm, out_hbm,
             idxin_v, idxout_v, rows_a, rows_b, acc,
             sem_ga, sem_gb, sem_sa, sem_sb):
  cid = lax.axis_index("c")
  sid = lax.axis_index("s")

  _zero_rows(rows_a)
  _zero_acc(rows_a, acc, sid, sem_sa)
  plsc.subcore_barrier()

  def gath(j, buf, sem):
    return pltpu.make_async_copy(x_hbm.at[idxin_v.at[j]], buf, sem)

  def scat(j, buf, sem):
    return pltpu.make_async_copy(buf, acc.at[idxout_v.at[j]], sem)

  npass = jnp.where(cid == 0, FAST_P, SLOW_P)
  base = jnp.where(cid == 0, sid * FAST_CPT, NS * FAST_CPT + sid * SLOW_CPT)

  def pass_body(p, _):
    off = pl.multiple_of(base + p * PPC, 8)
    pltpu.sync_copy(idxin_hbm.at[pl.ds(off, PPC)], idxin_v)
    pltpu.sync_copy(idxout_hbm.at[pl.ds(off, PPC)], idxout_v)

    gath(0, rows_a, sem_ga).start()
    gath(1, rows_b, sem_gb).start()

    def body(t, _):
      j0 = 2 * t
      j1 = 2 * t + 1
      gath(j0, rows_a, sem_ga).wait()
      scat(j0, rows_a, sem_sa).start(add=True)
      gath(j1, rows_b, sem_gb).wait()
      scat(j1, rows_b, sem_sb).start(add=True)
      scat(j0, rows_a, sem_sa).wait()
      gath(j0 + 2, rows_a, sem_ga).start()
      scat(j1, rows_b, sem_sb).wait()
      gath(j1 + 2, rows_b, sem_gb).start()
      return _
    lax.fori_loop(0, PPC // 2 - 1, body, None)

    gath(PPC - 2, rows_a, sem_ga).wait()
    scat(PPC - 2, rows_a, sem_sa).start(add=True)
    gath(PPC - 1, rows_b, sem_gb).wait()
    scat(PPC - 1, rows_b, sem_sb).start(add=True)
    scat(PPC - 2, rows_a, sem_sa).wait()
    scat(PPC - 1, rows_b, sem_sb).wait()
    return _
  lax.fori_loop(0, npass, pass_body, None)

  plsc.subcore_barrier()
  pltpu.sync_copy(acc.at[pl.ds(sid * RPS, RPS)],
                  out_hbm.at[cid, pl.ds(sid * RPS, RPS)])


@functools.partial(
    pl.kernel,
    out_type=(jax.ShapeDtypeStruct((NC, NPAD, D), jnp.float32),
              jax.ShapeDtypeStruct((NC, NPAD), jnp.float32)),
    mesh=_MESH,
    compiler_params=_SC_PARAMS,
    scratch_types=[
        pltpu.VMEM((PPC, K), jnp.int32),
        pltpu.VMEM((PPC, K), jnp.int32),
        pltpu.VMEM((NPAD // 128, 128), jnp.float32),
        pltpu.VMEM((NPAD // 128, 128), jnp.float32),
        pltpu.VMEM((16,), jnp.float32),
        pltpu.VMEM((1, K), jnp.float32),
        pltpu.VMEM((K, D), jnp.float32),
        pltpu.VMEM_SHARED((NPAD, D), jnp.float32),
        pltpu.VMEM_SHARED((NPAD,), jnp.float32),
        pltpu.SemaphoreType.DMA,
        pltpu.SemaphoreType.DMA,
    ],
)
def _gat_edges(src_hbm, dst_hbm, asrc_hbm, adst_hbm, m_hbm, xp_hbm,
               numer_hbm, denom_hbm,
               srcv, dstv, asv, adv, mv, exv, rows,
               nacc, dacc, sem, sem2):
  cid = lax.axis_index("c")
  sid = lax.axis_index("s")

  z16 = jnp.zeros((16,), jnp.float32)
  _zero_rows(rows)
  for t in range(K // 16):
    exv[0, pl.ds(t * 16, 16)] = z16

  _zero_acc(rows, nacc, sid, sem)
  for t in range(RPS // K):
    pltpu.sync_copy(exv.at[0], dacc.at[pl.ds(sid * RPS + t * K, K)])

  pltpu.sync_copy(asrc_hbm, asv)
  pltpu.sync_copy(adst_hbm, adv)
  pltpu.sync_copy(m_hbm, mv)
  plsc.subcore_barrier()

  z16i = jnp.zeros((16,), jnp.int32)

  def body(j, _):
    cp = pltpu.async_copy(xp_hbm.at[srcv.at[j]], rows, sem)
    mvec = mv[...]
    for k in range(K // 16):
      sidx = srcv[j, pl.ds(k * 16, 16)]
      didx = dstv[j, pl.ds(k * 16, 16)]
      s = (plsc.load_gather(asv, [sidx >> 7, sidx & 127]) +
           plsc.load_gather(adv, [didx >> 7, didx & 127]))
      e = jnp.where(s >= 0, s, 0.2 * s)
      exv[0, pl.ds(k * 16, 16)] = jnp.exp(e - mvec)
    pltpu.sync_copy(exv.at[0], dacc.at[dstv.at[j]], add=True)
    cp.wait()

    def scale_body(r, _):
      sc = plsc.load_gather(exv, [z16i, jnp.broadcast_to(r, (16,))])
      for k2 in range(D // 16):
        rows[r, pl.ds(k2 * 16, 16)] = rows[r, pl.ds(k2 * 16, 16)] * sc
      return _
    lax.fori_loop(0, K, scale_body, None)

    pltpu.sync_copy(rows, nacc.at[dstv.at[j]], add=True)
    return _

  npass = jnp.where(cid == 0, FAST_P, SLOW_P)
  base = jnp.where(cid == 0, sid * FAST_CPT, NS * FAST_CPT + sid * SLOW_CPT)

  def pass_body(p, _):
    off = pl.multiple_of(base + p * PPC, 8)
    pltpu.sync_copy(src_hbm.at[pl.ds(off, PPC)], srcv)
    pltpu.sync_copy(dst_hbm.at[pl.ds(off, PPC)], dstv)
    lax.fori_loop(0, PPC, body, None)
    return _
  lax.fori_loop(0, npass, pass_body, None)

  plsc.subcore_barrier()
  pltpu.sync_copy(nacc.at[pl.ds(sid * RPS, RPS)],
                  numer_hbm.at[cid, pl.ds(sid * RPS, RPS)])
  pltpu.sync_copy(dacc.at[pl.ds(sid * RPS, RPS)],
                  denom_hbm.at[cid, pl.ds(sid * RPS, RPS)])


BLK = 1000
GRID = N // BLK


def _mm_t(a, w):
  return lax.dot_general(a, w, (((1,), (1,)), ((), ())),
                         preferred_element_type=jnp.float32)


def _mlp_body(hp_ref, w1, b1, w2, b2, w3, b3, h3_ref, s_ref, sq_ref):
  i = pl.program_id(0)
  hb = hp_ref[0] + hp_ref[1]
  h1 = jnp.maximum(_mm_t(hb, w1[...]) + b1[...], 0.0)
  h2 = jnp.maximum(_mm_t(h1, w2[...]) + b2[...], 0.0)
  h3 = _mm_t(h2, w3[...]) + b3[...]
  h3_ref[...] = h3

  @pl.when(i == 0)
  def _():
    s_ref[...] = jnp.zeros_like(s_ref)
    sq_ref[...] = jnp.zeros_like(sq_ref)
  s_ref[...] += jnp.sum(h3, axis=0, keepdims=True)
  sq_ref[...] += jnp.sum(h3 * h3, axis=0, keepdims=True)


def _bn_gat_body(h3_ref, s_ref, sq_ref, gamma, beta, wg, att_s, att_d,
                 xp_ref, as_ref, ad_ref, ms_ref, md_ref, m_ref):
  i = pl.program_id(0)
  mean = s_ref[...] / N
  var = sq_ref[...] / N - mean * mean
  hn = (h3_ref[...] - mean) * lax.rsqrt(var + 1e-5) * gamma[...] + beta[...]
  xp = _mm_t(hn, wg[...])
  xp_ref[...] = xp
  a_s = jnp.sum(xp * att_s[...], axis=1)
  a_d = jnp.sum(xp * att_d[...], axis=1)
  as_ref[pl.ds(i, 1), :] = a_s[None, :]
  ad_ref[pl.ds(i, 1), :] = a_d[None, :]

  @pl.when(i == 0)
  def _():
    ms_ref[...] = jnp.full_like(ms_ref, -3.0e38)
    md_ref[...] = jnp.full_like(md_ref, -3.0e38)
  ms_ref[...] = jnp.maximum(ms_ref[...], jnp.max(a_s))
  md_ref[...] = jnp.maximum(md_ref[...], jnp.max(a_d))

  @pl.when(i == GRID - 1)
  def _():
    tot = ms_ref[0, 0] + md_ref[0, 0]
    m = jnp.where(tot >= 0, tot, 0.2 * tot)
    m_ref[...] = jnp.broadcast_to(m, m_ref.shape)


def _gat_combine_body(n_ref, d_ref, bias, out_ref):
  num = n_ref[0] + n_ref[1]
  den = d_ref[0] + d_ref[1]
  out_ref[...] = num / (den + 1e-16) + bias[...]


def _add_partials_body(p_ref, out_ref):
  out_ref[...] = p_ref[0] + p_ref[1]


def _pad_idx(idx, fill):
  pad = jnp.full((EPAD - E,), fill, dtype=jnp.int32)
  return jnp.concatenate([idx, pad]).reshape(CHUNKS, K)


def kernel(x, edge_index, pv_rows, pv_cols, W1, b1, W2, b2, W3, b3,
           gamma, beta, W_gat, att_src, att_dst, bias_gat):
  row = lambda v: v.reshape(1, D)
  full128 = pl.BlockSpec((D, D), lambda i: (0, 0))
  fullrow = pl.BlockSpec((1, D), lambda i: (0, 0))
  hpart_spec = pl.BlockSpec((NC, BLK, D), lambda i: (0, i, 0))
  blk_spec = pl.BlockSpec((BLK, D), lambda i: (i, 0))

  hpart = _seg_sum(x, _pad_idx(pv_cols, 0), _pad_idx(pv_rows, N))

  h3, ssum, ssq = pl.pallas_call(
      _mlp_body,
      grid=(GRID,),
      in_specs=[hpart_spec, full128, fullrow, full128, fullrow, full128,
                fullrow],
      out_specs=[blk_spec, fullrow, fullrow],
      out_shape=[jax.ShapeDtypeStruct((N, D), jnp.float32),
                 jax.ShapeDtypeStruct((1, D), jnp.float32),
                 jax.ShapeDtypeStruct((1, D), jnp.float32)],
  )(hpart, W1, row(b1), W2, row(b2), W3, row(b3))

  arow_spec = pl.BlockSpec((GRID, BLK), lambda i: (0, 0))
  xp, a_s, a_d, _, _, mrow = pl.pallas_call(
      _bn_gat_body,
      grid=(GRID,),
      in_specs=[blk_spec, fullrow, fullrow, fullrow, fullrow, full128,
                fullrow, fullrow],
      out_specs=[blk_spec, arow_spec, arow_spec, fullrow, fullrow, fullrow],
      out_shape=[jax.ShapeDtypeStruct((N, D), jnp.float32),
                 jax.ShapeDtypeStruct((GRID, BLK), jnp.float32),
                 jax.ShapeDtypeStruct((GRID, BLK), jnp.float32),
                 jax.ShapeDtypeStruct((1, D), jnp.float32),
                 jax.ShapeDtypeStruct((1, D), jnp.float32),
                 jax.ShapeDtypeStruct((1, D), jnp.float32)],
  )(h3, ssum, ssq, row(gamma), row(beta), W_gat, row(att_src), row(att_dst))

  zpad = jnp.zeros((NPAD - N,), jnp.float32)
  asrc_p = jnp.concatenate([a_s.reshape(N), zpad]).reshape(NPAD // 128, 128)
  adst_p = jnp.concatenate([a_d.reshape(N), zpad]).reshape(NPAD // 128, 128)

  numer, denom = _gat_edges(
      _pad_idx(edge_index[0], 0), _pad_idx(edge_index[1], N),
      asrc_p, adst_p, mrow[0, :16], xp)

  y = pl.pallas_call(
      _gat_combine_body,
      grid=(GRID,),
      in_specs=[hpart_spec, pl.BlockSpec((NC, BLK, 1), lambda i: (0, i, 0)),
                fullrow],
      out_specs=blk_spec,
      out_shape=jax.ShapeDtypeStruct((N, D), jnp.float32),
  )(numer, denom.reshape(NC, NPAD, 1), row(bias_gat))

  opart = _seg_sum(y, _pad_idx(pv_rows, 0), _pad_idx(pv_cols, N))

  out = pl.pallas_call(
      _add_partials_body,
      grid=(GRID,),
      in_specs=[hpart_spec],
      out_specs=blk_spec,
      out_shape=jax.ShapeDtypeStruct((N, D), jnp.float32),
  )(opart)
  return out

# --- scband reference (transcript-rebuilt; emitter-appended) ---
"""Pipeline reference for scband-unigencoder-12584254177798 (READ-ONLY COPY).

The authoritative reference and input builder live on the scoring server;
editing this copy changes nothing except your own understanding.
"""

import jax, jax.numpy as jnp
import numpy as np

N = 10000
E = 320000
P = 320000
D_IN = 128
D_HID = 128
D_OUT = 128


def setup_inputs(seed: int = 0) -> dict:
    key = jax.random.key(seed)
    ks = jax.random.split(key, 16)
    x = jax.random.normal(ks[0], (N, D_IN), dtype=jnp.float32)
    edge_index = jax.random.randint(ks[1], (2, E), 0, N, dtype=jnp.int32)
    pv_rows = jax.random.randint(ks[2], (P,), 0, N, dtype=jnp.int32)
    pv_cols = jax.random.randint(ks[3], (P,), 0, N, dtype=jnp.int32)
    s = 0.05
    W1 = jax.random.normal(ks[4], (D_HID, D_IN), dtype=jnp.float32) * s
    b1 = jnp.zeros((D_HID,), dtype=jnp.float32)
    W2 = jax.random.normal(ks[5], (D_HID, D_HID), dtype=jnp.float32) * s
    b2 = jnp.zeros((D_HID,), dtype=jnp.float32)
    W3 = jax.random.normal(ks[6], (D_OUT, D_HID), dtype=jnp.float32) * s
    b3 = jnp.zeros((D_OUT,), dtype=jnp.float32)
    gamma = jnp.ones((D_OUT,), dtype=jnp.float32)
    beta = jnp.zeros((D_OUT,), dtype=jnp.float32)
    W_gat = jax.random.normal(ks[7], (D_HID, D_OUT), dtype=jnp.float32) * s
    att_src = jax.random.normal(ks[8], (D_HID,), dtype=jnp.float32) * s
    att_dst = jax.random.normal(ks[9], (D_HID,), dtype=jnp.float32) * s
    bias_gat = jnp.zeros((D_HID,), dtype=jnp.float32)
    return {"x": x, "edge_index": edge_index, "pv_rows": pv_rows, "pv_cols": pv_cols,
            "W1": W1, "b1": b1, "W2": W2, "b2": b2, "W3": W3, "b3": b3,
            "gamma": gamma, "beta": beta, "W_gat": W_gat, "att_src": att_src,
            "att_dst": att_dst, "bias_gat": bias_gat}


def reference(x, edge_index, pv_rows, pv_cols, W1, b1, W2, b2, W3, b3,
              gamma, beta, W_gat, att_src, att_dst, bias_gat):
    # x = spmm(Pv, x): Pv is a sparse 0/1 incidence matrix given by (pv_rows, pv_cols)
    h = jax.ops.segment_sum(x[pv_cols], pv_rows, num_segments=N)
    # MLP stack (dropout is identity in eval mode)
    h = jax.nn.relu(h @ W1.T + b1)
    h = jax.nn.relu(h @ W2.T + b2)
    h = h @ W3.T + b3
    # BatchNorm1d (training-mode batch statistics, eps=1e-5)
    mean = jnp.mean(h, axis=0)
    var = jnp.var(h, axis=0)
    h = (h - mean) / jnp.sqrt(var + 1e-5) * gamma + beta
    # GATConv, heads=1 (PyG convention: message src -> dst, softmax over incoming edges per dst)
    src = edge_index[0]
    dst = edge_index[1]
    xp = h @ W_gat.T
    a_src = jnp.sum(xp * att_src, axis=-1)
    a_dst = jnp.sum(xp * att_dst, axis=-1)
    e = jax.nn.leaky_relu(a_src[src] + a_dst[dst], negative_slope=0.2)
    emax = jax.ops.segment_max(e, dst, num_segments=N)
    emax = jnp.where(jnp.isfinite(emax), emax, 0.0)
    ex = jnp.exp(e - emax[dst])
    denom = jax.ops.segment_sum(ex, dst, num_segments=N)
    alpha = ex / (denom[dst] + 1e-16)
    out = jax.ops.segment_sum(alpha[:, None] * xp[src], dst, num_segments=N) + bias_gat
    # x = spmm(PvT, x)
    out = jax.ops.segment_sum(out[pv_rows], pv_cols, num_segments=N)
    return out

if __name__ == "__main__":
    import jax
    _d = setup_inputs()
    print(jax.jit(kernel)(*tuple(_d.values())))

</pallas_src>

<mosaic_0001>
#map = affine_map<(d0, d1) -> (0, 0)>
#map1 = affine_map<(d0, d1) -> (0, 0, 0)>
module attributes {stable_mosaic.version = 14 : i64} {
  func.func @_seg_sum(%arg0: i32, %arg1: i32, %arg2: memref<10000x128xf32, #tpu.memory_space<hbm>>, %arg3: memref<2560x128xi32, #tpu.memory_space<hbm>>, %arg4: memref<2560x128xi32, #tpu.memory_space<hbm>>, %arg5: memref<2x10240x128xf32, #tpu.memory_space<hbm>>, %arg6: memref<32x128xi32, #tpu.memory_space<vmem>>, %arg7: memref<32x128xi32, #tpu.memory_space<vmem>>, %arg8: memref<128x128xf32, #tpu.memory_space<vmem>>, %arg9: memref<128x128xf32, #tpu.memory_space<vmem>>, %arg10: memref<10240x128xf32, #tpu.memory_space<vmem_shared>>, %arg11: memref<!tpu.dma_semaphore, #tpu.memory_space<semaphore_mem>>, %arg12: memref<!tpu.dma_semaphore, #tpu.memory_space<semaphore_mem>>, %arg13: memref<!tpu.dma_semaphore, #tpu.memory_space<semaphore_mem>>, %arg14: memref<!tpu.dma_semaphore, #tpu.memory_space<semaphore_mem>>) attributes {dimension_semantics = [#tpu.dimension_semantics<core_parallel>, #tpu.dimension_semantics<subcore_parallel>], iteration_bounds = array<i64: 2, 16>, scalar_prefetch = 0 : i64, scratch_operands = 9 : i64, tpu.core_type = #tpu.core_type<sc_vector_subcore>, window_params = [{transform_indices = #map}, {transform_indices = #map}, {transform_indices = #map}, {transform_indices = #map1}]} {
    %broadcast_in_dim3A = arith.constant 0.000000e+00 : f32
    %broadcast_in_dim3A_0 = vector.broadcast %broadcast_in_dim3A : f32 to vector<16xf32>
    %scan3A = arith.constant 0 : i32
    %scan3A_1 = arith.constant 128 : i32
    %scan3A_2 = arith.addi %scan3A, %scan3A_1 : i32
    %scan3A_3 = arith.constant 1 : i32
    scf.for %scan3A_47 = %scan3A to %scan3A_2 step %scan3A_3  : i32 {
      %swap3A = arith.index_cast %scan3A_47 : i32 to index
      %swap3A_48 = arith.constant 0 : index
      %swap3A_49 = tpu.vector_load %arg8[%swap3A, %swap3A_48] {strides = array<i32>} : memref<128x128xf32, #tpu.memory_space<vmem>>, vector<16xf32>,
      tpu.vector_store %arg8[%swap3A, %swap3A_48], %broadcast_in_dim3A_0 {strides = array<i32>} : memref<128x128xf32, #tpu.memory_space<vmem>>, vector<16xf32>,
      %swap3A_50 = arith.index_cast %scan3A_47 : i32 to index
      %swap3A_51 = arith.constant 16 : index
      %swap3A_52 = tpu.vector_load %arg8[%swap3A_50, %swap3A_51] {strides = array<i32>} : memref<128x128xf32, #tpu.memory_space<vmem>>, vector<16xf32>,
      tpu.vector_store %arg8[%swap3A_50, %swap3A_51], %broadcast_in_dim3A_0 {strides = array<i32>} : memref<128x128xf32, #tpu.memory_space<vmem>>, vector<16xf32>,
      %swap3A_53 = arith.index_cast %scan3A_47 : i32 to index
      %swap3A_54 = arith.constant 32 : index
      %swap3A_55 = tpu.vector_load %arg8[%swap3A_53, %swap3A_54] {strides = array<i32>} : memref<128x128xf32, #tpu.memory_space<vmem>>, vector<16xf32>,
      tpu.vector_store %arg8[%swap3A_53, %swap3A_54], %broadcast_in_dim3A_0 {strides = array<i32>} : memref<128x128xf32, #tpu.memory_space<vmem>>, vector<16xf32>,
      %swap3A_56 = arith.index_cast %scan3A_47 : i32 to index
      %swap3A_57 = arith.constant 48 : index
      %swap3A_58 = tpu.vector_load %arg8[%swap3A_56, %swap3A_57] {strides = array<i32>} : memref<128x128xf32, #tpu.memory_space<vmem>>, vector<16xf32>,
      tpu.vector_store %arg8[%swap3A_56, %swap3A_57], %broadcast_in_dim3A_0 {strides = array<i32>} : memref<128x128xf32, #tpu.memory_space<vmem>>, vector<16xf32>,
      %swap3A_59 = arith.index_cast %scan3A_47 : i32 to index
      %swap3A_60 = arith.constant 64 : index
      %swap3A_61 = tpu.vector_load %arg8[%swap3A_59, %swap3A_60] {strides = array<i32>} : memref<128x128xf32, #tpu.memory_space<vmem>>, vector<16xf32>,
      tpu.vector_store %arg8[%swap3A_59, %swap3A_60], %broadcast_in_dim3A_0 {strides = array<i32>} : memref<128x128xf32, #tpu.memory_space<vmem>>, vector<16xf32>,
      %swap3A_62 = arith.index_cast %scan3A_47 : i32 to index
      %swap3A_63 = arith.constant 80 : index
      %swap3A_64 = tpu.vector_load %arg8[%swap3A_62, %swap3A_63] {strides = array<i32>} : memref<128x128xf32, #tpu.memory_space<vmem>>, vector<16xf32>,
      tpu.vector_store %arg8[%swap3A_62, %swap3A_63], %broadcast_in_dim3A_0 {strides = array<i32>} : memref<128x128xf32, #tpu.memory_space<vmem>>, vector<16xf32>,
      %swap3A_65 = arith.index_cast %scan3A_47 : i32 to index
      %swap3A_66 = arith.constant 96 : index
      %swap3A_67 = tpu.vector_load %arg8[%swap3A_65, %swap3A_66] {strides = array<i32>} : memref<128x128xf32, #tpu.memory_space<vmem>>, vector<16xf32>,
      tpu.vector_store %arg8[%swap3A_65, %swap3A_66], %broadcast_in_dim3A_0 {strides = array<i32>} : memref<128x128xf32, #tpu.memory_space<vmem>>, vector<16xf32>,
      %swap3A_68 = arith.index_cast %scan3A_47 : i32 to index
      %swap3A_69 = arith.constant 112 : index
      %swap3A_70 = tpu.vector_load %arg8[%swap3A_68, %swap3A_69] {strides = array<i32>} : memref<128x128xf32, #tpu.memory_space<vmem>>, vector<16xf32>,
      tpu.vector_store %arg8[%swap3A_68, %swap3A_69], %broadcast_in_dim3A_0 {strides = array<i32>} : memref<128x128xf32, #tpu.memory_space<vmem>>, vector<16xf32>,
    }
    %scan3A_4 = arith.constant 128 : i32
    %mul3A = arith.constant 640 : i32
    %mul3A_5 = arith.muli %arg1, %mul3A : i32
    %add3A = arith.constant 0 : i32
    %add3A_6 = arith.addi %mul3A_5, %add3A : i32
    "tpu.region"() ({
      %run_scoped3A = tpu.sem_alloc : memref<!tpu.dma_semaphore, #tpu.memory_space<semaphore_mem>>
      %dma_start3A = arith.constant 0 : i32
      %dma_start3A_47 = tpu.memref_slice %arg10[%add3A_6, %dma_start3A] : memref<10240x128xf32, #tpu.memory_space<vmem_shared>> -> memref<128x128xf32, #tpu.memory_space<vmem_shared>>
      %dma_start3A_48 = arith.constant 0 : i32
      %dma_start3A_49 = tpu.memref_slice %arg10[%add3A_6, %dma_start3A_48] : memref<10240x128xf32, #tpu.memory_space<vmem_shared>> -> memref<128x128xf32, #tpu.memory_space<vmem_shared>>
      tpu.enqueue_dma source(%arg8 : memref<128x128xf32, #tpu.memory_space<vmem>>) target(%dma_start3A_49 : memref<128x128xf32, #tpu.memory_space<vmem_shared>>) target_semaphore(%run_scoped3A : memref<!tpu.dma_semaphore, #tpu.memory_space<semaphore_mem>>)
      %dma_wait3A = arith.constant 0 : i32
      %dma_wait3A_50 = tpu.memref_slice %arg10[%add3A_6, %dma_wait3A] : memref<10240x128xf32, #tpu.memory_space<vmem_shared>> -> memref<128x128xf32, #tpu.memory_space<vmem_shared>>
      %dma_wait3A_51 = arith.constant 0 : i32
      %dma_wait3A_52 = tpu.memref_slice %arg10[%add3A_6, %dma_wait3A_51] : memref<10240x128xf32, #tpu.memory_space<vmem_shared>> -> memref<128x128xf32, #tpu.memory_space<vmem_shared>>
      tpu.wait_dma2 semaphore(%run_scoped3A : memref<!tpu.dma_semaphore, #tpu.memory_space<semaphore_mem>>) src(%arg8 : memref<128x128xf32, #tpu.memory_space<vmem>>) dst(%dma_wait3A_52 : memref<128x128xf32, #tpu.memory_space<vmem_shared>>)
      tpu.yield
    }) : () -> ()
    %mul3A_7 = arith.constant 640 : i32
    %mul3A_8 = arith.muli %arg1, %mul3A_7 : i32
    %add3A_9 = arith.constant 128 : i32
    %add3A_10 = arith.addi %mul3A_8, %add3A_9 : i32
    "tpu.region"() ({
      %run_scoped3A = tpu.sem_alloc : memref<!tpu.dma_semaphore, #tpu.memory_space<semaphore_mem>>
      %dma_start3A = arith.constant 0 : i32
      %dma_start3A_47 = tpu.memref_slice %arg10[%add3A_10, %dma_start3A] : memref<10240x128xf32, #tpu.memory_space<vmem_shared>> -> memref<128x128xf32, #tpu.memory_space<vmem_shared>>
      %dma_start3A_48 = arith.constant 0 : i32
      %dma_start3A_49 = tpu.memref_slice %arg10[%add3A_10, %dma_start3A_48] : memref<10240x128xf32, #tpu.memory_space<vmem_shared>> -> memref<128x128xf32, #tpu.memory_space<vmem_shared>>
      tpu.enqueue_dma source(%arg8 : memref<128x128xf32, #tpu.memory_space<vmem>>) target(%dma_start3A_49 : memref<128x128xf32, #tpu.memory_space<vmem_shared>>) target_semaphore(%run_scoped3A : memref<!tpu.dma_semaphore, #tpu.memory_space<semaphore_mem>>)
      %dma_wait3A = arith.constant 0 : i32
      %dma_wait3A_50 = tpu.memref_slice %arg10[%add3A_10, %dma_wait3A] : memref<10240x128xf32, #tpu.memory_space<vmem_shared>> -> memref<128x128xf32, #tpu.memory_space<vmem_shared>>
      %dma_wait3A_51 = arith.constant 0 : i32
      %dma_wait3A_52 = tpu.memref_slice %arg10[%add3A_10, %dma_wait3A_51] : memref<10240x128xf32, #tpu.memory_space<vmem_shared>> -> memref<128x128xf32, #tpu.memory_space<vmem_shared>>
      tpu.wait_dma2 semaphore(%run_scoped3A : memref<!tpu.dma_semaphore, #tpu.memory_space<semaphore_mem>>) src(%arg8 : memref<128x128xf32, #tpu.memory_space<vmem>>) dst(%dma_wait3A_52 : memref<128x128xf32, #tpu.memory_space<vmem_shared>>)
      tpu.yield
    }) : () -> ()
    %mul3A_11 = arith.constant 640 : i32
    %mul3A_12 = arith.muli %arg1, %mul3A_11 : i32
    %add3A_13 = arith.constant 256 : i32
    %add3A_14 = arith.addi %mul3A_12, %add3A_13 : i32
    "tpu.region"() ({
      %run_scoped3A = tpu.sem_alloc : memref<!tpu.dma_semaphore, #tpu.memory_space<semaphore_mem>>
      %dma_start3A = arith.constant 0 : i32
      %dma_start3A_47 = tpu.memref_slice %arg10[%add3A_14, %dma_start3A] : memref<10240x128xf32, #tpu.memory_space<vmem_shared>> -> memref<128x128xf32, #tpu.memory_space<vmem_shared>>
      %dma_start3A_48 = arith.constant 0 : i32
      %dma_start3A_49 = tpu.memref_slice %arg10[%add3A_14, %dma_start3A_48] : memref<10240x128xf32, #tpu.memory_space<vmem_shared>> -> memref<128x128xf32, #tpu.memory_space<vmem_shared>>
      tpu.enqueue_dma source(%arg8 : memref<128x128xf32, #tpu.memory_space<vmem>>) target(%dma_start3A_49 : memref<128x128xf32, #tpu.memory_space<vmem_shared>>) target_semaphore(%run_scoped3A : memref<!tpu.dma_semaphore, #tpu.memory_space<semaphore_mem>>)
      %dma_wait3A = arith.constant 0 : i32
      %dma_wait3A_50 = tpu.memref_slice %arg10[%add3A_14, %dma_wait3A] : memref<10240x128xf32, #tpu.memory_space<vmem_shared>> -> memref<128x128xf32, #tpu.memory_space<vmem_shared>>
      %dma_wait3A_51 = arith.constant 0 : i32
      %dma_wait3A_52 = tpu.memref_slice %arg10[%add3A_14, %dma_wait3A_51] : memref<10240x128xf32, #tpu.memory_space<vmem_shared>> -> memref<128x128xf32, #tpu.memory_space<vmem_shared>>
      tpu.wait_dma2 semaphore(%run_scoped3A : memref<!tpu.dma_semaphore, #tpu.memory_space<semaphore_mem>>) src(%arg8 : memref<128x128xf32, #tpu.memory_space<vmem>>) dst(%dma_wait3A_52 : memref<128x128xf32, #tpu.memory_space<vmem_shared>>)
      tpu.yield
    }) : () -> ()
    %mul3A_15 = arith.constant 640 : i32
    %mul3A_16 = arith.muli %arg1, %mul3A_15 : i32
    %add3A_17 = arith.constant 384 : i32
    %add3A_18 = arith.addi %mul3A_16, %add3A_17 : i32
    "tpu.region"() ({
      %run_scoped3A = tpu.sem_alloc : memref<!tpu.dma_semaphore, #tpu.memory_space<semaphore_mem>>
      %dma_start3A = arith.constant 0 : i32
      %dma_start3A_47 = tpu.memref_slice %arg10[%add3A_18, %dma_start3A] : memref<10240x128xf32, #tpu.memory_space<vmem_shared>> -> memref<128x128xf32, #tpu.memory_space<vmem_shared>>
      %dma_start3A_48 = arith.constant 0 : i32
      %dma_start3A_49 = tpu.memref_slice %arg10[%add3A_18, %dma_start3A_48] : memref<10240x128xf32, #tpu.memory_space<vmem_shared>> -> memref<128x128xf32, #tpu.memory_space<vmem_shared>>
      tpu.enqueue_dma source(%arg8 : memref<128x128xf32, #tpu.memory_space<vmem>>) target(%dma_start3A_49 : memref<128x128xf32, #tpu.memory_space<vmem_shared>>) target_semaphore(%run_scoped3A : memref<!tpu.dma_semaphore, #tpu.memory_space<semaphore_mem>>)
      %dma_wait3A = arith.constant 0 : i32
      %dma_wait3A_50 = tpu.memref_slice %arg10[%add3A_18, %dma_wait3A] : memref<10240x128xf32, #tpu.memory_space<vmem_shared>> -> memref<128x128xf32, #tpu.memory_space<vmem_shared>>
      %dma_wait3A_51 = arith.constant 0 : i32
      %dma_wait3A_52 = tpu.memref_slice %arg10[%add3A_18, %dma_wait3A_51] : memref<10240x128xf32, #tpu.memory_space<vmem_shared>> -> memref<128x128xf32, #tpu.memory_space<vmem_shared>>
      tpu.wait_dma2 semaphore(%run_scoped3A : memref<!tpu.dma_semaphore, #tpu.memory_space<semaphore_mem>>) src(%arg8 : memref<128x128xf32, #tpu.memory_space<vmem>>) dst(%dma_wait3A_52 : memref<128x128xf32, #tpu.memory_space<vmem_shared>>)
      tpu.yield
    }) : () -> ()
    %mul3A_19 = arith.constant 640 : i32
    %mul3A_20 = arith.muli %arg1, %mul3A_19 : i32
    %add3A_21 = arith.constant 512 : i32
    %add3A_22 = arith.addi %mul3A_20, %add3A_21 : i32
    "tpu.region"() ({
      %run_scoped3A = tpu.sem_alloc : memref<!tpu.dma_semaphore, #tpu.memory_space<semaphore_mem>>
      %dma_start3A = arith.constant 0 : i32
      %dma_start3A_47 = tpu.memref_slice %arg10[%add3A_22, %dma_start3A] : memref<10240x128xf32, #tpu.memory_space<vmem_shared>> -> memref<128x128xf32, #tpu.memory_space<vmem_shared>>
      %dma_start3A_48 = arith.constant 0 : i32
      %dma_start3A_49 = tpu.memref_slice %arg10[%add3A_22, %dma_start3A_48] : memref<10240x128xf32, #tpu.memory_space<vmem_shared>> -> memref<128x128xf32, #tpu.memory_space<vmem_shared>>
      tpu.enqueue_dma source(%arg8 : memref<128x128xf32, #tpu.memory_space<vmem>>) target(%dma_start3A_49 : memref<128x128xf32, #tpu.memory_space<vmem_shared>>) target_semaphore(%run_scoped3A : memref<!tpu.dma_semaphore, #tpu.memory_space<semaphore_mem>>)
      %dma_wait3A = arith.constant 0 : i32
      %dma_wait3A_50 = tpu.memref_slice %arg10[%add3A_22, %dma_wait3A] : memref<10240x128xf32, #tpu.memory_space<vmem_shared>> -> memref<128x128xf32, #tpu.memory_space<vmem_shared>>
      %dma_wait3A_51 = arith.constant 0 : i32
      %dma_wait3A_52 = tpu.memref_slice %arg10[%add3A_22, %dma_wait3A_51] : memref<10240x128xf32, #tpu.memory_space<vmem_shared>> -> memref<128x128xf32, #tpu.memory_space<vmem_shared>>
      tpu.wait_dma2 semaphore(%run_scoped3A : memref<!tpu.dma_semaphore, #tpu.memory_space<semaphore_mem>>) src(%arg8 : memref<128x128xf32, #tpu.memory_space<vmem>>) dst(%dma_wait3A_52 : memref<128x128xf32, #tpu.memory_space<vmem_shared>>)
      tpu.yield
    }) : () -> ()
    %barrier3A = arith.constant 0 : index
    tpu.barrier barrier_id(%barrier3A)
    %eq3A = arith.constant 0 : i32
    %eq3A_23 = arith.cmpi eq, %arg0, %eq3A : i32
    %jit3A = arith.constant 4 : i32
    %jit3A_24 = arith.constant 1 : i32
    %select_n3A = arith.select %eq3A_23, %jit3A, %jit3A_24 : i32
    %eq3A_25 = arith.constant 0 : i32
    %eq3A_26 = arith.cmpi eq, %arg0, %eq3A_25 : i32
    %mul3A_27 = arith.constant 128 : i32
    %mul3A_28 = arith.muli %arg1, %mul3A_27 : i32
    %mul3A_29 = arith.constant 32 : i32
    %mul3A_30 = arith.muli %arg1, %mul3A_29 : i32
    %add3A_31 = arith.constant 2048 : i32
    %add3A_32 = arith.addi %add3A_31, %mul3A_30 : i32
    %select_n3A_33 = arith.select %eq3A_26, %mul3A_28, %add3A_32 : i32
    %while3A = arith.constant 0 : i32
    %while3A_34 = arith.subi %select_n3A, %while3A : i32
    %while3A_35 = arith.addi %while3A, %while3A_34 : i32
    %while3A_36 = arith.constant 1 : i32
    %while3A_37 = arith.divsi %while3A_34, %while3A_36 : i32
    %while3A_38 = arith.muli %while3A_37, %while3A_36 : i32
    %while3A_39 = arith.addi %while3A, %while3A_38 : i32
    %while3A_40 = arith.constant 1 : i32
    scf.for %while3A_47 = %while3A to %while3A_39 step %while3A_40  : i32 {
      %mul3A_48 = arith.constant 32 : i32
      %mul3A_49 = arith.muli %while3A_47, %mul3A_48 : i32
      %add3A_50 = arith.addi %select_n3A_33, %mul3A_49 : i32
      %multiple_of3A = tpu.assume_multiple %add3A_50, 8 : i32
      "tpu.region"() ({
        %run_scoped3A = tpu.sem_alloc : memref<!tpu.dma_semaphore, #tpu.memory_space<semaphore_mem>>
        %dma_start3A_110 = arith.constant 0 : i32
        %dma_start3A_111 = tpu.memref_slice %arg3[%multiple_of3A, %dma_start3A_110] : memref<2560x128xi32, #tpu.memory_space<hbm>> -> memref<32x128xi32, #tpu.memory_space<hbm>>
        %dma_start3A_112 = arith.constant 0 : i32
        %dma_start3A_113 = tpu.memref_slice %arg3[%multiple_of3A, %dma_start3A_112] : memref<2560x128xi32, #tpu.memory_space<hbm>> -> memref<32x128xi32, #tpu.memory_space<hbm>>
        tpu.enqueue_dma source(%dma_start3A_113 : memref<32x128xi32, #tpu.memory_space<hbm>>) target(%arg6 : memref<32x128xi32, #tpu.memory_space<vmem>>) target_semaphore(%run_scoped3A : memref<!tpu.dma_semaphore, #tpu.memory_space<semaphore_mem>>)
        %dma_wait3A_114 = arith.constant 0 : i32
        %dma_wait3A_115 = tpu.memref_slice %arg3[%multiple_of3A, %dma_wait3A_114] : memref<2560x128xi32, #tpu.memory_space<hbm>> -> memref<32x128xi32, #tpu.memory_space<hbm>>
        %dma_wait3A_116 = arith.constant 0 : i32
        %dma_wait3A_117 = tpu.memref_slice %arg3[%multiple_of3A, %dma_wait3A_116] : memref<2560x128xi32, #tpu.memory_space<hbm>> -> memref<32x128xi32, #tpu.memory_space<hbm>>
        tpu.wait_dma2 semaphore(%run_scoped3A : memref<!tpu.dma_semaphore, #tpu.memory_space<semaphore_mem>>) src(%dma_wait3A_117 : memref<32x128xi32, #tpu.memory_space<hbm>>) dst(%arg6 : memref<32x128xi32, #tpu.memory_space<vmem>>)
        tpu.yield
      }) : () -> ()
      "tpu.region"() ({
        %run_scoped3A = tpu.sem_alloc : memref<!tpu.dma_semaphore, #tpu.memory_space<semaphore_mem>>
        %dma_start3A_110 = arith.constant 0 : i32
        %dma_start3A_111 = tpu.memref_slice %arg4[%multiple_of3A, %dma_start3A_110] : memref<2560x128xi32, #tpu.memory_space<hbm>> -> memref<32x128xi32, #tpu.memory_space<hbm>>
        %dma_start3A_112 = arith.constant 0 : i32
        %dma_start3A_113 = tpu.memref_slice %arg4[%multiple_of3A, %dma_start3A_112] : memref<2560x128xi32, #tpu.memory_space<hbm>> -> memref<32x128xi32, #tpu.memory_space<hbm>>
        tpu.enqueue_dma source(%dma_start3A_113 : memref<32x128xi32, #tpu.memory_space<hbm>>) target(%arg7 : memref<32x128xi32, #tpu.memory_space<vmem>>) target_semaphore(%run_scoped3A : memref<!tpu.dma_semaphore, #tpu.memory_space<semaphore_mem>>)
        %dma_wait3A_114 = arith.constant 0 : i32
        %dma_wait3A_115 = tpu.memref_slice %arg4[%multiple_of3A, %dma_wait3A_114] : memref<2560x128xi32, #tpu.memory_space<hbm>> -> memref<32x128xi32, #tpu.memory_space<hbm>>
        %dma_wait3A_116 = arith.constant 0 : i32
        %dma_wait3A_117 = tpu.memref_slice %arg4[%multiple_of3A, %dma_wait3A_116] : memref<2560x128xi32, #tpu.memory_space<hbm>> -> memref<32x128xi32, #tpu.memory_space<hbm>>
        tpu.wait_dma2 semaphore(%run_scoped3A : memref<!tpu.dma_semaphore, #tpu.memory_space<semaphore_mem>>) src(%dma_wait3A_117 : memref<32x128xi32, #tpu.memory_space<hbm>>) dst(%arg7 : memref<32x128xi32, #tpu.memory_space<vmem>>)
        tpu.yield
      }) : () -> ()
      %dma_start3A = arith.constant 0 : i32
      %dma_start3A_51 = arith.constant 0 : i32
      %dma_start3A_52 = tpu.memref_slice %arg6[%dma_start3A, %dma_start3A_51] : memref<32x128xi32, #tpu.memory_space<vmem>> -> memref<1x128xi32, #tpu.memory_space<vmem>>
      %dma_start3A_53 = tpu.memref_squeeze %dma_start3A_52 : memref<1x128xi32, #tpu.memory_space<vmem>> -> memref<128xi32, #tpu.memory_space<vmem>>
      %dma_start3A_54 = arith.constant 0 : i32
      %dma_start3A_55 = arith.constant 0 : i32
      %dma_start3A_56 = tpu.memref_slice %arg2[%dma_start3A_54, %dma_start3A_55] : memref<10000x128xf32, #tpu.memory_space<hbm>> -> memref<10000x128xf32, #tpu.memory_space<hbm>>
      tpu.enqueue_indirect_dma source(%dma_start3A_56 : memref<10000x128xf32, #tpu.memory_space<hbm>>) target(%arg8 : memref<128x128xf32, #tpu.memory_space<vmem>>) offsets(%dma_start3A_53 : memref<128xi32, #tpu.memory_space<vmem>>) semaphore(%arg11 : memref<!tpu.dma_semaphore, #tpu.memory_space<semaphore_mem>>)
      %dma_start3A_57 = arith.constant 1 : i32
      %dma_start3A_58 = arith.constant 0 : i32
      %dma_start3A_59 = tpu.memref_slice %arg6[%dma_start3A_57, %dma_start3A_58] : memref<32x128xi32, #tpu.memory_space<vmem>> -> memref<1x128xi32, #tpu.memory_space<vmem>>
      %dma_start3A_60 = tpu.memref_squeeze %dma_start3A_59 : memref<1x128xi32, #tpu.memory_space<vmem>> -> memref<128xi32, #tpu.memory_space<vmem>>
      %dma_start3A_61 = arith.constant 0 : i32
      %dma_start3A_62 = arith.constant 0 : i32
      %dma_start3A_63 = tpu.memref_slice %arg2[%dma_start3A_61, %dma_start3A_62] : memref<10000x128xf32, #tpu.memory_space<hbm>> -> memref<10000x128xf32, #tpu.memory_space<hbm>>
      tpu.enqueue_indirect_dma source(%dma_start3A_63 : memref<10000x128xf32, #tpu.memory_space<hbm>>) target(%arg9 : memref<128x128xf32, #tpu.memory_space<vmem>>) offsets(%dma_start3A_60 : memref<128xi32, #tpu.memory_space<vmem>>) semaphore(%arg12 : memref<!tpu.dma_semaphore, #tpu.memory_space<semaphore_mem>>)
      %scan3A_64 = arith.constant 0 : i32
      %scan3A_65 = arith.constant 15 : i32
      %scan3A_66 = arith.addi %scan3A_64, %scan3A_65 : i32
      %scan3A_67 = arith.constant 1 : i32
      scf.for %scan3A_110 = %scan3A_64 to %scan3A_66 step %scan3A_67  : i32 {
        %mul3A_111 = arith.constant 2 : i32
        %mul3A_112 = arith.muli %mul3A_111, %scan3A_110 : i32
        %mul3A_113 = arith.constant 2 : i32
        %mul3A_114 = arith.muli %mul3A_113, %scan3A_110 : i32
        %add3A_115 = arith.constant 1 : i32
        %add3A_116 = arith.addi %mul3A_114, %add3A_115 : i32
        %dma_wait3A_117 = arith.constant 0 : i32
        %dma_wait3A_118 = tpu.memref_slice %arg6[%mul3A_112, %dma_wait3A_117] : memref<32x128xi32, #tpu.memory_space<vmem>> -> memref<1x128xi32, #tpu.memory_space<vmem>>
        %dma_wait3A_119 = tpu.memref_squeeze %dma_wait3A_118 : memref<1x128xi32, #tpu.memory_space<vmem>> -> memref<128xi32, #tpu.memory_space<vmem>>
        %dma_wait3A_120 = arith.constant 0 : i32
        %dma_wait3A_121 = arith.constant 0 : i32
        %dma_wait3A_122 = tpu.memref_slice %arg2[%dma_wait3A_120, %dma_wait3A_121] : memref<10000x128xf32, #tpu.memory_space<hbm>> -> memref<10000x128xf32, #tpu.memory_space<hbm>>
        tpu.wait_indirect_dma semaphore(%arg11 : memref<!tpu.dma_semaphore, #tpu.memory_space<semaphore_mem>>) src(%dma_wait3A_122 : memref<10000x128xf32, #tpu.memory_space<hbm>>) dst(%arg8 : memref<128x128xf32, #tpu.memory_space<vmem>>)
        %dma_start3A_123 = arith.constant 0 : i32
        %dma_start3A_124 = tpu.memref_slice %arg7[%mul3A_112, %dma_start3A_123] : memref<32x128xi32, #tpu.memory_space<vmem>> -> memref<1x128xi32, #tpu.memory_space<vmem>>
        %dma_start3A_125 = tpu.memref_squeeze %dma_start3A_124 : memref<1x128xi32, #tpu.memory_space<vmem>> -> memref<128xi32, #tpu.memory_space<vmem>>
        %dma_start3A_126 = arith.constant 0 : i32
        %dma_start3A_127 = arith.constant 0 : i32
        %dma_start3A_128 = tpu.memref_slice %arg10[%dma_start3A_126, %dma_start3A_127] : memref<10240x128xf32, #tpu.memory_space<vmem_shared>> -> memref<10240x128xf32, #tpu.memory_space<vmem_shared>>
        tpu.enqueue_indirect_dma source(%arg8 : memref<128x128xf32, #tpu.memory_space<vmem>>) target(%dma_start3A_128 : memref<10240x128xf32, #tpu.memory_space<vmem_shared>>) offsets(%dma_start3A_125 : memref<128xi32, #tpu.memory_space<vmem>>) semaphore(%arg13 : memref<!tpu.dma_semaphore, #tpu.memory_space<semaphore_mem>>) {add = true}
        %dma_wait3A_129 = arith.constant 0 : i32
        %dma_wait3A_130 = tpu.memref_slice %arg6[%add3A_116, %dma_wait3A_129] : memref<32x128xi32, #tpu.memory_space<vmem>> -> memref<1x128xi32, #tpu.memory_space<vmem>>
        %dma_wait3A_131 = tpu.memref_squeeze %dma_wait3A_130 : memref<1x128xi32, #tpu.memory_space<vmem>> -> memref<128xi32, #tpu.memory_space<vmem>>
        %dma_wait3A_132 = arith.constant 0 : i32
        %dma_wait3A_133 = arith.constant 0 : i32
        %dma_wait3A_134 = tpu.memref_slice %arg2[%dma_wait3A_132, %dma_wait3A_133] : memref<10000x128xf32, #tpu.memory_space<hbm>> -> memref<10000x128xf32, #tpu.memory_space<hbm>>
        tpu.wait_indirect_dma semaphore(%arg12 : memref<!tpu.dma_semaphore, #tpu.memory_space<semaphore_mem>>) src(%dma_wait3A_134 : memref<10000x128xf32, #tpu.memory_space<hbm>>) dst(%arg9 : memref<128x128xf32, #tpu.memory_space<vmem>>)
        %dma_start3A_135 = arith.constant 0 : i32
        %dma_start3A_136 = tpu.memref_slice %arg7[%add3A_116, %dma_start3A_135] : memref<32x128xi32, #tpu.memory_space<vmem>> -> memref<1x128xi32, #tpu.memory_space<vmem>>
        %dma_start3A_137 = tpu.memref_squeeze %dma_start3A_136 : memref<1x128xi32, #tpu.memory_space<vmem>> -> memref<128xi32, #tpu.memory_space<vmem>>
        %dma_start3A_138 = arith.constant 0 : i32
        %dma_start3A_139 = arith.constant 0 : i32
        %dma_start3A_140 = tpu.memref_slice %arg10[%dma_start3A_138, %dma_start3A_139] : memref<10240x128xf32, #tpu.memory_space<vmem_shared>> -> memref<10240x128xf32, #tpu.memory_space<vmem_shared>>
        tpu.enqueue_indirect_dma source(%arg9 : memref<128x128xf32, #tpu.memory_space<vmem>>) target(%dma_start3A_140 : memref<10240x128xf32, #tpu.memory_space<vmem_shared>>) offsets(%dma_start3A_137 : memref<128xi32, #tpu.memory_space<vmem>>) semaphore(%arg14 : memref<!tpu.dma_semaphore, #tpu.memory_space<semaphore_mem>>) {add = true}
        %dma_wait3A_141 = arith.constant 0 : i32
        %dma_wait3A_142 = tpu.memref_slice %arg7[%mul3A_112, %dma_wait3A_141] : memref<32x128xi32, #tpu.memory_space<vmem>> -> memref<1x128xi32, #tpu.memory_space<vmem>>
        %dma_wait3A_143 = tpu.memref_squeeze %dma_wait3A_142 : memref<1x128xi32, #tpu.memory_space<vmem>> -> memref<128xi32, #tpu.memory_space<vmem>>
        %dma_wait3A_144 = arith.constant 0 : i32
        %dma_wait3A_145 = arith.constant 0 : i32
        %dma_wait3A_146 = tpu.memref_slice %arg10[%dma_wait3A_144, %dma_wait3A_145] : memref<10240x128xf32, #tpu.memory_space<vmem_shared>> -> memref<10240x128xf32, #tpu.memory_space<vmem_shared>>
        tpu.wait_indirect_dma semaphore(%arg13 : memref<!tpu.dma_semaphore, #tpu.memory_space<semaphore_mem>>) src(%arg8 : memref<128x128xf32, #tpu.memory_space<vmem>>) dst(%dma_wait3A_146 : memref<10240x128xf32, #tpu.memory_space<vmem_shared>>)
        %add3A_147 = arith.constant 2 : i32
        %add3A_148 = arith.addi %mul3A_112, %add3A_147 : i32
        %dma_start3A_149 = arith.constant 0 : i32
        %dma_start3A_150 = tpu.memref_slice %arg6[%add3A_148, %dma_start3A_149] : memref<32x128xi32, #tpu.memory_space<vmem>> -> memref<1x128xi32, #tpu.memory_space<vmem>>
        %dma_start3A_151 = tpu.memref_squeeze %dma_start3A_150 : memref<1x128xi32, #tpu.memory_space<vmem>> -> memref<128xi32, #tpu.memory_space<vmem>>
        %dma_start3A_152 = arith.constant 0 : i32
        %dma_start3A_153 = arith.constant 0 : i32
        %dma_start3A_154 = tpu.memref_slice %arg2[%dma_start3A_152, %dma_start3A_153] : memref<10000x128xf32, #tpu.memory_space<hbm>> -> memref<10000x128xf32, #tpu.memory_space<hbm>>
        tpu.enqueue_indirect_dma source(%dma_start3A_154 : memref<10000x128xf32, #tpu.memory_space<hbm>>) target(%arg8 : memref<128x128xf32, #tpu.memory_space<vmem>>) offsets(%dma_start3A_151 : memref<128xi32, #tpu.memory_space<vmem>>) semaphore(%arg11 : memref<!tpu.dma_semaphore, #tpu.memory_space<semaphore_mem>>)
        %dma_wait3A_155 = arith.constant 0 : i32
        %dma_wait3A_156 = tpu.memref_slice %arg7[%add3A_116, %dma_wait3A_155] : memref<32x128xi32, #tpu.memory_space<vmem>> -> memref<1x128xi32, #tpu.memory_space<vmem>>
        %dma_wait3A_157 = tpu.memref_squeeze %dma_wait3A_156 : memref<1x128xi32, #tpu.memory_space<vmem>> -> memref<128xi32, #tpu.memory_space<vmem>>
        %dma_wait3A_158 = arith.constant 0 : i32
        %dma_wait3A_159 = arith.constant 0 : i32
        %dma_wait3A_160 = tpu.memref_slice %arg10[%dma_wait3A_158, %dma_wait3A_159] : memref<10240x128xf32, #tpu.memory_space<vmem_shared>> -> memref<10240x128xf32, #tpu.memory_space<vmem_shared>>
        tpu.wait_indirect_dma semaphore(%arg14 : memref<!tpu.dma_semaphore, #tpu.memory_space<semaphore_mem>>) src(%arg9 : memref<128x128xf32, #tpu.memory_space<vmem>>) dst(%dma_wait3A_160 : memref<10240x128xf32, #tpu.memory_space<vmem_shared>>)
        %add3A_161 = arith.constant 2 : i32
        %add3A_162 = arith.addi %add3A_116, %add3A_161 : i32
        %dma_start3A_163 = arith.constant 0 : i32
        %dma_start3A_164 = tpu.memref_slice %arg6[%add3A_162, %dma_start3A_163] : memref<32x128xi32, #tpu.memory_space<vmem>> -> memref<1x128xi32, #tpu.memory_space<vmem>>
        %dma_start3A_165 = tpu.memref_squeeze %dma_start3A_164 : memref<1x128xi32, #tpu.memory_space<vmem>> -> memref<128xi32, #tpu.memory_space<vmem>>
        %dma_start3A_166 = arith.constant 0 : i32
        %dma_start3A_167 = arith.constant 0 : i32
        %dma_start3A_168 = tpu.memref_slice %arg2[%dma_start3A_166, %dma_start3A_167] : memref<10000x128xf32, #tpu.memory_space<hbm>> -> memref<10000x128xf32, #tpu.memory_space<hbm>>
        tpu.enqueue_indirect_dma source(%dma_start3A_168 : memref<10000x128xf32, #tpu.memory_space<hbm>>) target(%arg9 : memref<128x128xf32, #tpu.memory_space<vmem>>) offsets(%dma_start3A_165 : memref<128xi32, #tpu.memory_space<vmem>>) semaphore(%arg12 : memref<!tpu.dma_semaphore, #tpu.memory_space<semaphore_mem>>)
      }
      %scan3A_68 = arith.constant 15 : i32
      %dma_wait3A = arith.constant 30 : i32
      %dma_wait3A_69 = arith.constant 0 : i32
      %dma_wait3A_70 = tpu.memref_slice %arg6[%dma_wait3A, %dma_wait3A_69] : memref<32x128xi32, #tpu.memory_space<vmem>> -> memref<1x128xi32, #tpu.memory_space<vmem>>
      %dma_wait3A_71 = tpu.memref_squeeze %dma_wait3A_70 : memref<1x128xi32, #tpu.memory_space<vmem>> -> memref<128xi32, #tpu.memory_space<vmem>>
      %dma_wait3A_72 = arith.constant 0 : i32
      %dma_wait3A_73 = arith.constant 0 : i32
      %dma_wait3A_74 = tpu.memref_slice %arg2[%dma_wait3A_72, %dma_wait3A_73] : memref<10000x128xf32, #tpu.memory_space<hbm>> -> memref<10000x128xf32, #tpu.memory_space<hbm>>
      tpu.wait_indirect_dma semaphore(%arg11 : memref<!tpu.dma_semaphore, #tpu.memory_space<semaphore_mem>>) src(%dma_wait3A_74 : memref<10000x128xf32, #tpu.memory_space<hbm>>) dst(%arg8 : memref<128x128xf32, #tpu.memory_space<vmem>>)
      %dma_start3A_75 = arith.constant 30 : i32
      %dma_start3A_76 = arith.constant 0 : i32
      %dma_start3A_77 = tpu.memref_slice %arg7[%dma_start3A_75, %dma_start3A_76] : memref<32x128xi32, #tpu.memory_space<vmem>> -> memref<1x128xi32, #tpu.memory_space<vmem>>
      %dma_start3A_78 = tpu.memref_squeeze %dma_start3A_77 : memref<1x128xi32, #tpu.memory_space<vmem>> -> memref<128xi32, #tpu.memory_space<vmem>>
      %dma_start3A_79 = arith.constant 0 : i32
      %dma_start3A_80 = arith.constant 0 : i32
      %dma_start3A_81 = tpu.memref_slice %arg10[%dma_start3A_79, %dma_start3A_80] : memref<10240x128xf32, #tpu.memory_space<vmem_shared>> -> memref<10240x128xf32, #tpu.memory_space<vmem_shared>>
      tpu.enqueue_indirect_dma source(%arg8 : memref<128x128xf32, #tpu.memory_space<vmem>>) target(%dma_start3A_81 : memref<10240x128xf32, #tpu.memory_space<vmem_shared>>) offsets(%dma_start3A_78 : memref<128xi32, #tpu.memory_space<vmem>>) semaphore(%arg13 : memref<!tpu.dma_semaphore, #tpu.memory_space<semaphore_mem>>) {add = true}
      %dma_wait3A_82 = arith.constant 31 : i32
      %dma_wait3A_83 = arith.constant 0 : i32
      %dma_wait3A_84 = tpu.memref_slice %arg6[%dma_wait3A_82, %dma_wait3A_83] : memref<32x128xi32, #tpu.memory_space<vmem>> -> memref<1x128xi32, #tpu.memory_space<vmem>>
      %dma_wait3A_85 = tpu.memref_squeeze %dma_wait3A_84 : memref<1x128xi32, #tpu.memory_space<vmem>> -> memref<128xi32, #tpu.memory_space<vmem>>
      %dma_wait3A_86 = arith.constant 0 : i32
      %dma_wait3A_87 = arith.constant 0 : i32
      %dma_wait3A_88 = tpu.memref_slice %arg2[%dma_wait3A_86, %dma_wait3A_87] : memref<10000x128xf32, #tpu.memory_space<hbm>> -> memref<10000x128xf32, #tpu.memory_space<hbm>>
      tpu.wait_indirect_dma semaphore(%arg12 : memref<!tpu.dma_semaphore, #tpu.memory_space<semaphore_mem>>) src(%dma_wait3A_88 : memref<10000x128xf32, #tpu.memory_space<hbm>>) dst(%arg9 : memref<128x128xf32, #tpu.memory_space<vmem>>)
      %dma_start3A_89 = arith.constant 31 : i32
      %dma_start3A_90 = arith.constant 0 : i32
      %dma_start3A_91 = tpu.memref_slice %arg7[%dma_start3A_89, %dma_start3A_90] : memref<32x128xi32, #tpu.memory_space<vmem>> -> memref<1x128xi32, #tpu.memory_space<vmem>>
      %dma_start3A_92 = tpu.memref_squeeze %dma_start3A_91 : memref<1x128xi32, #tpu.memory_space<vmem>> -> memref<128xi32, #tpu.memory_space<vmem>>
      %dma_start3A_93 = arith.constant 0 : i32
      %dma_start3A_94 = arith.constant 0 : i32
      %dma_start3A_95 = tpu.memref_slice %arg10[%dma_start3A_93, %dma_start3A_94] : memref<10240x128xf32, #tpu.memory_space<vmem_shared>> -> memref<10240x128xf32, #tpu.memory_space<vmem_shared>>
      tpu.enqueue_indirect_dma source(%arg9 : memref<128x128xf32, #tpu.memory_space<vmem>>) target(%dma_start3A_95 : memref<10240x128xf32, #tpu.memory_space<vmem_shared>>) offsets(%dma_start3A_92 : memref<128xi32, #tpu.memory_space<vmem>>) semaphore(%arg14 : memref<!tpu.dma_semaphore, #tpu.memory_space<semaphore_mem>>) {add = true}
      %dma_wait3A_96 = arith.constant 30 : i32
      %dma_wait3A_97 = arith.constant 0 : i32
      %dma_wait3A_98 = tpu.memref_slice %arg7[%dma_wait3A_96, %dma_wait3A_97] : memref<32x128xi32, #tpu.memory_space<vmem>> -> memref<1x128xi32, #tpu.memory_space<vmem>>
      %dma_wait3A_99 = tpu.memref_squeeze %dma_wait3A_98 : memref<1x128xi32, #tpu.memory_space<vmem>> -> memref<128xi32, #tpu.memory_space<vmem>>
      %dma_wait3A_100 = arith.constant 0 : i32
      %dma_wait3A_101 = arith.constant 0 : i32
      %dma_wait3A_102 = tpu.memref_slice %arg10[%dma_wait3A_100, %dma_wait3A_101] : memref<10240x128xf32, #tpu.memory_space<vmem_shared>> -> memref<10240x128xf32, #tpu.memory_space<vmem_shared>>
      tpu.wait_indirect_dma semaphore(%arg13 : memref<!tpu.dma_semaphore, #tpu.memory_space<semaphore_mem>>) src(%arg8 : memref<128x128xf32, #tpu.memory_space<vmem>>) dst(%dma_wait3A_102 : memref<10240x128xf32, #tpu.memory_space<vmem_shared>>)
      %dma_wait3A_103 = arith.constant 31 : i32
      %dma_wait3A_104 = arith.constant 0 : i32
      %dma_wait3A_105 = tpu.memref_slice %arg7[%dma_wait3A_103, %dma_wait3A_104] : memref<32x128xi32, #tpu.memory_space<vmem>> -> memref<1x128xi32, #tpu.memory_space<vmem>>
      %dma_wait3A_106 = tpu.memref_squeeze %dma_wait3A_105 : memref<1x128xi32, #tpu.memory_space<vmem>> -> memref<128xi32, #tpu.memory_space<vmem>>
      %dma_wait3A_107 = arith.constant 0 : i32
      %dma_wait3A_108 = arith.constant 0 : i32
      %dma_wait3A_109 = tpu.memref_slice %arg10[%dma_wait3A_107, %dma_wait3A_108] : memref<10240x128xf32, #tpu.memory_space<vmem_shared>> -> memref<10240x128xf32, #tpu.memory_space<vmem_shared>>
      tpu.wait_indirect_dma semaphore(%arg14 : memref<!tpu.dma_semaphore, #tpu.memory_space<semaphore_mem>>) src(%arg9 : memref<128x128xf32, #tpu.memory_space<vmem>>) dst(%dma_wait3A_109 : memref<10240x128xf32, #tpu.memory_space<vmem_shared>>)
    }
    %while3A_41 = arith.constant 1 : i32
    scf.for %while3A_47 = %while3A_39 to %while3A_35 step %while3A_41  : i32 {
      %mul3A_48 = arith.constant 32 : i32
      %mul3A_49 = arith.muli %while3A_47, %mul3A_48 : i32
      %add3A_50 = arith.addi %select_n3A_33, %mul3A_49 : i32
      %multiple_of3A = tpu.assume_multiple %add3A_50, 8 : i32
      "tpu.region"() ({
        %run_scoped3A = tpu.sem_alloc : memref<!tpu.dma_semaphore, #tpu.memory_space<semaphore_mem>>
        %dma_start3A_110 = arith.constant 0 : i32
        %dma_start3A_111 = tpu.memref_slice %arg3[%multiple_of3A, %dma_start3A_110] : memref<2560x128xi32, #tpu.memory_space<hbm>> -> memref<32x128xi32, #tpu.memory_space<hbm>>
        %dma_start3A_112 = arith.constant 0 : i32
        %dma_start3A_113 = tpu.memref_slice %arg3[%multiple_of3A, %dma_start3A_112] : memref<2560x128xi32, #tpu.memory_space<hbm>> -> memref<32x128xi32, #tpu.memory_space<hbm>>
        tpu.enqueue_dma source(%dma_start3A_113 : memref<32x128xi32, #tpu.memory_space<hbm>>) target(%arg6 : memref<32x128xi32, #tpu.memory_space<vmem>>) target_semaphore(%run_scoped3A : memref<!tpu.dma_semaphore, #tpu.memory_space<semaphore_mem>>)
        %dma_wait3A_114 = arith.constant 0 : i32
        %dma_wait3A_115 = tpu.memref_slice %arg3[%multiple_of3A, %dma_wait3A_114] : memref<2560x128xi32, #tpu.memory_space<hbm>> -> memref<32x128xi32, #tpu.memory_space<hbm>>
        %dma_wait3A_116 = arith.constant 0 : i32
        %dma_wait3A_117 = tpu.memref_slice %arg3[%multiple_of3A, %dma_wait3A_116] : memref<2560x128xi32, #tpu.memory_space<hbm>> -> memref<32x128xi32, #tpu.memory_space<hbm>>
        tpu.wait_dma2 semaphore(%run_scoped3A : memref<!tpu.dma_semaphore, #tpu.memory_space<semaphore_mem>>) src(%dma_wait3A_117 : memref<32x128xi32, #tpu.memory_space<hbm>>) dst(%arg6 : memref<32x128xi32, #tpu.memory_space<vmem>>)
        tpu.yield
      }) : () -> ()
      "tpu.region"() ({
        %run_scoped3A = tpu.sem_alloc : memref<!tpu.dma_semaphore, #tpu.memory_space<semaphore_mem>>
        %dma_start3A_110 = arith.constant 0 : i32
        %dma_start3A_111 = tpu.memref_slice %arg4[%multiple_of3A, %dma_start3A_110] : memref<2560x128xi32, #tpu.memory_space<hbm>> -> memref<32x128xi32, #tpu.memory_space<hbm>>
        %dma_start3A_112 = arith.constant 0 : i32
        %dma_start3A_113 = tpu.memref_slice %arg4[%multiple_of3A, %dma_start3A_112] : memref<2560x128xi32, #tpu.memory_space<hbm>> -> memref<32x128xi32, #tpu.memory_space<hbm>>
        tpu.enqueue_dma source(%dma_start3A_113 : memref<32x128xi32, #tpu.memory_space<hbm>>) target(%arg7 : memref<32x128xi32, #tpu.memory_space<vmem>>) target_semaphore(%run_scoped3A : memref<!tpu.dma_semaphore, #tpu.memory_space<semaphore_mem>>)
        %dma_wait3A_114 = arith.constant 0 : i32
        %dma_wait3A_115 = tpu.memref_slice %arg4[%multiple_of3A, %dma_wait3A_114] : memref<2560x128xi32, #tpu.memory_space<hbm>> -> memref<32x128xi32, #tpu.memory_space<hbm>>
        %dma_wait3A_116 = arith.constant 0 : i32
        %dma_wait3A_117 = tpu.memref_slice %arg4[%multiple_of3A, %dma_wait3A_116] : memref<2560x128xi32, #tpu.memory_space<hbm>> -> memref<32x128xi32, #tpu.memory_space<hbm>>
        tpu.wait_dma2 semaphore(%run_scoped3A : memref<!tpu.dma_semaphore, #tpu.memory_space<semaphore_mem>>) src(%dma_wait3A_117 : memref<32x128xi32, #tpu.memory_space<hbm>>) dst(%arg7 : memref<32x128xi32, #tpu.memory_space<vmem>>)
        tpu.yield
      }) : () -> ()
      %dma_start3A = arith.constant 0 : i32
      %dma_start3A_51 = arith.constant 0 : i32
      %dma_start3A_52 = tpu.memref_slice %arg6[%dma_start3A, %dma_start3A_51] : memref<32x128xi32, #tpu.memory_space<vmem>> -> memref<1x128xi32, #tpu.memory_space<vmem>>
      %dma_start3A_53 = tpu.memref_squeeze %dma_start3A_52 : memref<1x128xi32, #tpu.memory_space<vmem>> -> memref<128xi32, #tpu.memory_space<vmem>>
      %dma_start3A_54 = arith.constant 0 : i32
      %dma_start3A_55 = arith.constant 0 : i32
      %dma_start3A_56 = tpu.memref_slice %arg2[%dma_start3A_54, %dma_start3A_55] : memref<10000x128xf32, #tpu.memory_space<hbm>> -> memref<10000x128xf32, #tpu.memory_space<hbm>>
      tpu.enqueue_indirect_dma source(%dma_start3A_56 : memref<10000x128xf32, #tpu.memory_space<hbm>>) target(%arg8 : memref<128x128xf32, #tpu.memory_space<vmem>>) offsets(%dma_start3A_53 : memref<128xi32, #tpu.memory_space<vmem>>) semaphore(%arg11 : memref<!tpu.dma_semaphore, #tpu.memory_space<semaphore_mem>>)
      %dma_start3A_57 = arith.constant 1 : i32
      %dma_start3A_58 = arith.constant 0 : i32
      %dma_start3A_59 = tpu.memref_slice %arg6[%dma_start3A_57, %dma_start3A_58] : memref<32x128xi32, #tpu.memory_space<vmem>> -> memref<1x128xi32, #tpu.memory_space<vmem>>
      %dma_start3A_60 = tpu.memref_squeeze %dma_start3A_59 : memref<1x128xi32, #tpu.memory_space<vmem>> -> memref<128xi32, #tpu.memory_space<vmem>>
      %dma_start3A_61 = arith.constant 0 : i32
      %dma_start3A_62 = arith.constant 0 : i32
      %dma_start3A_63 = tpu.memref_slice %arg2[%dma_start3A_61, %dma_start3A_62] : memref<10000x128xf32, #tpu.memory_space<hbm>> -> memref<10000x128xf32, #tpu.memory_space<hbm>>
      tpu.enqueue_indirect_dma source(%dma_start3A_63 : memref<10000x128xf32, #tpu.memory_space<hbm>>) target(%arg9 : memref<128x128xf32, #tpu.memory_space<vmem>>) offsets(%dma_start3A_60 : memref<128xi32, #tpu.memory_space<vmem>>) semaphore(%arg12 : memref<!tpu.dma_semaphore, #tpu.memory_space<semaphore_mem>>)
      %scan3A_64 = arith.constant 0 : i32
      %scan3A_65 = arith.constant 15 : i32
      %scan3A_66 = arith.addi %scan3A_64, %scan3A_65 : i32
      %scan3A_67 = arith.constant 1 : i32
      scf.for %scan3A_110 = %scan3A_64 to %scan3A_66 step %scan3A_67  : i32 {
        %mul3A_111 = arith.constant 2 : i32
        %mul3A_112 = arith.muli %mul3A_111, %scan3A_110 : i32
        %mul3A_113 = arith.constant 2 : i32
        %mul3A_114 = arith.muli %mul3A_113, %scan3A_110 : i32
        %add3A_115 = arith.constant 1 : i32
        %add3A_116 = arith.addi %mul3A_114, %add3A_115 : i32
        %dma_wait3A_117 = arith.constant 0 : i32
        %dma_wait3A_118 = tpu.memref_slice %arg6[%mul3A_112, %dma_wait3A_117] : memref<32x128xi32, #tpu.memory_space<vmem>> -> memref<1x128xi32, #tpu.memory_space<vmem>>
        %dma_wait3A_119 = tpu.memref_squeeze %dma_wait3A_118 : memref<1x128xi32, #tpu.memory_space<vmem>> -> memref<128xi32, #tpu.memory_space<vmem>>
        %dma_wait3A_120 = arith.constant 0 : i32
        %dma_wait3A_121 = arith.constant 0 : i32
        %dma_wait3A_122 = tpu.memref_slice %arg2[%dma_wait3A_120, %dma_wait3A_121] : memref<10000x128xf32, #tpu.memory_space<hbm>> -> memref<10000x128xf32, #tpu.memory_space<hbm>>
        tpu.wait_indirect_dma semaphore(%arg11 : memref<!tpu.dma_semaphore, #tpu.memory_space<semaphore_mem>>) src(%dma_wait3A_122 : memref<10000x128xf32, #tpu.memory_space<hbm>>) dst(%arg8 : memref<128x128xf32, #tpu.memory_space<vmem>>)
        %dma_start3A_123 = arith.constant 0 : i32
        %dma_start3A_124 = tpu.memref_slice %arg7[%mul3A_112, %dma_start3A_123] : memref<32x128xi32, #tpu.memory_space<vmem>> -> memref<1x128xi32, #tpu.memory_space<vmem>>
        %dma_start3A_125 = tpu.memref_squeeze %dma_start3A_124 : memref<1x128xi32, #tpu.memory_space<vmem>> -> memref<128xi32, #tpu.memory_space<vmem>>
        %dma_start3A_126 = arith.constant 0 : i32
        %dma_start3A_127 = arith.constant 0 : i32
        %dma_start3A_128 = tpu.memref_slice %arg10[%dma_start3A_126, %dma_start3A_127] : memref<10240x128xf32, #tpu.memory_space<vmem_shared>> -> memref<10240x128xf32, #tpu.memory_space<vmem_shared>>
        tpu.enqueue_indirect_dma source(%arg8 : memref<128x128xf32, #tpu.memory_space<vmem>>) target(%dma_start3A_128 : memref<10240x128xf32, #tpu.memory_space<vmem_shared>>) offsets(%dma_start3A_125 : memref<128xi32, #tpu.memory_space<vmem>>) semaphore(%arg13 : memref<!tpu.dma_semaphore, #tpu.memory_space<semaphore_mem>>) {add = true}
        %dma_wait3A_129 = arith.constant 0 : i32
        %dma_wait3A_130 = tpu.memref_slice %arg6[%add3A_116, %dma_wait3A_129] : memref<32x128xi32, #tpu.memory_space<vmem>> -> memref<1x128xi32, #tpu.memory_space<vmem>>
        %dma_wait3A_131 = tpu.memref_squeeze %dma_wait3A_130 : memref<1x128xi32, #tpu.memory_space<vmem>> -> memref<128xi32, #tpu.memory_space<vmem>>
        %dma_wait3A_132 = arith.constant 0 : i32
        %dma_wait3A_133 = arith.constant 0 : i32
        %dma_wait3A_134 = tpu.memref_slice %arg2[%dma_wait3A_132, %dma_wait3A_133] : memref<10000x128xf32, #tpu.memory_space<hbm>> -> memref<10000x128xf32, #tpu.memory_space<hbm>>
        tpu.wait_indirect_dma semaphore(%arg12 : memref<!tpu.dma_semaphore, #tpu.memory_space<semaphore_mem>>) src(%dma_wait3A_134 : memref<10000x128xf32, #tpu.memory_space<hbm>>) dst(%arg9 : memref<128x128xf32, #tpu.memory_space<vmem>>)
        %dma_start3A_135 = arith.constant 0 : i32
        %dma_start3A_136 = tpu.memref_slice %arg7[%add3A_116, %dma_start3A_135] : memref<32x128xi32, #tpu.memory_space<vmem>> -> memref<1x128xi32, #tpu.memory_space<vmem>>
        %dma_start3A_137 = tpu.memref_squeeze %dma_start3A_136 : memref<1x128xi32, #tpu.memory_space<vmem>> -> memref<128xi32, #tpu.memory_space<vmem>>
        %dma_start3A_138 = arith.constant 0 : i32
        %dma_start3A_139 = arith.constant 0 : i32
        %dma_start3A_140 = tpu.memref_slice %arg10[%dma_start3A_138, %dma_start3A_139] : memref<10240x128xf32, #tpu.memory_space<vmem_shared>> -> memref<10240x128xf32, #tpu.memory_space<vmem_shared>>
        tpu.enqueue_indirect_dma source(%arg9 : memref<128x128xf32, #tpu.memory_space<vmem>>) target(%dma_start3A_140 : memref<10240x128xf32, #tpu.memory_space<vmem_shared>>) offsets(%dma_start3A_137 : memref<128xi32, #tpu.memory_space<vmem>>) semaphore(%arg14 : memref<!tpu.dma_semaphore, #tpu.memory_space<semaphore_mem>>) {add = true}
        %dma_wait3A_141 = arith.constant 0 : i32
        %dma_wait3A_142 = tpu.memref_slice %arg7[%mul3A_112, %dma_wait3A_141] : memref<32x128xi32, #tpu.memory_space<vmem>> -> memref<1x128xi32, #tpu.memory_space<vmem>>
        %dma_wait3A_143 = tpu.memref_squeeze %dma_wait3A_142 : memref<1x128xi32, #tpu.memory_space<vmem>> -> memref<128xi32, #tpu.memory_space<vmem>>
        %dma_wait3A_144 = arith.constant 0 : i32
        %dma_wait3A_145 = arith.constant 0 : i32
        %dma_wait3A_146 = tpu.memref_slice %arg10[%dma_wait3A_144, %dma_wait3A_145] : memref<10240x128xf32, #tpu.memory_space<vmem_shared>> -> memref<10240x128xf32, #tpu.memory_space<vmem_shared>>
        tpu.wait_indirect_dma semaphore(%arg13 : memref<!tpu.dma_semaphore, #tpu.memory_space<semaphore_mem>>) src(%arg8 : memref<128x128xf32, #tpu.memory_space<vmem>>) dst(%dma_wait3A_146 : memref<10240x128xf32, #tpu.memory_space<vmem_shared>>)
        %add3A_147 = arith.constant 2 : i32
        %add3A_148 = arith.addi %mul3A_112, %add3A_147 : i32
        %dma_start3A_149 = arith.constant 0 : i32
        %dma_start3A_150 = tpu.memref_slice %arg6[%add3A_148, %dma_start3A_149] : memref<32x128xi32, #tpu.memory_space<vmem>> -> memref<1x128xi32, #tpu.memory_space<vmem>>
        %dma_start3A_151 = tpu.memref_squeeze %dma_start3A_150 : memref<1x128xi32, #tpu.memory_space<vmem>> -> memref<128xi32, #tpu.memory_space<vmem>>
        %dma_start3A_152 = arith.constant 0 : i32
        %dma_start3A_153 = arith.constant 0 : i32
        %dma_start3A_154 = tpu.memref_slice %arg2[%dma_start3A_152, %dma_start3A_153] : memref<10000x128xf32, #tpu.memory_space<hbm>> -> memref<10000x128xf32, #tpu.memory_space<hbm>>
        tpu.enqueue_indirect_dma source(%dma_start3A_154 : memref<10000x128xf32, #tpu.memory_space<hbm>>) target(%arg8 : memref<128x128xf32, #tpu.memory_space<vmem>>) offsets(%dma_start3A_151 : memref<128xi32, #tpu.memory_space<vmem>>) semaphore(%arg11 : memref<!tpu.dma_semaphore, #tpu.memory_space<semaphore_mem>>)
        %dma_wait3A_155 = arith.constant 0 : i32
        %dma_wait3A_156 = tpu.memref_slice %arg7[%add3A_116, %dma_wait3A_155] : memref<32x128xi32, #tpu.memory_space<vmem>> -> memref<1x128xi32, #tpu.memory_space<vmem>>
        %dma_wait3A_157 = tpu.memref_squeeze %dma_wait3A_156 : memref<1x128xi32, #tpu.memory_space<vmem>> -> memref<128xi32, #tpu.memory_space<vmem>>
        %dma_wait3A_158 = arith.constant 0 : i32
        %dma_wait3A_159 = arith.constant 0 : i32
        %dma_wait3A_160 = tpu.memref_slice %arg10[%dma_wait3A_158, %dma_wait3A_159] : memref<10240x128xf32, #tpu.memory_space<vmem_shared>> -> memref<10240x128xf32, #tpu.memory_space<vmem_shared>>
        tpu.wait_indirect_dma semaphore(%arg14 : memref<!tpu.dma_semaphore, #tpu.memory_space<semaphore_mem>>) src(%arg9 : memref<128x128xf32, #tpu.memory_space<vmem>>) dst(%dma_wait3A_160 : memref<10240x128xf32, #tpu.memory_space<vmem_shared>>)
        %add3A_161 = arith.constant 2 : i32
        %add3A_162 = arith.addi %add3A_116, %add3A_161 : i32
        %dma_start3A_163 = arith.constant 0 : i32
        %dma_start3A_164 = tpu.memref_slice %arg6[%add3A_162, %dma_start3A_163] : memref<32x128xi32, #tpu.memory_space<vmem>> -> memref<1x128xi32, #tpu.memory_space<vmem>>
        %dma_start3A_165 = tpu.memref_squeeze %dma_start3A_164 : memref<1x128xi32, #tpu.memory_space<vmem>> -> memref<128xi32, #tpu.memory_space<vmem>>
        %dma_start3A_166 = arith.constant 0 : i32
        %dma_start3A_167 = arith.constant 0 : i32
        %dma_start3A_168 = tpu.memref_slice %arg2[%dma_start3A_166, %dma_start3A_167] : memref<10000x128xf32, #tpu.memory_space<hbm>> -> memref<10000x128xf32, #tpu.memory_space<hbm>>
        tpu.enqueue_indirect_dma source(%dma_start3A_168 : memref<10000x128xf32, #tpu.memory_space<hbm>>) target(%arg9 : memref<128x128xf32, #tpu.memory_space<vmem>>) offsets(%dma_start3A_165 : memref<128xi32, #tpu.memory_space<vmem>>) semaphore(%arg12 : memref<!tpu.dma_semaphore, #tpu.memory_space<semaphore_mem>>)
      }
      %scan3A_68 = arith.constant 15 : i32
      %dma_wait3A = arith.constant 30 : i32
      %dma_wait3A_69 = arith.constant 0 : i32
      %dma_wait3A_70 = tpu.memref_slice %arg6[%dma_wait3A, %dma_wait3A_69] : memref<32x128xi32, #tpu.memory_space<vmem>> -> memref<1x128xi32, #tpu.memory_space<vmem>>
      %dma_wait3A_71 = tpu.memref_squeeze %dma_wait3A_70 : memref<1x128xi32, #tpu.memory_space<vmem>> -> memref<128xi32, #tpu.memory_space<vmem>>
      %dma_wait3A_72 = arith.constant 0 : i32
      %dma_wait3A_73 = arith.constant 0 : i32
      %dma_wait3A_74 = tpu.memref_slice %arg2[%dma_wait3A_72, %dma_wait3A_73] : memref<10000x128xf32, #tpu.memory_space<hbm>> -> memref<10000x128xf32, #tpu.memory_space<hbm>>
      tpu.wait_indirect_dma semaphore(%arg11 : memref<!tpu.dma_semaphore, #tpu.memory_space<semaphore_mem>>) src(%dma_wait3A_74 : memref<10000x128xf32, #tpu.memory_space<hbm>>) dst(%arg8 : memref<128x128xf32, #tpu.memory_space<vmem>>)
      %dma_start3A_75 = arith.constant 30 : i32
      %dma_start3A_76 = arith.constant 0 : i32
      %dma_start3A_77 = tpu.memref_slice %arg7[%dma_start3A_75, %dma_start3A_76] : memref<32x128xi32, #tpu.memory_space<vmem>> -> memref<1x128xi32, #tpu.memory_space<vmem>>
      %dma_start3A_78 = tpu.memref_squeeze %dma_start3A_77 : memref<1x128xi32, #tpu.memory_space<vmem>> -> memref<128xi32, #tpu.memory_space<vmem>>
      %dma_start3A_79 = arith.constant 0 : i32
      %dma_start3A_80 = arith.constant 0 : i32
      %dma_start3A_81 = tpu.memref_slice %arg10[%dma_start3A_79, %dma_start3A_80] : memref<10240x128xf32, #tpu.memory_space<vmem_shared>> -> memref<10240x128xf32, #tpu.memory_space<vmem_shared>>
      tpu.enqueue_indirect_dma source(%arg8 : memref<128x128xf32, #tpu.memory_space<vmem>>) target(%dma_start3A_81 : memref<10240x128xf32, #tpu.memory_space<vmem_shared>>) offsets(%dma_start3A_78 : memref<128xi32, #tpu.memory_space<vmem>>) semaphore(%arg13 : memref<!tpu.dma_semaphore, #tpu.memory_space<semaphore_mem>>) {add = true}
      %dma_wait3A_82 = arith.constant 31 : i32
      %dma_wait3A_83 = arith.constant 0 : i32
      %dma_wait3A_84 = tpu.memref_slice %arg6[%dma_wait3A_82, %dma_wait3A_83] : memref<32x128xi32, #tpu.memory_space<vmem>> -> memref<1x128xi32, #tpu.memory_space<vmem>>
      %dma_wait3A_85 = tpu.memref_squeeze %dma_wait3A_84 : memref<1x128xi32, #tpu.memory_space<vmem>> -> memref<128xi32, #tpu.memory_space<vmem>>
      %dma_wait3A_86 = arith.constant 0 : i32
      %dma_wait3A_87 = arith.constant 0 : i32
      %dma_wait3A_88 = tpu.memref_slice %arg2[%dma_wait3A_86, %dma_wait3A_87] : memref<10000x128xf32, #tpu.memory_space<hbm>> -> memref<10000x128xf32, #tpu.memory_space<hbm>>
      tpu.wait_indirect_dma semaphore(%arg12 : memref<!tpu.dma_semaphore, #tpu.memory_space<semaphore_mem>>) src(%dma_wait3A_88 : memref<10000x128xf32, #tpu.memory_space<hbm>>) dst(%arg9 : memref<128x128xf32, #tpu.memory_space<vmem>>)
      %dma_start3A_89 = arith.constant 31 : i32
      %dma_start3A_90 = arith.constant 0 : i32
      %dma_start3A_91 = tpu.memref_slice %arg7[%dma_start3A_89, %dma_start3A_90] : memref<32x128xi32, #tpu.memory_space<vmem>> -> memref<1x128xi32, #tpu.memory_space<vmem>>
      %dma_start3A_92 = tpu.memref_squeeze %dma_start3A_91 : memref<1x128xi32, #tpu.memory_space<vmem>> -> memref<128xi32, #tpu.memory_space<vmem>>
      %dma_start3A_93 = arith.constant 0 : i32
      %dma_start3A_94 = arith.constant 0 : i32
      %dma_start3A_95 = tpu.memref_slice %arg10[%dma_start3A_93, %dma_start3A_94] : memref<10240x128xf32, #tpu.memory_space<vmem_shared>> -> memref<10240x128xf32, #tpu.memory_space<vmem_shared>>
      tpu.enqueue_indirect_dma source(%arg9 : memref<128x128xf32, #tpu.memory_space<vmem>>) target(%dma_start3A_95 : memref<10240x128xf32, #tpu.memory_space<vmem_shared>>) offsets(%dma_start3A_92 : memref<128xi32, #tpu.memory_space<vmem>>) semaphore(%arg14 : memref<!tpu.dma_semaphore, #tpu.memory_space<semaphore_mem>>) {add = true}
      %dma_wait3A_96 = arith.constant 30 : i32
      %dma_wait3A_97 = arith.constant 0 : i32
      %dma_wait3A_98 = tpu.memref_slice %arg7[%dma_wait3A_96, %dma_wait3A_97] : memref<32x128xi32, #tpu.memory_space<vmem>> -> memref<1x128xi32, #tpu.memory_space<vmem>>
      %dma_wait3A_99 = tpu.memref_squeeze %dma_wait3A_98 : memref<1x128xi32, #tpu.memory_space<vmem>> -> memref<128xi32, #tpu.memory_space<vmem>>
      %dma_wait3A_100 = arith.constant 0 : i32
      %dma_wait3A_101 = arith.constant 0 : i32
      %dma_wait3A_102 = tpu.memref_slice %arg10[%dma_wait3A_100, %dma_wait3A_101] : memref<10240x128xf32, #tpu.memory_space<vmem_shared>> -> memref<10240x128xf32, #tpu.memory_space<vmem_shared>>
      tpu.wait_indirect_dma semaphore(%arg13 : memref<!tpu.dma_semaphore, #tpu.memory_space<semaphore_mem>>) src(%arg8 : memref<128x128xf32, #tpu.memory_space<vmem>>) dst(%dma_wait3A_102 : memref<10240x128xf32, #tpu.memory_space<vmem_shared>>)
      %dma_wait3A_103 = arith.constant 31 : i32
      %dma_wait3A_104 = arith.constant 0 : i32
      %dma_wait3A_105 = tpu.memref_slice %arg7[%dma_wait3A_103, %dma_wait3A_104] : memref<32x128xi32, #tpu.memory_space<vmem>> -> memref<1x128xi32, #tpu.memory_space<vmem>>
      %dma_wait3A_106 = tpu.memref_squeeze %dma_wait3A_105 : memref<1x128xi32, #tpu.memory_space<vmem>> -> memref<128xi32, #tpu.memory_space<vmem>>
      %dma_wait3A_107 = arith.constant 0 : i32
      %dma_wait3A_108 = arith.constant 0 : i32
      %dma_wait3A_109 = tpu.memref_slice %arg10[%dma_wait3A_107, %dma_wait3A_108] : memref<10240x128xf32, #tpu.memory_space<vmem_shared>> -> memref<10240x128xf32, #tpu.memory_space<vmem_shared>>
      tpu.wait_indirect_dma semaphore(%arg14 : memref<!tpu.dma_semaphore, #tpu.memory_space<semaphore_mem>>) src(%arg9 : memref<128x128xf32, #tpu.memory_space<vmem>>) dst(%dma_wait3A_109 : memref<10240x128xf32, #tpu.memory_space<vmem_shared>>)
    }
    %barrier3A_42 = arith.constant 0 : index
    tpu.barrier barrier_id(%barrier3A_42)
    %mul3A_43 = arith.constant 640 : i32
    %mul3A_44 = arith.muli %arg1, %mul3A_43 : i32
    %mul3A_45 = arith.constant 640 : i32
    %mul3A_46 = arith.muli %arg1, %mul3A_45 : i32
    "tpu.region"() ({
      %run_scoped3A = tpu.sem_alloc : memref<!tpu.dma_semaphore, #tpu.memory_space<semaphore_mem>>
      %dma_start3A = arith.constant 0 : i32
      %dma_start3A_47 = tpu.memref_slice %arg5[%arg0, %mul3A_46, %dma_start3A] : memref<2x10240x128xf32, #tpu.memory_space<hbm>> -> memref<1x640x128xf32, #tpu.memory_space<hbm>>
      %dma_start3A_48 = tpu.memref_squeeze %dma_start3A_47 : memref<1x640x128xf32, #tpu.memory_space<hbm>> -> memref<640x128xf32, #tpu.memory_space<hbm>>
      %dma_start3A_49 = arith.constant 0 : i32
      %dma_start3A_50 = tpu.memref_slice %arg10[%mul3A_44, %dma_start3A_49] : memref<10240x128xf32, #tpu.memory_space<vmem_shared>> -> memref<640x128xf32, #tpu.memory_space<vmem_shared>>
      tpu.enqueue_dma source(%dma_start3A_50 : memref<640x128xf32, #tpu.memory_space<vmem_shared>>) target(%dma_start3A_48 : memref<640x128xf32, #tpu.memory_space<hbm>>) target_semaphore(%run_scoped3A : memref<!tpu.dma_semaphore, #tpu.memory_space<semaphore_mem>>)
      %dma_wait3A = arith.constant 0 : i32
      %dma_wait3A_51 = tpu.memref_slice %arg5[%arg0, %mul3A_46, %dma_wait3A] : memref<2x10240x128xf32, #tpu.memory_space<hbm>> -> memref<1x640x128xf32, #tpu.memory_space<hbm>>
      %dma_wait3A_52 = tpu.memref_squeeze %dma_wait3A_51 : memref<1x640x128xf32, #tpu.memory_space<hbm>> -> memref<640x128xf32, #tpu.memory_space<hbm>>
      %dma_wait3A_53 = arith.constant 0 : i32
      %dma_wait3A_54 = tpu.memref_slice %arg10[%mul3A_44, %dma_wait3A_53] : memref<10240x128xf32, #tpu.memory_space<vmem_shared>> -> memref<640x128xf32, #tpu.memory_space<vmem_shared>>
      tpu.wait_dma2 semaphore(%run_scoped3A : memref<!tpu.dma_semaphore, #tpu.memory_space<semaphore_mem>>) src(%dma_wait3A_54 : memref<640x128xf32, #tpu.memory_space<vmem_shared>>) dst(%dma_wait3A_52 : memref<640x128xf32, #tpu.memory_space<hbm>>)
      tpu.yield
    }) : () -> ()
    return
  }
}

#map = affine_map<(d0, d1) -> (0, 0)>
#map1 = affine_map<(d0, d1) -> (0, 0, 0)>
module attributes {stable_mosaic.version = 14 : i64} {
  func.func @_seg_sum(%arg0: i32, %arg1: i32, %arg2: memref<10000x128xf32, #tpu.memory_space<hbm>>, %arg3: memref<2560x128xi32, #tpu.memory_space<hbm>>, %arg4: memref<2560x128xi32, #tpu.memory_space<hbm>>, %arg5: memref<2x10240x128xf32, #tpu.memory_space<hbm>>, %arg6: memref<32x128xi32, #tpu.memory_space<vmem>>, %arg7: memref<32x128xi32, #tpu.memory_space<vmem>>, %arg8: memref<128x128xf32, #tpu.memory_space<vmem>>, %arg9: memref<128x128xf32, #tpu.memory_space<vmem>>, %arg10: memref<10240x128xf32, #tpu.memory_space<vmem_shared>>, %arg11: memref<!tpu.dma_semaphore, #tpu.memory_space<semaphore_mem>>, %arg12: memref<!tpu.dma_semaphore, #tpu.memory_space<semaphore_mem>>, %arg13: memref<!tpu.dma_semaphore, #tpu.memory_space<semaphore_mem>>, %arg14: memref<!tpu.dma_semaphore, #tpu.memory_space<semaphore_mem>>) attributes {dimension_semantics = [#tpu.dimension_semantics<core_parallel>, #tpu.dimension_semantics<subcore_parallel>], iteration_bounds = array<i64: 2, 16>, scalar_prefetch = 0 : i64, scratch_operands = 9 : i64, tpu.core_type = #tpu.core_type<sc_vector_subcore>, window_params = [{transform_indices = #map}, {transform_indices = #map}, {transform_indices = #map}, {transform_indices = #map1}]} {
    %broadcast_in_dim3A = arith.constant 0.000000e+00 : f32
    %broadcast_in_dim3A_0 = vector.broadcast %broadcast_in_dim3A : f32 to vector<16xf32>
    %scan3A = arith.constant 0 : i32
    %scan3A_1 = arith.constant 128 : i32
    %scan3A_2 = arith.addi %scan3A, %scan3A_1 : i32
    %scan3A_3 = arith.constant 1 : i32
    scf.for %scan3A_47 = %scan3A to %scan3A_2 step %scan3A_3  : i32 {
      %swap3A = arith.index_cast %scan3A_47 : i32 to index
      %swap3A_48 = arith.constant 0 : index
      %swap3A_49 = tpu.vector_load %arg8[%swap3A, %swap3A_48] {strides = array<i32>} : memref<128x128xf32, #tpu.memory_space<vmem>>, vector<16xf32>,
      tpu.vector_store %arg8[%swap3A, %swap3A_48], %broadcast_in_dim3A_0 {strides = array<i32>} : memref<128x128xf32, #tpu.memory_space<vmem>>, vector<16xf32>,
      %swap3A_50 = arith.index_cast %scan3A_47 : i32 to index
      %swap3A_51 = arith.constant 16 : index
      %swap3A_52 = tpu.vector_load %arg8[%swap3A_50, %swap3A_51] {strides = array<i32>} : memref<128x128xf32, #tpu.memory_space<vmem>>, vector<16xf32>,
      tpu.vector_store %arg8[%swap3A_50, %swap3A_51], %broadcast_in_dim3A_0 {strides = array<i32>} : memref<128x128xf32, #tpu.memory_space<vmem>>, vector<16xf32>,
      %swap3A_53 = arith.index_cast %scan3A_47 : i32 to index
      %swap3A_54 = arith.constant 32 : index
      %swap3A_55 = tpu.vector_load %arg8[%swap3A_53, %swap3A_54] {strides = array<i32>} : memref<128x128xf32, #tpu.memory_space<vmem>>, vector<16xf32>,
      tpu.vector_store %arg8[%swap3A_53, %swap3A_54], %broadcast_in_dim3A_0 {strides = array<i32>} : memref<128x128xf32, #tpu.memory_space<vmem>>, vector<16xf32>,
      %swap3A_56 = arith.index_cast %scan3A_47 : i32 to index
      %swap3A_57 = arith.constant 48 : index
      %swap3A_58 = tpu.vector_load %arg8[%swap3A_56, %swap3A_57] {strides = array<i32>} : memref<128x128xf32, #tpu.memory_space<vmem>>, vector<16xf32>,
      tpu.vector_store %arg8[%swap3A_56, %swap3A_57], %broadcast_in_dim3A_0 {strides = array<i32>} : memref<128x128xf32, #tpu.memory_space<vmem>>, vector<16xf32>,
      %swap3A_59 = arith.index_cast %scan3A_47 : i32 to index
      %swap3A_60 = arith.constant 64 : index
      %swap3A_61 = tpu.vector_load %arg8[%swap3A_59, %swap3A_60] {strides = array<i32>} : memref<128x128xf32, #tpu.memory_space<vmem>>, vector<16xf32>,
      tpu.vector_store %arg8[%swap3A_59, %swap3A_60], %broadcast_in_dim3A_0 {strides = array<i32>} : memref<128x128xf32, #tpu.memory_space<vmem>>, vector<16xf32>,
      %swap3A_62 = arith.index_cast %scan3A_47 : i32 to index
      %swap3A_63 = arith.constant 80 : index
      %swap3A_64 = tpu.vector_load %arg8[%swap3A_62, %swap3A_63] {strides = array<i32>} : memref<128x128xf32, #tpu.memory_space<vmem>>, vector<16xf32>,
      tpu.vector_store %arg8[%swap3A_62, %swap3A_63], %broadcast_in_dim3A_0 {strides = array<i32>} : memref<128x128xf32, #tpu.memory_space<vmem>>, vector<16xf32>,
      %swap3A_65 = arith.index_cast %scan3A_47 : i32 to index
      %swap3A_66 = arith.constant 96 : index
      %swap3A_67 = tpu.vector_load %arg8[%swap3A_65, %swap3A_66] {strides = array<i32>} : memref<128x128xf32, #tpu.memory_space<vmem>>, vector<16xf32>,
      tpu.vector_store %arg8[%swap3A_65, %swap3A_66], %broadcast_in_dim3A_0 {strides = array<i32>} : memref<128x128xf32, #tpu.memory_space<vmem>>, vector<16xf32>,
      %swap3A_68 = arith.index_cast %scan3A_47 : i32 to index
      %swap3A_69 = arith.constant 112 : index
      %swap3A_70 = tpu.vector_load %arg8[%swap3A_68, %swap3A_69] {strides = array<i32>} : memref<128x128xf32, #tpu.memory_space<vmem>>, vector<16xf32>,
      tpu.vector_store %arg8[%swap3A_68, %swap3A_69], %broadcast_in_dim3A_0 {strides = array<i32>} : memref<128x128xf32, #tpu.memory_space<vmem>>, vector<16xf32>,
    }
    %scan3A_4 = arith.constant 128 : i32
    %mul3A = arith.constant 640 : i32
    %mul3A_5 = arith.muli %arg1, %mul3A : i32
    %add3A = arith.constant 0 : i32
    %add3A_6 = arith.addi %mul3A_5, %add3A : i32
    "tpu.region"() ({
      %run_scoped3A = tpu.sem_alloc : memref<!tpu.dma_semaphore, #tpu.memory_space<semaphore_mem>>
      %dma_start3A = arith.constant 0 : i32
      %dma_start3A_47 = tpu.memref_slice %arg10[%add3A_6, %dma_start3A] : memref<10240x128xf32, #tpu.memory_space<vmem_shared>> -> memref<128x128xf32, #tpu.memory_space<vmem_shared>>
      %dma_start3A_48 = arith.constant 0 : i32
      %dma_start3A_49 = tpu.memref_slice %arg10[%add3A_6, %dma_start3A_48] : memref<10240x128xf32, #tpu.memory_space<vmem_shared>> -> memref<128x128xf32, #tpu.memory_space<vmem_shared>>
      tpu.enqueue_dma source(%arg8 : memref<128x128xf32, #tpu.memory_space<vmem>>) target(%dma_start3A_49 : memref<128x128xf32, #tpu.memory_space<vmem_shared>>) target_semaphore(%run_scoped3A : memref<!tpu.dma_semaphore, #tpu.memory_space<semaphore_mem>>)
      %dma_wait3A = arith.constant 0 : i32
      %dma_wait3A_50 = tpu.memref_slice %arg10[%add3A_6, %dma_wait3A] : memref<10240x128xf32, #tpu.memory_space<vmem_shared>> -> memref<128x128xf32, #tpu.memory_space<vmem_shared>>
      %dma_wait3A_51 = arith.constant 0 : i32
      %dma_wait3A_52 = tpu.memref_slice %arg10[%add3A_6, %dma_wait3A_51] : memref<10240x128xf32, #tpu.memory_space<vmem_shared>> -> memref<128x128xf32, #tpu.memory_space<vmem_shared>>
      tpu.wait_dma2 semaphore(%run_scoped3A : memref<!tpu.dma_semaphore, #tpu.memory_space<semaphore_mem>>) src(%arg8 : memref<128x128xf32, #tpu.memory_space<vmem>>) dst(%dma_wait3A_52 : memref<128x128xf32, #tpu.memory_space<vmem_shared>>)
      tpu.yield
    }) : () -> ()
    %mul3A_7 = arith.constant 640 : i32
    %mul3A_8 = arith.muli %arg1, %mul3A_7 : i32
    %add3A_9 = arith.constant 128 : i32
    %add3A_10 = arith.addi %mul3A_8, %add3A_9 : i32
    "tpu.region"() ({
      %run_scoped3A = tpu.sem_alloc : memref<!tpu.dma_semaphore, #tpu.memory_space<semaphore_mem>>
      %dma_start3A = arith.constant 0 : i32
      %dma_start3A_47 = tpu.memref_slice %arg10[%add3A_10, %dma_start3A] : memref<10240x128xf32, #tpu.memory_space<vmem_shared>> -> memref<128x128xf32, #tpu.memory_space<vmem_shared>>
      %dma_start3A_48 = arith.constant 0 : i32
      %dma_start3A_49 = tpu.memref_slice %arg10[%add3A_10, %dma_start3A_48] : memref<10240x128xf32, #tpu.memory_space<vmem_shared>> -> memref<128x128xf32, #tpu.memory_space<vmem_shared>>
      tpu.enqueue_dma source(%arg8 : memref<128x128xf32, #tpu.memory_space<vmem>>) target(%dma_start3A_49 : memref<128x128xf32, #tpu.memory_space<vmem_shared>>) target_semaphore(%run_scoped3A : memref<!tpu.dma_semaphore, #tpu.memory_space<semaphore_mem>>)
      %dma_wait3A = arith.constant 0 : i32
      %dma_wait3A_50 = tpu.memref_slice %arg10[%add3A_10, %dma_wait3A] : memref<10240x128xf32, #tpu.memory_space<vmem_shared>> -> memref<128x128xf32, #tpu.memory_space<vmem_shared>>
      %dma_wait3A_51 = arith.constant 0 : i32
      %dma_wait3A_52 = tpu.memref_slice %arg10[%add3A_10, %dma_wait3A_51] : memref<10240x128xf32, #tpu.memory_space<vmem_shared>> -> memref<128x128xf32, #tpu.memory_space<vmem_shared>>
      tpu.wait_dma2 semaphore(%run_scoped3A : memref<!tpu.dma_semaphore, #tpu.memory_space<semaphore_mem>>) src(%arg8 : memref<128x128xf32, #tpu.memory_space<vmem>>) dst(%dma_wait3A_52 : memref<128x128xf32, #tpu.memory_space<vmem_shared>>)
      tpu.yield
    }) : () -> ()
    %mul3A_11 = arith.constant 640 : i32
    %mul3A_12 = arith.muli %arg1, %mul3A_11 : i32
    %add3A_13 = arith.constant 256 : i32
    %add3A_14 = arith.addi %mul3A_12, %add3A_13 : i32
    "tpu.region"() ({
      %run_scoped3A = tpu.sem_alloc : memref<!tpu.dma_semaphore, #tpu.memory_space<semaphore_mem>>
      %dma_start3A = arith.constant 0 : i32
      %dma_start3A_47 = tpu.memref_slice %arg10[%add3A_14, %dma_start3A] : memref<10240x128xf32, #tpu.memory_space<vmem_shared>> -> memref<128x128xf32, #tpu.memory_space<vmem_shared>>
      %dma_start3A_48 = arith.constant 0 : i32
      %dma_start3A_49 = tpu.memref_slice %arg10[%add3A_14, %dma_start3A_48] : memref<10240x128xf32, #tpu.memory_space<vmem_shared>> -> memref<128x128xf32, #tpu.memory_space<vmem_shared>>
      tpu.enqueue_dma source(%arg8 : memref<128x128xf32, #tpu.memory_space<vmem>>) target(%dma_start3A_49 : memref<128x128xf32, #tpu.memory_space<vmem_shared>>) target_semaphore(%run_scoped3A : memref<!tpu.dma_semaphore, #tpu.memory_space<semaphore_mem>>)
      %dma_wait3A = arith.constant 0 : i32
      %dma_wait3A_50 = tpu.memref_slice %arg10[%add3A_14, %dma_wait3A] : memref<10240x128xf32, #tpu.memory_space<vmem_shared>> -> memref<128x128xf32, #tpu.memory_space<vmem_shared>>
      %dma_wait3A_51 = arith.constant 0 : i32
      %dma_wait3A_52 = tpu.memref_slice %arg10[%add3A_14, %dma_wait3A_51] : memref<10240x128xf32, #tpu.memory_space<vmem_shared>> -> memref<128x128xf32, #tpu.memory_space<vmem_shared>>
      tpu.wait_dma2 semaphore(%run_scoped3A : memref<!tpu.dma_semaphore, #tpu.memory_space<semaphore_mem>>) src(%arg8 : memref<128x128xf32, #tpu.memory_space<vmem>>) dst(%dma_wait3A_52 : memref<128x128xf32, #tpu.memory_space<vmem_shared>>)
      tpu.yield
    }) : () -> ()
    %mul3A_15 = arith.constant 640 : i32
    %mul3A_16 = arith.muli %arg1, %mul3A_15 : i32
    %add3A_17 = arith.constant 384 : i32
    %add3A_18 = arith.addi %mul3A_16, %add3A_17 : i32
    "tpu.region"() ({
      %run_scoped3A = tpu.sem_alloc : memref<!tpu.dma_semaphore, #tpu.memory_space<semaphore_mem>>
      %dma_start3A = arith.constant 0 : i32
      %dma_start3A_47 = tpu.memref_slice %arg10[%add3A_18, %dma_start3A] : memref<10240x128xf32, #tpu.memory_space<vmem_shared>> -> memref<128x128xf32, #tpu.memory_space<vmem_shared>>
      %dma_start3A_48 = arith.constant 0 : i32
      %dma_start3A_49 = tpu.memref_slice %arg10[%add3A_18, %dma_start3A_48] : memref<10240x128xf32, #tpu.memory_space<vmem_shared>> -> memref<128x128xf32, #tpu.memory_space<vmem_shared>>
      tpu.enqueue_dma source(%arg8 : memref<128x128xf32, #tpu.memory_space<vmem>>) target(%dma_start3A_49 : memref<128x128xf32, #tpu.memory_space<vmem_shared>>) target_semaphore(%run_scoped3A : memref<!tpu.dma_semaphore, #tpu.memory_space<semaphore_mem>>)
      %dma_wait3A = arith.constant 0 : i32
      %dma_wait3A_50 = tpu.memref_slice %arg10[%add3A_18, %dma_wait3A] : memref<10240x128xf32, #tpu.memory_space<vmem_shared>> -> memref<128x128xf32, #tpu.memory_space<vmem_shared>>
      %dma_wait3A_51 = arith.constant 0 : i32
      %dma_wait3A_52 = tpu.memref_slice %arg10[%add3A_18, %dma_wait3A_51] : memref<10240x128xf32, #tpu.memory_space<vmem_shared>> -> memref<128x128xf32, #tpu.memory_space<vmem_shared>>
      tpu.wait_dma2 semaphore(%run_scoped3A : memref<!tpu.dma_semaphore, #tpu.memory_space<semaphore_mem>>) src(%arg8 : memref<128x128xf32, #tpu.memory_space<vmem>>) dst(%dma_wait3A_52 : memref<128x128xf32, #tpu.memory_space<vmem_shared>>)
      tpu.yield
    }) : () -> ()
    %mul3A_19 = arith.constant 640 : i32
    %mul3A_20 = arith.muli %arg1, %mul3A_19 : i32
    %add3A_21 = arith.constant 512 : i32
    %add3A_22 = arith.addi %mul3A_20, %add3A_21 : i32
    "tpu.region"() ({
      %run_scoped3A = tpu.sem_alloc : memref<!tpu.dma_semaphore, #tpu.memory_space<semaphore_mem>>
      %dma_start3A = arith.constant 0 : i32
      %dma_start3A_47 = tpu.memref_slice %arg10[%add3A_22, %dma_start3A] : memref<10240x128xf32, #tpu.memory_space<vmem_shared>> -> memref<128x128xf32, #tpu.memory_space<vmem_shared>>
      %dma_start3A_48 = arith.constant 0 : i32
      %dma_start3A_49 = tpu.memref_slice %arg10[%add3A_22, %dma_start3A_48] : memref<10240x128xf32, #tpu.memory_space<vmem_shared>> -> memref<128x128xf32, #tpu.memory_space<vmem_shared>>
      tpu.enqueue_dma source(%arg8 : memref<128x128xf32, #tpu.memory_space<vmem>>) target(%dma_start3A_49 : memref<128x128xf32, #tpu.memory_space<vmem_shared>>) target_semaphore(%run_scoped3A : memref<!tpu.dma_semaphore, #tpu.memory_space<semaphore_mem>>)
      %dma_wait3A = arith.constant 0 : i32
      %dma_wait3A_50 = tpu.memref_slice %arg10[%add3A_22, %dma_wait3A] : memref<10240x128xf32, #tpu.memory_space<vmem_shared>> -> memref<128x128xf32, #tpu.memory_space<vmem_shared>>
      %dma_wait3A_51 = arith.constant 0 : i32
      %dma_wait3A_52 = tpu.memref_slice %arg10[%add3A_22, %dma_wait3A_51] : memref<10240x128xf32, #tpu.memory_space<vmem_shared>> -> memref<128x128xf32, #tpu.memory_space<vmem_shared>>
      tpu.wait_dma2 semaphore(%run_scoped3A : memref<!tpu.dma_semaphore, #tpu.memory_space<semaphore_mem>>) src(%arg8 : memref<128x128xf32, #tpu.memory_space<vmem>>) dst(%dma_wait3A_52 : memref<128x128xf32, #tpu.memory_space<vmem_shared>>)
      tpu.yield
    }) : () -> ()
    %barrier3A = arith.constant 0 : index
    tpu.barrier barrier_id(%barrier3A)
    %eq3A = arith.constant 0 : i32
    %eq3A_23 = arith.cmpi eq, %arg0, %eq3A : i32
    %jit3A = arith.constant 4 : i32
    %jit3A_24 = arith.constant 1 : i32
    %select_n3A = arith.select %eq3A_23, %jit3A, %jit3A_24 : i32
    %eq3A_25 = arith.constant 0 : i32
    %eq3A_26 = arith.cmpi eq, %arg0, %eq3A_25 : i32
    %mul3A_27 = arith.constant 128 : i32
    %mul3A_28 = arith.muli %arg1, %mul3A_27 : i32
    %mul3A_29 = arith.constant 32 : i32
    %mul3A_30 = arith.muli %arg1, %mul3A_29 : i32
    %add3A_31 = arith.constant 2048 : i32
    %add3A_32 = arith.addi %add3A_31, %mul3A_30 : i32
    %select_n3A_33 = arith.select %eq3A_26, %mul3A_28, %add3A_32 : i32
    %while3A = arith.constant 0 : i32
    %while3A_34 = arith.subi %select_n3A, %while3A : i32
    %while3A_35 = arith.addi %while3A, %while3A_34 : i32
    %while3A_36 = arith.constant 1 : i32
    %while3A_37 = arith.divsi %while3A_34, %while3A_36 : i32
    %while3A_38 = arith.muli %while3A_37, %while3A_36 : i32
    %while3A_39 = arith.addi %while3A, %while3A_38 : i32
    %while3A_40 = arith.constant 1 : i32
    scf.for %while3A_47 = %while3A to %while3A_39 step %while3A_40  : i32 {
      %mul3A_48 = arith.constant 32 : i32
      %mul3A_49 = arith.muli %while3A_47, %mul3A_48 : i32
      %add3A_50 = arith.addi %select_n3A_33, %mul3A_49 : i32
      %multiple_of3A = tpu.assume_multiple %add3A_50, 8 : i32
      "tpu.region"() ({
        %run_scoped3A = tpu.sem_alloc : memref<!tpu.dma_semaphore, #tpu.memory_space<semaphore_mem>>
        %dma_start3A_110 = arith.constant 0 : i32
        %dma_start3A_111 = tpu.memref_slice %arg3[%multiple_of3A, %dma_start3A_110] : memref<2560x128xi32, #tpu.memory_space<hbm>> -> memref<32x128xi32, #tpu.memory_space<hbm>>
        %dma_start3A_112 = arith.constant 0 : i32
        %dma_start3A_113 = tpu.memref_slice %arg3[%multiple_of3A, %dma_start3A_112] : memref<2560x128xi32, #tpu.memory_space<hbm>> -> memref<32x128xi32, #tpu.memory_space<hbm>>
        tpu.enqueue_dma source(%dma_start3A_113 : memref<32x128xi32, #tpu.memory_space<hbm>>) target(%arg6 : memref<32x128xi32, #tpu.memory_space<vmem>>) target_semaphore(%run_scoped3A : memref<!tpu.dma_semaphore, #tpu.memory_space<semaphore_mem>>)
        %dma_wait3A_114 = arith.constant 0 : i32
        %dma_wait3A_115 = tpu.memref_slice %arg3[%multiple_of3A, %dma_wait3A_114] : memref<2560x128xi32, #tpu.memory_space<hbm>> -> memref<32x128xi32, #tpu.memory_space<hbm>>
        %dma_wait3A_116 = arith.constant 0 : i32
        %dma_wait3A_117 = tpu.memref_slice %arg3[%multiple_of3A, %dma_wait3A_116] : memref<2560x128xi32, #tpu.memory_space<hbm>> -> memref<32x128xi32, #tpu.memory_space<hbm>>
        tpu.wait_dma2 semaphore(%run_scoped3A : memref<!tpu.dma_semaphore, #tpu.memory_space<semaphore_mem>>) src(%dma_wait3A_117 : memref<32x128xi32, #tpu.memory_space<hbm>>) dst(%arg6 : memref<32x128xi32, #tpu.memory_space<vmem>>)
        tpu.yield
      }) : () -> ()
      "tpu.region"() ({
        %run_scoped3A = tpu.sem_alloc : memref<!tpu.dma_semaphore, #tpu.memory_space<semaphore_mem>>
        %dma_start3A_110 = arith.constant 0 : i32
        %dma_start3A_111 = tpu.memref_slice %arg4[%multiple_of3A, %dma_start3A_110] : memref<2560x128xi32, #tpu.memory_space<hbm>> -> memref<32x128xi32, #tpu.memory_space<hbm>>
        %dma_start3A_112 = arith.constant 0 : i32
        %dma_start3A_113 = tpu.memref_slice %arg4[%multiple_of3A, %dma_start3A_112] : memref<2560x128xi32, #tpu.memory_space<hbm>> -> memref<32x128xi32, #tpu.memory_space<hbm>>
        tpu.enqueue_dma source(%dma_start3A_113 : memref<32x128xi32, #tpu.memory_space<hbm>>) target(%arg7 : memref<32x128xi32, #tpu.memory_space<vmem>>) target_semaphore(%run_scoped3A : memref<!tpu.dma_semaphore, #tpu.memory_space<semaphore_mem>>)
        %dma_wait3A_114 = arith.constant 0 : i32
        %dma_wait3A_115 = tpu.memref_slice %arg4[%multiple_of3A, %dma_wait3A_114] : memref<2560x128xi32, #tpu.memory_space<hbm>> -> memref<32x128xi32, #tpu.memory_space<hbm>>
        %dma_wait3A_116 = arith.constant 0 : i32
        %dma_wait3A_117 = tpu.memref_slice %arg4[%multiple_of3A, %dma_wait3A_116] : memref<2560x128xi32, #tpu.memory_space<hbm>> -> memref<32x128xi32, #tpu.memory_space<hbm>>
        tpu.wait_dma2 semaphore(%run_scoped3A : memref<!tpu.dma_semaphore, #tpu.memory_space<semaphore_mem>>) src(%dma_wait3A_117 : memref<32x128xi32, #tpu.memory_space<hbm>>) dst(%arg7 : memref<32x128xi32, #tpu.memory_space<vmem>>)
        tpu.yield
      }) : () -> ()
      %dma_start3A = arith.constant 0 : i32
      %dma_start3A_51 = arith.constant 0 : i32
      %dma_start3A_52 = tpu.memref_slice %arg6[%dma_start3A, %dma_start3A_51] : memref<32x128xi32, #tpu.memory_space<vmem>> -> memref<1x128xi32, #tpu.memory_space<vmem>>
      %dma_start3A_53 = tpu.memref_squeeze %dma_start3A_52 : memref<1x128xi32, #tpu.memory_space<vmem>> -> memref<128xi32, #tpu.memory_space<vmem>>
      %dma_start3A_54 = arith.constant 0 : i32
      %dma_start3A_55 = arith.constant 0 : i32
      %dma_start3A_56 = tpu.memref_slice %arg2[%dma_start3A_54, %dma_start3A_55] : memref<10000x128xf32, #tpu.memory_space<hbm>> -> memref<10000x128xf32, #tpu.memory_space<hbm>>
      tpu.enqueue_indirect_dma source(%dma_start3A_56 : memref<10000x128xf32, #tpu.memory_space<hbm>>) target(%arg8 : memref<128x128xf32, #tpu.memory_space<vmem>>) offsets(%dma_start3A_53 : memref<128xi32, #tpu.memory_space<vmem>>) semaphore(%arg11 : memref<!tpu.dma_semaphore, #tpu.memory_space<semaphore_mem>>)
      %dma_start3A_57 = arith.constant 1 : i32
      %dma_start3A_58 = arith.constant 0 : i32
      %dma_start3A_59 = tpu.memref_slice %arg6[%dma_start3A_57, %dma_start3A_58] : memref<32x128xi32, #tpu.memory_space<vmem>> -> memref<1x128xi32, #tpu.memory_space<vmem>>
      %dma_start3A_60 = tpu.memref_squeeze %dma_start3A_59 : memref<1x128xi32, #tpu.memory_space<vmem>> -> memref<128xi32, #tpu.memory_space<vmem>>
      %dma_start3A_61 = arith.constant 0 : i32
      %dma_start3A_62 = arith.constant 0 : i32
      %dma_start3A_63 = tpu.memref_slice %arg2[%dma_start3A_61, %dma_start3A_62] : memref<10000x128xf32, #tpu.memory_space<hbm>> -> memref<10000x128xf32, #tpu.memory_space<hbm>>
      tpu.enqueue_indirect_dma source(%dma_start3A_63 : memref<10000x128xf32, #tpu.memory_space<hbm>>) target(%arg9 : memref<128x128xf32, #tpu.memory_space<vmem>>) offsets(%dma_start3A_60 : memref<128xi32, #tpu.memory_space<vmem>>) semaphore(%arg12 : memref<!tpu.dma_semaphore, #tpu.memory_space<semaphore_mem>>)
      %scan3A_64 = arith.constant 0 : i32
      %scan3A_65 = arith.constant 15 : i32
      %scan3A_66 = arith.addi %scan3A_64, %scan3A_65 : i32
      %scan3A_67 = arith.constant 1 : i32
      scf.for %scan3A_110 = %scan3A_64 to %scan3A_66 step %scan3A_67  : i32 {
        %mul3A_111 = arith.constant 2 : i32
        %mul3A_112 = arith.muli %mul3A_111, %scan3A_110 : i32
        %mul3A_113 = arith.constant 2 : i32
        %mul3A_114 = arith.muli %mul3A_113, %scan3A_110 : i32
        %add3A_115 = arith.constant 1 : i32
        %add3A_116 = arith.addi %mul3A_114, %add3A_115 : i32
        %dma_wait3A_117 = arith.constant 0 : i32
        %dma_wait3A_118 = tpu.memref_slice %arg6[%mul3A_112, %dma_wait3A_117] : memref<32x128xi32, #tpu.memory_space<vmem>> -> memref<1x128xi32, #tpu.memory_space<vmem>>
        %dma_wait3A_119 = tpu.memref_squeeze %dma_wait3A_118 : memref<1x128xi32, #tpu.memory_space<vmem>> -> memref<128xi32, #tpu.memory_space<vmem>>
        %dma_wait3A_120 = arith.constant 0 : i32
        %dma_wait3A_121 = arith.constant 0 : i32
        %dma_wait3A_122 = tpu.memref_slice %arg2[%dma_wait3A_120, %dma_wait3A_121] : memref<10000x128xf32, #tpu.memory_space<hbm>> -> memref<10000x128xf32, #tpu.memory_space<hbm>>
        tpu.wait_indirect_dma semaphore(%arg11 : memref<!tpu.dma_semaphore, #tpu.memory_space<semaphore_mem>>) src(%dma_wait3A_122 : memref<10000x128xf32, #tpu.memory_space<hbm>>) dst(%arg8 : memref<128x128xf32, #tpu.memory_space<vmem>>)
        %dma_start3A_123 = arith.constant 0 : i32
        %dma_start3A_124 = tpu.memref_slice %arg7[%mul3A_112, %dma_start3A_123] : memref<32x128xi32, #tpu.memory_space<vmem>> -> memref<1x128xi32, #tpu.memory_space<vmem>>
        %dma_start3A_125 = tpu.memref_squeeze %dma_start3A_124 : memref<1x128xi32, #tpu.memory_space<vmem>> -> memref<128xi32, #tpu.memory_space<vmem>>
        %dma_start3A_126 = arith.constant 0 : i32
        %dma_start3A_127 = arith.constant 0 : i32
        %dma_start3A_128 = tpu.memref_slice %arg10[%dma_start3A_126, %dma_start3A_127] : memref<10240x128xf32, #tpu.memory_space<vmem_shared>> -> memref<10240x128xf32, #tpu.memory_space<vmem_shared>>
        tpu.enqueue_indirect_dma source(%arg8 : memref<128x128xf32, #tpu.memory_space<vmem>>) target(%dma_start3A_128 : memref<10240x128xf32, #tpu.memory_space<vmem_shared>>) offsets(%dma_start3A_125 : memref<128xi32, #tpu.memory_space<vmem>>) semaphore(%arg13 : memref<!tpu.dma_semaphore, #tpu.memory_space<semaphore_mem>>) {add = true}
        %dma_wait3A_129 = arith.constant 0 : i32
        %dma_wait3A_130 = tpu.memref_slice %arg6[%add3A_116, %dma_wait3A_129] : memref<32x128xi32, #tpu.memory_space<vmem>> -> memref<1x128xi32, #tpu.memory_space<vmem>>
        %dma_wait3A_131 = tpu.memref_squeeze %dma_wait3A_130 : memref<1x128xi32, #tpu.memory_space<vmem>> -> memref<128xi32, #tpu.memory_space<vmem>>
        %dma_wait3A_132 = arith.constant 0 : i32
        %dma_wait3A_133 = arith.constant 0 : i32
        %dma_wait3A_134 = tpu.memref_slice %arg2[%dma_wait3A_132, %dma_wait3A_133] : memref<10000x128xf32, #tpu.memory_space<hbm>> -> memref<10000x128xf32, #tpu.memory_space<hbm>>
        tpu.wait_indirect_dma semaphore(%arg12 : memref<!tpu.dma_semaphore, #tpu.memory_space<semaphore_mem>>) src(%dma_wait3A_134 : memref<10000x128xf32, #tpu.memory_space<hbm>>) dst(%arg9 : memref<128x128xf32, #tpu.memory_space<vmem>>)
        %dma_start3A_135 = arith.constant 0 : i32
        %dma_start3A_136 = tpu.memref_slice %arg7[%add3A_116, %dma_start3A_135] : memref<32x128xi32, #tpu.memory_space<vmem>> -> memref<1x128xi32, #tpu.memory_space<vmem>>
        %dma_start3A_137 = tpu.memref_squeeze %dma_start3A_136 : memref<1x128xi32, #tpu.memory_space<vmem>> -> memref<128xi32, #tpu.memory_space<vmem>>
        %dma_start3A_138 = arith.constant 0 : i32
        %dma_start3A_139 = arith.constant 0 : i32
        %dma_start3A_140 = tpu.memref_slice %arg10[%dma_start3A_138, %dma_start3A_139] : memref<10240x128xf32, #tpu.memory_space<vmem_shared>> -> memref<10240x128xf32, #tpu.memory_space<vmem_shared>>
        tpu.enqueue_indirect_dma source(%arg9 : memref<128x128xf32, #tpu.memory_space<vmem>>) target(%dma_start3A_140 : memref<10240x128xf32, #tpu.memory_space<vmem_shared>>) offsets(%dma_start3A_137 : memref<128xi32, #tpu.memory_space<vmem>>) semaphore(%arg14 : memref<!tpu.dma_semaphore, #tpu.memory_space<semaphore_mem>>) {add = true}
        %dma_wait3A_141 = arith.constant 0 : i32
        %dma_wait3A_142 = tpu.memref_slice %arg7[%mul3A_112, %dma_wait3A_141] : memref<32x128xi32, #tpu.memory_space<vmem>> -> memref<1x128xi32, #tpu.memory_space<vmem>>
        %dma_wait3A_143 = tpu.memref_squeeze %dma_wait3A_142 : memref<1x128xi32, #tpu.memory_space<vmem>> -> memref<128xi32, #tpu.memory_space<vmem>>
        %dma_wait3A_144 = arith.constant 0 : i32
        %dma_wait3A_145 = arith.constant 0 : i32
        %dma_wait3A_146 = tpu.memref_slice %arg10[%dma_wait3A_144, %dma_wait3A_145] : memref<10240x128xf32, #tpu.memory_space<vmem_shared>> -> memref<10240x128xf32, #tpu.memory_space<vmem_shared>>
        tpu.wait_indirect_dma semaphore(%arg13 : memref<!tpu.dma_semaphore, #tpu.memory_space<semaphore_mem>>) src(%arg8 : memref<128x128xf32, #tpu.memory_space<vmem>>) dst(%dma_wait3A_146 : memref<10240x128xf32, #tpu.memory_space<vmem_shared>>)
        %add3A_147 = arith.constant 2 : i32
        %add3A_148 = arith.addi %mul3A_112, %add3A_147 : i32
        %dma_start3A_149 = arith.constant 0 : i32
        %dma_start3A_150 = tpu.memref_slice %arg6[%add3A_148, %dma_start3A_149] : memref<32x128xi32, #tpu.memory_space<vmem>> -> memref<1x128xi32, #tpu.memory_space<vmem>>
        %dma_start3A_151 = tpu.memref_squeeze %dma_start3A_150 : memref<1x128xi32, #tpu.memory_space<vmem>> -> memref<128xi32, #tpu.memory_space<vmem>>
        %dma_start3A_152 = arith.constant 0 : i32
        %dma_start3A_153 = arith.constant 0 : i32
        %dma_start3A_154 = tpu.memref_slice %arg2[%dma_start3A_152, %dma_start3A_153] : memref<10000x128xf32, #tpu.memory_space<hbm>> -> memref<10000x128xf32, #tpu.memory_space<hbm>>
        tpu.enqueue_indirect_dma source(%dma_start3A_154 : memref<10000x128xf32, #tpu.memory_space<hbm>>) target(%arg8 : memref<128x128xf32, #tpu.memory_space<vmem>>) offsets(%dma_start3A_151 : memref<128xi32, #tpu.memory_space<vmem>>) semaphore(%arg11 : memref<!tpu.dma_semaphore, #tpu.memory_space<semaphore_mem>>)
        %dma_wait3A_155 = arith.constant 0 : i32
        %dma_wait3A_156 = tpu.memref_slice %arg7[%add3A_116, %dma_wait3A_155] : memref<32x128xi32, #tpu.memory_space<vmem>> -> memref<1x128xi32, #tpu.memory_space<vmem>>
        %dma_wait3A_157 = tpu.memref_squeeze %dma_wait3A_156 : memref<1x128xi32, #tpu.memory_space<vmem>> -> memref<128xi32, #tpu.memory_space<vmem>>
        %dma_wait3A_158 = arith.constant 0 : i32
        %dma_wait3A_159 = arith.constant 0 : i32
        %dma_wait3A_160 = tpu.memref_slice %arg10[%dma_wait3A_158, %dma_wait3A_159] : memref<10240x128xf32, #tpu.memory_space<vmem_shared>> -> memref<10240x128xf32, #tpu.memory_space<vmem_shared>>
        tpu.wait_indirect_dma semaphore(%arg14 : memref<!tpu.dma_semaphore, #tpu.memory_space<semaphore_mem>>) src(%arg9 : memref<128x128xf32, #tpu.memory_space<vmem>>) dst(%dma_wait3A_160 : memref<10240x128xf32, #tpu.memory_space<vmem_shared>>)
        %add3A_161 = arith.constant 2 : i32
        %add3A_162 = arith.addi %add3A_116, %add3A_161 : i32
        %dma_start3A_163 = arith.constant 0 : i32
        %dma_start3A_164 = tpu.memref_slice %arg6[%add3A_162, %dma_start3A_163] : memref<32x128xi32, #tpu.memory_space<vmem>> -> memref<1x128xi32, #tpu.memory_space<vmem>>
        %dma_start3A_165 = tpu.memref_squeeze %dma_start3A_164 : memref<1x128xi32, #tpu.memory_space<vmem>> -> memref<128xi32, #tpu.memory_space<vmem>>
        %dma_start3A_166 = arith.constant 0 : i32
        %dma_start3A_167 = arith.constant 0 : i32
        %dma_start3A_168 = tpu.memref_slice %arg2[%dma_start3A_166, %dma_start3A_167] : memref<10000x128xf32, #tpu.memory_space<hbm>> -> memref<10000x128xf32, #tpu.memory_space<hbm>>
        tpu.enqueue_indirect_dma source(%dma_start3A_168 : memref<10000x128xf32, #tpu.memory_space<hbm>>) target(%arg9 : memref<128x128xf32, #tpu.memory_space<vmem>>) offsets(%dma_start3A_165 : memref<128xi32, #tpu.memory_space<vmem>>) semaphore(%arg12 : memref<!tpu.dma_semaphore, #tpu.memory_space<semaphore_mem>>)
      }
      %scan3A_68 = arith.constant 15 : i32
      %dma_wait3A = arith.constant 30 : i32
      %dma_wait3A_69 = arith.constant 0 : i32
      %dma_wait3A_70 = tpu.memref_slice %arg6[%dma_wait3A, %dma_wait3A_69] : memref<32x128xi32, #tpu.memory_space<vmem>> -> memref<1x128xi32, #tpu.memory_space<vmem>>
      %dma_wait3A_71 = tpu.memref_squeeze %dma_wait3A_70 : memref<1x128xi32, #tpu.memory_space<vmem>> -> memref<128xi32, #tpu.memory_space<vmem>>
      %dma_wait3A_72 = arith.constant 0 : i32
      %dma_wait3A_73 = arith.constant 0 : i32
      %dma_wait3A_74 = tpu.memref_slice %arg2[%dma_wait3A_72, %dma_wait3A_73] : memref<10000x128xf32, #tpu.memory_space<hbm>> -> memref<10000x128xf32, #tpu.memory_space<hbm>>
      tpu.wait_indirect_dma semaphore(%arg11 : memref<!tpu.dma_semaphore, #tpu.memory_space<semaphore_mem>>) src(%dma_wait3A_74 : memref<10000x128xf32, #tpu.memory_space<hbm>>) dst(%arg8 : memref<128x128xf32, #tpu.memory_space<vmem>>)
      %dma_start3A_75 = arith.constant 30 : i32
      %dma_start3A_76 = arith.constant 0 : i32
      %dma_start3A_77 = tpu.memref_slice %arg7[%dma_start3A_75, %dma_start3A_76] : memref<32x128xi32, #tpu.memory_space<vmem>> -> memref<1x128xi32, #tpu.memory_space<vmem>>
      %dma_start3A_78 = tpu.memref_squeeze %dma_start3A_77 : memref<1x128xi32, #tpu.memory_space<vmem>> -> memref<128xi32, #tpu.memory_space<vmem>>
      %dma_start3A_79 = arith.constant 0 : i32
      %dma_start3A_80 = arith.constant 0 : i32
      %dma_start3A_81 = tpu.memref_slice %arg10[%dma_start3A_79, %dma_start3A_80] : memref<10240x128xf32, #tpu.memory_space<vmem_shared>> -> memref<10240x128xf32, #tpu.memory_space<vmem_shared>>
      tpu.enqueue_indirect_dma source(%arg8 : memref<128x128xf32, #tpu.memory_space<vmem>>) target(%dma_start3A_81 : memref<10240x128xf32, #tpu.memory_space<vmem_shared>>) offsets(%dma_start3A_78 : memref<128xi32, #tpu.memory_space<vmem>>) semaphore(%arg13 : memref<!tpu.dma_semaphore, #tpu.memory_space<semaphore_mem>>) {add = true}
      %dma_wait3A_82 = arith.constant 31 : i32
      %dma_wait3A_83 = arith.constant 0 : i32
      %dma_wait3A_84 = tpu.memref_slice %arg6[%dma_wait3A_82, %dma_wait3A_83] : memref<32x128xi32, #tpu.memory_space<vmem>> -> memref<1x128xi32, #tpu.memory_space<vmem>>
      %dma_wait3A_85 = tpu.memref_squeeze %dma_wait3A_84 : memref<1x128xi32, #tpu.memory_space<vmem>> -> memref<128xi32, #tpu.memory_space<vmem>>
      %dma_wait3A_86 = arith.constant 0 : i32
      %dma_wait3A_87 = arith.constant 0 : i32
      %dma_wait3A_88 = tpu.memref_slice %arg2[%dma_wait3A_86, %dma_wait3A_87] : memref<10000x128xf32, #tpu.memory_space<hbm>> -> memref<10000x128xf32, #tpu.memory_space<hbm>>
      tpu.wait_indirect_dma semaphore(%arg12 : memref<!tpu.dma_semaphore, #tpu.memory_space<semaphore_mem>>) src(%dma_wait3A_88 : memref<10000x128xf32, #tpu.memory_space<hbm>>) dst(%arg9 : memref<128x128xf32, #tpu.memory_space<vmem>>)
      %dma_start3A_89 = arith.constant 31 : i32
      %dma_start3A_90 = arith.constant 0 : i32
      %dma_start3A_91 = tpu.memref_slice %arg7[%dma_start3A_89, %dma_start3A_90] : memref<32x128xi32, #tpu.memory_space<vmem>> -> memref<1x128xi32, #tpu.memory_space<vmem>>
      %dma_start3A_92 = tpu.memref_squeeze %dma_start3A_91 : memref<1x128xi32, #tpu.memory_space<vmem>> -> memref<128xi32, #tpu.memory_space<vmem>>
      %dma_start3A_93 = arith.constant 0 : i32
      %dma_start3A_94 = arith.constant 0 : i32
      %dma_start3A_95 = tpu.memref_slice %arg10[%dma_start3A_93, %dma_start3A_94] : memref<10240x128xf32, #tpu.memory_space<vmem_shared>> -> memref<10240x128xf32, #tpu.memory_space<vmem_shared>>
      tpu.enqueue_indirect_dma source(%arg9 : memref<128x128xf32, #tpu.memory_space<vmem>>) target(%dma_start3A_95 : memref<10240x128xf32, #tpu.memory_space<vmem_shared>>) offsets(%dma_start3A_92 : memref<128xi32, #tpu.memory_space<vmem>>) semaphore(%arg14 : memref<!tpu.dma_semaphore, #tpu.memory_space<semaphore_mem>>) {add = true}
      %dma_wait3A_96 = arith.constant 30 : i32
      %dma_wait3A_97 = arith.constant 0 : i32
      %dma_wait3A_98 = tpu.memref_slice %arg7[%dma_wait3A_96, %dma_wait3A_97] : memref<32x128xi32, #tpu.memory_space<vmem>> -> memref<1x128xi32, #tpu.memory_space<vmem>>
      %dma_wait3A_99 = tpu.memref_squeeze %dma_wait3A_98 : memref<1x128xi32, #tpu.memory_space<vmem>> -> memref<128xi32, #tpu.memory_space<vmem>>
      %dma_wait3A_100 = arith.constant 0 : i32
      %dma_wait3A_101 = arith.constant 0 : i32
      %dma_wait3A_102 = tpu.memref_slice %arg10[%dma_wait3A_100, %dma_wait3A_101] : memref<10240x128xf32, #tpu.memory_space<vmem_shared>> -> memref<10240x128xf32, #tpu.memory_space<vmem_shared>>
      tpu.wait_indirect_dma semaphore(%arg13 : memref<!tpu.dma_semaphore, #tpu.memory_space<semaphore_mem>>) src(%arg8 : memref<128x128xf32, #tpu.memory_space<vmem>>) dst(%dma_wait3A_102 : memref<10240x128xf32, #tpu.memory_space<vmem_shared>>)
      %dma_wait3A_103 = arith.constant 31 : i32
      %dma_wait3A_104 = arith.constant 0 : i32
      %dma_wait3A_105 = tpu.memref_slice %arg7[%dma_wait3A_103, %dma_wait3A_104] : memref<32x128xi32, #tpu.memory_space<vmem>> -> memref<1x128xi32, #tpu.memory_space<vmem>>
      %dma_wait3A_106 = tpu.memref_squeeze %dma_wait3A_105 : memref<1x128xi32, #tpu.memory_space<vmem>> -> memref<128xi32, #tpu.memory_space<vmem>>
      %dma_wait3A_107 = arith.constant 0 : i32
      %dma_wait3A_108 = arith.constant 0 : i32
      %dma_wait3A_109 = tpu.memref_slice %arg10[%dma_wait3A_107, %dma_wait3A_108] : memref<10240x128xf32, #tpu.memory_space<vmem_shared>> -> memref<10240x128xf32, #tpu.memory_space<vmem_shared>>
      tpu.wait_indirect_dma semaphore(%arg14 : memref<!tpu.dma_semaphore, #tpu.memory_space<semaphore_mem>>) src(%arg9 : memref<128x128xf32, #tpu.memory_space<vmem>>) dst(%dma_wait3A_109 : memref<10240x128xf32, #tpu.memory_space<vmem_shared>>)
    }
    %while3A_41 = arith.constant 1 : i32
    scf.for %while3A_47 = %while3A_39 to %while3A_35 step %while3A_41  : i32 {
      %mul3A_48 = arith.constant 32 : i32
      %mul3A_49 = arith.muli %while3A_47, %mul3A_48 : i32
      %add3A_50 = arith.addi %select_n3A_33, %mul3A_49 : i32
      %multiple_of3A = tpu.assume_multiple %add3A_50, 8 : i32
      "tpu.region"() ({
        %run_scoped3A = tpu.sem_alloc : memref<!tpu.dma_semaphore, #tpu.memory_space<semaphore_mem>>
        %dma_start3A_110 = arith.constant 0 : i32
        %dma_start3A_111 = tpu.memref_slice %arg3[%multiple_of3A, %dma_start3A_110] : memref<2560x128xi32, #tpu.memory_space<hbm>> -> memref<32x128xi32, #tpu.memory_space<hbm>>
        %dma_start3A_112 = arith.constant 0 : i32
        %dma_start3A_113 = tpu.memref_slice %arg3[%multiple_of3A, %dma_start3A_112] : memref<2560x128xi32, #tpu.memory_space<hbm>> -> memref<32x128xi32, #tpu.memory_space<hbm>>
        tpu.enqueue_dma source(%dma_start3A_113 : memref<32x128xi32, #tpu.memory_space<hbm>>) target(%arg6 : memref<32x128xi32, #tpu.memory_space<vmem>>) target_semaphore(%run_scoped3A : memref<!tpu.dma_semaphore, #tpu.memory_space<semaphore_mem>>)
        %dma_wait3A_114 = arith.constant 0 : i32
        %dma_wait3A_115 = tpu.memref_slice %arg3[%multiple_of3A, %dma_wait3A_114] : memref<2560x128xi32, #tpu.memory_space<hbm>> -> memref<32x128xi32, #tpu.memory_space<hbm>>
        %dma_wait3A_116 = arith.constant 0 : i32
        %dma_wait3A_117 = tpu.memref_slice %arg3[%multiple_of3A, %dma_wait3A_116] : memref<2560x128xi32, #tpu.memory_space<hbm>> -> memref<32x128xi32, #tpu.memory_space<hbm>>
        tpu.wait_dma2 semaphore(%run_scoped3A : memref<!tpu.dma_semaphore, #tpu.memory_space<semaphore_mem>>) src(%dma_wait3A_117 : memref<32x128xi32, #tpu.memory_space<hbm>>) dst(%arg6 : memref<32x128xi32, #tpu.memory_space<vmem>>)
        tpu.yield
      }) : () -> ()
      "tpu.region"() ({
        %run_scoped3A = tpu.sem_alloc : memref<!tpu.dma_semaphore, #tpu.memory_space<semaphore_mem>>
        %dma_start3A_110 = arith.constant 0 : i32
        %dma_start3A_111 = tpu.memref_slice %arg4[%multiple_of3A, %dma_start3A_110] : memref<2560x128xi32, #tpu.memory_space<hbm>> -> memref<32x128xi32, #tpu.memory_space<hbm>>
        %dma_start3A_112 = arith.constant 0 : i32
        %dma_start3A_113 = tpu.memref_slice %arg4[%multiple_of3A, %dma_start3A_112] : memref<2560x128xi32, #tpu.memory_space<hbm>> -> memref<32x128xi32, #tpu.memory_space<hbm>>
        tpu.enqueue_dma source(%dma_start3A_113 : memref<32x128xi32, #tpu.memory_space<hbm>>) target(%arg7 : memref<32x128xi32, #tpu.memory_space<vmem>>) target_semaphore(%run_scoped3A : memref<!tpu.dma_semaphore, #tpu.memory_space<semaphore_mem>>)
        %dma_wait3A_114 = arith.constant 0 : i32
        %dma_wait3A_115 = tpu.memref_slice %arg4[%multiple_of3A, %dma_wait3A_114] : memref<2560x128xi32, #tpu.memory_space<hbm>> -> memref<32x128xi32, #tpu.memory_space<hbm>>
        %dma_wait3A_116 = arith.constant 0 : i32
        %dma_wait3A_117 = tpu.memref_slice %arg4[%multiple_of3A, %dma_wait3A_116] : memref<2560x128xi32, #tpu.memory_space<hbm>> -> memref<32x128xi32, #tpu.memory_space<hbm>>
        tpu.wait_dma2 semaphore(%run_scoped3A : memref<!tpu.dma_semaphore, #tpu.memory_space<semaphore_mem>>) src(%dma_wait3A_117 : memref<32x128xi32, #tpu.memory_space<hbm>>) dst(%arg7 : memref<32x128xi32, #tpu.memory_space<vmem>>)
        tpu.yield
      }) : () -> ()
      %dma_start3A = arith.constant 0 : i32
      %dma_start3A_51 = arith.constant 0 : i32
      %dma_start3A_52 = tpu.memref_slice %arg6[%dma_start3A, %dma_start3A_51] : memref<32x128xi32, #tpu.memory_space<vmem>> -> memref<1x128xi32, #tpu.memory_space<vmem>>
      %dma_start3A_53 = tpu.memref_squeeze %dma_start3A_52 : memref<1x128xi32, #tpu.memory_space<vmem>> -> memref<128xi32, #tpu.memory_space<vmem>>
      %dma_start3A_54 = arith.constant 0 : i32
      %dma_start3A_55 = arith.constant 0 : i32
      %dma_start3A_56 = tpu.memref_slice %arg2[%dma_start3A_54, %dma_start3A_55] : memref<10000x128xf32, #tpu.memory_space<hbm>> -> memref<10000x128xf32, #tpu.memory_space<hbm>>
      tpu.enqueue_indirect_dma source(%dma_start3A_56 : memref<10000x128xf32, #tpu.memory_space<hbm>>) target(%arg8 : memref<128x128xf32, #tpu.memory_space<vmem>>) offsets(%dma_start3A_53 : memref<128xi32, #tpu.memory_space<vmem>>) semaphore(%arg11 : memref<!tpu.dma_semaphore, #tpu.memory_space<semaphore_mem>>)
      %dma_start3A_57 = arith.constant 1 : i32
      %dma_start3A_58 = arith.constant 0 : i32
      %dma_start3A_59 = tpu.memref_slice %arg6[%dma_start3A_57, %dma_start3A_58] : memref<32x128xi32, #tpu.memory_space<vmem>> -> memref<1x128xi32, #tpu.memory_space<vmem>>
      %dma_start3A_60 = tpu.memref_squeeze %dma_start3A_59 : memref<1x128xi32, #tpu.memory_space<vmem>> -> memref<128xi32, #tpu.memory_space<vmem>>
      %dma_start3A_61 = arith.constant 0 : i32
      %dma_start3A_62 = arith.constant 0 : i32
      %dma_start3A_63 = tpu.memref_slice %arg2[%dma_start3A_61, %dma_start3A_62] : memref<10000x128xf32, #tpu.memory_space<hbm>> -> memref<10000x128xf32, #tpu.memory_space<hbm>>
      tpu.enqueue_indirect_dma source(%dma_start3A_63 : memref<10000x128xf32, #tpu.memory_space<hbm>>) target(%arg9 : memref<128x128xf32, #tpu.memory_space<vmem>>) offsets(%dma_start3A_60 : memref<128xi32, #tpu.memory_space<vmem>>) semaphore(%arg12 : memref<!tpu.dma_semaphore, #tpu.memory_space<semaphore_mem>>)
      %scan3A_64 = arith.constant 0 : i32
      %scan3A_65 = arith.constant 15 : i32
      %scan3A_66 = arith.addi %scan3A_64, %scan3A_65 : i32
      %scan3A_67 = arith.constant 1 : i32
      scf.for %scan3A_110 = %scan3A_64 to %scan3A_66 step %scan3A_67  : i32 {
        %mul3A_111 = arith.constant 2 : i32
        %mul3A_112 = arith.muli %mul3A_111, %scan3A_110 : i32
        %mul3A_113 = arith.constant 2 : i32
        %mul3A_114 = arith.muli %mul3A_113, %scan3A_110 : i32
        %add3A_115 = arith.constant 1 : i32
        %add3A_116 = arith.addi %mul3A_114, %add3A_115 : i32
        %dma_wait3A_117 = arith.constant 0 : i32
        %dma_wait3A_118 = tpu.memref_slice %arg6[%mul3A_112, %dma_wait3A_117] : memref<32x128xi32, #tpu.memory_space<vmem>> -> memref<1x128xi32, #tpu.memory_space<vmem>>
        %dma_wait3A_119 = tpu.memref_squeeze %dma_wait3A_118 : memref<1x128xi32, #tpu.memory_space<vmem>> -> memref<128xi32, #tpu.memory_space<vmem>>
        %dma_wait3A_120 = arith.constant 0 : i32
        %dma_wait3A_121 = arith.constant 0 : i32
        %dma_wait3A_122 = tpu.memref_slice %arg2[%dma_wait3A_120, %dma_wait3A_121] : memref<10000x128xf32, #tpu.memory_space<hbm>> -> memref<10000x128xf32, #tpu.memory_space<hbm>>
        tpu.wait_indirect_dma semaphore(%arg11 : memref<!tpu.dma_semaphore, #tpu.memory_space<semaphore_mem>>) src(%dma_wait3A_122 : memref<10000x128xf32, #tpu.memory_space<hbm>>) dst(%arg8 : memref<128x128xf32, #tpu.memory_space<vmem>>)
        %dma_start3A_123 = arith.constant 0 : i32
        %dma_start3A_124 = tpu.memref_slice %arg7[%mul3A_112, %dma_start3A_123] : memref<32x128xi32, #tpu.memory_space<vmem>> -> memref<1x128xi32, #tpu.memory_space<vmem>>
        %dma_start3A_125 = tpu.memref_squeeze %dma_start3A_124 : memref<1x128xi32, #tpu.memory_space<vmem>> -> memref<128xi32, #tpu.memory_space<vmem>>
        %dma_start3A_126 = arith.constant 0 : i32
        %dma_start3A_127 = arith.constant 0 : i32
        %dma_start3A_128 = tpu.memref_slice %arg10[%dma_start3A_126, %dma_start3A_127] : memref<10240x128xf32, #tpu.memory_space<vmem_shared>> -> memref<10240x128xf32, #tpu.memory_space<vmem_shared>>
        tpu.enqueue_indirect_dma source(%arg8 : memref<128x128xf32, #tpu.memory_space<vmem>>) target(%dma_start3A_128 : memref<10240x128xf32, #tpu.memory_space<vmem_shared>>) offsets(%dma_start3A_125 : memref<128xi32, #tpu.memory_space<vmem>>) semaphore(%arg13 : memref<!tpu.dma_semaphore, #tpu.memory_space<semaphore_mem>>) {add = true}
        %dma_wait3A_129 = arith.constant 0 : i32
        %dma_wait3A_130 = tpu.memref_slice %arg6[%add3A_116, %dma_wait3A_129] : memref<32x128xi32, #tpu.memory_space<vmem>> -> memref<1x128xi32, #tpu.memory_space<vmem>>
        %dma_wait3A_131 = tpu.memref_squeeze %dma_wait3A_130 : memref<1x128xi32, #tpu.memory_space<vmem>> -> memref<128xi32, #tpu.memory_space<vmem>>
        %dma_wait3A_132 = arith.constant 0 : i32
        %dma_wait3A_133 = arith.constant 0 : i32
        %dma_wait3A_134 = tpu.memref_slice %arg2[%dma_wait3A_132, %dma_wait3A_133] : memref<10000x128xf32, #tpu.memory_space<hbm>> -> memref<10000x128xf32, #tpu.memory_space<hbm>>
        tpu.wait_indirect_dma semaphore(%arg12 : memref<!tpu.dma_semaphore, #tpu.memory_space<semaphore_mem>>) src(%dma_wait3A_134 : memref<10000x128xf32, #tpu.memory_space<hbm>>) dst(%arg9 : memref<128x128xf32, #tpu.memory_space<vmem>>)
        %dma_start3A_135 = arith.constant 0 : i32
        %dma_start3A_136 = tpu.memref_slice %arg7[%add3A_116, %dma_start3A_135] : memref<32x128xi32, #tpu.memory_space<vmem>> -> memref<1x128xi32, #tpu.memory_space<vmem>>
        %dma_start3A_137 = tpu.memref_squeeze %dma_start3A_136 : memref<1x128xi32, #tpu.memory_space<vmem>> -> memref<128xi32, #tpu.memory_space<vmem>>
        %dma_start3A_138 = arith.constant 0 : i32
        %dma_start3A_139 = arith.constant 0 : i32
        %dma_start3A_140 = tpu.memref_slice %arg10[%dma_start3A_138, %dma_start3A_139] : memref<10240x128xf32, #tpu.memory_space<vmem_shared>> -> memref<10240x128xf32, #tpu.memory_space<vmem_shared>>
        tpu.enqueue_indirect_dma source(%arg9 : memref<128x128xf32, #tpu.memory_space<vmem>>) target(%dma_start3A_140 : memref<10240x128xf32, #tpu.memory_space<vmem_shared>>) offsets(%dma_start3A_137 : memref<128xi32, #tpu.memory_space<vmem>>) semaphore(%arg14 : memref<!tpu.dma_semaphore, #tpu.memory_space<semaphore_mem>>) {add = true}
        %dma_wait3A_141 = arith.constant 0 : i32
        %dma_wait3A_142 = tpu.memref_slice %arg7[%mul3A_112, %dma_wait3A_141] : memref<32x128xi32, #tpu.memory_space<vmem>> -> memref<1x128xi32, #tpu.memory_space<vmem>>
        %dma_wait3A_143 = tpu.memref_squeeze %dma_wait3A_142 : memref<1x128xi32, #tpu.memory_space<vmem>> -> memref<128xi32, #tpu.memory_space<vmem>>
        %dma_wait3A_144 = arith.constant 0 : i32
        %dma_wait3A_145 = arith.constant 0 : i32
        %dma_wait3A_146 = tpu.memref_slice %arg10[%dma_wait3A_144, %dma_wait3A_145] : memref<10240x128xf32, #tpu.memory_space<vmem_shared>> -> memref<10240x128xf32, #tpu.memory_space<vmem_shared>>
        tpu.wait_indirect_dma semaphore(%arg13 : memref<!tpu.dma_semaphore, #tpu.memory_space<semaphore_mem>>) src(%arg8 : memref<128x128xf32, #tpu.memory_space<vmem>>) dst(%dma_wait3A_146 : memref<10240x128xf32, #tpu.memory_space<vmem_shared>>)
        %add3A_147 = arith.constant 2 : i32
        %add3A_148 = arith.addi %mul3A_112, %add3A_147 : i32
        %dma_start3A_149 = arith.constant 0 : i32
        %dma_start3A_150 = tpu.memref_slice %arg6[%add3A_148, %dma_start3A_149] : memref<32x128xi32, #tpu.memory_space<vmem>> -> memref<1x128xi32, #tpu.memory_space<vmem>>
        %dma_start3A_151 = tpu.memref_squeeze %dma_start3A_150 : memref<1x128xi32, #tpu.memory_space<vmem>> -> memref<128xi32, #tpu.memory_space<vmem>>
        %dma_start3A_152 = arith.constant 0 : i32
        %dma_start3A_153 = arith.constant 0 : i32
        %dma_start3A_154 = tpu.memref_slice %arg2[%dma_start3A_152, %dma_start3A_153] : memref<10000x128xf32, #tpu.memory_space<hbm>> -> memref<10000x128xf32, #tpu.memory_space<hbm>>
        tpu.enqueue_indirect_dma source(%dma_start3A_154 : memref<10000x128xf32, #tpu.memory_space<hbm>>) target(%arg8 : memref<128x128xf32, #tpu.memory_space<vmem>>) offsets(%dma_start3A_151 : memref<128xi32, #tpu.memory_space<vmem>>) semaphore(%arg11 : memref<!tpu.dma_semaphore, #tpu.memory_space<semaphore_mem>>)
        %dma_wait3A_155 = arith.constant 0 : i32
        %dma_wait3A_156 = tpu.memref_slice %arg7[%add3A_116, %dma_wait3A_155] : memref<32x128xi32, #tpu.memory_space<vmem>> -> memref<1x128xi32, #tpu.memory_space<vmem>>
        %dma_wait3A_157 = tpu.memref_squeeze %dma_wait3A_156 : memref<1x128xi32, #tpu.memory_space<vmem>> -> memref<128xi32, #tpu.memory_space<vmem>>
        %dma_wait3A_158 = arith.constant 0 : i32
        %dma_wait3A_159 = arith.constant 0 : i32
        %dma_wait3A_160 = tpu.memref_slice %arg10[%dma_wait3A_158, %dma_wait3A_159] : memref<10240x128xf32, #tpu.memory_space<vmem_shared>> -> memref<10240x128xf32, #tpu.memory_space<vmem_shared>>
        tpu.wait_indirect_dma semaphore(%arg14 : memref<!tpu.dma_semaphore, #tpu.memory_space<semaphore_mem>>) src(%arg9 : memref<128x128xf32, #tpu.memory_space<vmem>>) dst(%dma_wait3A_160 : memref<10240x128xf32, #tpu.memory_space<vmem_shared>>)
        %add3A_161 = arith.constant 2 : i32
        %add3A_162 = arith.addi %add3A_116, %add3A_161 : i32
        %dma_start3A_163 = arith.constant 0 : i32
        %dma_start3A_164 = tpu.memref_slice %arg6[%add3A_162, %dma_start3A_163] : memref<32x128xi32, #tpu.memory_space<vmem>> -> memref<1x128xi32, #tpu.memory_space<vmem>>
        %dma_start3A_165 = tpu.memref_squeeze %dma_start3A_164 : memref<1x128xi32, #tpu.memory_space<vmem>> -> memref<128xi32, #tpu.memory_space<vmem>>
        %dma_start3A_166 = arith.constant 0 : i32
        %dma_start3A_167 = arith.constant 0 : i32
        %dma_start3A_168 = tpu.memref_slice %arg2[%dma_start3A_166, %dma_start3A_167] : memref<10000x128xf32, #tpu.memory_space<hbm>> -> memref<10000x128xf32, #tpu.memory_space<hbm>>
        tpu.enqueue_indirect_dma source(%dma_start3A_168 : memref<10000x128xf32, #tpu.memory_space<hbm>>) target(%arg9 : memref<128x128xf32, #tpu.memory_space<vmem>>) offsets(%dma_start3A_165 : memref<128xi32, #tpu.memory_space<vmem>>) semaphore(%arg12 : memref<!tpu.dma_semaphore, #tpu.memory_space<semaphore_mem>>)
      }
      %scan3A_68 = arith.constant 15 : i32
      %dma_wait3A = arith.constant 30 : i32
      %dma_wait3A_69 = arith.constant 0 : i32
      %dma_wait3A_70 = tpu.memref_slice %arg6[%dma_wait3A, %dma_wait3A_69] : memref<32x128xi32, #tpu.memory_space<vmem>> -> memref<1x128xi32, #tpu.memory_space<vmem>>
      %dma_wait3A_71 = tpu.memref_squeeze %dma_wait3A_70 : memref<1x128xi32, #tpu.memory_space<vmem>> -> memref<128xi32, #tpu.memory_space<vmem>>
      %dma_wait3A_72 = arith.constant 0 : i32
      %dma_wait3A_73 = arith.constant 0 : i32
      %dma_wait3A_74 = tpu.memref_slice %arg2[%dma_wait3A_72, %dma_wait3A_73] : memref<10000x128xf32, #tpu.memory_space<hbm>> -> memref<10000x128xf32, #tpu.memory_space<hbm>>
      tpu.wait_indirect_dma semaphore(%arg11 : memref<!tpu.dma_semaphore, #tpu.memory_space<semaphore_mem>>) src(%dma_wait3A_74 : memref<10000x128xf32, #tpu.memory_space<hbm>>) dst(%arg8 : memref<128x128xf32, #tpu.memory_space<vmem>>)
      %dma_start3A_75 = arith.constant 30 : i32
      %dma_start3A_76 = arith.constant 0 : i32
      %dma_start3A_77 = tpu.memref_slice %arg7[%dma_start3A_75, %dma_start3A_76] : memref<32x128xi32, #tpu.memory_space<vmem>> -> memref<1x128xi32, #tpu.memory_space<vmem>>
      %dma_start3A_78 = tpu.memref_squeeze %dma_start3A_77 : memref<1x128xi32, #tpu.memory_space<vmem>> -> memref<128xi32, #tpu.memory_space<vmem>>
      %dma_start3A_79 = arith.constant 0 : i32
      %dma_start3A_80 = arith.constant 0 : i32
      %dma_start3A_81 = tpu.memref_slice %arg10[%dma_start3A_79, %dma_start3A_80] : memref<10240x128xf32, #tpu.memory_space<vmem_shared>> -> memref<10240x128xf32, #tpu.memory_space<vmem_shared>>
      tpu.enqueue_indirect_dma source(%arg8 : memref<128x128xf32, #tpu.memory_space<vmem>>) target(%dma_start3A_81 : memref<10240x128xf32, #tpu.memory_space<vmem_shared>>) offsets(%dma_start3A_78 : memref<128xi32, #tpu.memory_space<vmem>>) semaphore(%arg13 : memref<!tpu.dma_semaphore, #tpu.memory_space<semaphore_mem>>) {add = true}
      %dma_wait3A_82 = arith.constant 31 : i32
      %dma_wait3A_83 = arith.constant 0 : i32
      %dma_wait3A_84 = tpu.memref_slice %arg6[%dma_wait3A_82, %dma_wait3A_83] : memref<32x128xi32, #tpu.memory_space<vmem>> -> memref<1x128xi32, #tpu.memory_space<vmem>>
      %dma_wait3A_85 = tpu.memref_squeeze %dma_wait3A_84 : memref<1x128xi32, #tpu.memory_space<vmem>> -> memref<128xi32, #tpu.memory_space<vmem>>
      %dma_wait3A_86 = arith.constant 0 : i32
      %dma_wait3A_87 = arith.constant 0 : i32
      %dma_wait3A_88 = tpu.memref_slice %arg2[%dma_wait3A_86, %dma_wait3A_87] : memref<10000x128xf32, #tpu.memory_space<hbm>> -> memref<10000x128xf32, #tpu.memory_space<hbm>>
      tpu.wait_indirect_dma semaphore(%arg12 : memref<!tpu.dma_semaphore, #tpu.memory_space<semaphore_mem>>) src(%dma_wait3A_88 : memref<10000x128xf32, #tpu.memory_space<hbm>>) dst(%arg9 : memref<128x128xf32, #tpu.memory_space<vmem>>)
      %dma_start3A_89 = arith.constant 31 : i32
      %dma_start3A_90 = arith.constant 0 : i32
      %dma_start3A_91 = tpu.memref_slice %arg7[%dma_start3A_89, %dma_start3A_90] : memref<32x128xi32, #tpu.memory_space<vmem>> -> memref<1x128xi32, #tpu.memory_space<vmem>>
      %dma_start3A_92 = tpu.memref_squeeze %dma_start3A_91 : memref<1x128xi32, #tpu.memory_space<vmem>> -> memref<128xi32, #tpu.memory_space<vmem>>
      %dma_start3A_93 = arith.constant 0 : i32
      %dma_start3A_94 = arith.constant 0 : i32
      %dma_start3A_95 = tpu.memref_slice %arg10[%dma_start3A_93, %dma_start3A_94] : memref<10240x128xf32, #tpu.memory_space<vmem_shared>> -> memref<10240x128xf32, #tpu.memory_space<vmem_shared>>
      tpu.enqueue_indirect_dma source(%arg9 : memref<128x128xf32, #tpu.memory_space<vmem>>) target(%dma_start3A_95 : memref<10240x128xf32, #tpu.memory_space<vmem_shared>>) offsets(%dma_start3A_92 : memref<128xi32, #tpu.memory_space<vmem>>) semaphore(%arg14 : memref<!tpu.dma_semaphore, #tpu.memory_space<semaphore_mem>>) {add = true}
      %dma_wait3A_96 = arith.constant 30 : i32
      %dma_wait3A_97 = arith.constant 0 : i32
      %dma_wait3A_98 = tpu.memref_slice %arg7[%dma_wait3A_96, %dma_wait3A_97] : memref<32x128xi32, #tpu.memory_space<vmem>> -> memref<1x128xi32, #tpu.memory_space<vmem>>
      %dma_wait3A_99 = tpu.memref_squeeze %dma_wait3A_98 : memref<1x128xi32, #tpu.memory_space<vmem>> -> memref<128xi32, #tpu.memory_space<vmem>>
      %dma_wait3A_100 = arith.constant 0 : i32
      %dma_wait3A_101 = arith.constant 0 : i32
      %dma_wait3A_102 = tpu.memref_slice %arg10[%dma_wait3A_100, %dma_wait3A_101] : memref<10240x128xf32, #tpu.memory_space<vmem_shared>> -> memref<10240x128xf32, #tpu.memory_space<vmem_shared>>
      tpu.wait_indirect_dma semaphore(%arg13 : memref<!tpu.dma_semaphore, #tpu.memory_space<semaphore_mem>>) src(%arg8 : memref<128x128xf32, #tpu.memory_space<vmem>>) dst(%dma_wait3A_102 : memref<10240x128xf32, #tpu.memory_space<vmem_shared>>)
      %dma_wait3A_103 = arith.constant 31 : i32
      %dma_wait3A_104 = arith.constant 0 : i32
      %dma_wait3A_105 = tpu.memref_slice %arg7[%dma_wait3A_103, %dma_wait3A_104] : memref<32x128xi32, #tpu.memory_space<vmem>> -> memref<1x128xi32, #tpu.memory_space<vmem>>
      %dma_wait3A_106 = tpu.memref_squeeze %dma_wait3A_105 : memref<1x128xi32, #tpu.memory_space<vmem>> -> memref<128xi32, #tpu.memory_space<vmem>>
      %dma_wait3A_107 = arith.constant 0 : i32
      %dma_wait3A_108 = arith.constant 0 : i32
      %dma_wait3A_109 = tpu.memref_slice %arg10[%dma_wait3A_107, %dma_wait3A_108] : memref<10240x128xf32, #tpu.memory_space<vmem_shared>> -> memref<10240x128xf32, #tpu.memory_space<vmem_shared>>
      tpu.wait_indirect_dma semaphore(%arg14 : memref<!tpu.dma_semaphore, #tpu.memory_space<semaphore_mem>>) src(%arg9 : memref<128x128xf32, #tpu.memory_space<vmem>>) dst(%dma_wait3A_109 : memref<10240x128xf32, #tpu.memory_space<vmem_shared>>)
    }
    %barrier3A_42 = arith.constant 0 : index
    tpu.barrier barrier_id(%barrier3A_42)
    %mul3A_43 = arith.constant 640 : i32
    %mul3A_44 = arith.muli %arg1, %mul3A_43 : i32
    %mul3A_45 = arith.constant 640 : i32
    %mul3A_46 = arith.muli %arg1, %mul3A_45 : i32
    "tpu.region"() ({
      %run_scoped3A = tpu.sem_alloc : memref<!tpu.dma_semaphore, #tpu.memory_space<semaphore_mem>>
      %dma_start3A = arith.constant 0 : i32
      %dma_start3A_47 = tpu.memref_slice %arg5[%arg0, %mul3A_46, %dma_start3A] : memref<2x10240x128xf32, #tpu.memory_space<hbm>> -> memref<1x640x128xf32, #tpu.memory_space<hbm>>
      %dma_start3A_48 = tpu.memref_squeeze %dma_start3A_47 : memref<1x640x128xf32, #tpu.memory_space<hbm>> -> memref<640x128xf32, #tpu.memory_space<hbm>>
      %dma_start3A_49 = arith.constant 0 : i32
      %dma_start3A_50 = tpu.memref_slice %arg10[%mul3A_44, %dma_start3A_49] : memref<10240x128xf32, #tpu.memory_space<vmem_shared>> -> memref<640x128xf32, #tpu.memory_space<vmem_shared>>
      tpu.enqueue_dma source(%dma_start3A_50 : memref<640x128xf32, #tpu.memory_space<vmem_shared>>) target(%dma_start3A_48 : memref<640x128xf32, #tpu.memory_space<hbm>>) target_semaphore(%run_scoped3A : memref<!tpu.dma_semaphore, #tpu.memory_space<semaphore_mem>>)
      %dma_wait3A = arith.constant 0 : i32
      %dma_wait3A_51 = tpu.memref_slice %arg5[%arg0, %mul3A_46, %dma_wait3A] : memref<2x10240x128xf32, #tpu.memory_space<hbm>> -> memref<1x640x128xf32, #tpu.memory_space<hbm>>
      %dma_wait3A_52 = tpu.memref_squeeze %dma_wait3A_51 : memref<1x640x128xf32, #tpu.memory_space<hbm>> -> memref<640x128xf32, #tpu.memory_space<hbm>>
      %dma_wait3A_53 = arith.constant 0 : i32
      %dma_wait3A_54 = tpu.memref_slice %arg10[%mul3A_44, %dma_wait3A_53] : memref<10240x128xf32, #tpu.memory_space<vmem_shared>> -> memref<640x128xf32, #tpu.memory_space<vmem_shared>>
      tpu.wait_dma2 semaphore(%run_scoped3A : memref<!tpu.dma_semaphore, #tpu.memory_space<semaphore_mem>>) src(%dma_wait3A_54 : memref<640x128xf32, #tpu.memory_space<vmem_shared>>) dst(%dma_wait3A_52 : memref<640x128xf32, #tpu.memory_space<hbm>>)
      tpu.yield
    }) : () -> ()
    return
  }
}

#map = affine_map<(d0, d1) -> (0, 0)>
#map1 = affine_map<(d0, d1) -> (0)>
#map2 = affine_map<(d0, d1) -> (0, 0, 0)>
module attributes {stable_mosaic.version = 14 : i64} {
  func.func @_gat_edges(%arg0: i32, %arg1: i32, %arg2: memref<2560x128xi32, #tpu.memory_space<hbm>>, %arg3: memref<2560x128xi32, #tpu.memory_space<hbm>>, %arg4: memref<80x128xf32, #tpu.memory_space<hbm>>, %arg5: memref<80x128xf32, #tpu.memory_space<hbm>>, %arg6: memref<16xf32, #tpu.memory_space<hbm>>, %arg7: memref<10000x128xf32, #tpu.memory_space<hbm>>, %arg8: memref<2x10240x128xf32, #tpu.memory_space<hbm>>, %arg9: memref<2x10240xf32, #tpu.memory_space<hbm>>, %arg10: memref<32x128xi32, #tpu.memory_space<vmem>>, %arg11: memref<32x128xi32, #tpu.memory_space<vmem>>, %arg12: memref<80x128xf32, #tpu.memory_space<vmem>>, %arg13: memref<80x128xf32, #tpu.memory_space<vmem>>, %arg14: memref<16xf32, #tpu.memory_space<vmem>>, %arg15: memref<1x128xf32, #tpu.memory_space<vmem>>, %arg16: memref<128x128xf32, #tpu.memory_space<vmem>>, %arg17: memref<10240x128xf32, #tpu.memory_space<vmem_shared>>, %arg18: memref<10240xf32, #tpu.memory_space<vmem_shared>>, %arg19: memref<!tpu.dma_semaphore, #tpu.memory_space<semaphore_mem>>, %arg20: memref<!tpu.dma_semaphore, #tpu.memory_space<semaphore_mem>>) attributes {dimension_semantics = [#tpu.dimension_semantics<core_parallel>, #tpu.dimension_semantics<subcore_parallel>], iteration_bounds = array<i64: 2, 16>, scalar_prefetch = 0 : i64, scratch_operands = 11 : i64, tpu.core_type = #tpu.core_type<sc_vector_subcore>, window_params = [{transform_indices = #map}, {transform_indices = #map}, {transform_indices = #map}, {transform_indices = #map}, {transform_indices = #map1}, {transform_indices = #map}, {transform_indices = #map2}, {transform_indices = #map}]} {
    %broadcast_in_dim3A = arith.constant 0.000000e+00 : f32
    %broadcast_in_dim3A_0 = vector.broadcast %broadcast_in_dim3A : f32 to vector<16xf32>
    %broadcast_in_dim3A_1 = arith.constant 0.000000e+00 : f32
    %broadcast_in_dim3A_2 = vector.broadcast %broadcast_in_dim3A_1 : f32 to vector<16xf32>
    %scan3A = arith.constant 0 : i32
    %scan3A_3 = arith.constant 128 : i32
    %scan3A_4 = arith.addi %scan3A, %scan3A_3 : i32
    %scan3A_5 = arith.constant 1 : i32
    scf.for %scan3A_110 = %scan3A to %scan3A_4 step %scan3A_5  : i32 {
      %swap3A_111 = arith.index_cast %scan3A_110 : i32 to index
      %swap3A_112 = arith.constant 0 : index
      %swap3A_113 = tpu.vector_load %arg16[%swap3A_111, %swap3A_112] {strides = array<i32>} : memref<128x128xf32, #tpu.memory_space<vmem>>, vector<16xf32>,
      tpu.vector_store %arg16[%swap3A_111, %swap3A_112], %broadcast_in_dim3A_2 {strides = array<i32>} : memref<128x128xf32, #tpu.memory_space<vmem>>, vector<16xf32>,
      %swap3A_114 = arith.index_cast %scan3A_110 : i32 to index
      %swap3A_115 = arith.constant 16 : index
      %swap3A_116 = tpu.vector_load %arg16[%swap3A_114, %swap3A_115] {strides = array<i32>} : memref<128x128xf32, #tpu.memory_space<vmem>>, vector<16xf32>,
      tpu.vector_store %arg16[%swap3A_114, %swap3A_115], %broadcast_in_dim3A_2 {strides = array<i32>} : memref<128x128xf32, #tpu.memory_space<vmem>>, vector<16xf32>,
      %swap3A_117 = arith.index_cast %scan3A_110 : i32 to index
      %swap3A_118 = arith.constant 32 : index
      %swap3A_119 = tpu.vector_load %arg16[%swap3A_117, %swap3A_118] {strides = array<i32>} : memref<128x128xf32, #tpu.memory_space<vmem>>, vector<16xf32>,
      tpu.vector_store %arg16[%swap3A_117, %swap3A_118], %broadcast_in_dim3A_2 {strides = array<i32>} : memref<128x128xf32, #tpu.memory_space<vmem>>, vector<16xf32>,
      %swap3A_120 = arith.index_cast %scan3A_110 : i32 to index
      %swap3A_121 = arith.constant 48 : index
      %swap3A_122 = tpu.vector_load %arg16[%swap3A_120, %swap3A_121] {strides = array<i32>} : memref<128x128xf32, #tpu.memory_space<vmem>>, vector<16xf32>,
      tpu.vector_store %arg16[%swap3A_120, %swap3A_121], %broadcast_in_dim3A_2 {strides = array<i32>} : memref<128x128xf32, #tpu.memory_space<vmem>>, vector<16xf32>,
      %swap3A_123 = arith.index_cast %scan3A_110 : i32 to index
      %swap3A_124 = arith.constant 64 : index
      %swap3A_125 = tpu.vector_load %arg16[%swap3A_123, %swap3A_124] {strides = array<i32>} : memref<128x128xf32, #tpu.memory_space<vmem>>, vector<16xf32>,
      tpu.vector_store %arg16[%swap3A_123, %swap3A_124], %broadcast_in_dim3A_2 {strides = array<i32>} : memref<128x128xf32, #tpu.memory_space<vmem>>, vector<16xf32>,
      %swap3A_126 = arith.index_cast %scan3A_110 : i32 to index
      %swap3A_127 = arith.constant 80 : index
      %swap3A_128 = tpu.vector_load %arg16[%swap3A_126, %swap3A_127] {strides = array<i32>} : memref<128x128xf32, #tpu.memory_space<vmem>>, vector<16xf32>,
      tpu.vector_store %arg16[%swap3A_126, %swap3A_127], %broadcast_in_dim3A_2 {strides = array<i32>} : memref<128x128xf32, #tpu.memory_space<vmem>>, vector<16xf32>,
      %swap3A_129 = arith.index_cast %scan3A_110 : i32 to index
      %swap3A_130 = arith.constant 96 : index
      %swap3A_131 = tpu.vector_load %arg16[%swap3A_129, %swap3A_130] {strides = array<i32>} : memref<128x128xf32, #tpu.memory_space<vmem>>, vector<16xf32>,
      tpu.vector_store %arg16[%swap3A_129, %swap3A_130], %broadcast_in_dim3A_2 {strides = array<i32>} : memref<128x128xf32, #tpu.memory_space<vmem>>, vector<16xf32>,
      %swap3A_132 = arith.index_cast %scan3A_110 : i32 to index
      %swap3A_133 = arith.constant 112 : index
      %swap3A_134 = tpu.vector_load %arg16[%swap3A_132, %swap3A_133] {strides = array<i32>} : memref<128x128xf32, #tpu.memory_space<vmem>>, vector<16xf32>,
      tpu.vector_store %arg16[%swap3A_132, %swap3A_133], %broadcast_in_dim3A_2 {strides = array<i32>} : memref<128x128xf32, #tpu.memory_space<vmem>>, vector<16xf32>,
    }
    %scan3A_6 = arith.constant 128 : i32
    %swap3A = arith.constant 0 : i32
    %swap3A_7 = arith.index_cast %swap3A : i32 to index
    %swap3A_8 = arith.constant 0 : index
    %swap3A_9 = tpu.vector_load %arg15[%swap3A_7, %swap3A_8] {strides = array<i32>} : memref<1x128xf32, #tpu.memory_space<vmem>>, vector<16xf32>,
    tpu.vector_store %arg15[%swap3A_7, %swap3A_8], %broadcast_in_dim3A_0 {strides = array<i32>} : memref<1x128xf32, #tpu.memory_space<vmem>>, vector<16xf32>,
    %swap3A_10 = arith.constant 0 : i32
    %swap3A_11 = arith.index_cast %swap3A_10 : i32 to index
    %swap3A_12 = arith.constant 16 : index
    %swap3A_13 = tpu.vector_load %arg15[%swap3A_11, %swap3A_12] {strides = array<i32>} : memref<1x128xf32, #tpu.memory_space<vmem>>, vector<16xf32>,
    tpu.vector_store %arg15[%swap3A_11, %swap3A_12], %broadcast_in_dim3A_0 {strides = array<i32>} : memref<1x128xf32, #tpu.memory_space<vmem>>, vector<16xf32>,
    %swap3A_14 = arith.constant 0 : i32
    %swap3A_15 = arith.index_cast %swap3A_14 : i32 to index
    %swap3A_16 = arith.constant 32 : index
    %swap3A_17 = tpu.vector_load %arg15[%swap3A_15, %swap3A_16] {strides = array<i32>} : memref<1x128xf32, #tpu.memory_space<vmem>>, vector<16xf32>,
    tpu.vector_store %arg15[%swap3A_15, %swap3A_16], %broadcast_in_dim3A_0 {strides = array<i32>} : memref<1x128xf32, #tpu.memory_space<vmem>>, vector<16xf32>,
    %swap3A_18 = arith.constant 0 : i32
    %swap3A_19 = arith.index_cast %swap3A_18 : i32 to index
    %swap3A_20 = arith.constant 48 : index
    %swap3A_21 = tpu.vector_load %arg15[%swap3A_19, %swap3A_20] {strides = array<i32>} : memref<1x128xf32, #tpu.memory_space<vmem>>, vector<16xf32>,
    tpu.vector_store %arg15[%swap3A_19, %swap3A_20], %broadcast_in_dim3A_0 {strides = array<i32>} : memref<1x128xf32, #tpu.memory_space<vmem>>, vector<16xf32>,
    %swap3A_22 = arith.constant 0 : i32
    %swap3A_23 = arith.index_cast %swap3A_22 : i32 to index
    %swap3A_24 = arith.constant 64 : index
    %swap3A_25 = tpu.vector_load %arg15[%swap3A_23, %swap3A_24] {strides = array<i32>} : memref<1x128xf32, #tpu.memory_space<vmem>>, vector<16xf32>,
    tpu.vector_store %arg15[%swap3A_23, %swap3A_24], %broadcast_in_dim3A_0 {strides = array<i32>} : memref<1x128xf32, #tpu.memory_space<vmem>>, vector<16xf32>,
    %swap3A_26 = arith.constant 0 : i32
    %swap3A_27 = arith.index_cast %swap3A_26 : i32 to index
    %swap3A_28 = arith.constant 80 : index
    %swap3A_29 = tpu.vector_load %arg15[%swap3A_27, %swap3A_28] {strides = array<i32>} : memref<1x128xf32, #tpu.memory_space<vmem>>, vector<16xf32>,
    tpu.vector_store %arg15[%swap3A_27, %swap3A_28], %broadcast_in_dim3A_0 {strides = array<i32>} : memref<1x128xf32, #tpu.memory_space<vmem>>, vector<16xf32>,
    %swap3A_30 = arith.constant 0 : i32
    %swap3A_31 = arith.index_cast %swap3A_30 : i32 to index
    %swap3A_32 = arith.constant 96 : index
    %swap3A_33 = tpu.vector_load %arg15[%swap3A_31, %swap3A_32] {strides = array<i32>} : memref<1x128xf32, #tpu.memory_space<vmem>>, vector<16xf32>,
    tpu.vector_store %arg15[%swap3A_31, %swap3A_32], %broadcast_in_dim3A_0 {strides = array<i32>} : memref<1x128xf32, #tpu.memory_space<vmem>>, vector<16xf32>,
    %swap3A_34 = arith.constant 0 : i32
    %swap3A_35 = arith.index_cast %swap3A_34 : i32 to index
    %swap3A_36 = arith.constant 112 : index
    %swap3A_37 = tpu.vector_load %arg15[%swap3A_35, %swap3A_36] {strides = array<i32>} : memref<1x128xf32, #tpu.memory_space<vmem>>, vector<16xf32>,
    tpu.vector_store %arg15[%swap3A_35, %swap3A_36], %broadcast_in_dim3A_0 {strides = array<i32>} : memref<1x128xf32, #tpu.memory_space<vmem>>, vector<16xf32>,
    %mul3A = arith.constant 640 : i32
    %mul3A_38 = arith.muli %arg1, %mul3A : i32
    %add3A = arith.constant 0 : i32
    %add3A_39 = arith.addi %mul3A_38, %add3A : i32
    "tpu.region"() ({
      %run_scoped3A_110 = tpu.sem_alloc : memref<!tpu.dma_semaphore, #tpu.memory_space<semaphore_mem>>
      %dma_start3A = arith.constant 0 : i32
      %dma_start3A_111 = tpu.memref_slice %arg17[%add3A_39, %dma_start3A] : memref<10240x128xf32, #tpu.memory_space<vmem_shared>> -> memref<128x128xf32, #tpu.memory_space<vmem_shared>>
      %dma_start3A_112 = arith.constant 0 : i32
      %dma_start3A_113 = tpu.memref_slice %arg17[%add3A_39, %dma_start3A_112] : memref<10240x128xf32, #tpu.memory_space<vmem_shared>> -> memref<128x128xf32, #tpu.memory_space<vmem_shared>>
      tpu.enqueue_dma source(%arg16 : memref<128x128xf32, #tpu.memory_space<vmem>>) target(%dma_start3A_113 : memref<128x128xf32, #tpu.memory_space<vmem_shared>>) target_semaphore(%run_scoped3A_110 : memref<!tpu.dma_semaphore, #tpu.memory_space<semaphore_mem>>)
      %dma_wait3A = arith.constant 0 : i32
      %dma_wait3A_114 = tpu.memref_slice %arg17[%add3A_39, %dma_wait3A] : memref<10240x128xf32, #tpu.memory_space<vmem_shared>> -> memref<128x128xf32, #tpu.memory_space<vmem_shared>>
      %dma_wait3A_115 = arith.constant 0 : i32
      %dma_wait3A_116 = tpu.memref_slice %arg17[%add3A_39, %dma_wait3A_115] : memref<10240x128xf32, #tpu.memory_space<vmem_shared>> -> memref<128x128xf32, #tpu.memory_space<vmem_shared>>
      tpu.wait_dma2 semaphore(%run_scoped3A_110 : memref<!tpu.dma_semaphore, #tpu.memory_space<semaphore_mem>>) src(%arg16 : memref<128x128xf32, #tpu.memory_space<vmem>>) dst(%dma_wait3A_116 : memref<128x128xf32, #tpu.memory_space<vmem_shared>>)
      tpu.yield
    }) : () -> ()
    %mul3A_40 = arith.constant 640 : i32
    %mul3A_41 = arith.muli %arg1, %mul3A_40 : i32
    %add3A_42 = arith.constant 128 : i32
    %add3A_43 = arith.addi %mul3A_41, %add3A_42 : i32
    "tpu.region"() ({
      %run_scoped3A_110 = tpu.sem_alloc : memref<!tpu.dma_semaphore, #tpu.memory_space<semaphore_mem>>
      %dma_start3A = arith.constant 0 : i32
      %dma_start3A_111 = tpu.memref_slice %arg17[%add3A_43, %dma_start3A] : memref<10240x128xf32, #tpu.memory_space<vmem_shared>> -> memref<128x128xf32, #tpu.memory_space<vmem_shared>>
      %dma_start3A_112 = arith.constant 0 : i32
      %dma_start3A_113 = tpu.memref_slice %arg17[%add3A_43, %dma_start3A_112] : memref<10240x128xf32, #tpu.memory_space<vmem_shared>> -> memref<128x128xf32, #tpu.memory_space<vmem_shared>>
      tpu.enqueue_dma source(%arg16 : memref<128x128xf32, #tpu.memory_space<vmem>>) target(%dma_start3A_113 : memref<128x128xf32, #tpu.memory_space<vmem_shared>>) target_semaphore(%run_scoped3A_110 : memref<!tpu.dma_semaphore, #tpu.memory_space<semaphore_mem>>)
      %dma_wait3A = arith.constant 0 : i32
      %dma_wait3A_114 = tpu.memref_slice %arg17[%add3A_43, %dma_wait3A] : memref<10240x128xf32, #tpu.memory_space<vmem_shared>> -> memref<128x128xf32, #tpu.memory_space<vmem_shared>>
      %dma_wait3A_115 = arith.constant 0 : i32
      %dma_wait3A_116 = tpu.memref_slice %arg17[%add3A_43, %dma_wait3A_115] : memref<10240x128xf32, #tpu.memory_space<vmem_shared>> -> memref<128x128xf32, #tpu.memory_space<vmem_shared>>
      tpu.wait_dma2 semaphore(%run_scoped3A_110 : memref<!tpu.dma_semaphore, #tpu.memory_space<semaphore_mem>>) src(%arg16 : memref<128x128xf32, #tpu.memory_space<vmem>>) dst(%dma_wait3A_116 : memref<128x128xf32, #tpu.memory_space<vmem_shared>>)
      tpu.yield
    }) : () -> ()
    %mul3A_44 = arith.constant 640 : i32
    %mul3A_45 = arith.muli %arg1, %mul3A_44 : i32
    %add3A_46 = arith.constant 256 : i32
    %add3A_47 = arith.addi %mul3A_45, %add3A_46 : i32
    "tpu.region"() ({
      %run_scoped3A_110 = tpu.sem_alloc : memref<!tpu.dma_semaphore, #tpu.memory_space<semaphore_mem>>
      %dma_start3A = arith.constant 0 : i32
      %dma_start3A_111 = tpu.memref_slice %arg17[%add3A_47, %dma_start3A] : memref<10240x128xf32, #tpu.memory_space<vmem_shared>> -> memref<128x128xf32, #tpu.memory_space<vmem_shared>>
      %dma_start3A_112 = arith.constant 0 : i32
      %dma_start3A_113 = tpu.memref_slice %arg17[%add3A_47, %dma_start3A_112] : memref<10240x128xf32, #tpu.memory_space<vmem_shared>> -> memref<128x128xf32, #tpu.memory_space<vmem_shared>>
      tpu.enqueue_dma source(%arg16 : memref<128x128xf32, #tpu.memory_space<vmem>>) target(%dma_start3A_113 : memref<128x128xf32, #tpu.memory_space<vmem_shared>>) target_semaphore(%run_scoped3A_110 : memref<!tpu.dma_semaphore, #tpu.memory_space<semaphore_mem>>)
      %dma_wait3A = arith.constant 0 : i32
      %dma_wait3A_114 = tpu.memref_slice %arg17[%add3A_47, %dma_wait3A] : memref<10240x128xf32, #tpu.memory_space<vmem_shared>> -> memref<128x128xf32, #tpu.memory_space<vmem_shared>>
      %dma_wait3A_115 = arith.constant 0 : i32
      %dma_wait3A_116 = tpu.memref_slice %arg17[%add3A_47, %dma_wait3A_115] : memref<10240x128xf32, #tpu.memory_space<vmem_shared>> -> memref<128x128xf32, #tpu.memory_space<vmem_shared>>
      tpu.wait_dma2 semaphore(%run_scoped3A_110 : memref<!tpu.dma_semaphore, #tpu.memory_space<semaphore_mem>>) src(%arg16 : memref<128x128xf32, #tpu.memory_space<vmem>>) dst(%dma_wait3A_116 : memref<128x128xf32, #tpu.memory_space<vmem_shared>>)
      tpu.yield
    }) : () -> ()
    %mul3A_48 = arith.constant 640 : i32
    %mul3A_49 = arith.muli %arg1, %mul3A_48 : i32
    %add3A_50 = arith.constant 384 : i32
    %add3A_51 = arith.addi %mul3A_49, %add3A_50 : i32
    "tpu.region"() ({
      %run_scoped3A_110 = tpu.sem_alloc : memref<!tpu.dma_semaphore, #tpu.memory_space<semaphore_mem>>
      %dma_start3A = arith.constant 0 : i32
      %dma_start3A_111 = tpu.memref_slice %arg17[%add3A_51, %dma_start3A] : memref<10240x128xf32, #tpu.memory_space<vmem_shared>> -> memref<128x128xf32, #tpu.memory_space<vmem_shared>>
      %dma_start3A_112 = arith.constant 0 : i32
      %dma_start3A_113 = tpu.memref_slice %arg17[%add3A_51, %dma_start3A_112] : memref<10240x128xf32, #tpu.memory_space<vmem_shared>> -> memref<128x128xf32, #tpu.memory_space<vmem_shared>>
      tpu.enqueue_dma source(%arg16 : memref<128x128xf32, #tpu.memory_space<vmem>>) target(%dma_start3A_113 : memref<128x128xf32, #tpu.memory_space<vmem_shared>>) target_semaphore(%run_scoped3A_110 : memref<!tpu.dma_semaphore, #tpu.memory_space<semaphore_mem>>)
      %dma_wait3A = arith.constant 0 : i32
      %dma_wait3A_114 = tpu.memref_slice %arg17[%add3A_51, %dma_wait3A] : memref<10240x128xf32, #tpu.memory_space<vmem_shared>> -> memref<128x128xf32, #tpu.memory_space<vmem_shared>>
      %dma_wait3A_115 = arith.constant 0 : i32
      %dma_wait3A_116 = tpu.memref_slice %arg17[%add3A_51, %dma_wait3A_115] : memref<10240x128xf32, #tpu.memory_space<vmem_shared>> -> memref<128x128xf32, #tpu.memory_space<vmem_shared>>
      tpu.wait_dma2 semaphore(%run_scoped3A_110 : memref<!tpu.dma_semaphore, #tpu.memory_space<semaphore_mem>>) src(%arg16 : memref<128x128xf32, #tpu.memory_space<vmem>>) dst(%dma_wait3A_116 : memref<128x128xf32, #tpu.memory_space<vmem_shared>>)
      tpu.yield
    }) : () -> ()
    %mul3A_52 = arith.constant 640 : i32
    %mul3A_53 = arith.muli %arg1, %mul3A_52 : i32
    %add3A_54 = arith.constant 512 : i32
    %add3A_55 = arith.addi %mul3A_53, %add3A_54 : i32
    "tpu.region"() ({
      %run_scoped3A_110 = tpu.sem_alloc : memref<!tpu.dma_semaphore, #tpu.memory_space<semaphore_mem>>
      %dma_start3A = arith.constant 0 : i32
      %dma_start3A_111 = tpu.memref_slice %arg17[%add3A_55, %dma_start3A] : memref<10240x128xf32, #tpu.memory_space<vmem_shared>> -> memref<128x128xf32, #tpu.memory_space<vmem_shared>>
      %dma_start3A_112 = arith.constant 0 : i32
      %dma_start3A_113 = tpu.memref_slice %arg17[%add3A_55, %dma_start3A_112] : memref<10240x128xf32, #tpu.memory_space<vmem_shared>> -> memref<128x128xf32, #tpu.memory_space<vmem_shared>>
      tpu.enqueue_dma source(%arg16 : memref<128x128xf32, #tpu.memory_space<vmem>>) target(%dma_start3A_113 : memref<128x128xf32, #tpu.memory_space<vmem_shared>>) target_semaphore(%run_scoped3A_110 : memref<!tpu.dma_semaphore, #tpu.memory_space<semaphore_mem>>)
      %dma_wait3A = arith.constant 0 : i32
      %dma_wait3A_114 = tpu.memref_slice %arg17[%add3A_55, %dma_wait3A] : memref<10240x128xf32, #tpu.memory_space<vmem_shared>> -> memref<128x128xf32, #tpu.memory_space<vmem_shared>>
      %dma_wait3A_115 = arith.constant 0 : i32
      %dma_wait3A_116 = tpu.memref_slice %arg17[%add3A_55, %dma_wait3A_115] : memref<10240x128xf32, #tpu.memory_space<vmem_shared>> -> memref<128x128xf32, #tpu.memory_space<vmem_shared>>
      tpu.wait_dma2 semaphore(%run_scoped3A_110 : memref<!tpu.dma_semaphore, #tpu.memory_space<semaphore_mem>>) src(%arg16 : memref<128x128xf32, #tpu.memory_space<vmem>>) dst(%dma_wait3A_116 : memref<128x128xf32, #tpu.memory_space<vmem_shared>>)
      tpu.yield
    }) : () -> ()
    %mul3A_56 = arith.constant 640 : i32
    %mul3A_57 = arith.muli %arg1, %mul3A_56 : i32
    %add3A_58 = arith.constant 0 : i32
    %add3A_59 = arith.addi %mul3A_57, %add3A_58 : i32
    %run_scoped3A = arith.constant 0 : i32
    "tpu.region"() ({
      %run_scoped3A_110 = tpu.sem_alloc : memref<!tpu.dma_semaphore, #tpu.memory_space<semaphore_mem>>
      %dma_start3A = arith.constant 0 : i32
      %dma_start3A_111 = tpu.memref_slice %arg15[%run_scoped3A, %dma_start3A] : memref<1x128xf32, #tpu.memory_space<vmem>> -> memref<1x128xf32, #tpu.memory_space<vmem>>
      %dma_start3A_112 = tpu.memref_squeeze %dma_start3A_111 : memref<1x128xf32, #tpu.memory_space<vmem>> -> memref<128xf32, #tpu.memory_space<vmem>>
      %dma_start3A_113 = tpu.memref_slice %arg18[%add3A_59] : memref<10240xf32, #tpu.memory_space<vmem_shared>> -> memref<128xf32, #tpu.memory_space<vmem_shared>>
      %dma_start3A_114 = tpu.memref_slice %arg18[%add3A_59] : memref<10240xf32, #tpu.memory_space<vmem_shared>> -> memref<128xf32, #tpu.memory_space<vmem_shared>>
      %dma_start3A_115 = arith.constant 0 : i32
      %dma_start3A_116 = tpu.memref_slice %arg15[%run_scoped3A, %dma_start3A_115] : memref<1x128xf32, #tpu.memory_space<vmem>> -> memref<1x128xf32, #tpu.memory_space<vmem>>
      %dma_start3A_117 = tpu.memref_squeeze %dma_start3A_116 : memref<1x128xf32, #tpu.memory_space<vmem>> -> memref<128xf32, #tpu.memory_space<vmem>>
      tpu.enqueue_dma source(%dma_start3A_117 : memref<128xf32, #tpu.memory_space<vmem>>) target(%dma_start3A_114 : memref<128xf32, #tpu.memory_space<vmem_shared>>) target_semaphore(%run_scoped3A_110 : memref<!tpu.dma_semaphore, #tpu.memory_space<semaphore_mem>>)
      %dma_wait3A = arith.constant 0 : i32
      %dma_wait3A_118 = tpu.memref_slice %arg15[%run_scoped3A, %dma_wait3A] : memref<1x128xf32, #tpu.memory_space<vmem>> -> memref<1x128xf32, #tpu.memory_space<vmem>>
      %dma_wait3A_119 = tpu.memref_squeeze %dma_wait3A_118 : memref<1x128xf32, #tpu.memory_space<vmem>> -> memref<128xf32, #tpu.memory_space<vmem>>
      %dma_wait3A_120 = tpu.memref_slice %arg18[%add3A_59] : memref<10240xf32, #tpu.memory_space<vmem_shared>> -> memref<128xf32, #tpu.memory_space<vmem_shared>>
      %dma_wait3A_121 = tpu.memref_slice %arg18[%add3A_59] : memref<10240xf32, #tpu.memory_space<vmem_shared>> -> memref<128xf32, #tpu.memory_space<vmem_shared>>
      %dma_wait3A_122 = arith.constant 0 : i32
      %dma_wait3A_123 = tpu.memref_slice %arg15[%run_scoped3A, %dma_wait3A_122] : memref<1x128xf32, #tpu.memory_space<vmem>> -> memref<1x128xf32, #tpu.memory_space<vmem>>
      %dma_wait3A_124 = tpu.memref_squeeze %dma_wait3A_123 : memref<1x128xf32, #tpu.memory_space<vmem>> -> memref<128xf32, #tpu.memory_space<vmem>>
      tpu.wait_dma2 semaphore(%run_scoped3A_110 : memref<!tpu.dma_semaphore, #tpu.memory_space<semaphore_mem>>) src(%dma_wait3A_124 : memref<128xf32, #tpu.memory_space<vmem>>) dst(%dma_wait3A_121 : memref<128xf32, #tpu.memory_space<vmem_shared>>)
      tpu.yield
    }) : () -> ()
    %mul3A_60 = arith.constant 640 : i32
    %mul3A_61 = arith.muli %arg1, %mul3A_60 : i32
    %add3A_62 = arith.constant 128 : i32
    %add3A_63 = arith.addi %mul3A_61, %add3A_62 : i32
    %run_scoped3A_64 = arith.constant 0 : i32
    "tpu.region"() ({
      %run_scoped3A_110 = tpu.sem_alloc : memref<!tpu.dma_semaphore, #tpu.memory_space<semaphore_mem>>
      %dma_start3A = arith.constant 0 : i32
      %dma_start3A_111 = tpu.memref_slice %arg15[%run_scoped3A_64, %dma_start3A] : memref<1x128xf32, #tpu.memory_space<vmem>> -> memref<1x128xf32, #tpu.memory_space<vmem>>
      %dma_start3A_112 = tpu.memref_squeeze %dma_start3A_111 : memref<1x128xf32, #tpu.memory_space<vmem>> -> memref<128xf32, #tpu.memory_space<vmem>>
      %dma_start3A_113 = tpu.memref_slice %arg18[%add3A_63] : memref<10240xf32, #tpu.memory_space<vmem_shared>> -> memref<128xf32, #tpu.memory_space<vmem_shared>>
      %dma_start3A_114 = tpu.memref_slice %arg18[%add3A_63] : memref<10240xf32, #tpu.memory_space<vmem_shared>> -> memref<128xf32, #tpu.memory_space<vmem_shared>>
      %dma_start3A_115 = arith.constant 0 : i32
      %dma_start3A_116 = tpu.memref_slice %arg15[%run_scoped3A_64, %dma_start3A_115] : memref<1x128xf32, #tpu.memory_space<vmem>> -> memref<1x128xf32, #tpu.memory_space<vmem>>
      %dma_start3A_117 = tpu.memref_squeeze %dma_start3A_116 : memref<1x128xf32, #tpu.memory_space<vmem>> -> memref<128xf32, #tpu.memory_space<vmem>>
      tpu.enqueue_dma source(%dma_start3A_117 : memref<128xf32, #tpu.memory_space<vmem>>) target(%dma_start3A_114 : memref<128xf32, #tpu.memory_space<vmem_shared>>) target_semaphore(%run_scoped3A_110 : memref<!tpu.dma_semaphore, #tpu.memory_space<semaphore_mem>>)
      %dma_wait3A = arith.constant 0 : i32
      %dma_wait3A_118 = tpu.memref_slice %arg15[%run_scoped3A_64, %dma_wait3A] : memref<1x128xf32, #tpu.memory_space<vmem>> -> memref<1x128xf32, #tpu.memory_space<vmem>>
      %dma_wait3A_119 = tpu.memref_squeeze %dma_wait3A_118 : memref<1x128xf32, #tpu.memory_space<vmem>> -> memref<128xf32, #tpu.memory_space<vmem>>
      %dma_wait3A_120 = tpu.memref_slice %arg18[%add3A_63] : memref<10240xf32, #tpu.memory_space<vmem_shared>> -> memref<128xf32, #tpu.memory_space<vmem_shared>>
      %dma_wait3A_121 = tpu.memref_slice %arg18[%add3A_63] : memref<10240xf32, #tpu.memory_space<vmem_shared>> -> memref<128xf32, #tpu.memory_space<vmem_shared>>
      %dma_wait3A_122 = arith.constant 0 : i32
      %dma_wait3A_123 = tpu.memref_slice %arg15[%run_scoped3A_64, %dma_wait3A_122] : memref<1x128xf32, #tpu.memory_space<vmem>> -> memref<1x128xf32, #tpu.memory_space<vmem>>
      %dma_wait3A_124 = tpu.memref_squeeze %dma_wait3A_123 : memref<1x128xf32, #tpu.memory_space<vmem>> -> memref<128xf32, #tpu.memory_space<vmem>>
      tpu.wait_dma2 semaphore(%run_scoped3A_110 : memref<!tpu.dma_semaphore, #tpu.memory_space<semaphore_mem>>) src(%dma_wait3A_124 : memref<128xf32, #tpu.memory_space<vmem>>) dst(%dma_wait3A_121 : memref<128xf32, #tpu.memory_space<vmem_shared>>)
      tpu.yield
    }) : () -> ()
    %mul3A_65 = arith.constant 640 : i32
    %mul3A_66 = arith.muli %arg1, %mul3A_65 : i32
    %add3A_67 = arith.constant 256 : i32
    %add3A_68 = arith.addi %mul3A_66, %add3A_67 : i32
    %run_scoped3A_69 = arith.constant 0 : i32
    "tpu.region"() ({
      %run_scoped3A_110 = tpu.sem_alloc : memref<!tpu.dma_semaphore, #tpu.memory_space<semaphore_mem>>
      %dma_start3A = arith.constant 0 : i32
      %dma_start3A_111 = tpu.memref_slice %arg15[%run_scoped3A_69, %dma_start3A] : memref<1x128xf32, #tpu.memory_space<vmem>> -> memref<1x128xf32, #tpu.memory_space<vmem>>
      %dma_start3A_112 = tpu.memref_squeeze %dma_start3A_111 : memref<1x128xf32, #tpu.memory_space<vmem>> -> memref<128xf32, #tpu.memory_space<vmem>>
      %dma_start3A_113 = tpu.memref_slice %arg18[%add3A_68] : memref<10240xf32, #tpu.memory_space<vmem_shared>> -> memref<128xf32, #tpu.memory_space<vmem_shared>>
      %dma_start3A_114 = tpu.memref_slice %arg18[%add3A_68] : memref<10240xf32, #tpu.memory_space<vmem_shared>> -> memref<128xf32, #tpu.memory_space<vmem_shared>>
      %dma_start3A_115 = arith.constant 0 : i32
      %dma_start3A_116 = tpu.memref_slice %arg15[%run_scoped3A_69, %dma_start3A_115] : memref<1x128xf32, #tpu.memory_space<vmem>> -> memref<1x128xf32, #tpu.memory_space<vmem>>
      %dma_start3A_117 = tpu.memref_squeeze %dma_start3A_116 : memref<1x128xf32, #tpu.memory_space<vmem>> -> memref<128xf32, #tpu.memory_space<vmem>>
      tpu.enqueue_dma source(%dma_start3A_117 : memref<128xf32, #tpu.memory_space<vmem>>) target(%dma_start3A_114 : memref<128xf32, #tpu.memory_space<vmem_shared>>) target_semaphore(%run_scoped3A_110 : memref<!tpu.dma_semaphore, #tpu.memory_space<semaphore_mem>>)
      %dma_wait3A = arith.constant 0 : i32
      %dma_wait3A_118 = tpu.memref_slice %arg15[%run_scoped3A_69, %dma_wait3A] : memref<1x128xf32, #tpu.memory_space<vmem>> -> memref<1x128xf32, #tpu.memory_space<vmem>>
      %dma_wait3A_119 = tpu.memref_squeeze %dma_wait3A_118 : memref<1x128xf32, #tpu.memory_space<vmem>> -> memref<128xf32, #tpu.memory_space<vmem>>
      %dma_wait3A_120 = tpu.memref_slice %arg18[%add3A_68] : memref<10240xf32, #tpu.memory_space<vmem_shared>> -> memref<128xf32, #tpu.memory_space<vmem_shared>>
      %dma_wait3A_121 = tpu.memref_slice %arg18[%add3A_68] : memref<10240xf32, #tpu.memory_space<vmem_shared>> -> memref<128xf32, #tpu.memory_space<vmem_shared>>
      %dma_wait3A_122 = arith.constant 0 : i32
      %dma_wait3A_123 = tpu.memref_slice %arg15[%run_scoped3A_69, %dma_wait3A_122] : memref<1x128xf32, #tpu.memory_space<vmem>> -> memref<1x128xf32, #tpu.memory_space<vmem>>
      %dma_wait3A_124 = tpu.memref_squeeze %dma_wait3A_123 : memref<1x128xf32, #tpu.memory_space<vmem>> -> memref<128xf32, #tpu.memory_space<vmem>>
      tpu.wait_dma2 semaphore(%run_scoped3A_110 : memref<!tpu.dma_semaphore, #tpu.memory_space<semaphore_mem>>) src(%dma_wait3A_124 : memref<128xf32, #tpu.memory_space<vmem>>) dst(%dma_wait3A_121 : memref<128xf32, #tpu.memory_space<vmem_shared>>)
      tpu.yield
    }) : () -> ()
    %mul3A_70 = arith.constant 640 : i32
    %mul3A_71 = arith.muli %arg1, %mul3A_70 : i32
    %add3A_72 = arith.constant 384 : i32
    %add3A_73 = arith.addi %mul3A_71, %add3A_72 : i32
    %run_scoped3A_74 = arith.constant 0 : i32
    "tpu.region"() ({
      %run_scoped3A_110 = tpu.sem_alloc : memref<!tpu.dma_semaphore, #tpu.memory_space<semaphore_mem>>
      %dma_start3A = arith.constant 0 : i32
      %dma_start3A_111 = tpu.memref_slice %arg15[%run_scoped3A_74, %dma_start3A] : memref<1x128xf32, #tpu.memory_space<vmem>> -> memref<1x128xf32, #tpu.memory_space<vmem>>
      %dma_start3A_112 = tpu.memref_squeeze %dma_start3A_111 : memref<1x128xf32, #tpu.memory_space<vmem>> -> memref<128xf32, #tpu.memory_space<vmem>>
      %dma_start3A_113 = tpu.memref_slice %arg18[%add3A_73] : memref<10240xf32, #tpu.memory_space<vmem_shared>> -> memref<128xf32, #tpu.memory_space<vmem_shared>>
      %dma_start3A_114 = tpu.memref_slice %arg18[%add3A_73] : memref<10240xf32, #tpu.memory_space<vmem_shared>> -> memref<128xf32, #tpu.memory_space<vmem_shared>>
      %dma_start3A_115 = arith.constant 0 : i32
      %dma_start3A_116 = tpu.memref_slice %arg15[%run_scoped3A_74, %dma_start3A_115] : memref<1x128xf32, #tpu.memory_space<vmem>> -> memref<1x128xf32, #tpu.memory_space<vmem>>
      %dma_start3A_117 = tpu.memref_squeeze %dma_start3A_116 : memref<1x128xf32, #tpu.memory_space<vmem>> -> memref<128xf32, #tpu.memory_space<vmem>>
      tpu.enqueue_dma source(%dma_start3A_117 : memref<128xf32, #tpu.memory_space<vmem>>) target(%dma_start3A_114 : memref<128xf32, #tpu.memory_space<vmem_shared>>) target_semaphore(%run_scoped3A_110 : memref<!tpu.dma_semaphore, #tpu.memory_space<semaphore_mem>>)
      %dma_wait3A = arith.constant 0 : i32
      %dma_wait3A_118 = tpu.memref_slice %arg15[%run_scoped3A_74, %dma_wait3A] : memref<1x128xf32, #tpu.memory_space<vmem>> -> memref<1x128xf32, #tpu.memory_space<vmem>>
      %dma_wait3A_119 = tpu.memref_squeeze %dma_wait3A_118 : memref<1x128xf32, #tpu.memory_space<vmem>> -> memref<128xf32, #tpu.memory_space<vmem>>
      %dma_wait3A_120 = tpu.memref_slice %arg18[%add3A_73] : memref<10240xf32, #tpu.memory_space<vmem_shared>> -> memref<128xf32, #tpu.memory_space<vmem_shared>>
      %dma_wait3A_121 = tpu.memref_slice %arg18[%add3A_73] : memref<10240xf32, #tpu.memory_space<vmem_shared>> -> memref<128xf32, #tpu.memory_space<vmem_shared>>
      %dma_wait3A_122 = arith.constant 0 : i32
      %dma_wait3A_123 = tpu.memref_slice %arg15[%run_scoped3A_74, %dma_wait3A_122] : memref<1x128xf32, #tpu.memory_space<vmem>> -> memref<1x128xf32, #tpu.memory_space<vmem>>
      %dma_wait3A_124 = tpu.memref_squeeze %dma_wait3A_123 : memref<1x128xf32, #tpu.memory_space<vmem>> -> memref<128xf32, #tpu.memory_space<vmem>>
      tpu.wait_dma2 semaphore(%run_scoped3A_110 : memref<!tpu.dma_semaphore, #tpu.memory_space<semaphore_mem>>) src(%dma_wait3A_124 : memref<128xf32, #tpu.memory_space<vmem>>) dst(%dma_wait3A_121 : memref<128xf32, #tpu.memory_space<vmem_shared>>)
      tpu.yield
    }) : () -> ()
    %mul3A_75 = arith.constant 640 : i32
    %mul3A_76 = arith.muli %arg1, %mul3A_75 : i32
    %add3A_77 = arith.constant 512 : i32
    %add3A_78 = arith.addi %mul3A_76, %add3A_77 : i32
    %run_scoped3A_79 = arith.constant 0 : i32
    "tpu.region"() ({
      %run_scoped3A_110 = tpu.sem_alloc : memref<!tpu.dma_semaphore, #tpu.memory_space<semaphore_mem>>
      %dma_start3A = arith.constant 0 : i32
      %dma_start3A_111 = tpu.memref_slice %arg15[%run_scoped3A_79, %dma_start3A] : memref<1x128xf32, #tpu.memory_space<vmem>> -> memref<1x128xf32, #tpu.memory_space<vmem>>
      %dma_start3A_112 = tpu.memref_squeeze %dma_start3A_111 : memref<1x128xf32, #tpu.memory_space<vmem>> -> memref<128xf32, #tpu.memory_space<vmem>>
      %dma_start3A_113 = tpu.memref_slice %arg18[%add3A_78] : memref<10240xf32, #tpu.memory_space<vmem_shared>> -> memref<128xf32, #tpu.memory_space<vmem_shared>>
      %dma_start3A_114 = tpu.memref_slice %arg18[%add3A_78] : memref<10240xf32, #tpu.memory_space<vmem_shared>> -> memref<128xf32, #tpu.memory_space<vmem_shared>>
      %dma_start3A_115 = arith.constant 0 : i32
      %dma_start3A_116 = tpu.memref_slice %arg15[%run_scoped3A_79, %dma_start3A_115] : memref<1x128xf32, #tpu.memory_space<vmem>> -> memref<1x128xf32, #tpu.memory_space<vmem>>
      %dma_start3A_117 = tpu.memref_squeeze %dma_start3A_116 : memref<1x128xf32, #tpu.memory_space<vmem>> -> memref<128xf32, #tpu.memory_space<vmem>>
      tpu.enqueue_dma source(%dma_start3A_117 : memref<128xf32, #tpu.memory_space<vmem>>) target(%dma_start3A_114 : memref<128xf32, #tpu.memory_space<vmem_shared>>) target_semaphore(%run_scoped3A_110 : memref<!tpu.dma_semaphore, #tpu.memory_space<semaphore_mem>>)
      %dma_wait3A = arith.constant 0 : i32
      %dma_wait3A_118 = tpu.memref_slice %arg15[%run_scoped3A_79, %dma_wait3A] : memref<1x128xf32, #tpu.memory_space<vmem>> -> memref<1x128xf32, #tpu.memory_space<vmem>>
      %dma_wait3A_119 = tpu.memref_squeeze %dma_wait3A_118 : memref<1x128xf32, #tpu.memory_space<vmem>> -> memref<128xf32, #tpu.memory_space<vmem>>
      %dma_wait3A_120 = tpu.memref_slice %arg18[%add3A_78] : memref<10240xf32, #tpu.memory_space<vmem_shared>> -> memref<128xf32, #tpu.memory_space<vmem_shared>>
      %dma_wait3A_121 = tpu.memref_slice %arg18[%add3A_78] : memref<10240xf32, #tpu.memory_space<vmem_shared>> -> memref<128xf32, #tpu.memory_space<vmem_shared>>
      %dma_wait3A_122 = arith.constant 0 : i32
      %dma_wait3A_123 = tpu.memref_slice %arg15[%run_scoped3A_79, %dma_wait3A_122] : memref<1x128xf32, #tpu.memory_space<vmem>> -> memref<1x128xf32, #tpu.memory_space<vmem>>
      %dma_wait3A_124 = tpu.memref_squeeze %dma_wait3A_123 : memref<1x128xf32, #tpu.memory_space<vmem>> -> memref<128xf32, #tpu.memory_space<vmem>>
      tpu.wait_dma2 semaphore(%run_scoped3A_110 : memref<!tpu.dma_semaphore, #tpu.memory_space<semaphore_mem>>) src(%dma_wait3A_124 : memref<128xf32, #tpu.memory_space<vmem>>) dst(%dma_wait3A_121 : memref<128xf32, #tpu.memory_space<vmem_shared>>)
      tpu.yield
    }) : () -> ()
    "tpu.region"() ({
      %run_scoped3A_110 = tpu.sem_alloc : memref<!tpu.dma_semaphore, #tpu.memory_space<semaphore_mem>>
      tpu.enqueue_dma source(%arg4 : memref<80x128xf32, #tpu.memory_space<hbm>>) target(%arg12 : memref<80x128xf32, #tpu.memory_space<vmem>>) target_semaphore(%run_scoped3A_110 : memref<!tpu.dma_semaphore, #tpu.memory_space<semaphore_mem>>)
      tpu.wait_dma2 semaphore(%run_scoped3A_110 : memref<!tpu.dma_semaphore, #tpu.memory_space<semaphore_mem>>) src(%arg4 : memref<80x128xf32, #tpu.memory_space<hbm>>) dst(%arg12 : memref<80x128xf32, #tpu.memory_space<vmem>>)
      tpu.yield
    }) : () -> ()
    "tpu.region"() ({
      %run_scoped3A_110 = tpu.sem_alloc : memref<!tpu.dma_semaphore, #tpu.memory_space<semaphore_mem>>
      tpu.enqueue_dma source(%arg5 : memref<80x128xf32, #tpu.memory_space<hbm>>) target(%arg13 : memref<80x128xf32, #tpu.memory_space<vmem>>) target_semaphore(%run_scoped3A_110 : memref<!tpu.dma_semaphore, #tpu.memory_space<semaphore_mem>>)
      tpu.wait_dma2 semaphore(%run_scoped3A_110 : memref<!tpu.dma_semaphore, #tpu.memory_space<semaphore_mem>>) src(%arg5 : memref<80x128xf32, #tpu.memory_space<hbm>>) dst(%arg13 : memref<80x128xf32, #tpu.memory_space<vmem>>)
      tpu.yield
    }) : () -> ()
    "tpu.region"() ({
      %run_scoped3A_110 = tpu.sem_alloc : memref<!tpu.dma_semaphore, #tpu.memory_space<semaphore_mem>>
      tpu.enqueue_dma source(%arg6 : memref<16xf32, #tpu.memory_space<hbm>>) target(%arg14 : memref<16xf32, #tpu.memory_space<vmem>>) target_semaphore(%run_scoped3A_110 : memref<!tpu.dma_semaphore, #tpu.memory_space<semaphore_mem>>)
      tpu.wait_dma2 semaphore(%run_scoped3A_110 : memref<!tpu.dma_semaphore, #tpu.memory_space<semaphore_mem>>) src(%arg6 : memref<16xf32, #tpu.memory_space<hbm>>) dst(%arg14 : memref<16xf32, #tpu.memory_space<vmem>>)
      tpu.yield
    }) : () -> ()
    %barrier3A = arith.constant 0 : index
    tpu.barrier barrier_id(%barrier3A)
    %broadcast_in_dim3A_80 = arith.constant 0 : i32
    %broadcast_in_dim3A_81 = vector.broadcast %broadcast_in_dim3A_80 : i32 to vector<16xi32>
    %eq3A = arith.constant 0 : i32
    %eq3A_82 = arith.cmpi eq, %arg0, %eq3A : i32
    %jit3A = arith.constant 4 : i32
    %jit3A_83 = arith.constant 1 : i32
    %select_n3A = arith.select %eq3A_82, %jit3A, %jit3A_83 : i32
    %eq3A_84 = arith.constant 0 : i32
    %eq3A_85 = arith.cmpi eq, %arg0, %eq3A_84 : i32
    %mul3A_86 = arith.constant 128 : i32
    %mul3A_87 = arith.muli %arg1, %mul3A_86 : i32
    %mul3A_88 = arith.constant 32 : i32
    %mul3A_89 = arith.muli %arg1, %mul3A_88 : i32
    %add3A_90 = arith.constant 2048 : i32
    %add3A_91 = arith.addi %add3A_90, %mul3A_89 : i32
    %select_n3A_92 = arith.select %eq3A_85, %mul3A_87, %add3A_91 : i32
    %while3A = arith.constant 0 : i32
    %while3A_93 = arith.subi %select_n3A, %while3A : i32
    %while3A_94 = arith.addi %while3A, %while3A_93 : i32
    %while3A_95 = arith.constant 1 : i32
    %while3A_96 = arith.divsi %while3A_93, %while3A_95 : i32
    %while3A_97 = arith.muli %while3A_96, %while3A_95 : i32
    %while3A_98 = arith.addi %while3A, %while3A_97 : i32
    %while3A_99 = arith.constant 1 : i32
    scf.for %while3A_110 = %while3A to %while3A_98 step %while3A_99  : i32 {
      %mul3A_111 = arith.constant 32 : i32
      %mul3A_112 = arith.muli %while3A_110, %mul3A_111 : i32
      %add3A_113 = arith.addi %select_n3A_92, %mul3A_112 : i32
      %multiple_of3A = tpu.assume_multiple %add3A_113, 8 : i32
      "tpu.region"() ({
        %run_scoped3A_119 = tpu.sem_alloc : memref<!tpu.dma_semaphore, #tpu.memory_space<semaphore_mem>>
        %dma_start3A = arith.constant 0 : i32
        %dma_start3A_120 = tpu.memref_slice %arg2[%multiple_of3A, %dma_start3A] : memref<2560x128xi32, #tpu.memory_space<hbm>> -> memref<32x128xi32, #tpu.memory_space<hbm>>
        %dma_start3A_121 = arith.constant 0 : i32
        %dma_start3A_122 = tpu.memref_slice %arg2[%multiple_of3A, %dma_start3A_121] : memref<2560x128xi32, #tpu.memory_space<hbm>> -> memref<32x128xi32, #tpu.memory_space<hbm>>
        tpu.enqueue_dma source(%dma_start3A_122 : memref<32x128xi32, #tpu.memory_space<hbm>>) target(%arg10 : memref<32x128xi32, #tpu.memory_space<vmem>>) target_semaphore(%run_scoped3A_119 : memref<!tpu.dma_semaphore, #tpu.memory_space<semaphore_mem>>)
        %dma_wait3A = arith.constant 0 : i32
        %dma_wait3A_123 = tpu.memref_slice %arg2[%multiple_of3A, %dma_wait3A] : memref<2560x128xi32, #tpu.memory_space<hbm>> -> memref<32x128xi32, #tpu.memory_space<hbm>>
        %dma_wait3A_124 = arith.constant 0 : i32
        %dma_wait3A_125 = tpu.memref_slice %arg2[%multiple_of3A, %dma_wait3A_124] : memref<2560x128xi32, #tpu.memory_space<hbm>> -> memref<32x128xi32, #tpu.memory_space<hbm>>
        tpu.wait_dma2 semaphore(%run_scoped3A_119 : memref<!tpu.dma_semaphore, #tpu.memory_space<semaphore_mem>>) src(%dma_wait3A_125 : memref<32x128xi32, #tpu.memory_space<hbm>>) dst(%arg10 : memref<32x128xi32, #tpu.memory_space<vmem>>)
        tpu.yield
      }) : () -> ()
      "tpu.region"() ({
        %run_scoped3A_119 = tpu.sem_alloc : memref<!tpu.dma_semaphore, #tpu.memory_space<semaphore_mem>>
        %dma_start3A = arith.constant 0 : i32
        %dma_start3A_120 = tpu.memref_slice %arg3[%multiple_of3A, %dma_start3A] : memref<2560x128xi32, #tpu.memory_space<hbm>> -> memref<32x128xi32, #tpu.memory_space<hbm>>
        %dma_start3A_121 = arith.constant 0 : i32
        %dma_start3A_122 = tpu.memref_slice %arg3[%multiple_of3A, %dma_start3A_121] : memref<2560x128xi32, #tpu.memory_space<hbm>> -> memref<32x128xi32, #tpu.memory_space<hbm>>
        tpu.enqueue_dma source(%dma_start3A_122 : memref<32x128xi32, #tpu.memory_space<hbm>>) target(%arg11 : memref<32x128xi32, #tpu.memory_space<vmem>>) target_semaphore(%run_scoped3A_119 : memref<!tpu.dma_semaphore, #tpu.memory_space<semaphore_mem>>)
        %dma_wait3A = arith.constant 0 : i32
        %dma_wait3A_123 = tpu.memref_slice %arg3[%multiple_of3A, %dma_wait3A] : memref<2560x128xi32, #tpu.memory_space<hbm>> -> memref<32x128xi32, #tpu.memory_space<hbm>>
        %dma_wait3A_124 = arith.constant 0 : i32
        %dma_wait3A_125 = tpu.memref_slice %arg3[%multiple_of3A, %dma_wait3A_124] : memref<2560x128xi32, #tpu.memory_space<hbm>> -> memref<32x128xi32, #tpu.memory_space<hbm>>
        tpu.wait_dma2 semaphore(%run_scoped3A_119 : memref<!tpu.dma_semaphore, #tpu.memory_space<semaphore_mem>>) src(%dma_wait3A_125 : memref<32x128xi32, #tpu.memory_space<hbm>>) dst(%arg11 : memref<32x128xi32, #tpu.memory_space<vmem>>)
        tpu.yield
      }) : () -> ()
      %scan3A_114 = arith.constant 0 : i32
      %scan3A_115 = arith.constant 32 : i32
      %scan3A_116 = arith.addi %scan3A_114, %scan3A_115 : i32
      %scan3A_117 = arith.constant 1 : i32
      scf.for %scan3A_119 = %scan3A_114 to %scan3A_116 step %scan3A_117  : i32 {
        %dma_start3A = arith.constant 0 : i32
        %dma_start3A_120 = tpu.memref_slice %arg10[%scan3A_119, %dma_start3A] : memref<32x128xi32, #tpu.memory_space<vmem>> -> memref<1x128xi32, #tpu.memory_space<vmem>>
        %dma_start3A_121 = tpu.memref_squeeze %dma_start3A_120 : memref<1x128xi32, #tpu.memory_space<vmem>> -> memref<128xi32, #tpu.memory_space<vmem>>
        %dma_start3A_122 = arith.constant 0 : i32
        %dma_start3A_123 = arith.constant 0 : i32
        %dma_start3A_124 = tpu.memref_slice %arg7[%dma_start3A_122, %dma_start3A_123] : memref<10000x128xf32, #tpu.memory_space<hbm>> -> memref<10000x128xf32, #tpu.memory_space<hbm>>
        tpu.enqueue_indirect_dma source(%dma_start3A_124 : memref<10000x128xf32, #tpu.memory_space<hbm>>) target(%arg16 : memref<128x128xf32, #tpu.memory_space<vmem>>) offsets(%dma_start3A_121 : memref<128xi32, #tpu.memory_space<vmem>>) semaphore(%arg19 : memref<!tpu.dma_semaphore, #tpu.memory_space<semaphore_mem>>)
        %get3A = arith.constant 0 : index
        %get3A_125 = tpu.vector_load %arg14[%get3A] {strides = array<i32>} : memref<16xf32, #tpu.memory_space<vmem>>, vector<16xf32>,
        %get3A_126 = arith.index_cast %scan3A_119 : i32 to index
        %get3A_127 = arith.constant 0 : index
        %get3A_128 = tpu.vector_load %arg10[%get3A_126, %get3A_127] {strides = array<i32>} : memref<32x128xi32, #tpu.memory_space<vmem>>, vector<16xi32>,
        %get3A_129 = arith.index_cast %scan3A_119 : i32 to index
        %get3A_130 = arith.constant 0 : index
        %get3A_131 = tpu.vector_load %arg11[%get3A_129, %get3A_130] {strides = array<i32>} : memref<32x128xi32, #tpu.memory_space<vmem>>, vector<16xi32>,
        %shift_right_arithmetic3A = arith.constant 7 : i32
        %shift_right_arithmetic3A_132 = vector.broadcast %shift_right_arithmetic3A : i32 to vector<16xi32>
        %shift_right_arithmetic3A_133 = arith.shrsi %get3A_128, %shift_right_arithmetic3A_132 : vector<16xi32>
        %and3A = arith.constant 127 : i32
        %and3A_134 = vector.broadcast %and3A : i32 to vector<16xi32>
        %and3A_135 = arith.andi %get3A_128, %and3A_134 : vector<16xi32>
        %gather3A = tpu.vector_load_idx %arg12[%shift_right_arithmetic3A_133, %and3A_135] : memref<80x128xf32, #tpu.memory_space<vmem>>[vector<16xi32>, vector<16xi32>], vector<16xf32>,
        %shift_right_arithmetic3A_136 = arith.constant 7 : i32
        %shift_right_arithmetic3A_137 = vector.broadcast %shift_right_arithmetic3A_136 : i32 to vector<16xi32>
        %shift_right_arithmetic3A_138 = arith.shrsi %get3A_131, %shift_right_arithmetic3A_137 : vector<16xi32>
        %and3A_139 = arith.constant 127 : i32
        %and3A_140 = vector.broadcast %and3A_139 : i32 to vector<16xi32>
        %and3A_141 = arith.andi %get3A_131, %and3A_140 : vector<16xi32>
        %gather3A_142 = tpu.vector_load_idx %arg13[%shift_right_arithmetic3A_138, %and3A_141] : memref<80x128xf32, #tpu.memory_space<vmem>>[vector<16xi32>, vector<16xi32>], vector<16xf32>,
        %add3A_143 = arith.addf %gather3A, %gather3A_142 : vector<16xf32>
        %ge3A = arith.constant 0.000000e+00 : f32
        %ge3A_144 = vector.broadcast %ge3A : f32 to vector<16xf32>
        %ge3A_145 = arith.cmpf oge, %add3A_143, %ge3A_144 : vector<16xf32>
        %mul3A_146 = arith.constant 2.000000e-01 : f32
        %mul3A_147 = vector.broadcast %mul3A_146 : f32 to vector<16xf32>
        %mul3A_148 = arith.mulf %mul3A_147, %add3A_143 : vector<16xf32>
        %select_n3A_149 = arith.select %ge3A_145, %add3A_143, %mul3A_148 : vector<16xi1>, vector<16xf32>
        %sub3A = arith.subf %select_n3A_149, %get3A_125 : vector<16xf32>
        %exp3A = math.exp %sub3A : vector<16xf32>
        %swap3A_150 = arith.constant 0 : i32
        %swap3A_151 = arith.index_cast %swap3A_150 : i32 to index
        %swap3A_152 = arith.constant 0 : index
        %swap3A_153 = tpu.vector_load %arg15[%swap3A_151, %swap3A_152] {strides = array<i32>} : memref<1x128xf32, #tpu.memory_space<vmem>>, vector<16xf32>,
        tpu.vector_store %arg15[%swap3A_151, %swap3A_152], %exp3A {strides = array<i32>} : memref<1x128xf32, #tpu.memory_space<vmem>>, vector<16xf32>,
        %get3A_154 = arith.index_cast %scan3A_119 : i32 to index
        %get3A_155 = arith.constant 16 : index
        %get3A_156 = tpu.vector_load %arg10[%get3A_154, %get3A_155] {strides = array<i32>} : memref<32x128xi32, #tpu.memory_space<vmem>>, vector<16xi32>,
        %get3A_157 = arith.index_cast %scan3A_119 : i32 to index
        %get3A_158 = arith.constant 16 : index
        %get3A_159 = tpu.vector_load %arg11[%get3A_157, %get3A_158] {strides = array<i32>} : memref<32x128xi32, #tpu.memory_space<vmem>>, vector<16xi32>,
        %shift_right_arithmetic3A_160 = arith.constant 7 : i32
        %shift_right_arithmetic3A_161 = vector.broadcast %shift_right_arithmetic3A_160 : i32 to vector<16xi32>
        %shift_right_arithmetic3A_162 = arith.shrsi %get3A_156, %shift_right_arithmetic3A_161 : vector<16xi32>
        %and3A_163 = arith.constant 127 : i32
        %and3A_164 = vector.broadcast %and3A_163 : i32 to vector<16xi32>
        %and3A_165 = arith.andi %get3A_156, %and3A_164 : vector<16xi32>
        %gather3A_166 = tpu.vector_load_idx %arg12[%shift_right_arithmetic3A_162, %and3A_165] : memref<80x128xf32, #tpu.memory_space<vmem>>[vector<16xi32>, vector<16xi32>], vector<16xf32>,
        %shift_right_arithmetic3A_167 = arith.constant 7 : i32
        %shift_right_arithmetic3A_168 = vector.broadcast %shift_right_arithmetic3A_167 : i32 to vector<16xi32>
        %shift_right_arithmetic3A_169 = arith.shrsi %get3A_159, %shift_right_arithmetic3A_168 : vector<16xi32>
        %and3A_170 = arith.constant 127 : i32
        %and3A_171 = vector.broadcast %and3A_170 : i32 to vector<16xi32>
        %and3A_172 = arith.andi %get3A_159, %and3A_171 : vector<16xi32>
        %gather3A_173 = tpu.vector_load_idx %arg13[%shift_right_arithmetic3A_169, %and3A_172] : memref<80x128xf32, #tpu.memory_space<vmem>>[vector<16xi32>, vector<16xi32>], vector<16xf32>,
        %add3A_174 = arith.addf %gather3A_166, %gather3A_173 : vector<16xf32>
        %ge3A_175 = arith.constant 0.000000e+00 : f32
        %ge3A_176 = vector.broadcast %ge3A_175 : f32 to vector<16xf32>
        %ge3A_177 = arith.cmpf oge, %add3A_174, %ge3A_176 : vector<16xf32>
        %mul3A_178 = arith.constant 2.000000e-01 : f32
        %mul3A_179 = vector.broadcast %mul3A_178 : f32 to vector<16xf32>
        %mul3A_180 = arith.mulf %mul3A_179, %add3A_174 : vector<16xf32>
        %select_n3A_181 = arith.select %ge3A_177, %add3A_174, %mul3A_180 : vector<16xi1>, vector<16xf32>
        %sub3A_182 = arith.subf %select_n3A_181, %get3A_125 : vector<16xf32>
        %exp3A_183 = math.exp %sub3A_182 : vector<16xf32>
        %swap3A_184 = arith.constant 0 : i32
        %swap3A_185 = arith.index_cast %swap3A_184 : i32 to index
        %swap3A_186 = arith.constant 16 : index
        %swap3A_187 = tpu.vector_load %arg15[%swap3A_185, %swap3A_186] {strides = array<i32>} : memref<1x128xf32, #tpu.memory_space<vmem>>, vector<16xf32>,
        tpu.vector_store %arg15[%swap3A_185, %swap3A_186], %exp3A_183 {strides = array<i32>} : memref<1x128xf32, #tpu.memory_space<vmem>>, vector<16xf32>,
        %get3A_188 = arith.index_cast %scan3A_119 : i32 to index
        %get3A_189 = arith.constant 32 : index
        %get3A_190 = tpu.vector_load %arg10[%get3A_188, %get3A_189] {strides = array<i32>} : memref<32x128xi32, #tpu.memory_space<vmem>>, vector<16xi32>,
        %get3A_191 = arith.index_cast %scan3A_119 : i32 to index
        %get3A_192 = arith.constant 32 : index
        %get3A_193 = tpu.vector_load %arg11[%get3A_191, %get3A_192] {strides = array<i32>} : memref<32x128xi32, #tpu.memory_space<vmem>>, vector<16xi32>,
        %shift_right_arithmetic3A_194 = arith.constant 7 : i32
        %shift_right_arithmetic3A_195 = vector.broadcast %shift_right_arithmetic3A_194 : i32 to vector<16xi32>
        %shift_right_arithmetic3A_196 = arith.shrsi %get3A_190, %shift_right_arithmetic3A_195 : vector<16xi32>
        %and3A_197 = arith.constant 127 : i32
        %and3A_198 = vector.broadcast %and3A_197 : i32 to vector<16xi32>
        %and3A_199 = arith.andi %get3A_190, %and3A_198 : vector<16xi32>
        %gather3A_200 = tpu.vector_load_idx %arg12[%shift_right_arithmetic3A_196, %and3A_199] : memref<80x128xf32, #tpu.memory_space<vmem>>[vector<16xi32>, vector<16xi32>], vector<16xf32>,
        %shift_right_arithmetic3A_201 = arith.constant 7 : i32
        %shift_right_arithmetic3A_202 = vector.broadcast %shift_right_arithmetic3A_201 : i32 to vector<16xi32>
        %shift_right_arithmetic3A_203 = arith.shrsi %get3A_193, %shift_right_arithmetic3A_202 : vector<16xi32>
        %and3A_204 = arith.constant 127 : i32
        %and3A_205 = vector.broadcast %and3A_204 : i32 to vector<16xi32>
        %and3A_206 = arith.andi %get3A_193, %and3A_205 : vector<16xi32>
        %gather3A_207 = tpu.vector_load_idx %arg13[%shift_right_arithmetic3A_203, %and3A_206] : memref<80x128xf32, #tpu.memory_space<vmem>>[vector<16xi32>, vector<16xi32>], vector<16xf32>,
        %add3A_208 = arith.addf %gather3A_200, %gather3A_207 : vector<16xf32>
        %ge3A_209 = arith.constant 0.000000e+00 : f32
        %ge3A_210 = vector.broadcast %ge3A_209 : f32 to vector<16xf32>
        %ge3A_211 = arith.cmpf oge, %add3A_208, %ge3A_210 : vector<16xf32>
        %mul3A_212 = arith.constant 2.000000e-01 : f32
        %mul3A_213 = vector.broadcast %mul3A_212 : f32 to vector<16xf32>
        %mul3A_214 = arith.mulf %mul3A_213, %add3A_208 : vector<16xf32>
        %select_n3A_215 = arith.select %ge3A_211, %add3A_208, %mul3A_214 : vector<16xi1>, vector<16xf32>
        %sub3A_216 = arith.subf %select_n3A_215, %get3A_125 : vector<16xf32>
        %exp3A_217 = math.exp %sub3A_216 : vector<16xf32>
        %swap3A_218 = arith.constant 0 : i32
        %swap3A_219 = arith.index_cast %swap3A_218 : i32 to index
        %swap3A_220 = arith.constant 32 : index
        %swap3A_221 = tpu.vector_load %arg15[%swap3A_219, %swap3A_220] {strides = array<i32>} : memref<1x128xf32, #tpu.memory_space<vmem>>, vector<16xf32>,
        tpu.vector_store %arg15[%swap3A_219, %swap3A_220], %exp3A_217 {strides = array<i32>} : memref<1x128xf32, #tpu.memory_space<vmem>>, vector<16xf32>,
        %get3A_222 = arith.index_cast %scan3A_119 : i32 to index
        %get3A_223 = arith.constant 48 : index
        %get3A_224 = tpu.vector_load %arg10[%get3A_222, %get3A_223] {strides = array<i32>} : memref<32x128xi32, #tpu.memory_space<vmem>>, vector<16xi32>,
        %get3A_225 = arith.index_cast %scan3A_119 : i32 to index
        %get3A_226 = arith.constant 48 : index
        %get3A_227 = tpu.vector_load %arg11[%get3A_225, %get3A_226] {strides = array<i32>} : memref<32x128xi32, #tpu.memory_space<vmem>>, vector<16xi32>,
        %shift_right_arithmetic3A_228 = arith.constant 7 : i32
        %shift_right_arithmetic3A_229 = vector.broadcast %shift_right_arithmetic3A_228 : i32 to vector<16xi32>
        %shift_right_arithmetic3A_230 = arith.shrsi %get3A_224, %shift_right_arithmetic3A_229 : vector<16xi32>
        %and3A_231 = arith.constant 127 : i32
        %and3A_232 = vector.broadcast %and3A_231 : i32 to vector<16xi32>
        %and3A_233 = arith.andi %get3A_224, %and3A_232 : vector<16xi32>
        %gather3A_234 = tpu.vector_load_idx %arg12[%shift_right_arithmetic3A_230, %and3A_233] : memref<80x128xf32, #tpu.memory_space<vmem>>[vector<16xi32>, vector<16xi32>], vector<16xf32>,
        %shift_right_arithmetic3A_235 = arith.constant 7 : i32
        %shift_right_arithmetic3A_236 = vector.broadcast %shift_right_arithmetic3A_235 : i32 to vector<16xi32>
        %shift_right_arithmetic3A_237 = arith.shrsi %get3A_227, %shift_right_arithmetic3A_236 : vector<16xi32>
        %and3A_238 = arith.constant 127 : i32
        %and3A_239 = vector.broadcast %and3A_238 : i32 to vector<16xi32>
        %and3A_240 = arith.andi %get3A_227, %and3A_239 : vector<16xi32>
        %gather3A_241 = tpu.vector_load_idx %arg13[%shift_right_arithmetic3A_237, %and3A_240] : memref<80x128xf32, #tpu.memory_space<vmem>>[vector<16xi32>, vector<16xi32>], vector<16xf32>,
        %add3A_242 = arith.addf %gather3A_234, %gather3A_241 : vector<16xf32>
        %ge3A_243 = arith.constant 0.000000e+00 : f32
        %ge3A_244 = vector.broadcast %ge3A_243 : f32 to vector<16xf32>
        %ge3A_245 = arith.cmpf oge, %add3A_242, %ge3A_244 : vector<16xf32>
        %mul3A_246 = arith.constant 2.000000e-01 : f32
        %mul3A_247 = vector.broadcast %mul3A_246 : f32 to vector<16xf32>
        %mul3A_248 = arith.mulf %mul3A_247, %add3A_242 : vector<16xf32>
        %select_n3A_249 = arith.select %ge3A_245, %add3A_242, %mul3A_248 : vector<16xi1>, vector<16xf32>
        %sub3A_250 = arith.subf %select_n3A_249, %get3A_125 : vector<16xf32>
        %exp3A_251 = math.exp %sub3A_250 : vector<16xf32>
        %swap3A_252 = arith.constant 0 : i32
        %swap3A_253 = arith.index_cast %swap3A_252 : i32 to index
        %swap3A_254 = arith.constant 48 : index
        %swap3A_255 = tpu.vector_load %arg15[%swap3A_253, %swap3A_254] {strides = array<i32>} : memref<1x128xf32, #tpu.memory_space<vmem>>, vector<16xf32>,
        tpu.vector_store %arg15[%swap3A_253, %swap3A_254], %exp3A_251 {strides = array<i32>} : memref<1x128xf32, #tpu.memory_space<vmem>>, vector<16xf32>,
        %get3A_256 = arith.index_cast %scan3A_119 : i32 to index
        %get3A_257 = arith.constant 64 : index
        %get3A_258 = tpu.vector_load %arg10[%get3A_256, %get3A_257] {strides = array<i32>} : memref<32x128xi32, #tpu.memory_space<vmem>>, vector<16xi32>,
        %get3A_259 = arith.index_cast %scan3A_119 : i32 to index
        %get3A_260 = arith.constant 64 : index
        %get3A_261 = tpu.vector_load %arg11[%get3A_259, %get3A_260] {strides = array<i32>} : memref<32x128xi32, #tpu.memory_space<vmem>>, vector<16xi32>,
        %shift_right_arithmetic3A_262 = arith.constant 7 : i32
        %shift_right_arithmetic3A_263 = vector.broadcast %shift_right_arithmetic3A_262 : i32 to vector<16xi32>
        %shift_right_arithmetic3A_264 = arith.shrsi %get3A_258, %shift_right_arithmetic3A_263 : vector<16xi32>
        %and3A_265 = arith.constant 127 : i32
        %and3A_266 = vector.broadcast %and3A_265 : i32 to vector<16xi32>
        %and3A_267 = arith.andi %get3A_258, %and3A_266 : vector<16xi32>
        %gather3A_268 = tpu.vector_load_idx %arg12[%shift_right_arithmetic3A_264, %and3A_267] : memref<80x128xf32, #tpu.memory_space<vmem>>[vector<16xi32>, vector<16xi32>], vector<16xf32>,
        %shift_right_arithmetic3A_269 = arith.constant 7 : i32
        %shift_right_arithmetic3A_270 = vector.broadcast %shift_right_arithmetic3A_269 : i32 to vector<16xi32>
        %shift_right_arithmetic3A_271 = arith.shrsi %get3A_261, %shift_right_arithmetic3A_270 : vector<16xi32>
        %and3A_272 = arith.constant 127 : i32
        %and3A_273 = vector.broadcast %and3A_272 : i32 to vector<16xi32>
        %and3A_274 = arith.andi %get3A_261, %and3A_273 : vector<16xi32>
        %gather3A_275 = tpu.vector_load_idx %arg13[%shift_right_arithmetic3A_271, %and3A_274] : memref<80x128xf32, #tpu.memory_space<vmem>>[vector<16xi32>, vector<16xi32>], vector<16xf32>,
        %add3A_276 = arith.addf %gather3A_268, %gather3A_275 : vector<16xf32>
        %ge3A_277 = arith.constant 0.000000e+00 : f32
        %ge3A_278 = vector.broadcast %ge3A_277 : f32 to vector<16xf32>
        %ge3A_279 = arith.cmpf oge, %add3A_276, %ge3A_278 : vector<16xf32>
        %mul3A_280 = arith.constant 2.000000e-01 : f32
        %mul3A_281 = vector.broadcast %mul3A_280 : f32 to vector<16xf32>
        %mul3A_282 = arith.mulf %mul3A_281, %add3A_276 : vector<16xf32>
        %select_n3A_283 = arith.select %ge3A_279, %add3A_276, %mul3A_282 : vector<16xi1>, vector<16xf32>
        %sub3A_284 = arith.subf %select_n3A_283, %get3A_125 : vector<16xf32>
        %exp3A_285 = math.exp %sub3A_284 : vector<16xf32>
        %swap3A_286 = arith.constant 0 : i32
        %swap3A_287 = arith.index_cast %swap3A_286 : i32 to index
        %swap3A_288 = arith.constant 64 : index
        %swap3A_289 = tpu.vector_load %arg15[%swap3A_287, %swap3A_288] {strides = array<i32>} : memref<1x128xf32, #tpu.memory_space<vmem>>, vector<16xf32>,
        tpu.vector_store %arg15[%swap3A_287, %swap3A_288], %exp3A_285 {strides = array<i32>} : memref<1x128xf32, #tpu.memory_space<vmem>>, vector<16xf32>,
        %get3A_290 = arith.index_cast %scan3A_119 : i32 to index
        %get3A_291 = arith.constant 80 : index
        %get3A_292 = tpu.vector_load %arg10[%get3A_290, %get3A_291] {strides = array<i32>} : memref<32x128xi32, #tpu.memory_space<vmem>>, vector<16xi32>,
        %get3A_293 = arith.index_cast %scan3A_119 : i32 to index
        %get3A_294 = arith.constant 80 : index
        %get3A_295 = tpu.vector_load %arg11[%get3A_293, %get3A_294] {strides = array<i32>} : memref<32x128xi32, #tpu.memory_space<vmem>>, vector<16xi32>,
        %shift_right_arithmetic3A_296 = arith.constant 7 : i32
        %shift_right_arithmetic3A_297 = vector.broadcast %shift_right_arithmetic3A_296 : i32 to vector<16xi32>
        %shift_right_arithmetic3A_298 = arith.shrsi %get3A_292, %shift_right_arithmetic3A_297 : vector<16xi32>
        %and3A_299 = arith.constant 127 : i32
        %and3A_300 = vector.broadcast %and3A_299 : i32 to vector<16xi32>
        %and3A_301 = arith.andi %get3A_292, %and3A_300 : vector<16xi32>
        %gather3A_302 = tpu.vector_load_idx %arg12[%shift_right_arithmetic3A_298, %and3A_301] : memref<80x128xf32, #tpu.memory_space<vmem>>[vector<16xi32>, vector<16xi32>], vector<16xf32>,
        %shift_right_arithmetic3A_303 = arith.constant 7 : i32
        %shift_right_arithmetic3A_304 = vector.broadcast %shift_right_arithmetic3A_303 : i32 to vector<16xi32>
        %shift_right_arithmetic3A_305 = arith.shrsi %get3A_295, %shift_right_arithmetic3A_304 : vector<16xi32>
        %and3A_306 = arith.constant 127 : i32
        %and3A_307 = vector.broadcast %and3A_306 : i32 to vector<16xi32>
        %and3A_308 = arith.andi %get3A_295, %and3A_307 : vector<16xi32>
        %gather3A_309 = tpu.vector_load_idx %arg13[%shift_right_arithmetic3A_305, %and3A_308] : memref<80x128xf32, #tpu.memory_space<vmem>>[vector<16xi32>, vector<16xi32>], vector<16xf32>,
        %add3A_310 = arith.addf %gather3A_302, %gather3A_309 : vector<16xf32>
        %ge3A_311 = arith.constant 0.000000e+00 : f32
        %ge3A_312 = vector.broadcast %ge3A_311 : f32 to vector<16xf32>
        %ge3A_313 = arith.cmpf oge, %add3A_310, %ge3A_312 : vector<16xf32>
        %mul3A_314 = arith.constant 2.000000e-01 : f32
        %mul3A_315 = vector.broadcast %mul3A_314 : f32 to vector<16xf32>
        %mul3A_316 = arith.mulf %mul3A_315, %add3A_310 : vector<16xf32>
        %select_n3A_317 = arith.select %ge3A_313, %add3A_310, %mul3A_316 : vector<16xi1>, vector<16xf32>
        %sub3A_318 = arith.subf %select_n3A_317, %get3A_125 : vector<16xf32>
        %exp3A_319 = math.exp %sub3A_318 : vector<16xf32>
        %swap3A_320 = arith.constant 0 : i32
        %swap3A_321 = arith.index_cast %swap3A_320 : i32 to index
        %swap3A_322 = arith.constant 80 : index
        %swap3A_323 = tpu.vector_load %arg15[%swap3A_321, %swap3A_322] {strides = array<i32>} : memref<1x128xf32, #tpu.memory_space<vmem>>, vector<16xf32>,
        tpu.vector_store %arg15[%swap3A_321, %swap3A_322], %exp3A_319 {strides = array<i32>} : memref<1x128xf32, #tpu.memory_space<vmem>>, vector<16xf32>,
        %get3A_324 = arith.index_cast %scan3A_119 : i32 to index
        %get3A_325 = arith.constant 96 : index
        %get3A_326 = tpu.vector_load %arg10[%get3A_324, %get3A_325] {strides = array<i32>} : memref<32x128xi32, #tpu.memory_space<vmem>>, vector<16xi32>,
        %get3A_327 = arith.index_cast %scan3A_119 : i32 to index
        %get3A_328 = arith.constant 96 : index
        %get3A_329 = tpu.vector_load %arg11[%get3A_327, %get3A_328] {strides = array<i32>} : memref<32x128xi32, #tpu.memory_space<vmem>>, vector<16xi32>,
        %shift_right_arithmetic3A_330 = arith.constant 7 : i32
        %shift_right_arithmetic3A_331 = vector.broadcast %shift_right_arithmetic3A_330 : i32 to vector<16xi32>
        %shift_right_arithmetic3A_332 = arith.shrsi %get3A_326, %shift_right_arithmetic3A_331 : vector<16xi32>
        %and3A_333 = arith.constant 127 : i32
        %and3A_334 = vector.broadcast %and3A_333 : i32 to vector<16xi32>
        %and3A_335 = arith.andi %get3A_326, %and3A_334 : vector<16xi32>
        %gather3A_336 = tpu.vector_load_idx %arg12[%shift_right_arithmetic3A_332, %and3A_335] : memref<80x128xf32, #tpu.memory_space<vmem>>[vector<16xi32>, vector<16xi32>], vector<16xf32>,
        %shift_right_arithmetic3A_337 = arith.constant 7 : i32
        %shift_right_arithmetic3A_338 = vector.broadcast %shift_right_arithmetic3A_337 : i32 to vector<16xi32>
        %shift_right_arithmetic3A_339 = arith.shrsi %get3A_329, %shift_right_arithmetic3A_338 : vector<16xi32>
        %and3A_340 = arith.constant 127 : i32
        %and3A_341 = vector.broadcast %and3A_340 : i32 to vector<16xi32>
        %and3A_342 = arith.andi %get3A_329, %and3A_341 : vector<16xi32>
        %gather3A_343 = tpu.vector_load_idx %arg13[%shift_right_arithmetic3A_339, %and3A_342] : memref<80x128xf32, #tpu.memory_space<vmem>>[vector<16xi32>, vector<16xi32>], vector<16xf32>,
        %add3A_344 = arith.addf %gather3A_336, %gather3A_343 : vector<16xf32>
        %ge3A_345 = arith.constant 0.000000e+00 : f32
        %ge3A_346 = vector.broadcast %ge3A_345 : f32 to vector<16xf32>
        %ge3A_347 = arith.cmpf oge, %add3A_344, %ge3A_346 : vector<16xf32>
        %mul3A_348 = arith.constant 2.000000e-01 : f32
        %mul3A_349 = vector.broadcast %mul3A_348 : f32 to vector<16xf32>
        %mul3A_350 = arith.mulf %mul3A_349, %add3A_344 : vector<16xf32>
        %select_n3A_351 = arith.select %ge3A_347, %add3A_344, %mul3A_350 : vector<16xi1>, vector<16xf32>
        %sub3A_352 = arith.subf %select_n3A_351, %get3A_125 : vector<16xf32>
        %exp3A_353 = math.exp %sub3A_352 : vector<16xf32>
        %swap3A_354 = arith.constant 0 : i32
        %swap3A_355 = arith.index_cast %swap3A_354 : i32 to index
        %swap3A_356 = arith.constant 96 : index
        %swap3A_357 = tpu.vector_load %arg15[%swap3A_355, %swap3A_356] {strides = array<i32>} : memref<1x128xf32, #tpu.memory_space<vmem>>, vector<16xf32>,
        tpu.vector_store %arg15[%swap3A_355, %swap3A_356], %exp3A_353 {strides = array<i32>} : memref<1x128xf32, #tpu.memory_space<vmem>>, vector<16xf32>,
        %get3A_358 = arith.index_cast %scan3A_119 : i32 to index
        %get3A_359 = arith.constant 112 : index
        %get3A_360 = tpu.vector_load %arg10[%get3A_358, %get3A_359] {strides = array<i32>} : memref<32x128xi32, #tpu.memory_space<vmem>>, vector<16xi32>,
        %get3A_361 = arith.index_cast %scan3A_119 : i32 to index
        %get3A_362 = arith.constant 112 : index
        %get3A_363 = tpu.vector_load %arg11[%get3A_361, %get3A_362] {strides = array<i32>} : memref<32x128xi32, #tpu.memory_space<vmem>>, vector<16xi32>,
        %shift_right_arithmetic3A_364 = arith.constant 7 : i32
        %shift_right_arithmetic3A_365 = vector.broadcast %shift_right_arithmetic3A_364 : i32 to vector<16xi32>
        %shift_right_arithmetic3A_366 = arith.shrsi %get3A_360, %shift_right_arithmetic3A_365 : vector<16xi32>
        %and3A_367 = arith.constant 127 : i32
        %and3A_368 = vector.broadcast %and3A_367 : i32 to vector<16xi32>
        %and3A_369 = arith.andi %get3A_360, %and3A_368 : vector<16xi32>
        %gather3A_370 = tpu.vector_load_idx %arg12[%shift_right_arithmetic3A_366, %and3A_369] : memref<80x128xf32, #tpu.memory_space<vmem>>[vector<16xi32>, vector<16xi32>], vector<16xf32>,
        %shift_right_arithmetic3A_371 = arith.constant 7 : i32
        %shift_right_arithmetic3A_372 = vector.broadcast %shift_right_arithmetic3A_371 : i32 to vector<16xi32>
        %shift_right_arithmetic3A_373 = arith.shrsi %get3A_363, %shift_right_arithmetic3A_372 : vector<16xi32>
        %and3A_374 = arith.constant 127 : i32
        %and3A_375 = vector.broadcast %and3A_374 : i32 to vector<16xi32>
        %and3A_376 = arith.andi %get3A_363, %and3A_375 : vector<16xi32>
        %gather3A_377 = tpu.vector_load_idx %arg13[%shift_right_arithmetic3A_373, %and3A_376] : memref<80x128xf32, #tpu.memory_space<vmem>>[vector<16xi32>, vector<16xi32>], vector<16xf32>,
        %add3A_378 = arith.addf %gather3A_370, %gather3A_377 : vector<16xf32>
        %ge3A_379 = arith.constant 0.000000e+00 : f32
        %ge3A_380 = vector.broadcast %ge3A_379 : f32 to vector<16xf32>
        %ge3A_381 = arith.cmpf oge, %add3A_378, %ge3A_380 : vector<16xf32>
        %mul3A_382 = arith.constant 2.000000e-01 : f32
        %mul3A_383 = vector.broadcast %mul3A_382 : f32 to vector<16xf32>
        %mul3A_384 = arith.mulf %mul3A_383, %add3A_378 : vector<16xf32>
        %select_n3A_385 = arith.select %ge3A_381, %add3A_378, %mul3A_384 : vector<16xi1>, vector<16xf32>
        %sub3A_386 = arith.subf %select_n3A_385, %get3A_125 : vector<16xf32>
        %exp3A_387 = math.exp %sub3A_386 : vector<16xf32>
        %swap3A_388 = arith.constant 0 : i32
        %swap3A_389 = arith.index_cast %swap3A_388 : i32 to index
        %swap3A_390 = arith.constant 112 : index
        %swap3A_391 = tpu.vector_load %arg15[%swap3A_389, %swap3A_390] {strides = array<i32>} : memref<1x128xf32, #tpu.memory_space<vmem>>, vector<16xf32>,
        tpu.vector_store %arg15[%swap3A_389, %swap3A_390], %exp3A_387 {strides = array<i32>} : memref<1x128xf32, #tpu.memory_space<vmem>>, vector<16xf32>,
        %run_scoped3A_392 = arith.constant 0 : i32
        "tpu.region"() ({
          %run_scoped3A_403 = tpu.sem_alloc : memref<!tpu.dma_semaphore, #tpu.memory_space<semaphore_mem>>
          %dma_start3A_404 = arith.constant 0 : i32
          %dma_start3A_405 = tpu.memref_slice %arg15[%run_scoped3A_392, %dma_start3A_404] : memref<1x128xf32, #tpu.memory_space<vmem>> -> memref<1x128xf32, #tpu.memory_space<vmem>>
          %dma_start3A_406 = tpu.memref_squeeze %dma_start3A_405 : memref<1x128xf32, #tpu.memory_space<vmem>> -> memref<128xf32, #tpu.memory_space<vmem>>
          %dma_start3A_407 = arith.constant 0 : i32
          %dma_start3A_408 = tpu.memref_slice %arg11[%scan3A_119, %dma_start3A_407] : memref<32x128xi32, #tpu.memory_space<vmem>> -> memref<1x128xi32, #tpu.memory_space<vmem>>
          %dma_start3A_409 = tpu.memref_squeeze %dma_start3A_408 : memref<1x128xi32, #tpu.memory_space<vmem>> -> memref<128xi32, #tpu.memory_space<vmem>>
          %dma_start3A_410 = arith.constant 0 : i32
          %dma_start3A_411 = tpu.memref_slice %arg18[%dma_start3A_410] : memref<10240xf32, #tpu.memory_space<vmem_shared>> -> memref<10240xf32, #tpu.memory_space<vmem_shared>>
          tpu.enqueue_indirect_dma source(%dma_start3A_406 : memref<128xf32, #tpu.memory_space<vmem>>) target(%dma_start3A_411 : memref<10240xf32, #tpu.memory_space<vmem_shared>>) offsets(%dma_start3A_409 : memref<128xi32, #tpu.memory_space<vmem>>) semaphore(%run_scoped3A_403 : memref<!tpu.dma_semaphore, #tpu.memory_space<semaphore_mem>>) {add = true}
          %dma_wait3A_412 = arith.constant 0 : i32
          %dma_wait3A_413 = tpu.memref_slice %arg15[%run_scoped3A_392, %dma_wait3A_412] : memref<1x128xf32, #tpu.memory_space<vmem>> -> memref<1x128xf32, #tpu.memory_space<vmem>>
          %dma_wait3A_414 = tpu.memref_squeeze %dma_wait3A_413 : memref<1x128xf32, #tpu.memory_space<vmem>> -> memref<128xf32, #tpu.memory_space<vmem>>
          %dma_wait3A_415 = arith.constant 0 : i32
          %dma_wait3A_416 = tpu.memref_slice %arg11[%scan3A_119, %dma_wait3A_415] : memref<32x128xi32, #tpu.memory_space<vmem>> -> memref<1x128xi32, #tpu.memory_space<vmem>>
          %dma_wait3A_417 = tpu.memref_squeeze %dma_wait3A_416 : memref<1x128xi32, #tpu.memory_space<vmem>> -> memref<128xi32, #tpu.memory_space<vmem>>
          %dma_wait3A_418 = arith.constant 0 : i32
          %dma_wait3A_419 = tpu.memref_slice %arg18[%dma_wait3A_418] : memref<10240xf32, #tpu.memory_space<vmem_shared>> -> memref<10240xf32, #tpu.memory_space<vmem_shared>>
          tpu.wait_indirect_dma semaphore(%run_scoped3A_403 : memref<!tpu.dma_semaphore, #tpu.memory_space<semaphore_mem>>) src(%dma_wait3A_414 : memref<128xf32, #tpu.memory_space<vmem>>) dst(%dma_wait3A_419 : memref<10240xf32, #tpu.memory_space<vmem_shared>>)
          tpu.yield
        }) : () -> ()
        %dma_wait3A = arith.constant 0 : i32
        %dma_wait3A_393 = tpu.memref_slice %arg10[%scan3A_119, %dma_wait3A] : memref<32x128xi32, #tpu.memory_space<vmem>> -> memref<1x128xi32, #tpu.memory_space<vmem>>
        %dma_wait3A_394 = tpu.memref_squeeze %dma_wait3A_393 : memref<1x128xi32, #tpu.memory_space<vmem>> -> memref<128xi32, #tpu.memory_space<vmem>>
        %dma_wait3A_395 = arith.constant 0 : i32
        %dma_wait3A_396 = arith.constant 0 : i32
        %dma_wait3A_397 = tpu.memref_slice %arg7[%dma_wait3A_395, %dma_wait3A_396] : memref<10000x128xf32, #tpu.memory_space<hbm>> -> memref<10000x128xf32, #tpu.memory_space<hbm>>
        tpu.wait_indirect_dma semaphore(%arg19 : memref<!tpu.dma_semaphore, #tpu.memory_space<semaphore_mem>>) src(%dma_wait3A_397 : memref<10000x128xf32, #tpu.memory_space<hbm>>) dst(%arg16 : memref<128x128xf32, #tpu.memory_space<vmem>>)
        %scan3A_398 = arith.constant 0 : i32
        %scan3A_399 = arith.constant 128 : i32
        %scan3A_400 = arith.addi %scan3A_398, %scan3A_399 : i32
        %scan3A_401 = arith.constant 1 : i32
        scf.for %scan3A_403 = %scan3A_398 to %scan3A_400 step %scan3A_401  : i32 {
          %broadcast_in_dim3A_404 = vector.broadcast %scan3A_403 : i32 to vector<16xi32>
          %gather3A_405 = tpu.vector_load_idx %arg15[%broadcast_in_dim3A_81, %broadcast_in_dim3A_404] : memref<1x128xf32, #tpu.memory_space<vmem>>[vector<16xi32>, vector<16xi32>], vector<16xf32>,
          %get3A_406 = arith.index_cast %scan3A_403 : i32 to index
          %get3A_407 = arith.constant 0 : index
          %get3A_408 = tpu.vector_load %arg16[%get3A_406, %get3A_407] {strides = array<i32>} : memref<128x128xf32, #tpu.memory_space<vmem>>, vector<16xf32>,
          %mul3A_409 = arith.mulf %get3A_408, %gather3A_405 : vector<16xf32>
          %swap3A_410 = arith.index_cast %scan3A_403 : i32 to index
          %swap3A_411 = arith.constant 0 : index
          %swap3A_412 = tpu.vector_load %arg16[%swap3A_410, %swap3A_411] {strides = array<i32>} : memref<128x128xf32, #tpu.memory_space<vmem>>, vector<16xf32>,
          tpu.vector_store %arg16[%swap3A_410, %swap3A_411], %mul3A_409 {strides = array<i32>} : memref<128x128xf32, #tpu.memory_space<vmem>>, vector<16xf32>,
          %get3A_413 = arith.index_cast %scan3A_403 : i32 to index
          %get3A_414 = arith.constant 16 : index
          %get3A_415 = tpu.vector_load %arg16[%get3A_413, %get3A_414] {strides = array<i32>} : memref<128x128xf32, #tpu.memory_space<vmem>>, vector<16xf32>,
          %mul3A_416 = arith.mulf %get3A_415, %gather3A_405 : vector<16xf32>
          %swap3A_417 = arith.index_cast %scan3A_403 : i32 to index
          %swap3A_418 = arith.constant 16 : index
          %swap3A_419 = tpu.vector_load %arg16[%swap3A_417, %swap3A_418] {strides = array<i32>} : memref<128x128xf32, #tpu.memory_space<vmem>>, vector<16xf32>,
          tpu.vector_store %arg16[%swap3A_417, %swap3A_418], %mul3A_416 {strides = array<i32>} : memref<128x128xf32, #tpu.memory_space<vmem>>, vector<16xf32>,
          %get3A_420 = arith.index_cast %scan3A_403 : i32 to index
          %get3A_421 = arith.constant 32 : index
          %get3A_422 = tpu.vector_load %arg16[%get3A_420, %get3A_421] {strides = array<i32>} : memref<128x128xf32, #tpu.memory_space<vmem>>, vector<16xf32>,
          %mul3A_423 = arith.mulf %get3A_422, %gather3A_405 : vector<16xf32>
          %swap3A_424 = arith.index_cast %scan3A_403 : i32 to index
          %swap3A_425 = arith.constant 32 : index
          %swap3A_426 = tpu.vector_load %arg16[%swap3A_424, %swap3A_425] {strides = array<i32>} : memref<128x128xf32, #tpu.memory_space<vmem>>, vector<16xf32>,
          tpu.vector_store %arg16[%swap3A_424, %swap3A_425], %mul3A_423 {strides = array<i32>} : memref<128x128xf32, #tpu.memory_space<vmem>>, vector<16xf32>,
          %get3A_427 = arith.index_cast %scan3A_403 : i32 to index
          %get3A_428 = arith.constant 48 : index
          %get3A_429 = tpu.vector_load %arg16[%get3A_427, %get3A_428] {strides = array<i32>} : memref<128x128xf32, #tpu.memory_space<vmem>>, vector<16xf32>,
          %mul3A_430 = arith.mulf %get3A_429, %gather3A_405 : vector<16xf32>
          %swap3A_431 = arith.index_cast %scan3A_403 : i32 to index
          %swap3A_432 = arith.constant 48 : index
          %swap3A_433 = tpu.vector_load %arg16[%swap3A_431, %swap3A_432] {strides = array<i32>} : memref<128x128xf32, #tpu.memory_space<vmem>>, vector<16xf32>,
          tpu.vector_store %arg16[%swap3A_431, %swap3A_432], %mul3A_430 {strides = array<i32>} : memref<128x128xf32, #tpu.memory_space<vmem>>, vector<16xf32>,
          %get3A_434 = arith.index_cast %scan3A_403 : i32 to index
          %get3A_435 = arith.constant 64 : index
          %get3A_436 = tpu.vector_load %arg16[%get3A_434, %get3A_435] {strides = array<i32>} : memref<128x128xf32, #tpu.memory_space<vmem>>, vector<16xf32>,
          %mul3A_437 = arith.mulf %get3A_436, %gather3A_405 : vector<16xf32>
          %swap3A_438 = arith.index_cast %scan3A_403 : i32 to index
          %swap3A_439 = arith.constant 64 : index
          %swap3A_440 = tpu.vector_load %arg16[%swap3A_438, %swap3A_439] {strides = array<i32>} : memref<128x128xf32, #tpu.memory_space<vmem>>, vector<16xf32>,
          tpu.vector_store %arg16[%swap3A_438, %swap3A_439], %mul3A_437 {strides = array<i32>} : memref<128x128xf32, #tpu.memory_space<vmem>>, vector<16xf32>,
          %get3A_441 = arith.index_cast %scan3A_403 : i32 to index
          %get3A_442 = arith.constant 80 : index
          %get3A_443 = tpu.vector_load %arg16[%get3A_441, %get3A_442] {strides = array<i32>} : memref<128x128xf32, #tpu.memory_space<vmem>>, vector<16xf32>,
          %mul3A_444 = arith.mulf %get3A_443, %gather3A_405 : vector<16xf32>
          %swap3A_445 = arith.index_cast %scan3A_403 : i32 to index
          %swap3A_446 = arith.constant 80 : index
          %swap3A_447 = tpu.vector_load %arg16[%swap3A_445, %swap3A_446] {strides = array<i32>} : memref<128x128xf32, #tpu.memory_space<vmem>>, vector<16xf32>,
          tpu.vector_store %arg16[%swap3A_445, %swap3A_446], %mul3A_444 {strides = array<i32>} : memref<128x128xf32, #tpu.memory_space<vmem>>, vector<16xf32>,
          %get3A_448 = arith.index_cast %scan3A_403 : i32 to index
          %get3A_449 = arith.constant 96 : index
          %get3A_450 = tpu.vector_load %arg16[%get3A_448, %get3A_449] {strides = array<i32>} : memref<128x128xf32, #tpu.memory_space<vmem>>, vector<16xf32>,
          %mul3A_451 = arith.mulf %get3A_450, %gather3A_405 : vector<16xf32>
          %swap3A_452 = arith.index_cast %scan3A_403 : i32 to index
          %swap3A_453 = arith.constant 96 : index
          %swap3A_454 = tpu.vector_load %arg16[%swap3A_452, %swap3A_453] {strides = array<i32>} : memref<128x128xf32, #tpu.memory_space<vmem>>, vector<16xf32>,
          tpu.vector_store %arg16[%swap3A_452, %swap3A_453], %mul3A_451 {strides = array<i32>} : memref<128x128xf32, #tpu.memory_space<vmem>>, vector<16xf32>,
          %get3A_455 = arith.index_cast %scan3A_403 : i32 to index
          %get3A_456 = arith.constant 112 : index
          %get3A_457 = tpu.vector_load %arg16[%get3A_455, %get3A_456] {strides = array<i32>} : memref<128x128xf32, #tpu.memory_space<vmem>>, vector<16xf32>,
          %mul3A_458 = arith.mulf %get3A_457, %gather3A_405 : vector<16xf32>
          %swap3A_459 = arith.index_cast %scan3A_403 : i32 to index
          %swap3A_460 = arith.constant 112 : index
          %swap3A_461 = tpu.vector_load %arg16[%swap3A_459, %swap3A_460] {strides = array<i32>} : memref<128x128xf32, #tpu.memory_space<vmem>>, vector<16xf32>,
          tpu.vector_store %arg16[%swap3A_459, %swap3A_460], %mul3A_458 {strides = array<i32>} : memref<128x128xf32, #tpu.memory_space<vmem>>, vector<16xf32>,
        }
        %scan3A_402 = arith.constant 128 : i32
        "tpu.region"() ({
          %run_scoped3A_403 = tpu.sem_alloc : memref<!tpu.dma_semaphore, #tpu.memory_space<semaphore_mem>>
          %dma_start3A_404 = arith.constant 0 : i32
          %dma_start3A_405 = tpu.memref_slice %arg11[%scan3A_119, %dma_start3A_404] : memref<32x128xi32, #tpu.memory_space<vmem>> -> memref<1x128xi32, #tpu.memory_space<vmem>>
          %dma_start3A_406 = tpu.memref_squeeze %dma_start3A_405 : memref<1x128xi32, #tpu.memory_space<vmem>> -> memref<128xi32, #tpu.memory_space<vmem>>
          %dma_start3A_407 = arith.constant 0 : i32
          %dma_start3A_408 = arith.constant 0 : i32
          %dma_start3A_409 = tpu.memref_slice %arg17[%dma_start3A_407, %dma_start3A_408] : memref<10240x128xf32, #tpu.memory_space<vmem_shared>> -> memref<10240x128xf32, #tpu.memory_space<vmem_shared>>
          tpu.enqueue_indirect_dma source(%arg16 : memref<128x128xf32, #tpu.memory_space<vmem>>) target(%dma_start3A_409 : memref<10240x128xf32, #tpu.memory_space<vmem_shared>>) offsets(%dma_start3A_406 : memref<128xi32, #tpu.memory_space<vmem>>) semaphore(%run_scoped3A_403 : memref<!tpu.dma_semaphore, #tpu.memory_space<semaphore_mem>>) {add = true}
          %dma_wait3A_410 = arith.constant 0 : i32
          %dma_wait3A_411 = tpu.memref_slice %arg11[%scan3A_119, %dma_wait3A_410] : memref<32x128xi32, #tpu.memory_space<vmem>> -> memref<1x128xi32, #tpu.memory_space<vmem>>
          %dma_wait3A_412 = tpu.memref_squeeze %dma_wait3A_411 : memref<1x128xi32, #tpu.memory_space<vmem>> -> memref<128xi32, #tpu.memory_space<vmem>>
          %dma_wait3A_413 = arith.constant 0 : i32
          %dma_wait3A_414 = arith.constant 0 : i32
          %dma_wait3A_415 = tpu.memref_slice %arg17[%dma_wait3A_413, %dma_wait3A_414] : memref<10240x128xf32, #tpu.memory_space<vmem_shared>> -> memref<10240x128xf32, #tpu.memory_space<vmem_shared>>
          tpu.wait_indirect_dma semaphore(%run_scoped3A_403 : memref<!tpu.dma_semaphore, #tpu.memory_space<semaphore_mem>>) src(%arg16 : memref<128x128xf32, #tpu.memory_space<vmem>>) dst(%dma_wait3A_415 : memref<10240x128xf32, #tpu.memory_space<vmem_shared>>)
          tpu.yield
        }) : () -> ()
      }
      %scan3A_118 = arith.constant 32 : i32
    }
    %while3A_100 = arith.constant 1 : i32
    scf.for %while3A_110 = %while3A_98 to %while3A_94 step %while3A_100  : i32 {
      %mul3A_111 = arith.constant 32 : i32
      %mul3A_112 = arith.muli %while3A_110, %mul3A_111 : i32
      %add3A_113 = arith.addi %select_n3A_92, %mul3A_112 : i32
      %multiple_of3A = tpu.assume_multiple %add3A_113, 8 : i32
      "tpu.region"() ({
        %run_scoped3A_119 = tpu.sem_alloc : memref<!tpu.dma_semaphore, #tpu.memory_space<semaphore_mem>>
        %dma_start3A = arith.constant 0 : i32
        %dma_start3A_120 = tpu.memref_slice %arg2[%multiple_of3A, %dma_start3A] : memref<2560x128xi32, #tpu.memory_space<hbm>> -> memref<32x128xi32, #tpu.memory_space<hbm>>
        %dma_start3A_121 = arith.constant 0 : i32
        %dma_start3A_122 = tpu.memref_slice %arg2[%multiple_of3A, %dma_start3A_121] : memref<2560x128xi32, #tpu.memory_space<hbm>> -> memref<32x128xi32, #tpu.memory_space<hbm>>
        tpu.enqueue_dma source(%dma_start3A_122 : memref<32x128xi32, #tpu.memory_space<hbm>>) target(%arg10 : memref<32x128xi32, #tpu.memory_space<vmem>>) target_semaphore(%run_scoped3A_119 : memref<!tpu.dma_semaphore, #tpu.memory_space<semaphore_mem>>)
        %dma_wait3A = arith.constant 0 : i32
        %dma_wait3A_123 = tpu.memref_slice %arg2[%multiple_of3A, %dma_wait3A] : memref<2560x128xi32, #tpu.memory_space<hbm>> -> memref<32x128xi32, #tpu.memory_space<hbm>>
        %dma_wait3A_124 = arith.constant 0 : i32
        %dma_wait3A_125 = tpu.memref_slice %arg2[%multiple_of3A, %dma_wait3A_124] : memref<2560x128xi32, #tpu.memory_space<hbm>> -> memref<32x128xi32, #tpu.memory_space<hbm>>
        tpu.wait_dma2 semaphore(%run_scoped3A_119 : memref<!tpu.dma_semaphore, #tpu.memory_space<semaphore_mem>>) src(%dma_wait3A_125 : memref<32x128xi32, #tpu.memory_space<hbm>>) dst(%arg10 : memref<32x128xi32, #tpu.memory_space<vmem>>)
        tpu.yield
      }) : () -> ()
      "tpu.region"() ({
        %run_scoped3A_119 = tpu.sem_alloc : memref<!tpu.dma_semaphore, #tpu.memory_space<semaphore_mem>>
        %dma_start3A = arith.constant 0 : i32
        %dma_start3A_120 = tpu.memref_slice %arg3[%multiple_of3A, %dma_start3A] : memref<2560x128xi32, #tpu.memory_space<hbm>> -> memref<32x128xi32, #tpu.memory_space<hbm>>
        %dma_start3A_121 = arith.constant 0 : i32
        %dma_start3A_122 = tpu.memref_slice %arg3[%multiple_of3A, %dma_start3A_121] : memref<2560x128xi32, #tpu.memory_space<hbm>> -> memref<32x128xi32, #tpu.memory_space<hbm>>
        tpu.enqueue_dma source(%dma_start3A_122 : memref<32x128xi32, #tpu.memory_space<hbm>>) target(%arg11 : memref<32x128xi32, #tpu.memory_space<vmem>>) target_semaphore(%run_scoped3A_119 : memref<!tpu.dma_semaphore, #tpu.memory_space<semaphore_mem>>)
        %dma_wait3A = arith.constant 0 : i32
        %dma_wait3A_123 = tpu.memref_slice %arg3[%multiple_of3A, %dma_wait3A] : memref<2560x128xi32, #tpu.memory_space<hbm>> -> memref<32x128xi32, #tpu.memory_space<hbm>>
        %dma_wait3A_124 = arith.constant 0 : i32
        %dma_wait3A_125 = tpu.memref_slice %arg3[%multiple_of3A, %dma_wait3A_124] : memref<2560x128xi32, #tpu.memory_space<hbm>> -> memref<32x128xi32, #tpu.memory_space<hbm>>
        tpu.wait_dma2 semaphore(%run_scoped3A_119 : memref<!tpu.dma_semaphore, #tpu.memory_space<semaphore_mem>>) src(%dma_wait3A_125 : memref<32x128xi32, #tpu.memory_space<hbm>>) dst(%arg11 : memref<32x128xi32, #tpu.memory_space<vmem>>)
        tpu.yield
      }) : () -> ()
      %scan3A_114 = arith.constant 0 : i32
      %scan3A_115 = arith.constant 32 : i32
      %scan3A_116 = arith.addi %scan3A_114, %scan3A_115 : i32
      %scan3A_117 = arith.constant 1 : i32
      scf.for %scan3A_119 = %scan3A_114 to %scan3A_116 step %scan3A_117  : i32 {
        %dma_start3A = arith.constant 0 : i32
        %dma_start3A_120 = tpu.memref_slice %arg10[%scan3A_119, %dma_start3A] : memref<32x128xi32, #tpu.memory_space<vmem>> -> memref<1x128xi32, #tpu.memory_space<vmem>>
        %dma_start3A_121 = tpu.memref_squeeze %dma_start3A_120 : memref<1x128xi32, #tpu.memory_space<vmem>> -> memref<128xi32, #tpu.memory_space<vmem>>
        %dma_start3A_122 = arith.constant 0 : i32
        %dma_start3A_123 = arith.constant 0 : i32
        %dma_start3A_124 = tpu.memref_slice %arg7[%dma_start3A_122, %dma_start3A_123] : memref<10000x128xf32, #tpu.memory_space<hbm>> -> memref<10000x128xf32, #tpu.memory_space<hbm>>
        tpu.enqueue_indirect_dma source(%dma_start3A_124 : memref<10000x128xf32, #tpu.memory_space<hbm>>) target(%arg16 : memref<128x128xf32, #tpu.memory_space<vmem>>) offsets(%dma_start3A_121 : memref<128xi32, #tpu.memory_space<vmem>>) semaphore(%arg19 : memref<!tpu.dma_semaphore, #tpu.memory_space<semaphore_mem>>)
        %get3A = arith.constant 0 : index
        %get3A_125 = tpu.vector_load %arg14[%get3A] {strides = array<i32>} : memref<16xf32, #tpu.memory_space<vmem>>, vector<16xf32>,
        %get3A_126 = arith.index_cast %scan3A_119 : i32 to index
        %get3A_127 = arith.constant 0 : index
        %get3A_128 = tpu.vector_load %arg10[%get3A_126, %get3A_127] {strides = array<i32>} : memref<32x128xi32, #tpu.memory_space<vmem>>, vector<16xi32>,
        %get3A_129 = arith.index_cast %scan3A_119 : i32 to index
        %get3A_130 = arith.constant 0 : index
        %get3A_131 = tpu.vector_load %arg11[%get3A_129, %get3A_130] {strides = array<i32>} : memref<32x128xi32, #tpu.memory_space<vmem>>, vector<16xi32>,
        %shift_right_arithmetic3A = arith.constant 7 : i32
        %shift_right_arithmetic3A_132 = vector.broadcast %shift_right_arithmetic3A : i32 to vector<16xi32>
        %shift_right_arithmetic3A_133 = arith.shrsi %get3A_128, %shift_right_arithmetic3A_132 : vector<16xi32>
        %and3A = arith.constant 127 : i32
        %and3A_134 = vector.broadcast %and3A : i32 to vector<16xi32>
        %and3A_135 = arith.andi %get3A_128, %and3A_134 : vector<16xi32>
        %gather3A = tpu.vector_load_idx %arg12[%shift_right_arithmetic3A_133, %and3A_135] : memref<80x128xf32, #tpu.memory_space<vmem>>[vector<16xi32>, vector<16xi32>], vector<16xf32>,
        %shift_right_arithmetic3A_136 = arith.constant 7 : i32
        %shift_right_arithmetic3A_137 = vector.broadcast %shift_right_arithmetic3A_136 : i32 to vector<16xi32>
        %shift_right_arithmetic3A_138 = arith.shrsi %get3A_131, %shift_right_arithmetic3A_137 : vector<16xi32>
        %and3A_139 = arith.constant 127 : i32
        %and3A_140 = vector.broadcast %and3A_139 : i32 to vector<16xi32>
        %and3A_141 = arith.andi %get3A_131, %and3A_140 : vector<16xi32>
        %gather3A_142 = tpu.vector_load_idx %arg13[%shift_right_arithmetic3A_138, %and3A_141] : memref<80x128xf32, #tpu.memory_space<vmem>>[vector<16xi32>, vector<16xi32>], vector<16xf32>,
        %add3A_143 = arith.addf %gather3A, %gather3A_142 : vector<16xf32>
        %ge3A = arith.constant 0.000000e+00 : f32
        %ge3A_144 = vector.broadcast %ge3A : f32 to vector<16xf32>
        %ge3A_145 = arith.cmpf oge, %add3A_143, %ge3A_144 : vector<16xf32>
        %mul3A_146 = arith.constant 2.000000e-01 : f32
        %mul3A_147 = vector.broadcast %mul3A_146 : f32 to vector<16xf32>
        %mul3A_148 = arith.mulf %mul3A_147, %add3A_143 : vector<16xf32>
        %select_n3A_149 = arith.select %ge3A_145, %add3A_143, %mul3A_148 : vector<16xi1>, vector<16xf32>
        %sub3A = arith.subf %select_n3A_149, %get3A_125 : vector<16xf32>
        %exp3A = math.exp %sub3A : vector<16xf32>
        %swap3A_150 = arith.constant 0 : i32
        %swap3A_151 = arith.index_cast %swap3A_150 : i32 to index
        %swap3A_152 = arith.constant 0 : index
        %swap3A_153 = tpu.vector_load %arg15[%swap3A_151, %swap3A_152] {strides = array<i32>} : memref<1x128xf32, #tpu.memory_space<vmem>>, vector<16xf32>,
        tpu.vector_store %arg15[%swap3A_151, %swap3A_152], %exp3A {strides = array<i32>} : memref<1x128xf32, #tpu.memory_space<vmem>>, vector<16xf32>,
        %get3A_154 = arith.index_cast %scan3A_119 : i32 to index
        %get3A_155 = arith.constant 16 : index
        %get3A_156 = tpu.vector_load %arg10[%get3A_154, %get3A_155] {strides = array<i32>} : memref<32x128xi32, #tpu.memory_space<vmem>>, vector<16xi32>,
        %get3A_157 = arith.index_cast %scan3A_119 : i32 to index
        %get3A_158 = arith.constant 16 : index
        %get3A_159 = tpu.vector_load %arg11[%get3A_157, %get3A_158] {strides = array<i32>} : memref<32x128xi32, #tpu.memory_space<vmem>>, vector<16xi32>,
        %shift_right_arithmetic3A_160 = arith.constant 7 : i32
        %shift_right_arithmetic3A_161 = vector.broadcast %shift_right_arithmetic3A_160 : i32 to vector<16xi32>
        %shift_right_arithmetic3A_162 = arith.shrsi %get3A_156, %shift_right_arithmetic3A_161 : vector<16xi32>
        %and3A_163 = arith.constant 127 : i32
        %and3A_164 = vector.broadcast %and3A_163 : i32 to vector<16xi32>
        %and3A_165 = arith.andi %get3A_156, %and3A_164 : vector<16xi32>
        %gather3A_166 = tpu.vector_load_idx %arg12[%shift_right_arithmetic3A_162, %and3A_165] : memref<80x128xf32, #tpu.memory_space<vmem>>[vector<16xi32>, vector<16xi32>], vector<16xf32>,
        %shift_right_arithmetic3A_167 = arith.constant 7 : i32
        %shift_right_arithmetic3A_168 = vector.broadcast %shift_right_arithmetic3A_167 : i32 to vector<16xi32>
        %shift_right_arithmetic3A_169 = arith.shrsi %get3A_159, %shift_right_arithmetic3A_168 : vector<16xi32>
        %and3A_170 = arith.constant 127 : i32
        %and3A_171 = vector.broadcast %and3A_170 : i32 to vector<16xi32>
        %and3A_172 = arith.andi %get3A_159, %and3A_171 : vector<16xi32>
        %gather3A_173 = tpu.vector_load_idx %arg13[%shift_right_arithmetic3A_169, %and3A_172] : memref<80x128xf32, #tpu.memory_space<vmem>>[vector<16xi32>, vector<16xi32>], vector<16xf32>,
        %add3A_174 = arith.addf %gather3A_166, %gather3A_173 : vector<16xf32>
        %ge3A_175 = arith.constant 0.000000e+00 : f32
        %ge3A_176 = vector.broadcast %ge3A_175 : f32 to vector<16xf32>
        %ge3A_177 = arith.cmpf oge, %add3A_174, %ge3A_176 : vector<16xf32>
        %mul3A_178 = arith.constant 2.000000e-01 : f32
        %mul3A_179 = vector.broadcast %mul3A_178 : f32 to vector<16xf32>
        %mul3A_180 = arith.mulf %mul3A_179, %add3A_174 : vector<16xf32>
        %select_n3A_181 = arith.select %ge3A_177, %add3A_174, %mul3A_180 : vector<16xi1>, vector<16xf32>
        %sub3A_182 = arith.subf %select_n3A_181, %get3A_125 : vector<16xf32>
        %exp3A_183 = math.exp %sub3A_182 : vector<16xf32>
        %swap3A_184 = arith.constant 0 : i32
        %swap3A_185 = arith.index_cast %swap3A_184 : i32 to index
        %swap3A_186 = arith.constant 16 : index
        %swap3A_187 = tpu.vector_load %arg15[%swap3A_185, %swap3A_186] {strides = array<i32>} : memref<1x128xf32, #tpu.memory_space<vmem>>, vector<16xf32>,
        tpu.vector_store %arg15[%swap3A_185, %swap3A_186], %exp3A_183 {strides = array<i32>} : memref<1x128xf32, #tpu.memory_space<vmem>>, vector<16xf32>,
        %get3A_188 = arith.index_cast %scan3A_119 : i32 to index
        %get3A_189 = arith.constant 32 : index
        %get3A_190 = tpu.vector_load %arg10[%get3A_188, %get3A_189] {strides = array<i32>} : memref<32x128xi32, #tpu.memory_space<vmem>>, vector<16xi32>,
        %get3A_191 = arith.index_cast %scan3A_119 : i32 to index
        %get3A_192 = arith.constant 32 : index
        %get3A_193 = tpu.vector_load %arg11[%get3A_191, %get3A_192] {strides = array<i32>} : memref<32x128xi32, #tpu.memory_space<vmem>>, vector<16xi32>,
        %shift_right_arithmetic3A_194 = arith.constant 7 : i32
        %shift_right_arithmetic3A_195 = vector.broadcast %shift_right_arithmetic3A_194 : i32 to vector<16xi32>
        %shift_right_arithmetic3A_196 = arith.shrsi %get3A_190, %shift_right_arithmetic3A_195 : vector<16xi32>
        %and3A_197 = arith.constant 127 : i32
        %and3A_198 = vector.broadcast %and3A_197 : i32 to vector<16xi32>
        %and3A_199 = arith.andi %get3A_190, %and3A_198 : vector<16xi32>
        %gather3A_200 = tpu.vector_load_idx %arg12[%shift_right_arithmetic3A_196, %and3A_199] : memref<80x128xf32, #tpu.memory_space<vmem>>[vector<16xi32>, vector<16xi32>], vector<16xf32>,
        %shift_right_arithmetic3A_201 = arith.constant 7 : i32
        %shift_right_arithmetic3A_202 = vector.broadcast %shift_right_arithmetic3A_201 : i32 to vector<16xi32>
        %shift_right_arithmetic3A_203 = arith.shrsi %get3A_193, %shift_right_arithmetic3A_202 : vector<16xi32>
        %and3A_204 = arith.constant 127 : i32
        %and3A_205 = vector.broadcast %and3A_204 : i32 to vector<16xi32>
        %and3A_206 = arith.andi %get3A_193, %and3A_205 : vector<16xi32>
        %gather3A_207 = tpu.vector_load_idx %arg13[%shift_right_arithmetic3A_203, %and3A_206] : memref<80x128xf32, #tpu.memory_space<vmem>>[vector<16xi32>, vector<16xi32>], vector<16xf32>,
        %add3A_208 = arith.addf %gather3A_200, %gather3A_207 : vector<16xf32>
        %ge3A_209 = arith.constant 0.000000e+00 : f32
        %ge3A_210 = vector.broadcast %ge3A_209 : f32 to vector<16xf32>
        %ge3A_211 = arith.cmpf oge, %add3A_208, %ge3A_210 : vector<16xf32>
        %mul3A_212 = arith.constant 2.000000e-01 : f32
        %mul3A_213 = vector.broadcast %mul3A_212 : f32 to vector<16xf32>
        %mul3A_214 = arith.mulf %mul3A_213, %add3A_208 : vector<16xf32>
        %select_n3A_215 = arith.select %ge3A_211, %add3A_208, %mul3A_214 : vector<16xi1>, vector<16xf32>
        %sub3A_216 = arith.subf %select_n3A_215, %get3A_125 : vector<16xf32>
        %exp3A_217 = math.exp %sub3A_216 : vector<16xf32>
        %swap3A_218 = arith.constant 0 : i32
        %swap3A_219 = arith.index_cast %swap3A_218 : i32 to index
        %swap3A_220 = arith.constant 32 : index
        %swap3A_221 = tpu.vector_load %arg15[%swap3A_219, %swap3A_220] {strides = array<i32>} : memref<1x128xf32, #tpu.memory_space<vmem>>, vector<16xf32>,
        tpu.vector_store %arg15[%swap3A_219, %swap3A_220], %exp3A_217 {strides = array<i32>} : memref<1x128xf32, #tpu.memory_space<vmem>>, vector<16xf32>,
        %get3A_222 = arith.index_cast %scan3A_119 : i32 to index
        %get3A_223 = arith.constant 48 : index
        %get3A_224 = tpu.vector_load %arg10[%get3A_222, %get3A_223] {strides = array<i32>} : memref<32x128xi32, #tpu.memory_space<vmem>>, vector<16xi32>,
        %get3A_225 = arith.index_cast %scan3A_119 : i32 to index
        %get3A_226 = arith.constant 48 : index
        %get3A_227 = tpu.vector_load %arg11[%get3A_225, %get3A_226] {strides = array<i32>} : memref<32x128xi32, #tpu.memory_space<vmem>>, vector<16xi32>,
        %shift_right_arithmetic3A_228 = arith.constant 7 : i32
        %shift_right_arithmetic3A_229 = vector.broadcast %shift_right_arithmetic3A_228 : i32 to vector<16xi32>
        %shift_right_arithmetic3A_230 = arith.shrsi %get3A_224, %shift_right_arithmetic3A_229 : vector<16xi32>
        %and3A_231 = arith.constant 127 : i32
        %and3A_232 = vector.broadcast %and3A_231 : i32 to vector<16xi32>
        %and3A_233 = arith.andi %get3A_224, %and3A_232 : vector<16xi32>
        %gather3A_234 = tpu.vector_load_idx %arg12[%shift_right_arithmetic3A_230, %and3A_233] : memref<80x128xf32, #tpu.memory_space<vmem>>[vector<16xi32>, vector<16xi32>], vector<16xf32>,
        %shift_right_arithmetic3A_235 = arith.constant 7 : i32
        %shift_right_arithmetic3A_236 = vector.broadcast %shift_right_arithmetic3A_235 : i32 to vector<16xi32>
        %shift_right_arithmetic3A_237 = arith.shrsi %get3A_227, %shift_right_arithmetic3A_236 : vector<16xi32>
        %and3A_238 = arith.constant 127 : i32
        %and3A_239 = vector.broadcast %and3A_238 : i32 to vector<16xi32>
        %and3A_240 = arith.andi %get3A_227, %and3A_239 : vector<16xi32>
        %gather3A_241 = tpu.vector_load_idx %arg13[%shift_right_arithmetic3A_237, %and3A_240] : memref<80x128xf32, #tpu.memory_space<vmem>>[vector<16xi32>, vector<16xi32>], vector<16xf32>,
        %add3A_242 = arith.addf %gather3A_234, %gather3A_241 : vector<16xf32>
        %ge3A_243 = arith.constant 0.000000e+00 : f32
        %ge3A_244 = vector.broadcast %ge3A_243 : f32 to vector<16xf32>
        %ge3A_245 = arith.cmpf oge, %add3A_242, %ge3A_244 : vector<16xf32>
        %mul3A_246 = arith.constant 2.000000e-01 : f32
        %mul3A_247 = vector.broadcast %mul3A_246 : f32 to vector<16xf32>
        %mul3A_248 = arith.mulf %mul3A_247, %add3A_242 : vector<16xf32>
        %select_n3A_249 = arith.select %ge3A_245, %add3A_242, %mul3A_248 : vector<16xi1>, vector<16xf32>
        %sub3A_250 = arith.subf %select_n3A_249, %get3A_125 : vector<16xf32>
        %exp3A_251 = math.exp %sub3A_250 : vector<16xf32>
        %swap3A_252 = arith.constant 0 : i32
        %swap3A_253 = arith.index_cast %swap3A_252 : i32 to index
        %swap3A_254 = arith.constant 48 : index
        %swap3A_255 = tpu.vector_load %arg15[%swap3A_253, %swap3A_254] {strides = array<i32>} : memref<1x128xf32, #tpu.memory_space<vmem>>, vector<16xf32>,
        tpu.vector_store %arg15[%swap3A_253, %swap3A_254], %exp3A_251 {strides = array<i32>} : memref<1x128xf32, #tpu.memory_space<vmem>>, vector<16xf32>,
        %get3A_256 = arith.index_cast %scan3A_119 : i32 to index
        %get3A_257 = arith.constant 64 : index
        %get3A_258 = tpu.vector_load %arg10[%get3A_256, %get3A_257] {strides = array<i32>} : memref<32x128xi32, #tpu.memory_space<vmem>>, vector<16xi32>,
        %get3A_259 = arith.index_cast %scan3A_119 : i32 to index
        %get3A_260 = arith.constant 64 : index
        %get3A_261 = tpu.vector_load %arg11[%get3A_259, %get3A_260] {strides = array<i32>} : memref<32x128xi32, #tpu.memory_space<vmem>>, vector<16xi32>,
        %shift_right_arithmetic3A_262 = arith.constant 7 : i32
        %shift_right_arithmetic3A_263 = vector.broadcast %shift_right_arithmetic3A_262 : i32 to vector<16xi32>
        %shift_right_arithmetic3A_264 = arith.shrsi %get3A_258, %shift_right_arithmetic3A_263 : vector<16xi32>
        %and3A_265 = arith.constant 127 : i32
        %and3A_266 = vector.broadcast %and3A_265 : i32 to vector<16xi32>
        %and3A_267 = arith.andi %get3A_258, %and3A_266 : vector<16xi32>
        %gather3A_268 = tpu.vector_load_idx %arg12[%shift_right_arithmetic3A_264, %and3A_267] : memref<80x128xf32, #tpu.memory_space<vmem>>[vector<16xi32>, vector<16xi32>], vector<16xf32>,
        %shift_right_arithmetic3A_269 = arith.constant 7 : i32
        %shift_right_arithmetic3A_270 = vector.broadcast %shift_right_arithmetic3A_269 : i32 to vector<16xi32>
        %shift_right_arithmetic3A_271 = arith.shrsi %get3A_261, %shift_right_arithmetic3A_270 : vector<16xi32>
        %and3A_272 = arith.constant 127 : i32
        %and3A_273 = vector.broadcast %and3A_272 : i32 to vector<16xi32>
        %and3A_274 = arith.andi %get3A_261, %and3A_273 : vector<16xi32>
        %gather3A_275 = tpu.vector_load_idx %arg13[%shift_right_arithmetic3A_271, %and3A_274] : memref<80x128xf32, #tpu.memory_space<vmem>>[vector<16xi32>, vector<16xi32>], vector<16xf32>,
        %add3A_276 = arith.addf %gather3A_268, %gather3A_275 : vector<16xf32>
        %ge3A_277 = arith.constant 0.000000e+00 : f32
        %ge3A_278 = vector.broadcast %ge3A_277 : f32 to vector<16xf32>
        %ge3A_279 = arith.cmpf oge, %add3A_276, %ge3A_278 : vector<16xf32>
        %mul3A_280 = arith.constant 2.000000e-01 : f32
        %mul3A_281 = vector.broadcast %mul3A_280 : f32 to vector<16xf32>
        %mul3A_282 = arith.mulf %mul3A_281, %add3A_276 : vector<16xf32>
        %select_n3A_283 = arith.select %ge3A_279, %add3A_276, %mul3A_282 : vector<16xi1>, vector<16xf32>
        %sub3A_284 = arith.subf %select_n3A_283, %get3A_125 : vector<16xf32>
        %exp3A_285 = math.exp %sub3A_284 : vector<16xf32>
        %swap3A_286 = arith.constant 0 : i32
        %swap3A_287 = arith.index_cast %swap3A_286 : i32 to index
        %swap3A_288 = arith.constant 64 : index
        %swap3A_289 = tpu.vector_load %arg15[%swap3A_287, %swap3A_288] {strides = array<i32>} : memref<1x128xf32, #tpu.memory_space<vmem>>, vector<16xf32>,
        tpu.vector_store %arg15[%swap3A_287, %swap3A_288], %exp3A_285 {strides = array<i32>} : memref<1x128xf32, #tpu.memory_space<vmem>>, vector<16xf32>,
        %get3A_290 = arith.index_cast %scan3A_119 : i32 to index
        %get3A_291 = arith.constant 80 : index
        %get3A_292 = tpu.vector_load %arg10[%get3A_290, %get3A_291] {strides = array<i32>} : memref<32x128xi32, #tpu.memory_space<vmem>>, vector<16xi32>,
        %get3A_293 = arith.index_cast %scan3A_119 : i32 to index
        %get3A_294 = arith.constant 80 : index
        %get3A_295 = tpu.vector_load %arg11[%get3A_293, %get3A_294] {strides = array<i32>} : memref<32x128xi32, #tpu.memory_space<vmem>>, vector<16xi32>,
        %shift_right_arithmetic3A_296 = arith.constant 7 : i32
        %shift_right_arithmetic3A_297 = vector.broadcast %shift_right_arithmetic3A_296 : i32 to vector<16xi32>
        %shift_right_arithmetic3A_298 = arith.shrsi %get3A_292, %shift_right_arithmetic3A_297 : vector<16xi32>
        %and3A_299 = arith.constant 127 : i32
        %and3A_300 = vector.broadcast %and3A_299 : i32 to vector<16xi32>
        %and3A_301 = arith.andi %get3A_292, %and3A_300 : vector<16xi32>
        %gather3A_302 = tpu.vector_load_idx %arg12[%shift_right_arithmetic3A_298, %and3A_301] : memref<80x128xf32, #tpu.memory_space<vmem>>[vector<16xi32>, vector<16xi32>], vector<16xf32>,
        %shift_right_arithmetic3A_303 = arith.constant 7 : i32
        %shift_right_arithmetic3A_304 = vector.broadcast %shift_right_arithmetic3A_303 : i32 to vector<16xi32>
        %shift_right_arithmetic3A_305 = arith.shrsi %get3A_295, %shift_right_arithmetic3A_304 : vector<16xi32>
        %and3A_306 = arith.constant 127 : i32
        %and3A_307 = vector.broadcast %and3A_306 : i32 to vector<16xi32>
        %and3A_308 = arith.andi %get3A_295, %and3A_307 : vector<16xi32>
        %gather3A_309 = tpu.vector_load_idx %arg13[%shift_right_arithmetic3A_305, %and3A_308] : memref<80x128xf32, #tpu.memory_space<vmem>>[vector<16xi32>, vector<16xi32>], vector<16xf32>,
        %add3A_310 = arith.addf %gather3A_302, %gather3A_309 : vector<16xf32>
        %ge3A_311 = arith.constant 0.000000e+00 : f32
        %ge3A_312 = vector.broadcast %ge3A_311 : f32 to vector<16xf32>
        %ge3A_313 = arith.cmpf oge, %add3A_310, %ge3A_312 : vector<16xf32>
        %mul3A_314 = arith.constant 2.000000e-01 : f32
        %mul3A_315 = vector.broadcast %mul3A_314 : f32 to vector<16xf32>
        %mul3A_316 = arith.mulf %mul3A_315, %add3A_310 : vector<16xf32>
        %select_n3A_317 = arith.select %ge3A_313, %add3A_310, %mul3A_316 : vector<16xi1>, vector<16xf32>
        %sub3A_318 = arith.subf %select_n3A_317, %get3A_125 : vector<16xf32>
        %exp3A_319 = math.exp %sub3A_318 : vector<16xf32>
        %swap3A_320 = arith.constant 0 : i32
        %swap3A_321 = arith.index_cast %swap3A_320 : i32 to index
        %swap3A_322 = arith.constant 80 : index
        %swap3A_323 = tpu.vector_load %arg15[%swap3A_321, %swap3A_322] {strides = array<i32>} : memref<1x128xf32, #tpu.memory_space<vmem>>, vector<16xf32>,
        tpu.vector_store %arg15[%swap3A_321, %swap3A_322], %exp3A_319 {strides = array<i32>} : memref<1x128xf32, #tpu.memory_space<vmem>>, vector<16xf32>,
        %get3A_324 = arith.index_cast %scan3A_119 : i32 to index
        %get3A_325 = arith.constant 96 : index
        %get3A_326 = tpu.vector_load %arg10[%get3A_324, %get3A_325] {strides = array<i32>} : memref<32x128xi32, #tpu.memory_space<vmem>>, vector<16xi32>,
        %get3A_327 = arith.index_cast %scan3A_119 : i32 to index
        %get3A_328 = arith.constant 96 : index
        %get3A_329 = tpu.vector_load %arg11[%get3A_327, %get3A_328] {strides = array<i32>} : memref<32x128xi32, #tpu.memory_space<vmem>>, vector<16xi32>,
        %shift_right_arithmetic3A_330 = arith.constant 7 : i32
        %shift_right_arithmetic3A_331 = vector.broadcast %shift_right_arithmetic3A_330 : i32 to vector<16xi32>
        %shift_right_arithmetic3A_332 = arith.shrsi %get3A_326, %shift_right_arithmetic3A_331 : vector<16xi32>
        %and3A_333 = arith.constant 127 : i32
        %and3A_334 = vector.broadcast %and3A_333 : i32 to vector<16xi32>
        %and3A_335 = arith.andi %get3A_326, %and3A_334 : vector<16xi32>
        %gather3A_336 = tpu.vector_load_idx %arg12[%shift_right_arithmetic3A_332, %and3A_335] : memref<80x128xf32, #tpu.memory_space<vmem>>[vector<16xi32>, vector<16xi32>], vector<16xf32>,
        %shift_right_arithmetic3A_337 = arith.constant 7 : i32
        %shift_right_arithmetic3A_338 = vector.broadcast %shift_right_arithmetic3A_337 : i32 to vector<16xi32>
        %shift_right_arithmetic3A_339 = arith.shrsi %get3A_329, %shift_right_arithmetic3A_338 : vector<16xi32>
        %and3A_340 = arith.constant 127 : i32
        %and3A_341 = vector.broadcast %and3A_340 : i32 to vector<16xi32>
        %and3A_342 = arith.andi %get3A_329, %and3A_341 : vector<16xi32>
        %gather3A_343 = tpu.vector_load_idx %arg13[%shift_right_arithmetic3A_339, %and3A_342] : memref<80x128xf32, #tpu.memory_space<vmem>>[vector<16xi32>, vector<16xi32>], vector<16xf32>,
        %add3A_344 = arith.addf %gather3A_336, %gather3A_343 : vector<16xf32>
        %ge3A_345 = arith.constant 0.000000e+00 : f32
        %ge3A_346 = vector.broadcast %ge3A_345 : f32 to vector<16xf32>
        %ge3A_347 = arith.cmpf oge, %add3A_344, %ge3A_346 : vector<16xf32>
        %mul3A_348 = arith.constant 2.000000e-01 : f32
        %mul3A_349 = vector.broadcast %mul3A_348 : f32 to vector<16xf32>
        %mul3A_350 = arith.mulf %mul3A_349, %add3A_344 : vector<16xf32>
        %select_n3A_351 = arith.select %ge3A_347, %add3A_344, %mul3A_350 : vector<16xi1>, vector<16xf32>
        %sub3A_352 = arith.subf %select_n3A_351, %get3A_125 : vector<16xf32>
        %exp3A_353 = math.exp %sub3A_352 : vector<16xf32>
        %swap3A_354 = arith.constant 0 : i32
        %swap3A_355 = arith.index_cast %swap3A_354 : i32 to index
        %swap3A_356 = arith.constant 96 : index
        %swap3A_357 = tpu.vector_load %arg15[%swap3A_355, %swap3A_356] {strides = array<i32>} : memref<1x128xf32, #tpu.memory_space<vmem>>, vector<16xf32>,
        tpu.vector_store %arg15[%swap3A_355, %swap3A_356], %exp3A_353 {strides = array<i32>} : memref<1x128xf32, #tpu.memory_space<vmem>>, vector<16xf32>,
        %get3A_358 = arith.index_cast %scan3A_119 : i32 to index
        %get3A_359 = arith.constant 112 : index
        %get3A_360 = tpu.vector_load %arg10[%get3A_358, %get3A_359] {strides = array<i32>} : memref<32x128xi32, #tpu.memory_space<vmem>>, vector<16xi32>,
        %get3A_361 = arith.index_cast %scan3A_119 : i32 to index
        %get3A_362 = arith.constant 112 : index
        %get3A_363 = tpu.vector_load %arg11[%get3A_361, %get3A_362] {strides = array<i32>} : memref<32x128xi32, #tpu.memory_space<vmem>>, vector<16xi32>,
        %shift_right_arithmetic3A_364 = arith.constant 7 : i32
        %shift_right_arithmetic3A_365 = vector.broadcast %shift_right_arithmetic3A_364 : i32 to vector<16xi32>
        %shift_right_arithmetic3A_366 = arith.shrsi %get3A_360, %shift_right_arithmetic3A_365 : vector<16xi32>
        %and3A_367 = arith.constant 127 : i32
        %and3A_368 = vector.broadcast %and3A_367 : i32 to vector<16xi32>
        %and3A_369 = arith.andi %get3A_360, %and3A_368 : vector<16xi32>
        %gather3A_370 = tpu.vector_load_idx %arg12[%shift_right_arithmetic3A_366, %and3A_369] : memref<80x128xf32, #tpu.memory_space<vmem>>[vector<16xi32>, vector<16xi32>], vector<16xf32>,
        %shift_right_arithmetic3A_371 = arith.constant 7 : i32
        %shift_right_arithmetic3A_372 = vector.broadcast %shift_right_arithmetic3A_371 : i32 to vector<16xi32>
        %shift_right_arithmetic3A_373 = arith.shrsi %get3A_363, %shift_right_arithmetic3A_372 : vector<16xi32>
        %and3A_374 = arith.constant 127 : i32
        %and3A_375 = vector.broadcast %and3A_374 : i32 to vector<16xi32>
        %and3A_376 = arith.andi %get3A_363, %and3A_375 : vector<16xi32>
        %gather3A_377 = tpu.vector_load_idx %arg13[%shift_right_arithmetic3A_373, %and3A_376] : memref<80x128xf32, #tpu.memory_space<vmem>>[vector<16xi32>, vector<16xi32>], vector<16xf32>,
        %add3A_378 = arith.addf %gather3A_370, %gather3A_377 : vector<16xf32>
        %ge3A_379 = arith.constant 0.000000e+00 : f32
        %ge3A_380 = vector.broadcast %ge3A_379 : f32 to vector<16xf32>
        %ge3A_381 = arith.cmpf oge, %add3A_378, %ge3A_380 : vector<16xf32>
        %mul3A_382 = arith.constant 2.000000e-01 : f32
        %mul3A_383 = vector.broadcast %mul3A_382 : f32 to vector<16xf32>
        %mul3A_384 = arith.mulf %mul3A_383, %add3A_378 : vector<16xf32>
        %select_n3A_385 = arith.select %ge3A_381, %add3A_378, %mul3A_384 : vector<16xi1>, vector<16xf32>
        %sub3A_386 = arith.subf %select_n3A_385, %get3A_125 : vector<16xf32>
        %exp3A_387 = math.exp %sub3A_386 : vector<16xf32>
        %swap3A_388 = arith.constant 0 : i32
        %swap3A_389 = arith.index_cast %swap3A_388 : i32 to index
        %swap3A_390 = arith.constant 112 : index
        %swap3A_391 = tpu.vector_load %arg15[%swap3A_389, %swap3A_390] {strides = array<i32>} : memref<1x128xf32, #tpu.memory_space<vmem>>, vector<16xf32>,
        tpu.vector_store %arg15[%swap3A_389, %swap3A_390], %exp3A_387 {strides = array<i32>} : memref<1x128xf32, #tpu.memory_space<vmem>>, vector<16xf32>,
        %run_scoped3A_392 = arith.constant 0 : i32
        "tpu.region"() ({
          %run_scoped3A_403 = tpu.sem_alloc : memref<!tpu.dma_semaphore, #tpu.memory_space<semaphore_mem>>
          %dma_start3A_404 = arith.constant 0 : i32
          %dma_start3A_405 = tpu.memref_slice %arg15[%run_scoped3A_392, %dma_start3A_404] : memref<1x128xf32, #tpu.memory_space<vmem>> -> memref<1x128xf32, #tpu.memory_space<vmem>>
          %dma_start3A_406 = tpu.memref_squeeze %dma_start3A_405 : memref<1x128xf32, #tpu.memory_space<vmem>> -> memref<128xf32, #tpu.memory_space<vmem>>
          %dma_start3A_407 = arith.constant 0 : i32
          %dma_start3A_408 = tpu.memref_slice %arg11[%scan3A_119, %dma_start3A_407] : memref<32x128xi32, #tpu.memory_space<vmem>> -> memref<1x128xi32, #tpu.memory_space<vmem>>
          %dma_start3A_409 = tpu.memref_squeeze %dma_start3A_408 : memref<1x128xi32, #tpu.memory_space<vmem>> -> memref<128xi32, #tpu.memory_space<vmem>>
          %dma_start3A_410 = arith.constant 0 : i32
          %dma_start3A_411 = tpu.memref_slice %arg18[%dma_start3A_410] : memref<10240xf32, #tpu.memory_space<vmem_shared>> -> memref<10240xf32, #tpu.memory_space<vmem_shared>>
          tpu.enqueue_indirect_dma source(%dma_start3A_406 : memref<128xf32, #tpu.memory_space<vmem>>) target(%dma_start3A_411 : memref<10240xf32, #tpu.memory_space<vmem_shared>>) offsets(%dma_start3A_409 : memref<128xi32, #tpu.memory_space<vmem>>) semaphore(%run_scoped3A_403 : memref<!tpu.dma_semaphore, #tpu.memory_space<semaphore_mem>>) {add = true}
          %dma_wait3A_412 = arith.constant 0 : i32
          %dma_wait3A_413 = tpu.memref_slice %arg15[%run_scoped3A_392, %dma_wait3A_412] : memref<1x128xf32, #tpu.memory_space<vmem>> -> memref<1x128xf32, #tpu.memory_space<vmem>>
          %dma_wait3A_414 = tpu.memref_squeeze %dma_wait3A_413 : memref<1x128xf32, #tpu.memory_space<vmem>> -> memref<128xf32, #tpu.memory_space<vmem>>
          %dma_wait3A_415 = arith.constant 0 : i32
          %dma_wait3A_416 = tpu.memref_slice %arg11[%scan3A_119, %dma_wait3A_415] : memref<32x128xi32, #tpu.memory_space<vmem>> -> memref<1x128xi32, #tpu.memory_space<vmem>>
          %dma_wait3A_417 = tpu.memref_squeeze %dma_wait3A_416 : memref<1x128xi32, #tpu.memory_space<vmem>> -> memref<128xi32, #tpu.memory_space<vmem>>
          %dma_wait3A_418 = arith.constant 0 : i32
          %dma_wait3A_419 = tpu.memref_slice %arg18[%dma_wait3A_418] : memref<10240xf32, #tpu.memory_space<vmem_shared>> -> memref<10240xf32, #tpu.memory_space<vmem_shared>>
          tpu.wait_indirect_dma semaphore(%run_scoped3A_403 : memref<!tpu.dma_semaphore, #tpu.memory_space<semaphore_mem>>) src(%dma_wait3A_414 : memref<128xf32, #tpu.memory_space<vmem>>) dst(%dma_wait3A_419 : memref<10240xf32, #tpu.memory_space<vmem_shared>>)
          tpu.yield
        }) : () -> ()
        %dma_wait3A = arith.constant 0 : i32
        %dma_wait3A_393 = tpu.memref_slice %arg10[%scan3A_119, %dma_wait3A] : memref<32x128xi32, #tpu.memory_space<vmem>> -> memref<1x128xi32, #tpu.memory_space<vmem>>
        %dma_wait3A_394 = tpu.memref_squeeze %dma_wait3A_393 : memref<1x128xi32, #tpu.memory_space<vmem>> -> memref<128xi32, #tpu.memory_space<vmem>>
        %dma_wait3A_395 = arith.constant 0 : i32
        %dma_wait3A_396 = arith.constant 0 : i32
        %dma_wait3A_397 = tpu.memref_slice %arg7[%dma_wait3A_395, %dma_wait3A_396] : memref<10000x128xf32, #tpu.memory_space<hbm>> -> memref<10000x128xf32, #tpu.memory_space<hbm>>
        tpu.wait_indirect_dma semaphore(%arg19 : memref<!tpu.dma_semaphore, #tpu.memory_space<semaphore_mem>>) src(%dma_wait3A_397 : memref<10000x128xf32, #tpu.memory_space<hbm>>) dst(%arg16 : memref<128x128xf32, #tpu.memory_space<vmem>>)
        %scan3A_398 = arith.constant 0 : i32
        %scan3A_399 = arith.constant 128 : i32
        %scan3A_400 = arith.addi %scan3A_398, %scan3A_399 : i32
        %scan3A_401 = arith.constant 1 : i32
        scf.for %scan3A_403 = %scan3A_398 to %scan3A_400 step %scan3A_401  : i32 {
          %broadcast_in_dim3A_404 = vector.broadcast %scan3A_403 : i32 to vector<16xi32>
          %gather3A_405 = tpu.vector_load_idx %arg15[%broadcast_in_dim3A_81, %broadcast_in_dim3A_404] : memref<1x128xf32, #tpu.memory_space<vmem>>[vector<16xi32>, vector<16xi32>], vector<16xf32>,
          %get3A_406 = arith.index_cast %scan3A_403 : i32 to index
          %get3A_407 = arith.constant 0 : index
          %get3A_408 = tpu.vector_load %arg16[%get3A_406, %get3A_407] {strides = array<i32>} : memref<128x128xf32, #tpu.memory_space<vmem>>, vector<16xf32>,
          %mul3A_409 = arith.mulf %get3A_408, %gather3A_405 : vector<16xf32>
          %swap3A_410 = arith.index_cast %scan3A_403 : i32 to index
          %swap3A_411 = arith.constant 0 : index
          %swap3A_412 = tpu.vector_load %arg16[%swap3A_410, %swap3A_411] {strides = array<i32>} : memref<128x128xf32, #tpu.memory_space<vmem>>, vector<16xf32>,
          tpu.vector_store %arg16[%swap3A_410, %swap3A_411], %mul3A_409 {strides = array<i32>} : memref<128x128xf32, #tpu.memory_space<vmem>>, vector<16xf32>,
          %get3A_413 = arith.index_cast %scan3A_403 : i32 to index
          %get3A_414 = arith.constant 16 : index
          %get3A_415 = tpu.vector_load %arg16[%get3A_413, %get3A_414] {strides = array<i32>} : memref<128x128xf32, #tpu.memory_space<vmem>>, vector<16xf32>,
          %mul3A_416 = arith.mulf %get3A_415, %gather3A_405 : vector<16xf32>
          %swap3A_417 = arith.index_cast %scan3A_403 : i32 to index
          %swap3A_418 = arith.constant 16 : index
          %swap3A_419 = tpu.vector_load %arg16[%swap3A_417, %swap3A_418] {strides = array<i32>} : memref<128x128xf32, #tpu.memory_space<vmem>>, vector<16xf32>,
          tpu.vector_store %arg16[%swap3A_417, %swap3A_418], %mul3A_416 {strides = array<i32>} : memref<128x128xf32, #tpu.memory_space<vmem>>, vector<16xf32>,
          %get3A_420 = arith.index_cast %scan3A_403 : i32 to index
          %get3A_421 = arith.constant 32 : index
          %get3A_422 = tpu.vector_load %arg16[%get3A_420, %get3A_421] {strides = array<i32>} : memref<128x128xf32, #tpu.memory_space<vmem>>, vector<16xf32>,
          %mul3A_423 = arith.mulf %get3A_422, %gather3A_405 : vector<16xf32>
          %swap3A_424 = arith.index_cast %scan3A_403 : i32 to index
          %swap3A_425 = arith.constant 32 : index
          %swap3A_426 = tpu.vector_load %arg16[%swap3A_424, %swap3A_425] {strides = array<i32>} : memref<128x128xf32, #tpu.memory_space<vmem>>, vector<16xf32>,
          tpu.vector_store %arg16[%swap3A_424, %swap3A_425], %mul3A_423 {strides = array<i32>} : memref<128x128xf32, #tpu.memory_space<vmem>>, vector<16xf32>,
          %get3A_427 = arith.index_cast %scan3A_403 : i32 to index
          %get3A_428 = arith.constant 48 : index
          %get3A_429 = tpu.vector_load %arg16[%get3A_427, %get3A_428] {strides = array<i32>} : memref<128x128xf32, #tpu.memory_space<vmem>>, vector<16xf32>,
          %mul3A_430 = arith.mulf %get3A_429, %gather3A_405 : vector<16xf32>
          %swap3A_431 = arith.index_cast %scan3A_403 : i32 to index
          %swap3A_432 = arith.constant 48 : index
          %swap3A_433 = tpu.vector_load %arg16[%swap3A_431, %swap3A_432] {strides = array<i32>} : memref<128x128xf32, #tpu.memory_space<vmem>>, vector<16xf32>,
          tpu.vector_store %arg16[%swap3A_431, %swap3A_432], %mul3A_430 {strides = array<i32>} : memref<128x128xf32, #tpu.memory_space<vmem>>, vector<16xf32>,
          %get3A_434 = arith.index_cast %scan3A_403 : i32 to index
          %get3A_435 = arith.constant 64 : index
          %get3A_436 = tpu.vector_load %arg16[%get3A_434, %get3A_435] {strides = array<i32>} : memref<128x128xf32, #tpu.memory_space<vmem>>, vector<16xf32>,
          %mul3A_437 = arith.mulf %get3A_436, %gather3A_405 : vector<16xf32>
          %swap3A_438 = arith.index_cast %scan3A_403 : i32 to index
          %swap3A_439 = arith.constant 64 : index
          %swap3A_440 = tpu.vector_load %arg16[%swap3A_438, %swap3A_439] {strides = array<i32>} : memref<128x128xf32, #tpu.memory_space<vmem>>, vector<16xf32>,
          tpu.vector_store %arg16[%swap3A_438, %swap3A_439], %mul3A_437 {strides = array<i32>} : memref<128x128xf32, #tpu.memory_space<vmem>>, vector<16xf32>,
          %get3A_441 = arith.index_cast %scan3A_403 : i32 to index
          %get3A_442 = arith.constant 80 : index
          %get3A_443 = tpu.vector_load %arg16[%get3A_441, %get3A_442] {strides = array<i32>} : memref<128x128xf32, #tpu.memory_space<vmem>>, vector<16xf32>,
          %mul3A_444 = arith.mulf %get3A_443, %gather3A_405 : vector<16xf32>
          %swap3A_445 = arith.index_cast %scan3A_403 : i32 to index
          %swap3A_446 = arith.constant 80 : index
          %swap3A_447 = tpu.vector_load %arg16[%swap3A_445, %swap3A_446] {strides = array<i32>} : memref<128x128xf32, #tpu.memory_space<vmem>>, vector<16xf32>,
          tpu.vector_store %arg16[%swap3A_445, %swap3A_446], %mul3A_444 {strides = array<i32>} : memref<128x128xf32, #tpu.memory_space<vmem>>, vector<16xf32>,
          %get3A_448 = arith.index_cast %scan3A_403 : i32 to index
          %get3A_449 = arith.constant 96 : index
          %get3A_450 = tpu.vector_load %arg16[%get3A_448, %get3A_449] {strides = array<i32>} : memref<128x128xf32, #tpu.memory_space<vmem>>, vector<16xf32>,
          %mul3A_451 = arith.mulf %get3A_450, %gather3A_405 : vector<16xf32>
          %swap3A_452 = arith.index_cast %scan3A_403 : i32 to index
          %swap3A_453 = arith.constant 96 : index
          %swap3A_454 = tpu.vector_load %arg16[%swap3A_452, %swap3A_453] {strides = array<i32>} : memref<128x128xf32, #tpu.memory_space<vmem>>, vector<16xf32>,
          tpu.vector_store %arg16[%swap3A_452, %swap3A_453], %mul3A_451 {strides = array<i32>} : memref<128x128xf32, #tpu.memory_space<vmem>>, vector<16xf32>,
          %get3A_455 = arith.index_cast %scan3A_403 : i32 to index
          %get3A_456 = arith.constant 112 : index
          %get3A_457 = tpu.vector_load %arg16[%get3A_455, %get3A_456] {strides = array<i32>} : memref<128x128xf32, #tpu.memory_space<vmem>>, vector<16xf32>,
          %mul3A_458 = arith.mulf %get3A_457, %gather3A_405 : vector<16xf32>
          %swap3A_459 = arith.index_cast %scan3A_403 : i32 to index
          %swap3A_460 = arith.constant 112 : index
          %swap3A_461 = tpu.vector_load %arg16[%swap3A_459, %swap3A_460] {strides = array<i32>} : memref<128x128xf32, #tpu.memory_space<vmem>>, vector<16xf32>,
          tpu.vector_store %arg16[%swap3A_459, %swap3A_460], %mul3A_458 {strides = array<i32>} : memref<128x128xf32, #tpu.memory_space<vmem>>, vector<16xf32>,
        }
        %scan3A_402 = arith.constant 128 : i32
        "tpu.region"() ({
          %run_scoped3A_403 = tpu.sem_alloc : memref<!tpu.dma_semaphore, #tpu.memory_space<semaphore_mem>>
          %dma_start3A_404 = arith.constant 0 : i32
          %dma_start3A_405 = tpu.memref_slice %arg11[%scan3A_119, %dma_start3A_404] : memref<32x128xi32, #tpu.memory_space<vmem>> -> memref<1x128xi32, #tpu.memory_space<vmem>>
          %dma_start3A_406 = tpu.memref_squeeze %dma_start3A_405 : memref<1x128xi32, #tpu.memory_space<vmem>> -> memref<128xi32, #tpu.memory_space<vmem>>
          %dma_start3A_407 = arith.constant 0 : i32
          %dma_start3A_408 = arith.constant 0 : i32
          %dma_start3A_409 = tpu.memref_slice %arg17[%dma_start3A_407, %dma_start3A_408] : memref<10240x128xf32, #tpu.memory_space<vmem_shared>> -> memref<10240x128xf32, #tpu.memory_space<vmem_shared>>
          tpu.enqueue_indirect_dma source(%arg16 : memref<128x128xf32, #tpu.memory_space<vmem>>) target(%dma_start3A_409 : memref<10240x128xf32, #tpu.memory_space<vmem_shared>>) offsets(%dma_start3A_406 : memref<128xi32, #tpu.memory_space<vmem>>) semaphore(%run_scoped3A_403 : memref<!tpu.dma_semaphore, #tpu.memory_space<semaphore_mem>>) {add = true}
          %dma_wait3A_410 = arith.constant 0 : i32
          %dma_wait3A_411 = tpu.memref_slice %arg11[%scan3A_119, %dma_wait3A_410] : memref<32x128xi32, #tpu.memory_space<vmem>> -> memref<1x128xi32, #tpu.memory_space<vmem>>
          %dma_wait3A_412 = tpu.memref_squeeze %dma_wait3A_411 : memref<1x128xi32, #tpu.memory_space<vmem>> -> memref<128xi32, #tpu.memory_space<vmem>>
          %dma_wait3A_413 = arith.constant 0 : i32
          %dma_wait3A_414 = arith.constant 0 : i32
          %dma_wait3A_415 = tpu.memref_slice %arg17[%dma_wait3A_413, %dma_wait3A_414] : memref<10240x128xf32, #tpu.memory_space<vmem_shared>> -> memref<10240x128xf32, #tpu.memory_space<vmem_shared>>
          tpu.wait_indirect_dma semaphore(%run_scoped3A_403 : memref<!tpu.dma_semaphore, #tpu.memory_space<semaphore_mem>>) src(%arg16 : memref<128x128xf32, #tpu.memory_space<vmem>>) dst(%dma_wait3A_415 : memref<10240x128xf32, #tpu.memory_space<vmem_shared>>)
          tpu.yield
        }) : () -> ()
      }
      %scan3A_118 = arith.constant 32 : i32
    }
    %barrier3A_101 = arith.constant 0 : index
    tpu.barrier barrier_id(%barrier3A_101)
    %mul3A_102 = arith.constant 640 : i32
    %mul3A_103 = arith.muli %arg1, %mul3A_102 : i32
    %mul3A_104 = arith.constant 640 : i32
    %mul3A_105 = arith.muli %arg1, %mul3A_104 : i32
    "tpu.region"() ({
      %run_scoped3A_110 = tpu.sem_alloc : memref<!tpu.dma_semaphore, #tpu.memory_space<semaphore_mem>>
      %dma_start3A = arith.constant 0 : i32
      %dma_start3A_111 = tpu.memref_slice %arg8[%arg0, %mul3A_105, %dma_start3A] : memref<2x10240x128xf32, #tpu.memory_space<hbm>> -> memref<1x640x128xf32, #tpu.memory_space<hbm>>
      %dma_start3A_112 = tpu.memref_squeeze %dma_start3A_111 : memref<1x640x128xf32, #tpu.memory_space<hbm>> -> memref<640x128xf32, #tpu.memory_space<hbm>>
      %dma_start3A_113 = arith.constant 0 : i32
      %dma_start3A_114 = tpu.memref_slice %arg17[%mul3A_103, %dma_start3A_113] : memref<10240x128xf32, #tpu.memory_space<vmem_shared>> -> memref<640x128xf32, #tpu.memory_space<vmem_shared>>
      tpu.enqueue_dma source(%dma_start3A_114 : memref<640x128xf32, #tpu.memory_space<vmem_shared>>) target(%dma_start3A_112 : memref<640x128xf32, #tpu.memory_space<hbm>>) target_semaphore(%run_scoped3A_110 : memref<!tpu.dma_semaphore, #tpu.memory_space<semaphore_mem>>)
      %dma_wait3A = arith.constant 0 : i32
      %dma_wait3A_115 = tpu.memref_slice %arg8[%arg0, %mul3A_105, %dma_wait3A] : memref<2x10240x128xf32, #tpu.memory_space<hbm>> -> memref<1x640x128xf32, #tpu.memory_space<hbm>>
      %dma_wait3A_116 = tpu.memref_squeeze %dma_wait3A_115 : memref<1x640x128xf32, #tpu.memory_space<hbm>> -> memref<640x128xf32, #tpu.memory_space<hbm>>
      %dma_wait3A_117 = arith.constant 0 : i32
      %dma_wait3A_118 = tpu.memref_slice %arg17[%mul3A_103, %dma_wait3A_117] : memref<10240x128xf32, #tpu.memory_space<vmem_shared>> -> memref<640x128xf32, #tpu.memory_space<vmem_shared>>
      tpu.wait_dma2 semaphore(%run_scoped3A_110 : memref<!tpu.dma_semaphore, #tpu.memory_space<semaphore_mem>>) src(%dma_wait3A_118 : memref<640x128xf32, #tpu.memory_space<vmem_shared>>) dst(%dma_wait3A_116 : memref<640x128xf32, #tpu.memory_space<hbm>>)
      tpu.yield
    }) : () -> ()
    %mul3A_106 = arith.constant 640 : i32
    %mul3A_107 = arith.muli %arg1, %mul3A_106 : i32
    %mul3A_108 = arith.constant 640 : i32
    %mul3A_109 = arith.muli %arg1, %mul3A_108 : i32
    "tpu.region"() ({
      %run_scoped3A_110 = tpu.sem_alloc : memref<!tpu.dma_semaphore, #tpu.memory_space<semaphore_mem>>
      %dma_start3A = tpu.memref_slice %arg9[%arg0, %mul3A_109] : memref<2x10240xf32, #tpu.memory_space<hbm>> -> memref<1x640xf32, #tpu.memory_space<hbm>>
      %dma_start3A_111 = tpu.memref_squeeze %dma_start3A : memref<1x640xf32, #tpu.memory_space<hbm>> -> memref<640xf32, #tpu.memory_space<hbm>>
      %dma_start3A_112 = tpu.memref_slice %arg18[%mul3A_107] : memref<10240xf32, #tpu.memory_space<vmem_shared>> -> memref<640xf32, #tpu.memory_space<vmem_shared>>
      tpu.enqueue_dma source(%dma_start3A_112 : memref<640xf32, #tpu.memory_space<vmem_shared>>) target(%dma_start3A_111 : memref<640xf32, #tpu.memory_space<hbm>>) target_semaphore(%run_scoped3A_110 : memref<!tpu.dma_semaphore, #tpu.memory_space<semaphore_mem>>)
      %dma_wait3A = tpu.memref_slice %arg9[%arg0, %mul3A_109] : memref<2x10240xf32, #tpu.memory_space<hbm>> -> memref<1x640xf32, #tpu.memory_space<hbm>>
      %dma_wait3A_113 = tpu.memref_squeeze %dma_wait3A : memref<1x640xf32, #tpu.memory_space<hbm>> -> memref<640xf32, #tpu.memory_space<hbm>>
      %dma_wait3A_114 = tpu.memref_slice %arg18[%mul3A_107] : memref<10240xf32, #tpu.memory_space<vmem_shared>> -> memref<640xf32, #tpu.memory_space<vmem_shared>>
      tpu.wait_dma2 semaphore(%run_scoped3A_110 : memref<!tpu.dma_semaphore, #tpu.memory_space<semaphore_mem>>) src(%dma_wait3A_114 : memref<640xf32, #tpu.memory_space<vmem_shared>>) dst(%dma_wait3A_113 : memref<640xf32, #tpu.memory_space<hbm>>)
      tpu.yield
    }) : () -> ()
    return
  }
}

module attributes {stable_mosaic.version = 14 : i64} {
  func.func @_mlp_body(%arg0: i32, %arg1: memref<2x1000x128xf32, #tpu.memory_space<vmem>>, %arg2: memref<128x128xf32, #tpu.memory_space<vmem>>, %arg3: memref<1x128xf32, #tpu.memory_space<vmem>>, %arg4: memref<128x128xf32, #tpu.memory_space<vmem>>, %arg5: memref<1x128xf32, #tpu.memory_space<vmem>>, %arg6: memref<128x128xf32, #tpu.memory_space<vmem>>, %arg7: memref<1x128xf32, #tpu.memory_space<vmem>>, %arg8: memref<1000x128xf32, #tpu.memory_space<vmem>>, %arg9: memref<1x128xf32, #tpu.memory_space<vmem>>, %arg10: memref<1x128xf32, #tpu.memory_space<vmem>>) attributes {dimension_semantics = [#tpu.dimension_semantics<arbitrary>], iteration_bounds = array<i64: 10>, scalar_prefetch = 0 : i64, scratch_operands = 0 : i64, tpu.core_type = #tpu.core_type<tc>, window_params = [{transform_indices = @transform_0, window_bounds = array<i64: 2, 1000, 128>}, {pipeline_mode = #tpu.pipeline_mode<synchronous>, transform_indices = @transform_1, window_bounds = array<i64: 128, 128>}, {pipeline_mode = #tpu.pipeline_mode<synchronous>, transform_indices = @transform_2, window_bounds = array<i64: 1, 128>}, {pipeline_mode = #tpu.pipeline_mode<synchronous>, transform_indices = @transform_3, window_bounds = array<i64: 128, 128>}, {pipeline_mode = #tpu.pipeline_mode<synchronous>, transform_indices = @transform_4, window_bounds = array<i64: 1, 128>}, {pipeline_mode = #tpu.pipeline_mode<synchronous>, transform_indices = @transform_5, window_bounds = array<i64: 128, 128>}, {pipeline_mode = #tpu.pipeline_mode<synchronous>, transform_indices = @transform_6, window_bounds = array<i64: 1, 128>}, {transform_indices = @transform_7, window_bounds = array<i64: 1000, 128>}, {pipeline_mode = #tpu.pipeline_mode<synchronous>, transform_indices = @transform_8, window_bounds = array<i64: 1, 128>}, {pipeline_mode = #tpu.pipeline_mode<synchronous>, transform_indices = @transform_9, window_bounds = array<i64: 1, 128>}]} {
    %get3A = arith.constant 0 : index
    %get3A_0 = arith.constant 0 : index
    %get3A_1 = arith.constant 0 : index
    %get3A_2 = vector.load %arg1[%get3A, %get3A_0, %get3A_1] : memref<2x1000x128xf32, #tpu.memory_space<vmem>>, vector<1x1000x128xf32>
    %get3A_3 = vector.shape_cast %get3A_2 : vector<1x1000x128xf32> to vector<1000x128xf32>
    %get3A_4 = arith.constant 1 : index
    %get3A_5 = arith.constant 0 : index
    %get3A_6 = arith.constant 0 : index
    %get3A_7 = vector.load %arg1[%get3A_4, %get3A_5, %get3A_6] : memref<2x1000x128xf32, #tpu.memory_space<vmem>>, vector<1x1000x128xf32>
    %get3A_8 = vector.shape_cast %get3A_7 : vector<1x1000x128xf32> to vector<1000x128xf32>
    %add3A = arith.addf %get3A_3, %get3A_8 : vector<1000x128xf32>
    %get3A_9 = arith.constant 0 : index
    %get3A_10 = arith.constant 0 : index
    %get3A_11 = vector.load %arg2[%get3A_9, %get3A_10] : memref<128x128xf32, #tpu.memory_space<vmem>>, vector<128x128xf32>
    %dot_general3A = arith.constant dense<0.000000e+00> : vector<1000x128xf32>
    %dot_general3A_12 = tpu.matmul %add3A, %get3A_11, %dot_general3A {dimension_numbers = #tpu.dot_dimension_numbers<[1], [1], [0], [0], [0, 0, 1, 0], [], []>, transpose_lhs_hint = false} : vector<1000x128xf32>, vector<128x128xf32>, vector<1000x128xf32> -> vector<1000x128xf32>
    %get3A_13 = arith.constant 0 : index
    %get3A_14 = arith.constant 0 : index
    %get3A_15 = vector.load %arg3[%get3A_13, %get3A_14] : memref<1x128xf32, #tpu.memory_space<vmem>>, vector<1x128xf32>
    %add3A_16 = vector.broadcast %get3A_15 : vector<1x128xf32> to vector<1000x128xf32>
    %add3A_17 = arith.addf %dot_general3A_12, %add3A_16 : vector<1000x128xf32>
    %max3A = arith.constant 0.000000e+00 : f32
    %max3A_18 = vector.broadcast %max3A : f32 to vector<1000x128xf32>
    %max3A_19 = arith.maximumf %add3A_17, %max3A_18 : vector<1000x128xf32>
    %get3A_20 = arith.constant 0 : index
    %get3A_21 = arith.constant 0 : index
    %get3A_22 = vector.load %arg4[%get3A_20, %get3A_21] : memref<128x128xf32, #tpu.memory_space<vmem>>, vector<128x128xf32>
    %dot_general3A_23 = arith.constant dense<0.000000e+00> : vector<1000x128xf32>
    %dot_general3A_24 = tpu.matmul %max3A_19, %get3A_22, %dot_general3A_23 {dimension_numbers = #tpu.dot_dimension_numbers<[1], [1], [0], [0], [0, 0, 1, 0], [], []>, transpose_lhs_hint = false} : vector<1000x128xf32>, vector<128x128xf32>, vector<1000x128xf32> -> vector<1000x128xf32>
    %get3A_25 = arith.constant 0 : index
    %get3A_26 = arith.constant 0 : index
    %get3A_27 = vector.load %arg5[%get3A_25, %get3A_26] : memref<1x128xf32, #tpu.memory_space<vmem>>, vector<1x128xf32>
    %add3A_28 = vector.broadcast %get3A_27 : vector<1x128xf32> to vector<1000x128xf32>
    %add3A_29 = arith.addf %dot_general3A_24, %add3A_28 : vector<1000x128xf32>
    %max3A_30 = arith.constant 0.000000e+00 : f32
    %max3A_31 = vector.broadcast %max3A_30 : f32 to vector<1000x128xf32>
    %max3A_32 = arith.maximumf %add3A_29, %max3A_31 : vector<1000x128xf32>
    %get3A_33 = arith.constant 0 : index
    %get3A_34 = arith.constant 0 : index
    %get3A_35 = vector.load %arg6[%get3A_33, %get3A_34] : memref<128x128xf32, #tpu.memory_space<vmem>>, vector<128x128xf32>
    %dot_general3A_36 = arith.constant dense<0.000000e+00> : vector<1000x128xf32>
    %dot_general3A_37 = tpu.matmul %max3A_32, %get3A_35, %dot_general3A_36 {dimension_numbers = #tpu.dot_dimension_numbers<[1], [1], [0], [0], [0, 0, 1, 0], [], []>, transpose_lhs_hint = false} : vector<1000x128xf32>, vector<128x128xf32>, vector<1000x128xf32> -> vector<1000x128xf32>
    %get3A_38 = arith.constant 0 : index
    %get3A_39 = arith.constant 0 : index
    %get3A_40 = vector.load %arg7[%get3A_38, %get3A_39] : memref<1x128xf32, #tpu.memory_space<vmem>>, vector<1x128xf32>
    %add3A_41 = vector.broadcast %get3A_40 : vector<1x128xf32> to vector<1000x128xf32>
    %add3A_42 = arith.addf %dot_general3A_37, %add3A_41 : vector<1000x128xf32>
    %swap3A = arith.constant 0 : index
    %swap3A_43 = arith.constant 0 : index
    %swap3A_44 = vector.load %arg8[%swap3A, %swap3A_43] : memref<1000x128xf32, #tpu.memory_space<vmem>>, vector<1000x128xf32>
    tpu.vector_store %arg8[%swap3A, %swap3A_43], %add3A_42 {strides = array<i32>} : memref<1000x128xf32, #tpu.memory_space<vmem>>, vector<1000x128xf32>,
    %eq3A = arith.constant 0 : i32
    %eq3A_45 = arith.cmpi eq, %arg0, %eq3A : i32
    %convert_element_type3A = arith.extui %eq3A_45 : i1 to i32
    %cond3A = arith.constant 0 : i32
    %cond3A_46 = arith.cmpi ne, %convert_element_type3A, %cond3A : i32
    scf.if %cond3A_46 {
      %broadcast_in_dim3A_65 = arith.constant 0.000000e+00 : f32
      %broadcast_in_dim3A_66 = vector.broadcast %broadcast_in_dim3A_65 : f32 to vector<1x128xf32>
      %swap3A_67 = arith.constant 0 : index
      %swap3A_68 = arith.constant 0 : index
      %swap3A_69 = vector.load %arg9[%swap3A_67, %swap3A_68] : memref<1x128xf32, #tpu.memory_space<vmem>>, vector<1x128xf32>
      tpu.vector_store %arg9[%swap3A_67, %swap3A_68], %broadcast_in_dim3A_66 {strides = array<i32>} : memref<1x128xf32, #tpu.memory_space<vmem>>, vector<1x128xf32>,
      %broadcast_in_dim3A_70 = arith.constant 0.000000e+00 : f32
      %broadcast_in_dim3A_71 = vector.broadcast %broadcast_in_dim3A_70 : f32 to vector<1x128xf32>
      %swap3A_72 = arith.constant 0 : index
      %swap3A_73 = arith.constant 0 : index
      %swap3A_74 = vector.load %arg10[%swap3A_72, %swap3A_73] : memref<1x128xf32, #tpu.memory_space<vmem>>, vector<1x128xf32>
      tpu.vector_store %arg10[%swap3A_72, %swap3A_73], %broadcast_in_dim3A_71 {strides = array<i32>} : memref<1x128xf32, #tpu.memory_space<vmem>>, vector<1x128xf32>,
    } else {
    }
    %get3A_47 = arith.constant 0 : index
    %get3A_48 = arith.constant 0 : index
    %get3A_49 = vector.load %arg9[%get3A_47, %get3A_48] : memref<1x128xf32, #tpu.memory_space<vmem>>, vector<1x128xf32>
    %reduce_sum3A = arith.constant dense<0.000000e+00> : vector<128xf32>
    %reduce_sum3A_50 = vector.multi_reduction <add>, %add3A_42, %reduce_sum3A [0] : vector<1000x128xf32> to vector<128xf32>
    %broadcast_in_dim3A = vector.shape_cast %reduce_sum3A_50 : vector<128xf32> to vector<1x128xf32>
    %add3A_51 = arith.addf %get3A_49, %broadcast_in_dim3A : vector<1x128xf32>
    %swap3A_52 = arith.constant 0 : index
    %swap3A_53 = arith.constant 0 : index
    %swap3A_54 = vector.load %arg9[%swap3A_52, %swap3A_53] : memref<1x128xf32, #tpu.memory_space<vmem>>, vector<1x128xf32>
    tpu.vector_store %arg9[%swap3A_52, %swap3A_53], %add3A_51 {strides = array<i32>} : memref<1x128xf32, #tpu.memory_space<vmem>>, vector<1x128xf32>,
    %get3A_55 = arith.constant 0 : index
    %get3A_56 = arith.constant 0 : index
    %get3A_57 = vector.load %arg10[%get3A_55, %get3A_56] : memref<1x128xf32, #tpu.memory_space<vmem>>, vector<1x128xf32>
    %mul3A = arith.mulf %add3A_42, %add3A_42 : vector<1000x128xf32>
    %reduce_sum3A_58 = arith.constant dense<0.000000e+00> : vector<128xf32>
    %reduce_sum3A_59 = vector.multi_reduction <add>, %mul3A, %reduce_sum3A_58 [0] : vector<1000x128xf32> to vector<128xf32>
    %broadcast_in_dim3A_60 = vector.shape_cast %reduce_sum3A_59 : vector<128xf32> to vector<1x128xf32>
    %add3A_61 = arith.addf %get3A_57, %broadcast_in_dim3A_60 : vector<1x128xf32>
    %swap3A_62 = arith.constant 0 : index
    %swap3A_63 = arith.constant 0 : index
    %swap3A_64 = vector.load %arg10[%swap3A_62, %swap3A_63] : memref<1x128xf32, #tpu.memory_space<vmem>>, vector<1x128xf32>
    tpu.vector_store %arg10[%swap3A_62, %swap3A_63], %add3A_61 {strides = array<i32>} : memref<1x128xf32, #tpu.memory_space<vmem>>, vector<1x128xf32>,
    return
  }
  func.func @transform_0(%arg0: i32) -> (i32, i32, i32) {
    %c0_i32 = arith.constant 0 : i32
    %c0_i32_0 = arith.constant 0 : i32
    %c0_i32_1 = arith.constant 0 : i32
    return %c0_i32, %arg0, %c0_i32_0 : i32, i32, i32
  }
  func.func @transform_1(%arg0: i32) -> (i32, i32) {
    %c0_i32 = arith.constant 0 : i32
    %c0_i32_0 = arith.constant 0 : i32
    %c0_i32_1 = arith.constant 0 : i32
    return %c0_i32, %c0_i32_0 : i32, i32
  }
  func.func @transform_2(%arg0: i32) -> (i32, i32) {
    %c0_i32 = arith.constant 0 : i32
    %c0_i32_0 = arith.constant 0 : i32
    %c0_i32_1 = arith.constant 0 : i32
    return %c0_i32, %c0_i32_0 : i32, i32
  }
  func.func @transform_3(%arg0: i32) -> (i32, i32) {
    %c0_i32 = arith.constant 0 : i32
    %c0_i32_0 = arith.constant 0 : i32
    %c0_i32_1 = arith.constant 0 : i32
    return %c0_i32, %c0_i32_0 : i32, i32
  }
  func.func @transform_4(%arg0: i32) -> (i32, i32) {
    %c0_i32 = arith.constant 0 : i32
    %c0_i32_0 = arith.constant 0 : i32
    %c0_i32_1 = arith.constant 0 : i32
    return %c0_i32, %c0_i32_0 : i32, i32
  }
  func.func @transform_5(%arg0: i32) -> (i32, i32) {
    %c0_i32 = arith.constant 0 : i32
    %c0_i32_0 = arith.constant 0 : i32
    %c0_i32_1 = arith.constant 0 : i32
    return %c0_i32, %c0_i32_0 : i32, i32
  }
  func.func @transform_6(%arg0: i32) -> (i32, i32) {
    %c0_i32 = arith.constant 0 : i32
    %c0_i32_0 = arith.constant 0 : i32
    %c0_i32_1 = arith.constant 0 : i32
    return %c0_i32, %c0_i32_0 : i32, i32
  }
  func.func @transform_7(%arg0: i32) -> (i32, i32) {
    %c0_i32 = arith.constant 0 : i32
    %c0_i32_0 = arith.constant 0 : i32
    return %arg0, %c0_i32 : i32, i32
  }
  func.func @transform_8(%arg0: i32) -> (i32, i32) {
    %c0_i32 = arith.constant 0 : i32
    %c0_i32_0 = arith.constant 0 : i32
    %c0_i32_1 = arith.constant 0 : i32
    return %c0_i32, %c0_i32_0 : i32, i32
  }
  func.func @transform_9(%arg0: i32) -> (i32, i32) {
    %c0_i32 = arith.constant 0 : i32
    %c0_i32_0 = arith.constant 0 : i32
    %c0_i32_1 = arith.constant 0 : i32
    return %c0_i32, %c0_i32_0 : i32, i32
  }
}

module attributes {stable_mosaic.version = 14 : i64} {
  func.func @_bn_gat_body(%arg0: i32, %arg1: memref<1000x128xf32, #tpu.memory_space<vmem>>, %arg2: memref<1x128xf32, #tpu.memory_space<vmem>>, %arg3: memref<1x128xf32, #tpu.memory_space<vmem>>, %arg4: memref<1x128xf32, #tpu.memory_space<vmem>>, %arg5: memref<1x128xf32, #tpu.memory_space<vmem>>, %arg6: memref<128x128xf32, #tpu.memory_space<vmem>>, %arg7: memref<1x128xf32, #tpu.memory_space<vmem>>, %arg8: memref<1x128xf32, #tpu.memory_space<vmem>>, %arg9: memref<1000x128xf32, #tpu.memory_space<vmem>>, %arg10: memref<10x1000xf32, #tpu.memory_space<vmem>>, %arg11: memref<10x1000xf32, #tpu.memory_space<vmem>>, %arg12: memref<1x128xf32, #tpu.memory_space<vmem>>, %arg13: memref<1x128xf32, #tpu.memory_space<vmem>>, %arg14: memref<1x128xf32, #tpu.memory_space<vmem>>) attributes {dimension_semantics = [#tpu.dimension_semantics<arbitrary>], iteration_bounds = array<i64: 10>, scalar_prefetch = 0 : i64, scratch_operands = 0 : i64, tpu.core_type = #tpu.core_type<tc>, window_params = [{transform_indices = @transform_0, window_bounds = array<i64: 1000, 128>}, {pipeline_mode = #tpu.pipeline_mode<synchronous>, transform_indices = @transform_1, window_bounds = array<i64: 1, 128>}, {pipeline_mode = #tpu.pipeline_mode<synchronous>, transform_indices = @transform_2, window_bounds = array<i64: 1, 128>}, {pipeline_mode = #tpu.pipeline_mode<synchronous>, transform_indices = @transform_3, window_bounds = array<i64: 1, 128>}, {pipeline_mode = #tpu.pipeline_mode<synchronous>, transform_indices = @transform_4, window_bounds = array<i64: 1, 128>}, {pipeline_mode = #tpu.pipeline_mode<synchronous>, transform_indices = @transform_5, window_bounds = array<i64: 128, 128>}, {pipeline_mode = #tpu.pipeline_mode<synchronous>, transform_indices = @transform_6, window_bounds = array<i64: 1, 128>}, {pipeline_mode = #tpu.pipeline_mode<synchronous>, transform_indices = @transform_7, window_bounds = array<i64: 1, 128>}, {transform_indices = @transform_8, window_bounds = array<i64: 1000, 128>}, {pipeline_mode = #tpu.pipeline_mode<synchronous>, transform_indices = @transform_9, window_bounds = array<i64: 10, 1000>}, {pipeline_mode = #tpu.pipeline_mode<synchronous>, transform_indices = @transform_10, window_bounds = array<i64: 10, 1000>}, {pipeline_mode = #tpu.pipeline_mode<synchronous>, transform_indices = @transform_11, window_bounds = array<i64: 1, 128>}, {pipeline_mode = #tpu.pipeline_mode<synchronous>, transform_indices = @transform_12, window_bounds = array<i64: 1, 128>}, {pipeline_mode = #tpu.pipeline_mode<synchronous>, transform_indices = @transform_13, window_bounds = array<i64: 1, 128>}]} {
    %get3A = arith.constant 0 : index
    %get3A_0 = arith.constant 0 : index
    %get3A_1 = vector.load %arg2[%get3A, %get3A_0] : memref<1x128xf32, #tpu.memory_space<vmem>>, vector<1x128xf32>
    %div3A = arith.constant 1.000000e+04 : f32
    %div3A_2 = vector.broadcast %div3A : f32 to vector<1x128xf32>
    %div3A_3 = arith.divf %get3A_1, %div3A_2 : vector<1x128xf32>
    %get3A_4 = arith.constant 0 : index
    %get3A_5 = arith.constant 0 : index
    %get3A_6 = vector.load %arg3[%get3A_4, %get3A_5] : memref<1x128xf32, #tpu.memory_space<vmem>>, vector<1x128xf32>
    %div3A_7 = arith.constant 1.000000e+04 : f32
    %div3A_8 = vector.broadcast %div3A_7 : f32 to vector<1x128xf32>
    %div3A_9 = arith.divf %get3A_6, %div3A_8 : vector<1x128xf32>
    %mul3A = arith.mulf %div3A_3, %div3A_3 : vector<1x128xf32>
    %sub3A = arith.subf %div3A_9, %mul3A : vector<1x128xf32>
    %get3A_10 = arith.constant 0 : index
    %get3A_11 = arith.constant 0 : index
    %get3A_12 = vector.load %arg1[%get3A_10, %get3A_11] : memref<1000x128xf32, #tpu.memory_space<vmem>>, vector<1000x128xf32>
    %sub3A_13 = vector.broadcast %div3A_3 : vector<1x128xf32> to vector<1000x128xf32>
    %sub3A_14 = arith.subf %get3A_12, %sub3A_13 : vector<1000x128xf32>
    %add3A = arith.constant 9.99999974E-6 : f32
    %add3A_15 = vector.broadcast %add3A : f32 to vector<1x128xf32>
    %add3A_16 = arith.addf %sub3A, %add3A_15 : vector<1x128xf32>
    %rsqrt3A = math.rsqrt %add3A_16 : vector<1x128xf32>
    %mul3A_17 = vector.broadcast %rsqrt3A : vector<1x128xf32> to vector<1000x128xf32>
    %mul3A_18 = arith.mulf %sub3A_14, %mul3A_17 : vector<1000x128xf32>
    %get3A_19 = arith.constant 0 : index
    %get3A_20 = arith.constant 0 : index
    %get3A_21 = vector.load %arg4[%get3A_19, %get3A_20] : memref<1x128xf32, #tpu.memory_space<vmem>>, vector<1x128xf32>
    %mul3A_22 = vector.broadcast %get3A_21 : vector<1x128xf32> to vector<1000x128xf32>
    %mul3A_23 = arith.mulf %mul3A_18, %mul3A_22 : vector<1000x128xf32>
    %get3A_24 = arith.constant 0 : index
    %get3A_25 = arith.constant 0 : index
    %get3A_26 = vector.load %arg5[%get3A_24, %get3A_25] : memref<1x128xf32, #tpu.memory_space<vmem>>, vector<1x128xf32>
    %add3A_27 = vector.broadcast %get3A_26 : vector<1x128xf32> to vector<1000x128xf32>
    %add3A_28 = arith.addf %mul3A_23, %add3A_27 : vector<1000x128xf32>
    %get3A_29 = arith.constant 0 : index
    %get3A_30 = arith.constant 0 : index
    %get3A_31 = vector.load %arg6[%get3A_29, %get3A_30] : memref<128x128xf32, #tpu.memory_space<vmem>>, vector<128x128xf32>
    %dot_general3A = arith.constant dense<0.000000e+00> : vector<1000x128xf32>
    %dot_general3A_32 = tpu.matmul %add3A_28, %get3A_31, %dot_general3A {dimension_numbers = #tpu.dot_dimension_numbers<[1], [1], [0], [0], [0, 0, 1, 0], [], []>, transpose_lhs_hint = false} : vector<1000x128xf32>, vector<128x128xf32>, vector<1000x128xf32> -> vector<1000x128xf32>
    %swap3A = arith.constant 0 : index
    %swap3A_33 = arith.constant 0 : index
    %swap3A_34 = vector.load %arg9[%swap3A, %swap3A_33] : memref<1000x128xf32, #tpu.memory_space<vmem>>, vector<1000x128xf32>
    tpu.vector_store %arg9[%swap3A, %swap3A_33], %dot_general3A_32 {strides = array<i32>} : memref<1000x128xf32, #tpu.memory_space<vmem>>, vector<1000x128xf32>,
    %get3A_35 = arith.constant 0 : index
    %get3A_36 = arith.constant 0 : index
    %get3A_37 = vector.load %arg7[%get3A_35, %get3A_36] : memref<1x128xf32, #tpu.memory_space<vmem>>, vector<1x128xf32>
    %mul3A_38 = vector.broadcast %get3A_37 : vector<1x128xf32> to vector<1000x128xf32>
    %mul3A_39 = arith.mulf %dot_general3A_32, %mul3A_38 : vector<1000x128xf32>
    %reduce_sum3A = arith.constant dense<0.000000e+00> : vector<1000xf32>
    %reduce_sum3A_40 = vector.multi_reduction <add>, %mul3A_39, %reduce_sum3A [1] : vector<1000x128xf32> to vector<1000xf32>
    %get3A_41 = arith.constant 0 : index
    %get3A_42 = arith.constant 0 : index
    %get3A_43 = vector.load %arg8[%get3A_41, %get3A_42] : memref<1x128xf32, #tpu.memory_space<vmem>>, vector<1x128xf32>
    %mul3A_44 = vector.broadcast %get3A_43 : vector<1x128xf32> to vector<1000x128xf32>
    %mul3A_45 = arith.mulf %dot_general3A_32, %mul3A_44 : vector<1000x128xf32>
    %reduce_sum3A_46 = arith.constant dense<0.000000e+00> : vector<1000xf32>
    %reduce_sum3A_47 = vector.multi_reduction <add>, %mul3A_45, %reduce_sum3A_46 [1] : vector<1000x128xf32> to vector<1000xf32>
    %broadcast_in_dim3A = vector.shape_cast %reduce_sum3A_40 : vector<1000xf32> to vector<1x1000xf32>
    %swap3A_48 = arith.index_cast %arg0 : i32 to index
    %swap3A_49 = arith.constant 0 : index
    %swap3A_50 = vector.load %arg10[%swap3A_48, %swap3A_49] : memref<10x1000xf32, #tpu.memory_space<vmem>>, vector<1x1000xf32>
    tpu.vector_store %arg10[%swap3A_48, %swap3A_49], %broadcast_in_dim3A {strides = array<i32>} : memref<10x1000xf32, #tpu.memory_space<vmem>>, vector<1x1000xf32>,
    %broadcast_in_dim3A_51 = vector.shape_cast %reduce_sum3A_47 : vector<1000xf32> to vector<1x1000xf32>
    %swap3A_52 = arith.index_cast %arg0 : i32 to index
    %swap3A_53 = arith.constant 0 : index
    %swap3A_54 = vector.load %arg11[%swap3A_52, %swap3A_53] : memref<10x1000xf32, #tpu.memory_space<vmem>>, vector<1x1000xf32>
    tpu.vector_store %arg11[%swap3A_52, %swap3A_53], %broadcast_in_dim3A_51 {strides = array<i32>} : memref<10x1000xf32, #tpu.memory_space<vmem>>, vector<1x1000xf32>,
    %eq3A = arith.constant 0 : i32
    %eq3A_55 = arith.cmpi eq, %arg0, %eq3A : i32
    %convert_element_type3A = arith.extui %eq3A_55 : i1 to i32
    %cond3A = arith.constant 0 : i32
    %cond3A_56 = arith.cmpi ne, %convert_element_type3A, %cond3A : i32
    scf.if %cond3A_56 {
      %broadcast_in_dim3A_86 = arith.constant -3.000000e+38 : f32
      %broadcast_in_dim3A_87 = vector.broadcast %broadcast_in_dim3A_86 : f32 to vector<1x128xf32>
      %swap3A_88 = arith.constant 0 : index
      %swap3A_89 = arith.constant 0 : index
      %swap3A_90 = vector.load %arg12[%swap3A_88, %swap3A_89] : memref<1x128xf32, #tpu.memory_space<vmem>>, vector<1x128xf32>
      tpu.vector_store %arg12[%swap3A_88, %swap3A_89], %broadcast_in_dim3A_87 {strides = array<i32>} : memref<1x128xf32, #tpu.memory_space<vmem>>, vector<1x128xf32>,
      %broadcast_in_dim3A_91 = arith.constant -3.000000e+38 : f32
      %broadcast_in_dim3A_92 = vector.broadcast %broadcast_in_dim3A_91 : f32 to vector<1x128xf32>
      %swap3A_93 = arith.constant 0 : index
      %swap3A_94 = arith.constant 0 : index
      %swap3A_95 = vector.load %arg13[%swap3A_93, %swap3A_94] : memref<1x128xf32, #tpu.memory_space<vmem>>, vector<1x128xf32>
      tpu.vector_store %arg13[%swap3A_93, %swap3A_94], %broadcast_in_dim3A_92 {strides = array<i32>} : memref<1x128xf32, #tpu.memory_space<vmem>>, vector<1x128xf32>,
    } else {
    }
    %get3A_57 = arith.constant 0 : index
    %get3A_58 = arith.constant 0 : index
    %get3A_59 = vector.load %arg12[%get3A_57, %get3A_58] : memref<1x128xf32, #tpu.memory_space<vmem>>, vector<1x128xf32>
    %reduce_max3A = vector.shape_cast %reduce_sum3A_40 : vector<1000xf32> to vector<1x1000xf32>
    %reduce_max3A_60 = arith.constant dense<0xFF800000> : vector<1xf32>
    %reduce_max3A_61 = vector.multi_reduction <maximumf>, %reduce_max3A, %reduce_max3A_60 [1] : vector<1x1000xf32> to vector<1xf32>
    %reduce_max3A_62 = vector.shape_cast %reduce_max3A_61 : vector<1xf32> to vector<1x1xf32>
    %reduce_max3A_63 = vector.extract %reduce_max3A_62[0, 0] : f32 from vector<1x1xf32>
    %max3A = vector.broadcast %reduce_max3A_63 : f32 to vector<1x128xf32>
    %max3A_64 = arith.maximumf %get3A_59, %max3A : vector<1x128xf32>
    %swap3A_65 = arith.constant 0 : index
    %swap3A_66 = arith.constant 0 : index
    %swap3A_67 = vector.load %arg12[%swap3A_65, %swap3A_66] : memref<1x128xf32, #tpu.memory_space<vmem>>, vector<1x128xf32>
    tpu.vector_store %arg12[%swap3A_65, %swap3A_66], %max3A_64 {strides = array<i32>} : memref<1x128xf32, #tpu.memory_space<vmem>>, vector<1x128xf32>,
    %get3A_68 = arith.constant 0 : index
    %get3A_69 = arith.constant 0 : index
    %get3A_70 = vector.load %arg13[%get3A_68, %get3A_69] : memref<1x128xf32, #tpu.memory_space<vmem>>, vector<1x128xf32>
    %reduce_max3A_71 = vector.shape_cast %reduce_sum3A_47 : vector<1000xf32> to vector<1x1000xf32>
    %reduce_max3A_72 = arith.constant dense<0xFF800000> : vector<1xf32>
    %reduce_max3A_73 = vector.multi_reduction <maximumf>, %reduce_max3A_71, %reduce_max3A_72 [1] : vector<1x1000xf32> to vector<1xf32>
    %reduce_max3A_74 = vector.shape_cast %reduce_max3A_73 : vector<1xf32> to vector<1x1xf32>
    %reduce_max3A_75 = vector.extract %reduce_max3A_74[0, 0] : f32 from vector<1x1xf32>
    %max3A_76 = vector.broadcast %reduce_max3A_75 : f32 to vector<1x128xf32>
    %max3A_77 = arith.maximumf %get3A_70, %max3A_76 : vector<1x128xf32>
    %swap3A_78 = arith.constant 0 : index
    %swap3A_79 = arith.constant 0 : index
    %swap3A_80 = vector.load %arg13[%swap3A_78, %swap3A_79] : memref<1x128xf32, #tpu.memory_space<vmem>>, vector<1x128xf32>
    tpu.vector_store %arg13[%swap3A_78, %swap3A_79], %max3A_77 {strides = array<i32>} : memref<1x128xf32, #tpu.memory_space<vmem>>, vector<1x128xf32>,
    %eq3A_81 = arith.constant 9 : i32
    %eq3A_82 = arith.cmpi eq, %arg0, %eq3A_81 : i32
    %convert_element_type3A_83 = arith.extui %eq3A_82 : i1 to i32
    %cond3A_84 = arith.constant 0 : i32
    %cond3A_85 = arith.cmpi ne, %convert_element_type3A_83, %cond3A_84 : i32
    scf.if %cond3A_85 {
      %get3A_86 = arith.constant 0 : index
      %get3A_87 = arith.constant 0 : index
      %get3A_88 = vector.load %arg12[%get3A_86, %get3A_87] : memref<1x128xf32, #tpu.memory_space<vmem>>, vector<1x1xf32>
      %get3A_89 = vector.extract %get3A_88[0, 0] : f32 from vector<1x1xf32>
      %get3A_90 = arith.constant 0 : index
      %get3A_91 = arith.constant 0 : index
      %get3A_92 = vector.load %arg13[%get3A_90, %get3A_91] : memref<1x128xf32, #tpu.memory_space<vmem>>, vector<1x1xf32>
      %get3A_93 = vector.extract %get3A_92[0, 0] : f32 from vector<1x1xf32>
      %add3A_94 = arith.addf %get3A_89, %get3A_93 : f32
      %ge3A = arith.constant 0.000000e+00 : f32
      %ge3A_95 = arith.cmpf oge, %add3A_94, %ge3A : f32
      %mul3A_96 = arith.constant 2.000000e-01 : f32
      %mul3A_97 = arith.mulf %mul3A_96, %add3A_94 : f32
      %select_n3A = arith.select %ge3A_95, %add3A_94, %mul3A_97 : f32
      %broadcast_in_dim3A_98 = vector.broadcast %select_n3A : f32 to vector<1x128xf32>
      %swap3A_99 = arith.constant 0 : index
      %swap3A_100 = arith.constant 0 : index
      %swap3A_101 = vector.load %arg14[%swap3A_99, %swap3A_100] : memref<1x128xf32, #tpu.memory_space<vmem>>, vector<1x128xf32>
      tpu.vector_store %arg14[%swap3A_99, %swap3A_100], %broadcast_in_dim3A_98 {strides = array<i32>} : memref<1x128xf32, #tpu.memory_space<vmem>>, vector<1x128xf32>,
    } else {
    }
    return
  }
  func.func @transform_0(%arg0: i32) -> (i32, i32) {
    %c0_i32 = arith.constant 0 : i32
    %c0_i32_0 = arith.constant 0 : i32
    return %arg0, %c0_i32 : i32, i32
  }
  func.func @transform_1(%arg0: i32) -> (i32, i32) {
    %c0_i32 = arith.constant 0 : i32
    %c0_i32_0 = arith.constant 0 : i32
    %c0_i32_1 = arith.constant 0 : i32
    return %c0_i32, %c0_i32_0 : i32, i32
  }
  func.func @transform_2(%arg0: i32) -> (i32, i32) {
    %c0_i32 = arith.constant 0 : i32
    %c0_i32_0 = arith.constant 0 : i32
    %c0_i32_1 = arith.constant 0 : i32
    return %c0_i32, %c0_i32_0 : i32, i32
  }
  func.func @transform_3(%arg0: i32) -> (i32, i32) {
    %c0_i32 = arith.constant 0 : i32
    %c0_i32_0 = arith.constant 0 : i32
    %c0_i32_1 = arith.constant 0 : i32
    return %c0_i32, %c0_i32_0 : i32, i32
  }
  func.func @transform_4(%arg0: i32) -> (i32, i32) {
    %c0_i32 = arith.constant 0 : i32
    %c0_i32_0 = arith.constant 0 : i32
    %c0_i32_1 = arith.constant 0 : i32
    return %c0_i32, %c0_i32_0 : i32, i32
  }
  func.func @transform_5(%arg0: i32) -> (i32, i32) {
    %c0_i32 = arith.constant 0 : i32
    %c0_i32_0 = arith.constant 0 : i32
    %c0_i32_1 = arith.constant 0 : i32
    return %c0_i32, %c0_i32_0 : i32, i32
  }
  func.func @transform_6(%arg0: i32) -> (i32, i32) {
    %c0_i32 = arith.constant 0 : i32
    %c0_i32_0 = arith.constant 0 : i32
    %c0_i32_1 = arith.constant 0 : i32
    return %c0_i32, %c0_i32_0 : i32, i32
  }
  func.func @transform_7(%arg0: i32) -> (i32, i32) {
    %c0_i32 = arith.constant 0 : i32
    %c0_i32_0 = arith.constant 0 : i32
    %c0_i32_1 = arith.constant 0 : i32
    return %c0_i32, %c0_i32_0 : i32, i32
  }
  func.func @transform_8(%arg0: i32) -> (i32, i32) {
    %c0_i32 = arith.constant 0 : i32
    %c0_i32_0 = arith.constant 0 : i32
    return %arg0, %c0_i32 : i32, i32
  }
  func.func @transform_9(%arg0: i32) -> (i32, i32) {
    %c0_i32 = arith.constant 0 : i32
    %c0_i32_0 = arith.constant 0 : i32
    %c0_i32_1 = arith.constant 0 : i32
    return %c0_i32, %c0_i32_0 : i32, i32
  }
  func.func @transform_10(%arg0: i32) -> (i32, i32) {
    %c0_i32 = arith.constant 0 : i32
    %c0_i32_0 = arith.constant 0 : i32
    %c0_i32_1 = arith.constant 0 : i32
    return %c0_i32, %c0_i32_0 : i32, i32
  }
  func.func @transform_11(%arg0: i32) -> (i32, i32) {
    %c0_i32 = arith.constant 0 : i32
    %c0_i32_0 = arith.constant 0 : i32
    %c0_i32_1 = arith.constant 0 : i32
    return %c0_i32, %c0_i32_0 : i32, i32
  }
  func.func @transform_12(%arg0: i32) -> (i32, i32) {
    %c0_i32 = arith.constant 0 : i32
    %c0_i32_0 = arith.constant 0 : i32
    %c0_i32_1 = arith.constant 0 : i32
    return %c0_i32, %c0_i32_0 : i32, i32
  }
  func.func @transform_13(%arg0: i32) -> (i32, i32) {
    %c0_i32 = arith.constant 0 : i32
    %c0_i32_0 = arith.constant 0 : i32
    %c0_i32_1 = arith.constant 0 : i32
    return %c0_i32, %c0_i32_0 : i32, i32
  }
}

module attributes {stable_mosaic.version = 14 : i64} {
  func.func @_gat_combine_body(%arg0: i32, %arg1: memref<2x1000x128xf32, #tpu.memory_space<vmem>>, %arg2: memref<2x1000x1xf32, #tpu.memory_space<vmem>>, %arg3: memref<1x128xf32, #tpu.memory_space<vmem>>, %arg4: memref<1000x128xf32, #tpu.memory_space<vmem>>) attributes {dimension_semantics = [#tpu.dimension_semantics<arbitrary>], iteration_bounds = array<i64: 10>, scalar_prefetch = 0 : i64, scratch_operands = 0 : i64, tpu.core_type = #tpu.core_type<tc>, window_params = [{transform_indices = @transform_0, window_bounds = array<i64: 2, 1000, 128>}, {transform_indices = @transform_1, window_bounds = array<i64: 2, 1000, 1>}, {pipeline_mode = #tpu.pipeline_mode<synchronous>, transform_indices = @transform_2, window_bounds = array<i64: 1, 128>}, {transform_indices = @transform_3, window_bounds = array<i64: 1000, 128>}]} {
    %get3A = arith.constant 0 : index
    %get3A_0 = arith.constant 0 : index
    %get3A_1 = arith.constant 0 : index
    %get3A_2 = vector.load %arg1[%get3A, %get3A_0, %get3A_1] : memref<2x1000x128xf32, #tpu.memory_space<vmem>>, vector<1x1000x128xf32>
    %get3A_3 = vector.shape_cast %get3A_2 : vector<1x1000x128xf32> to vector<1000x128xf32>
    %get3A_4 = arith.constant 1 : index
    %get3A_5 = arith.constant 0 : index
    %get3A_6 = arith.constant 0 : index
    %get3A_7 = vector.load %arg1[%get3A_4, %get3A_5, %get3A_6] : memref<2x1000x128xf32, #tpu.memory_space<vmem>>, vector<1x1000x128xf32>
    %get3A_8 = vector.shape_cast %get3A_7 : vector<1x1000x128xf32> to vector<1000x128xf32>
    %add3A = arith.addf %get3A_3, %get3A_8 : vector<1000x128xf32>
    %get3A_9 = arith.constant 0 : index
    %get3A_10 = arith.constant 0 : index
    %get3A_11 = arith.constant 0 : index
    %get3A_12 = vector.load %arg2[%get3A_9, %get3A_10, %get3A_11] : memref<2x1000x1xf32, #tpu.memory_space<vmem>>, vector<1x1000x1xf32>
    %get3A_13 = vector.shape_cast %get3A_12 : vector<1x1000x1xf32> to vector<1000x1xf32>
    %get3A_14 = arith.constant 1 : index
    %get3A_15 = arith.constant 0 : index
    %get3A_16 = arith.constant 0 : index
    %get3A_17 = vector.load %arg2[%get3A_14, %get3A_15, %get3A_16] : memref<2x1000x1xf32, #tpu.memory_space<vmem>>, vector<1x1000x1xf32>
    %get3A_18 = vector.shape_cast %get3A_17 : vector<1x1000x1xf32> to vector<1000x1xf32>
    %add3A_19 = arith.addf %get3A_13, %get3A_18 : vector<1000x1xf32>
    %add3A_20 = arith.constant 1.000000e-16 : f32
    %add3A_21 = vector.broadcast %add3A_20 : f32 to vector<1000x1xf32>
    %add3A_22 = arith.addf %add3A_19, %add3A_21 : vector<1000x1xf32>
    %div3A = vector.broadcast %add3A_22 : vector<1000x1xf32> to vector<1000x128xf32>
    %div3A_23 = arith.divf %add3A, %div3A : vector<1000x128xf32>
    %get3A_24 = arith.constant 0 : index
    %get3A_25 = arith.constant 0 : index
    %get3A_26 = vector.load %arg3[%get3A_24, %get3A_25] : memref<1x128xf32, #tpu.memory_space<vmem>>, vector<1x128xf32>
    %add3A_27 = vector.broadcast %get3A_26 : vector<1x128xf32> to vector<1000x128xf32>
    %add3A_28 = arith.addf %div3A_23, %add3A_27 : vector<1000x128xf32>
    %swap3A = arith.constant 0 : index
    %swap3A_29 = arith.constant 0 : index
    %swap3A_30 = vector.load %arg4[%swap3A, %swap3A_29] : memref<1000x128xf32, #tpu.memory_space<vmem>>, vector<1000x128xf32>
    tpu.vector_store %arg4[%swap3A, %swap3A_29], %add3A_28 {strides = array<i32>} : memref<1000x128xf32, #tpu.memory_space<vmem>>, vector<1000x128xf32>,
    return
  }
  func.func @transform_0(%arg0: i32) -> (i32, i32, i32) {
    %c0_i32 = arith.constant 0 : i32
    %c0_i32_0 = arith.constant 0 : i32
    %c0_i32_1 = arith.constant 0 : i32
    return %c0_i32, %arg0, %c0_i32_0 : i32, i32, i32
  }
  func.func @transform_1(%arg0: i32) -> (i32, i32, i32) {
    %c0_i32 = arith.constant 0 : i32
    %c0_i32_0 = arith.constant 0 : i32
    %c0_i32_1 = arith.constant 0 : i32
    return %c0_i32, %arg0, %c0_i32_0 : i32, i32, i32
  }
  func.func @transform_2(%arg0: i32) -> (i32, i32) {
    %c0_i32 = arith.constant 0 : i32
    %c0_i32_0 = arith.constant 0 : i32
    %c0_i32_1 = arith.constant 0 : i32
    return %c0_i32, %c0_i32_0 : i32, i32
  }
  func.func @transform_3(%arg0: i32) -> (i32, i32) {
    %c0_i32 = arith.constant 0 : i32
    %c0_i32_0 = arith.constant 0 : i32
    return %arg0, %c0_i32 : i32, i32
  }
}

module attributes {stable_mosaic.version = 14 : i64} {
  func.func @_add_partials_body(%arg0: i32, %arg1: memref<2x1000x128xf32, #tpu.memory_space<vmem>>, %arg2: memref<1000x128xf32, #tpu.memory_space<vmem>>) attributes {dimension_semantics = [#tpu.dimension_semantics<arbitrary>], iteration_bounds = array<i64: 10>, scalar_prefetch = 0 : i64, scratch_operands = 0 : i64, tpu.core_type = #tpu.core_type<tc>, window_params = [{transform_indices = @transform_0, window_bounds = array<i64: 2, 1000, 128>}, {transform_indices = @transform_1, window_bounds = array<i64: 1000, 128>}]} {
    %get3A = arith.constant 0 : index
    %get3A_0 = arith.constant 0 : index
    %get3A_1 = arith.constant 0 : index
    %get3A_2 = vector.load %arg1[%get3A, %get3A_0, %get3A_1] : memref<2x1000x128xf32, #tpu.memory_space<vmem>>, vector<1x1000x128xf32>
    %get3A_3 = vector.shape_cast %get3A_2 : vector<1x1000x128xf32> to vector<1000x128xf32>
    %get3A_4 = arith.constant 1 : index
    %get3A_5 = arith.constant 0 : index
    %get3A_6 = arith.constant 0 : index
    %get3A_7 = vector.load %arg1[%get3A_4, %get3A_5, %get3A_6] : memref<2x1000x128xf32, #tpu.memory_space<vmem>>, vector<1x1000x128xf32>
    %get3A_8 = vector.shape_cast %get3A_7 : vector<1x1000x128xf32> to vector<1000x128xf32>
    %add3A = arith.addf %get3A_3, %get3A_8 : vector<1000x128xf32>
    %swap3A = arith.constant 0 : index
    %swap3A_9 = arith.constant 0 : index
    %swap3A_10 = vector.load %arg2[%swap3A, %swap3A_9] : memref<1000x128xf32, #tpu.memory_space<vmem>>, vector<1000x128xf32>
    tpu.vector_store %arg2[%swap3A, %swap3A_9], %add3A {strides = array<i32>} : memref<1000x128xf32, #tpu.memory_space<vmem>>, vector<1000x128xf32>,
    return
  }
  func.func @transform_0(%arg0: i32) -> (i32, i32, i32) {
    %c0_i32 = arith.constant 0 : i32
    %c0_i32_0 = arith.constant 0 : i32
    %c0_i32_1 = arith.constant 0 : i32
    return %c0_i32, %arg0, %c0_i32_0 : i32, i32, i32
  }
  func.func @transform_1(%arg0: i32) -> (i32, i32) {
    %c0_i32 = arith.constant 0 : i32
    %c0_i32_0 = arith.constant 0 : i32
    return %arg0, %c0_i32 : i32, i32
  }
}

</mosaic_0001>

<sc_bundles>
// kernel: kernel.12.cloned.1.call-start
scs
__scs_entry_jumppad:
0x0: {  	(pc) =	sbr.rel $0x88, $3  }
0x1: {  	(tag) =	ssettag $0x0;
	lr =	simm.s32 $0x1  }
0x2: {  	[smem:$0x3F91] =	sst lr;
	_ =	strace $0xD0000000  }
0x3: {  	_ = 	snop  }
0x4: {  	_ = 	snop  }
0x5: {  	_ = 	snop  }
0x6: {  	_ = 	snop  }
0x7: {  	_ = 	snop  }
__scs_overlays_trampoline_lowered:
0x8: {  	[smem:$0x3FA0] =	sst s0  }
0x9: {  	[smem:$0x3FA1] =	sst s1  }
0xa: {  	[smem:$0x3FA2] =	sst s2  }
0xb: {  	[smem:$0x3FA3] =	sst s3  }
0xc: {  	[smem:$0x3FA4] =	sst s4  }
0xd: {  	[smem:$0x3FA5] =	sst s5  }
0xe: {  	[smem:$0x3FA6] =	sst s6  }
0xf: {  	[smem:$0x3FA7] =	sst s7  }
0x10: {  	[smem:$0x3FA8] =	sst s8  }
0x11: {  	[smem:$0x3FA9] =	sst s9;
	s0 =	simm.s32 @!p0 $0x0  }
0x12: {  	s1 =	sld [smem:$0x3F8F];
	s0 =	simm.s32 @p0 $0x1  }
0x13: {  	[smem:$0x3FAA] =	sst s0;
	s0 =	simm.s32 @!p1 $0x0  }
0x14: {  	s2 =	sld [smem:$0x3F8E];
	s0 =	simm.s32 @p1 $0x1  }
0x15: {  	[smem:$0x3FAB] =	sst s0;
	s0 =	simm.s32 @!p2 $0x0  }
0x16: {  	s3 =	sld [smem:$0x3FDB];
	s0 =	simm.s32 @p2 $0x1  }
0x17: {  	s4 =	simm.s32 $0x1BF5;
	[smem:$0x3FAD] =	sst s0  }
0x18: {  	s0 =	sld [smem:$0x3F90];
	_ =	swait.ge [sflag:s4], $0x0  }
0x19: {  	s7 =	sld [smem:$0x3F91]  }
0x1a: {  	s8 =	sadd.s32 $0xFFFFE003, lr  }
0x1b: {  	s9 =	sadd.s32 $0xFFFFFEF7, lr;
	s5 =	simm.s32 $0xFFFFFFFF;
	p2 =	slt.u32 s8, $0xFFFFF086  }
0x1c: {  	p1 =	slt.u32 s9, $0xF7A;
	s5 =	simm.s32 @!p2 $0x0  }
0x1d: {  	s5 =	simm.s32 @p1 $0x1;
	p0 =	seq.s32 s7, s2  }
0x1e: {  	s7 =	smul.u32 @!p0 $0xF7A, s2;
	p2 =	seq.s32 @!p0 s5, $0x0  }
0x1f: {  	s9 =	smul.u32 $0xF7A, s1;
	s8 =	simm.s32 @!p0 $0x1BF5;
	p2 =	por !p2, p0  }
0x20: {  	[sflag:s8] =	ssyncset.s32 @!p0 $0xFFFFF086;
	s6 =	sadd.s32 @!p0 s3, s7;
	s7 =	simm.s32 @!p0 $0x108  }
0x21: {  	s3 =	sadd.s32 s3, s9;
	s6 =	sadd.s32 @!p0 $0x88, s6;
	s7 =	simm.s32 @p2 $0x1082  }
0x22: {  	[simem:s7], [sflag:s8] =	dma.local @!p0 [hbm:s6], $0xF7A  }
0x23: {  	s9 =	sor.u32 $0xD0000000, s2;
	s6 =	simm.s32 $0x108;
	_ =	swait.ge @!p0 [sflag:s8], $0x0  }
0x24: {  	s3 =	sadd.s32 $0x88, s3;
	s6 =	simm.s32 @!p1 $0x1082;
	[sflag:s4] =	ssyncset.s32 $0xFFFFF086  }
0x25: {  	[simem:s6], [sflag:s4] =	dma.local [hbm:s3], $0xF7A  }
0x26: {  	[smem:$0x3F91] =	sst s1;
	(tag) =	ssettag s2;
	_ =	strace s9  }
0x27: {  	s1 =	sld [smem:$0x3FA1]  }
0x28: {  	s2 =	sld [smem:$0x3FA2]  }
0x29: {  	s4 =	sld [smem:$0x3FA4]  }
0x2a: {  	p0 =	seq.s32 s5, $0x0;
	s5 =	sld [smem:$0x3FA5]  }
0x2b: {  	s6 =	sld [smem:$0x3FA6]  }
0x2c: {  	s7 =	sld [smem:$0x3FA7]  }
0x2d: {  	s3 =	simm.s32 $0x108;
	s8 =	sld [smem:$0x3FA8]  }
0x2e: {  	s3 =	simm.s32 @!p0 $0x1082;
	s9 =	sld [smem:$0x3FA9]  }
0x2f: {  	lr =	sadd.s32 s0, s3;
	s0 =	sld [smem:$0x3FA0]  }
0x30: {  	s3 =	sld [smem:$0x3FA3]  }
0x31: {  	[smem:$0x3FAC] =	sst s10  }
0x32: {  	s10 =	sld [smem:$0x3FAA];
	_ =	sdelay $0x3  }
0x33: {  	p0 =	seq.s32 s10, $0x1;
	s10 =	sld [smem:$0x3FAC];
	_ =	sdelay $0x3  }
0x34: {  	[smem:$0x3FAC] =	sst s10  }
0x35: {  	s10 =	sld [smem:$0x3FAB];
	_ =	sdelay $0x3  }
0x36: {  	p1 =	seq.s32 s10, $0x1;
	s10 =	sld [smem:$0x3FAC];
	_ =	sdelay $0x3  }
0x37: {  	[smem:$0x3FAC] =	sst s10  }
0x38: {  	s10 =	sld [smem:$0x3FAD]  }
0x39: {  	_ = 	snop;
	(pc) =	sbr.ind lr, $3  }
0x3a: {  	_ = 	snop  }
0x3b: {  	_ = 	snop  }
0x3c: {  	p2 =	seq.s32 s10, $0x1;
	s10 =	sld [smem:$0x3FAC]  }
0x3d: {  	_ =	shalt  }
0x3e: {  	_ =	shalt  }
0x3f: {  	_ =	shalt  }
0x40: {  	_ =	shalt  }
0x41: {  	_ =	shalt  }
0x42: {  	_ =	shalt  }
0x43: {  	_ =	shalt  }
0x44: {  	_ =	shalt  }
0x45: {  	_ =	shalt  }
0x46: {  	_ =	shalt  }
0x47: {  	_ =	shalt  }
0x48: {  	_ =	shalt  }
0x49: {  	_ =	shalt  }
0x4a: {  	_ =	shalt  }
0x4b: {  	_ =	shalt  }
0x4c: {  	_ =	shalt  }
0x4d: {  	_ =	shalt  }
0x4e: {  	_ =	shalt  }
0x4f: {  	_ =	shalt  }
0x50: {  	_ =	shalt  }
0x51: {  	_ =	shalt  }
0x52: {  	_ =	shalt  }
0x53: {  	_ =	shalt  }
0x54: {  	_ =	shalt  }
0x55: {  	_ =	shalt  }
0x56: {  	_ =	shalt  }
0x57: {  	_ =	shalt  }
0x58: {  	_ =	shalt  }
0x59: {  	_ =	shalt  }
0x5a: {  	_ =	shalt  }
0x5b: {  	_ =	shalt  }
0x5c: {  	_ =	shalt  }
0x5d: {  	_ =	shalt  }
0x5e: {  	_ =	shalt  }
0x5f: {  	_ =	shalt  }
0x60: {  	_ =	shalt  }
0x61: {  	_ =	shalt  }
0x62: {  	_ =	shalt  }
0x63: {  	_ =	shalt  }
0x64: {  	_ =	shalt  }
0x65: {  	_ =	shalt  }
0x66: {  	_ =	shalt  }
0x67: {  	_ =	shalt  }
0x68: {  	_ =	shalt  }
0x69: {  	_ =	shalt  }
0x6a: {  	_ =	shalt  }
0x6b: {  	_ =	shalt  }
0x6c: {  	_ =	shalt  }
0x6d: {  	_ =	shalt  }
0x6e: {  	_ =	shalt  }
0x6f: {  	_ =	shalt  }
0x70: {  	_ =	shalt  }
0x71: {  	_ =	shalt  }
0x72: {  	_ =	shalt  }
0x73: {  	_ =	shalt  }
0x74: {  	_ =	shalt  }
0x75: {  	_ =	shalt  }
0x76: {  	_ =	shalt  }
0x77: {  	_ =	shalt  }
0x78: {  	_ =	shalt  }
0x79: {  	_ =	shalt  }
0x7a: {  	_ =	shalt  }
0x7b: {  	_ =	shalt  }
0x7c: {  	_ =	shalt  }
0x7d: {  	_ =	shalt  }
0x7e: {  	_ =	shalt  }
0x7f: {  	_ =	shalt  }
0x80: {  	_ =	shalt  }
0x81: {  	_ =	shalt  }
0x82: {  	_ =	shalt  }
0x83: {  	_ =	shalt  }
0x84: {  	_ =	shalt  }
0x85: {  	_ =	shalt  }
0x86: {  	_ =	shalt  }
0x87: {  	_ =	shalt  }
.Lfunc_end0:
.L_simem_size_0:
called_computation.1_lowered:
.L_overlay_start_0:
0x88: {  	s2 =	sld [smem:$0x3FD9]  }
0x89: {  	s3 =	sld [smem:$0x3FFE];
	_ =	sdelay $0x1  }
0x8a: {  	s1 =	srdreg.scid  }
0x8b: {  	s0 =	sand.u32 $0x1, s1  }
0x8c: {  	s17 =	sshll.u32 s0, $0xA;
	s2 =	sadd.s32 s3, s2  }
0x8d: {  	s2 =	sadd.s32 s2, s17  }
0x8e: {  	[smem:$0x3FB8] =	sst s2  }
0x8f: {  	_ = 	snop  }
0x90: {  	s2 =	sld [smem:$0x3FD0];
	(tm) =	ssettm $0x1  }
0x91: {  	s18 =	sld [smem:$0x3FFB];
	_ =	sdelay $0x3  }
0x92: {  	_ =	strace s18  }
0x93: {  	s3 =	sld [smem:$0x3FFC];
	_ =	sdelay $0x3  }
0x94: {  	_ =	strace s3  }
0x95: {  	s3 =	sld [smem:$0x3FFD];
	_ =	sdelay $0x3  }
0x96: {  	_ =	strace s3  }
0x97: {  	_ =	strace $0x8FFFFFFF  }
0x98: {  	s19 =	sld [smem:$0x3FDB];
	_ =	sdelay $0x1  }
0x99: {  	s4 =	simm.s32 $_scs_section_size  }
0x9a: {  	s5 =	simm.s32 $_size__tile_overlayer_lowered;
	s6 =	simm.s32 $_tile_overlayer_lowered  }
0x9b: {  	s22 =	simm.s32 $0x1BFF;
	s21 =	sshll.u32 s6, $0x1;
	s3 =	sadd.s32 s4, s19  }
0x9c: {  	s7 =	simm.s32 $0x0;
	s20 =	sshll.u32 s5, $0x1;
	s5 =	sadd.s32 s21, s3  }
0x9d: {  	[timem:s7], [sflag:s22] =	dma.local [hbm:s5], s20  }
0x9e: {  	_ =	swait.ge [sflag:s22], s20  }
0x9f: {  	s4 =	ssub.s32 $0x0, s20;
	[sflag:s22] =	ssyncset.done $0x0  }
0xa0: {  	[sflag:s22] =	ssyncadd.s32 s4;
	_ =	sdelay $0x1  }
0xa1: {  	s23 =	simm.s32 $0x1B8B  }
0xa2: {  	_ =	swait.ge [sflag:s23], $0x1  }
0xa3: {  	[sflag:s23] =	ssyncset.done $0x0  }
0xa4: {  	s25 =	simm.s32 $0x1B8E;
	s24 =	sld [smem:$0x3FFE];
	[sflag:s23] =	ssyncadd.s32 $0xFFFFFFFF  }
0xa5: {  	s26 =	simm.s32 $execute0_lowered;
	[smem:$0x3FD2] =	sst s25  }
0xa6: {  	s5 =	sshll.u32 s26, $0x1;
	_ =	strace $0x80000049;
	[dreg:$0x1] =	wrdreg $0xFFFFFFFF  }
0xa7: {  	s28 =	simm.s32 $_size_execute0_lowered;
	s3 =	sadd.s32 s3, s5;
	[dreg:$0x0] =	wrdreg $0x0  }
0xa8: {  	s5 =	sshll.u32 s28, $0x1;
	[dreg:$0x2] =	wrdreg s3  }
0xa9: {  	[dreg:$0x3] =	wrdreg s5  }
0xaa: {  	[dreg:$0x4] =	wrdreg $0xC0  }
0xab: {  	_ =	task [dreg:s7], $0x5FFFF  }
0xac: {  	[dreg:$0x1] =	wrdreg $0xFFFFFFFF  }
0xad: {  	[dreg:$0x0] =	wrdreg $0x60  }
0xae: {  	[dreg:$0x2] =	wrdreg s24  }
0xaf: {  	[dreg:$0x3] =	wrdreg s2  }
0xb0: {  	[dreg:$0x4] =	wrdreg $0xB1000  }
0xb1: {  	[dreg:$0x5] =	wrdreg $0x1F1000  }
0xb2: {  	[dreg:$0x6] =	wrdreg $0x9  }
0xb3: {  	_ =	task.clear_ibuf [dreg:s7], $0x7FFFF;
	_ =	strace $0x90000049  }
0xb4: {  	s29 =	simm.s32 $0x9;
	_ =	strace $0x8000004B  }
0xb5: {  	_ =	swait.ge [sflag:s29], $0x1  }
0xb6: {  	[sflag:s29] =	ssyncadd.s32 $0xFFFFFFFF  }
0xb7: {  	_ =	strace $0x9000004B  }
0xb8: {  	_ =	sfence  }
0xb9: {  	s30 =	sld [smem:$0x0];
	_ =	sdelay $0x2  }
0xba: {  	s31 =	sshll.u32 s1, $0xD;
	s1 =	sshrl.u32 s1, $0x2  }
0xbb: {  	s3 =	sand.u32 $0x4000, s31;
	s1 =	sadd.s32 s1, s30  }
0xbc: {  	s0 =	sor.u32 s3, s0;
	s1 =	sshll.u32 s1, $0x11  }
0xbd: {  	s0 =	sor.u32 s1, s0  }
0xbe: {  	s0 =	sadd.s32 $0x8F2B, s0  }
0xbf: {  	[sflag:s0] =	ssyncadd.remote.s32 $0x1  }
0xc0: {  	_ =	sfence.sel $0xFFFF  }
0xc1: {  	[dreg:$0x0] =	wrdreg $0xFFFFFFFF;
	(pc) =	sbr.abs _section_cstart, $3  }
0xc2: {  	[dreg:$0x1] =	wrdreg $0xFFFFFFFF  }
0xc3: {  	_ =	task.clear_ibuf [dreg:s7], $0x2FFFF;
	_ =	strace $0x9FFFFFFF  }
0xc4: {  	(tm) =	ssettm $0x7FFFFFFF  }
0xc5: {  	_ =	shalt  }
tec
execute0_lowered:
.L_overlay_start_1:
0x0: {  	(tag) =	ssettag $0x1  }
0x1: {  	s0 =	rddreg [dreg:$0x0]  }
0x2: {  	s1 =	rddreg [dreg:$0x1]  }
0x3: {  	s2 =	rddreg [dreg:$0x2]  }
0x4: {  	s3 =	rddreg [dreg:$0x3];
	s5 =	simm.s32 $0x0  }
0x5: {  	s4 =	srdreg.scid;
	s17 =	stileid.u32;
	s28 =	simm.s32 $0x7080  }
0x6: {  	s29 =	simm.s32 $0x2000;
	s30 =	simm.s32 $0x4800;
	s31 =	simm.s32 $0x80  }
0x7: {  	[smem:$0x7FF] =	sst s5;
	s4 =	sand.u32 $0x1, s4;
	s9 =	smul.u32 $0x14000, s17  }
0x8: {  	s6 =	sadd.s32 $0x7B400, s0;
	s7 =	sadd.s32 $0x71400, s0;
	s10 =	sadd.s32 $0x3600, s0  }
0x9: {  	s12 =	sadd.s32 $0x3C00, s0;
	_ =	strace $0x8000004A;
	[dreg:$0x5] =	wrdreg s10  }
0xa: {  	s13 =	smul.u32 $0x500, s17;
	s14 =	sadd.s32 $0x3400, s0;
	[dreg:$0x6] =	wrdreg s12  }
0xb: {  	s24 =	sshll.u32 s17, $0xC;
	s8 =	smul.u32 $0x140000, s4;
	[dreg:$0x7] =	wrdreg s14  }
0xc: {  	s15 =	sshll.u32 s4, $0x7;
	s16 =	ssub.s32 $0x2, s4;
	s12 =	smul.u32 $0x280, s17  }
0xd: {  	p0 =	seq.s32 s4, $0x0;
	s11 =	sshrl.u32 s16, $0x1;
	s8 =	sadd.s32 s9, s8  }
0xe: {  	s9 =	sor.u32 s15, s13;
	s13 =	smul.u32 $0x50000, s17;
	s18 =	ssub.s32 s16, s11  }
0xf: {  	s20 =	sadd.s32 $0x80, s12;
	s15 =	sadd.s32 $0x100, s12;
	s23 =	sadd.s32 $0x180, s12  }
0x10: {  	s17 =	sshll.u32 s17, $0xE;
	s8 =	sshrl.u32 s8, $0x3;
	s9 =	sshrl.u32 s9, $0x3  }
0x11: {  	s21 =	sshll.u32 s20, $0x7;
	s14 =	sshll.u32 s15, $0x7;
	s16 =	sshll.u32 s23, $0x7  }
0x12: {  	s26 =	sadd.s32 s20, s3;
	s20 =	sadd.s32 s23, s3;
	s8 =	sadd.s32 s8, s0  }
0x13: {  	s0 =	sadd.s32 s9, s0;
	s19 =	sshrl.u32 s13, $0x2;
	s10 =	sadd.s32 s21, s2  }
0x14: {  	s22 =	sadd.s32 s14, s2;
	s21 =	sadd.s32 $0x200, s12;
	[dreg:$0xc] =	wrdreg s26  }
0x15: {  	s14 =	sor.u32 $0x40000, s24;
	s16 =	sadd.s32 s16, s2;
	[dreg:$0x8] =	wrdreg s10  }
0x16: {  	s24 =	smax.u32 s18, $0x1;
	s26 =	simm.s32 $0x2;
	[dreg:$0x9] =	wrdreg s22  }
0x17: {  	s11 =	sadd.s32 s19, s2;
	[dreg:$0xa] =	wrdreg s16;
	s14 =	smov.u32 @p0 s17  }
0x18: {  	s25 =	sshll.u32 s21, $0x7;
	s17 =	sadd.s32 s12, s3;
	s19 =	sadd.s32 s15, s3  }
0x19: {  	s21 =	sadd.s32 s21, s3;
	s22 =	sadd.s32 $0x21400, s8;
	s23 =	sadd.s32 $0x4200, s0  }
0x1a: {  	p0 =	sne.s32 s4, $0x0;
	s0 =	simm.s32 $0x1000;
	s16 =	sadd.s32 s25, s2  }
0x1b: {  	v0 =	vimm.f32 $0.0e+00;
	s4 =	simm.s32 $0x1;
	s25 =	simm.s32 $0x7100;
	[dreg:$0xb] =	wrdreg s16  }
.LBB2_1:
0x1c: {  	s8 =	simm.s32 $0x0;
	s9 =	simm.s32 $0x200  }
.LBB2_2:
0x1d: {  	p1 =	sne.s32 s9, $0xFE00;
	[tilespmem:s8+$0x7170] =	vst v0  }
0x1e: {  	[tilespmem:s8+$0x7100] =	vst v0  }
0x1f: {  	[tilespmem:s8+$0x7110] =	vst v0  }
.Ltmp0:
0x20: {  	[tilespmem:s8+$0x7120] =	vst v0;
	(pc) =	sbr.rel @p1 .LBB2_2-.Ltmp0, $4  }
0x21: {  	[tilespmem:s8+$0x7130] =	vst v0  }
0x22: {  	[tilespmem:s8+$0x7140] =	vst v0  }
0x23: {  	[tilespmem:s8+$0x7150] =	vst v0  }
0x24: {  	[tilespmem:s8+$0x7160] =	vst v0;
	s8 =	sshra.s32 s9, $0x2;
	s9 =	sadd.s32 $0x200, s9  }
0x25: {  	[tilespmem:s8+$0x7170] =	vst v0  }
0x26: {  	[tilespmem:s8+$0x7100] =	vst v0  }
0x27: {  	[tilespmem:s8+$0x7110] =	vst v0  }
0x28: {  	[tilespmem:s8+$0x7120] =	vst v0  }
0x29: {  	[tilespmem:s8+$0x7130] =	vst v0  }
0x2a: {  	[tilespmem:s8+$0x7140] =	vst v0  }
0x2b: {  	[tilespmem:s8+$0x7150] =	vst v0  }
0x2c: {  	[tilespmem:s8+$0x7160] =	vst v0  }
0x2d: {  	[tilespmem:$0x7080] =	vst v0  }
0x2e: {  	[tilespmem:$0x7090] =	vst v0  }
0x2f: {  	[tilespmem:$0x70A0] =	vst v0  }
0x30: {  	[tilespmem:$0x70B0] =	vst v0  }
0x31: {  	[tilespmem:$0x70C0] =	vst v0  }
0x32: {  	[tilespmem:$0x70D0] =	vst v0  }
0x33: {  	[tilespmem:$0x70E0] =	vst v0  }
0x34: {  	[tilespmem:$0x70F0] =	vst v0  }
0x35: {  	[spmem:s11] =	stream.linear.scatter [tilespmem:s25], [sflag:$0x2], $0x4000, $0x38;
	[tilespmem:$0x1F380] =	vst v63  }
0x36: {  	_ =	swait.ge [sflag:s26], $0x4000  }
0x37: {  	[sflag:s26] =	ssyncset.done $0x0  }
0x38: {  	s9 =	rddreg [dreg:$0x8];
	[sflag:s26] =	ssyncadd.s32 $0xFFFFC000  }
0x39: {  	[spmem:s9] =	stream.linear.scatter [tilespmem:s25], [sflag:$0x2], $0x4000, $0x38;
	[tilespmem:$0x1F380] =	vst v63  }
0x3a: {  	_ =	swait.ge [sflag:s26], $0x4000  }
0x3b: {  	[sflag:s26] =	ssyncset.done $0x0  }
0x3c: {  	s10 =	rddreg [dreg:$0x9];
	[sflag:s26] =	ssyncadd.s32 $0xFFFFC000  }
0x3d: {  	[spmem:s10] =	stream.linear.scatter [tilespmem:s25], [sflag:$0x2], $0x4000, $0x38;
	[tilespmem:$0x1F380] =	vst v63  }
0x3e: {  	_ =	swait.ge [sflag:s26], $0x4000  }
0x3f: {  	[sflag:s26] =	ssyncset.done $0x0  }
0x40: {  	s12 =	rddreg [dreg:$0xa];
	[sflag:s26] =	ssyncadd.s32 $0xFFFFC000  }
0x41: {  	[spmem:s12] =	stream.linear.scatter [tilespmem:s25], [sflag:$0x2], $0x4000, $0x38;
	[tilespmem:$0x1F380] =	vst v63  }
0x42: {  	_ =	swait.ge [sflag:s26], $0x4000  }
0x43: {  	[sflag:s26] =	ssyncset.done $0x0  }
0x44: {  	s13 =	rddreg [dreg:$0xb];
	[sflag:s26] =	ssyncadd.s32 $0xFFFFC000  }
0x45: {  	[spmem:s13] =	stream.linear.scatter [tilespmem:s25], [sflag:$0x2], $0x4000, $0x38;
	[tilespmem:$0x1F380] =	vst v63  }
0x46: {  	_ =	swait.ge [sflag:s26], $0x4000  }
0x47: {  	[sflag:s26] =	ssyncset.done $0x0  }
0x48: {  	[sflag:s26] =	ssyncadd.s32 $0xFFFFC000  }
0x49: {  	[spmem:s17] =	stream.linear.scatter [tilespmem:s28], [sflag:$0x2], $0x80, $0x38;
	[tilespmem:$0x1F380] =	vst v63  }
0x4a: {  	_ =	swait.ge [sflag:s26], $0x80  }
0x4b: {  	[sflag:s26] =	ssyncset.done $0x0  }
0x4c: {  	s15 =	rddreg [dreg:$0xc];
	[sflag:s26] =	ssyncadd.s32 $0xFFFFFF80  }
0x4d: {  	[spmem:s15] =	stream.linear.scatter [tilespmem:s28], [sflag:$0x2], $0x80, $0x38;
	[tilespmem:$0x1F380] =	vst v63  }
0x4e: {  	_ =	swait.ge [sflag:s26], $0x80  }
0x4f: {  	[sflag:s26] =	ssyncset.done $0x0  }
0x50: {  	[sflag:s26] =	ssyncadd.s32 $0xFFFFFF80  }
0x51: {  	[spmem:s19] =	stream.linear.scatter [tilespmem:s28], [sflag:$0x2], $0x80, $0x38;
	[tilespmem:$0x1F380] =	vst v63  }
0x52: {  	_ =	swait.ge [sflag:s26], $0x80  }
0x53: {  	[sflag:s26] =	ssyncset.done $0x0  }
0x54: {  	[sflag:s26] =	ssyncadd.s32 $0xFFFFFF80  }
0x55: {  	[spmem:s20] =	stream.linear.scatter [tilespmem:s28], [sflag:$0x2], $0x80, $0x38;
	[tilespmem:$0x1F380] =	vst v63  }
0x56: {  	_ =	swait.ge [sflag:s26], $0x80  }
0x57: {  	[sflag:s26] =	ssyncset.done $0x0  }
0x58: {  	[sflag:s26] =	ssyncadd.s32 $0xFFFFFF80  }
0x59: {  	[spmem:s21] =	stream.linear.scatter [tilespmem:s28], [sflag:$0x2], $0x80, $0x38;
	[tilespmem:$0x1F380] =	vst v63  }
0x5a: {  	_ =	swait.ge [sflag:s26], $0x80  }
0x5b: {  	[sflag:s26] =	ssyncset.done $0x0  }
0x5c: {  	s8 =	simm.s32 $0x0;
	s9 =	rddreg [dreg:$0x5];
	[sflag:s26] =	ssyncadd.s32 $0xFFFFFF80  }
0x5d: {  	[tilespmem:s29], [sflag:$0x2] =	stream.linear.gather [hbm4b:s9+s8], $0x2800, $0x38;
	[tilespmem:$0x1F380] =	vst v63  }
0x5e: {  	_ =	swait.ge [sflag:s26], $0x2800  }
0x5f: {  	[sflag:s26] =	ssyncset.done $0x0  }
0x60: {  	s16 =	rddreg [dreg:$0x6];
	[sflag:s26] =	ssyncadd.s32 $0xFFFFD800  }
0x61: {  	[tilespmem:s30], [sflag:$0x2] =	stream.linear.gather [hbm4b:s16+s8], $0x2800, $0x38;
	[tilespmem:$0x1F380] =	vst v63  }
0x62: {  	_ =	swait.ge [sflag:s26], $0x2800  }
0x63: {  	[sflag:s26] =	ssyncset.done $0x0  }
0x64: {  	s10 =	simm.s32 $0x7000;
	s18 =	rddreg [dreg:$0x7];
	[sflag:s26] =	ssyncadd.s32 $0xFFFFD800  }
0x65: {  	[tilespmem:s10], [sflag:$0x2] =	stream.linear.gather [hbm4b:s18+s8], $0x80, $0x38;
	[tilespmem:$0x1F380] =	vst v63  }
0x66: {  	_ =	swait.ge [sflag:s26], $0x80  }
0x67: {  	[sflag:s26] =	ssyncset.done $0x0  }
0x68: {  	[sflag:s26] =	ssyncadd.s32 $0xFFFFFF80  }
0x69: {  	s9 =	simm.s32 $0x0;
	[bflag:$0x0] =	sbarrier.arrive $0xFFFF  }
.LBB2_4:
0x6a: {  	s10 =	sshll.u32 s9, $0xC  }
0x6b: {  	s10 =	sadd.s32 s14, s10  }
0x6c: {  	s10 =	sshrl.u32 s10, $0x3  }
0x6d: {  	s12 =	sadd.s32 s6, s10  }
0x6e: {  	[tilespmem:s8], [sflag:$0x2] =	stream.linear.gather [hbm4b:s12+s8], $0x1000, $0x38;
	[tilespmem:$0x1F380] =	vst v63  }
0x6f: {  	_ =	swait.ge [sflag:s26], $0x1000  }
0x70: {  	[sflag:s26] =	ssyncset.done $0x0  }
0x71: {  	s10 =	sadd.s32 s7, s10;
	[sflag:s26] =	ssyncadd.s32 $0xFFFFF000  }
0x72: {  	[tilespmem:s0], [sflag:$0x2] =	stream.linear.gather [hbm4b:s10+s8], $0x1000, $0x38;
	[tilespmem:$0x1F380] =	vst v63  }
0x73: {  	_ =	swait.ge [sflag:s26], $0x1000  }
0x74: {  	[sflag:s26] =	ssyncset.done $0x0  }
0x75: {  	s10 =	simm.s32 $0x0;
	[sflag:s26] =	ssyncadd.s32 $0xFFFFF000  }
.LBB2_5:
0x76: {  	s12 =	sshll.u32 s10, $0x7  }
0x77: {  	[tilespmem:s25], [sflag:$0x1] =	stream.indirect.gather [hbm4b:s1+s31], $0x80, s12, s31, $0xb8;
	[tilespmem:$0x1F380] =	vst v63  }
0x78: {  	v1 =	vld [tilespmem:s12+$0x0]  }
0x79: {  	v2 =	vld [tilespmem:s12+$0x1000];
	_ =	sdelay $0x6  }
0x7a: {  	v1 =	vld.idx.msk [tilespmem:v1+s29+$0x0], $0xffff  }
0x7b: {  	v2 =	vld.idx.msk [tilespmem:v2+s30+$0x0], $0xffff;
	_ =	sdelay $0x4  }
0x7c: {  	v3 =	vld [tilespmem:$0x7000];
	v1 =	vadd.f32 v2, v1;
	_ =	sdelay $0x1  }
0x7d: {  	v2 =	vmul.f32 $2.000000030e-01, v1  }
0x7e: {  	vm0 =	vge.f32 v1, $0.0e+00  }
0x7f: {  	v1 =	vsel vm0, v1, v2  }
0x80: {  	v1 =	vsub.f32 v1, v3;
	_ =	sdelay $0x1  }
0x81: {  	v1 =	vmul.f32 $1.442695020e+00, v1;
	_ =	sdelay $0x1  }
0x82: {  	(erf) = vpow2.f32 v1;
	_ =	sdelay $0x8  }
0x83: {  	v1 =	vpop (erf)  }
0x84: {  	[tilespmem:$0x7080] =	vst v1  }
0x85: {  	v1 =	vld [tilespmem:s12+$0x10]  }
0x86: {  	v2 =	vld [tilespmem:s12+$0x1010];
	_ =	sdelay $0x6  }
0x87: {  	v1 =	vld.idx.msk [tilespmem:v1+s29+$0x0], $0xffff  }
0x88: {  	v2 =	vld.idx.msk [tilespmem:v2+s30+$0x0], $0xffff;
	_ =	sdelay $0x4  }
0x89: {  	v1 =	vadd.f32 v2, v1;
	_ =	sdelay $0x1  }
0x8a: {  	v2 =	vmul.f32 $2.000000030e-01, v1  }
0x8b: {  	vm9 =	vge.f32 v1, $0.0e+00  }
0x8c: {  	v1 =	vsel vm9, v1, v2  }
0x8d: {  	v1 =	vsub.f32 v1, v3;
	_ =	sdelay $0x1  }
0x8e: {  	v1 =	vmul.f32 $1.442695020e+00, v1;
	_ =	sdelay $0x1  }
0x8f: {  	(erf) = vpow2.f32 v1;
	_ =	sdelay $0x8  }
0x90: {  	v1 =	vpop (erf)  }
0x91: {  	[tilespmem:$0x7090] =	vst v1  }
0x92: {  	v1 =	vld [tilespmem:s12+$0x20]  }
0x93: {  	v2 =	vld [tilespmem:s12+$0x1020];
	_ =	sdelay $0x6  }
0x94: {  	v1 =	vld.idx.msk [tilespmem:v1+s29+$0x0], $0xffff  }
0x95: {  	v2 =	vld.idx.msk [tilespmem:v2+s30+$0x0], $0xffff;
	_ =	sdelay $0x4  }
0x96: {  	v1 =	vadd.f32 v2, v1;
	_ =	sdelay $0x1  }
0x97: {  	v2 =	vmul.f32 $2.000000030e-01, v1  }
0x98: {  	vm10 =	vge.f32 v1, $0.0e+00  }
0x99: {  	v1 =	vsel vm10, v1, v2  }
0x9a: {  	v1 =	vsub.f32 v1, v3;
	_ =	sdelay $0x1  }
0x9b: {  	v1 =	vmul.f32 $1.442695020e+00, v1;
	_ =	sdelay $0x1  }
0x9c: {  	(erf) = vpow2.f32 v1;
	_ =	sdelay $0x8  }
0x9d: {  	v1 =	vpop (erf)  }
0x9e: {  	[tilespmem:$0x70A0] =	vst v1  }
0x9f: {  	v1 =	vld [tilespmem:s12+$0x30]  }
0xa0: {  	v2 =	vld [tilespmem:s12+$0x1030];
	_ =	sdelay $0x6  }
0xa1: {  	v1 =	vld.idx.msk [tilespmem:v1+s29+$0x0], $0xffff  }
0xa2: {  	v2 =	vld.idx.msk [tilespmem:v2+s30+$0x0], $0xffff;
	_ =	sdelay $0x4  }
0xa3: {  	v1 =	vadd.f32 v2, v1;
	_ =	sdelay $0x1  }
0xa4: {  	v2 =	vmul.f32 $2.000000030e-01, v1  }
0xa5: {  	vm11 =	vge.f32 v1, $0.0e+00  }
0xa6: {  	v1 =	vsel vm11, v1, v2  }
0xa7: {  	v1 =	vsub.f32 v1, v3;
	_ =	sdelay $0x1  }
0xa8: {  	v1 =	vmul.f32 $1.442695020e+00, v1;
	_ =	sdelay $0x1  }
0xa9: {  	(erf) = vpow2.f32 v1;
	_ =	sdelay $0x8  }
0xaa: {  	v1 =	vpop (erf)  }
0xab: {  	[tilespmem:$0x70B0] =	vst v1  }
0xac: {  	v1 =	vld [tilespmem:s12+$0x40]  }
0xad: {  	v2 =	vld [tilespmem:s12+$0x1040];
	_ =	sdelay $0x6  }
0xae: {  	v1 =	vld.idx.msk [tilespmem:v1+s29+$0x0], $0xffff  }
0xaf: {  	v2 =	vld.idx.msk [tilespmem:v2+s30+$0x0], $0xffff;
	_ =	sdelay $0x4  }
0xb0: {  	v1 =	vadd.f32 v2, v1;
	_ =	sdelay $0x1  }
0xb1: {  	v2 =	vmul.f32 $2.000000030e-01, v1  }
0xb2: {  	vm12 =	vge.f32 v1, $0.0e+00  }
0xb3: {  	v1 =	vsel vm12, v1, v2  }
0xb4: {  	v1 =	vsub.f32 v1, v3;
	_ =	sdelay $0x1  }
0xb5: {  	v1 =	vmul.f32 $1.442695020e+00, v1;
	_ =	sdelay $0x1  }
0xb6: {  	(erf) = vpow2.f32 v1;
	_ =	sdelay $0x8  }
0xb7: {  	v1 =	vpop (erf)  }
0xb8: {  	[tilespmem:$0x70C0] =	vst v1  }
0xb9: {  	v1 =	vld [tilespmem:s12+$0x50]  }
0xba: {  	v2 =	vld [tilespmem:s12+$0x1050];
	_ =	sdelay $0x6  }
0xbb: {  	v1 =	vld.idx.msk [tilespmem:v1+s29+$0x0], $0xffff  }
0xbc: {  	v2 =	vld.idx.msk [tilespmem:v2+s30+$0x0], $0xffff;
	_ =	sdelay $0x4  }
0xbd: {  	v1 =	vadd.f32 v2, v1;
	_ =	sdelay $0x1  }
0xbe: {  	v2 =	vmul.f32 $2.000000030e-01, v1  }
0xbf: {  	vm13 =	vge.f32 v1, $0.0e+00  }
0xc0: {  	v1 =	vsel vm13, v1, v2  }
0xc1: {  	v1 =	vsub.f32 v1, v3;
	_ =	sdelay $0x1  }
0xc2: {  	v1 =	vmul.f32 $1.442695020e+00, v1;
	_ =	sdelay $0x1  }
0xc3: {  	(erf) = vpow2.f32 v1;
	_ =	sdelay $0x8  }
0xc4: {  	v1 =	vpop (erf)  }
0xc5: {  	[tilespmem:$0x70D0] =	vst v1  }
0xc6: {  	v1 =	vld [tilespmem:s12+$0x60]  }
0xc7: {  	v2 =	vld [tilespmem:s12+$0x1060];
	_ =	sdelay $0x6  }
0xc8: {  	v1 =	vld.idx.msk [tilespmem:v1+s29+$0x0], $0xffff  }
0xc9: {  	v2 =	vld.idx.msk [tilespmem:v2+s30+$0x0], $0xffff;
	_ =	sdelay $0x4  }
0xca: {  	v1 =	vadd.f32 v2, v1;
	_ =	sdelay $0x1  }
0xcb: {  	v2 =	vmul.f32 $2.000000030e-01, v1  }
0xcc: {  	vm14 =	vge.f32 v1, $0.0e+00  }
0xcd: {  	v1 =	vsel vm14, v1, v2  }
0xce: {  	v1 =	vsub.f32 v1, v3;
	_ =	sdelay $0x1  }
0xcf: {  	v1 =	vmul.f32 $1.442695020e+00, v1;
	_ =	sdelay $0x1  }
0xd0: {  	(erf) = vpow2.f32 v1;
	_ =	sdelay $0x8  }
0xd1: {  	v1 =	vpop (erf)  }
0xd2: {  	[tilespmem:$0x70E0] =	vst v1  }
0xd3: {  	v1 =	vld [tilespmem:s12+$0x70]  }
0xd4: {  	v2 =	vld [tilespmem:s12+$0x1070];
	_ =	sdelay $0x6  }
0xd5: {  	v1 =	vld.idx.msk [tilespmem:v1+s29+$0x0], $0xffff  }
0xd6: {  	v2 =	vld.idx.msk [tilespmem:v2+s30+$0x0], $0xffff;
	_ =	sdelay $0x4  }
0xd7: {  	v1 =	vadd.f32 v2, v1;
	_ =	sdelay $0x1  }
0xd8: {  	v2 =	vmul.f32 $2.000000030e-01, v1  }
0xd9: {  	vm15 =	vge.f32 v1, $0.0e+00  }
0xda: {  	v1 =	vsel vm15, v1, v2  }
0xdb: {  	v1 =	vsub.f32 v1, v3;
	_ =	sdelay $0x1  }
0xdc: {  	v1 =	vmul.f32 $1.442695020e+00, v1;
	_ =	sdelay $0x1  }
0xdd: {  	(erf) = vpow2.f32 v1;
	_ =	sdelay $0x8  }
0xde: {  	v1 =	vpop (erf)  }
0xdf: {  	s12 =	sadd.s32 $0x1000, s12;
	[tilespmem:$0x70F0] =	vst v1  }
0xe0: {  	[spmem:s3] =	stream.indirect.scatter.add.f32 [tilespmem:s28], [sflag:$0x2], $0x1, s12, s31, $0xb8;
	[tilespmem:$0x1F380] =	vst v63  }
0xe1: {  	_ =	swait.ge [sflag:s26], $0x80  }
0xe2: {  	[sflag:s26] =	ssyncset.done $0x0  }
0xe3: {  	[sflag:s26] =	ssyncadd.s32 $0xFFFFFF80  }
0xe4: {  	s13 =	simm.s32 $0x0;
	_ =	swait.ge [sflag:s4], $0x4000  }
0xe5: {  	v1 =	vmov s13;
	[sflag:s4] =	ssyncset.done $0x0  }
0xe6: {  	s13 =	simm.s32 $0x7140;
	[sflag:s4] =	ssyncadd.s32 $0xFFFFC000  }
0xe7: {  	v5 =	vld [tilespmem:s13+$0x30]  }
0xe8: {  	v8 =	vld [tilespmem:s13+$0x10]  }
0xe9: {  	v6 =	vld [tilespmem:s13+$0xFFFFFFC0]  }
0xea: {  	v2 =	vld.idx.msk [tilespmem:v1+s28+$0x0], $0xffff  }
0xeb: {  	v10 =	vld [tilespmem:s13+$0xFFFFFFE0]  }
0xec: {  	v1 =	vld [tilespmem:s13+$0xFFFFFFF0]  }
0xed: {  	v3 =	vld [tilespmem:s13+$0x20]  }
0xee: {  	v4 =	vld [tilespmem:s13+$0xFFFFFFD0]  }
0xef: {  	v9 =	vmul.f32 v5, v2;
	v5 =	vld [tilespmem:s13+$0x0]  }
0xf0: {  	v7 =	vmul.f32 v6, v2  }
0xf1: {  	s15 =	simm.s32 $0x1;
	s16 =	simm.s32 $0x7140;
	v6 =	vmul.f32 v10, v2;
	v8 =	vmul.f32 v8, v2  }
.LBB2_6:
0xf2: {  	p1 =	sne.s32 s15, $0x7F  }
0xf3: {  	v4 =	vmul.f32 v4, v2;
	v3 =	vmul.f32 v3, v2;
	[tilespmem:s13+$0x30] =	vst v9;
	s16 =	sadd.s32 $0x80, s16;
	s18 =	smov.u32 s15;
	s15 =	sadd.s32 $0x1, s15  }
0xf4: {  	[tilespmem:s13+$0xFFFFFFC0] =	vst v7;
	v7 =	vmul.f32 v1, v2;
	v2 =	vmul.f32 v5, v2  }
0xf5: {  	[tilespmem:s13+$0x10] =	vst v8  }
0xf6: {  	v5 =	vmov s18;
	[tilespmem:s13+$0xFFFFFFE0] =	vst v6  }
0xf7: {  	v1 =	vld [tilespmem:s16+$0xFFFFFFF0];
	[tilespmem:s13+$0xFFFFFFF0] =	vst v7  }
0xf8: {  	v6 =	vld [tilespmem:s16+$0x30];
	[tilespmem:s13+$0x0] =	vst v2  }
0xf9: {  	v8 =	vld [tilespmem:s16+$0x10];
	[tilespmem:s13+$0x20] =	vst v3  }
0xfa: {  	v7 =	vld [tilespmem:s16+$0xFFFFFFC0];
	[tilespmem:s13+$0xFFFFFFD0] =	vst v4;
	s13 =	smov.u32 s16  }
0xfb: {  	v2 =	vld.idx.msk [tilespmem:v5+s28+$0x0], $0xffff  }
0xfc: {  	v10 =	vld [tilespmem:s16+$0xFFFFFFE0]  }
0xfd: {  	v3 =	vld [tilespmem:s16+$0x20]  }
.Ltmp1:
0xfe: {  	v4 =	vld [tilespmem:s16+$0xFFFFFFD0];
	(pc) =	sbr.rel @p1 .LBB2_6-.Ltmp1, $3  }
0xff: {  	v5 =	vld [tilespmem:s16+$0x0];
	_ =	sdelay $0x1  }
0x100: {  	v7 =	vmul.f32 v7, v2;
	v9 =	vmul.f32 v6, v2  }
0x101: {  	v8 =	vmul.f32 v8, v2;
	v6 =	vmul.f32 v10, v2  }
0x102: {  	[tilespmem:s13+$0x30] =	vst v9  }
0x103: {  	[tilespmem:s13+$0xFFFFFFC0] =	vst v7  }
0x104: {  	v1 =	vmul.f32 v1, v2;
	[tilespmem:s13+$0x10] =	vst v8  }
0x105: {  	v3 =	vmul.f32 v3, v2;
	[tilespmem:s13+$0xFFFFFFE0] =	vst v6  }
0x106: {  	v5 =	vmul.f32 v5, v2;
	[tilespmem:s13+$0xFFFFFFF0] =	vst v1  }
0x107: {  	s10 =	sadd.s32 $0x1, s10;
	v1 =	vmul.f32 v4, v2;
	[tilespmem:s13+$0x20] =	vst v3  }
0x108: {  	p1 =	sne.s32 s10, $0x20;
	[tilespmem:s13+$0x0] =	vst v5  }
.Ltmp2:
0x109: {  	[tilespmem:s13+$0xFFFFFFD0] =	vst v1;
	(pc) =	sbr.rel @p1 .LBB2_5-.Ltmp2, $4  }
0x10a: {  	[spmem:s2] =	stream.indirect.scatter.add.f32 [tilespmem:s25], [sflag:$0x2], $0x80, s12, s31, $0xb8;
	[tilespmem:$0x1F380] =	vst v63  }
0x10b: {  	_ =	swait.ge [sflag:s26], $0x4000  }
0x10c: {  	[sflag:s26] =	ssyncset.done $0x0  }
0x10d: {  	[sflag:s26] =	ssyncadd.s32 $0xFFFFC000  }
0x10e: {  	p1 =	slt.u32 @!p0 s9, $0x3  }
0x10f: {  	p1 =	por p0, !p1  }
.Ltmp3:
0x110: {  	_ = 	snop;
	(pc) =	sbr.rel @!p1 .LBB2_4-.Ltmp3, $2  }
0x111: {  	_ =	sdelay $0x2  }
0x112: {  	s9 =	sadd.s32 $0x1, s9  }
0x113: {  	s8 =	stileid.u32  }
0x114: {  	s8 =	sshll.u32 s8, $0x6  }
0x115: {  	[bflag:$0x0] =	sbarrier.arrive $0xFFFF;
	s9 =	sshrl.u32 s11, $0x3;
	s8 =	sor.u32 $0x1C02, s8  }
0x116: {  	[hbm:s22], [sflag:s8] =	dma.local [spmem:s9], $0x2800  }
0x117: {  	s18 =	sshrl.u32 s17, $0x3;
	s5 =	sadd.s32 $0x1, s5;
	_ =	swait.ge [sflag:s26], $0x2800  }
0x118: {  	s10 =	simm.s32 $0x20;
	p1 =	sne.s32 s5, s24;
	[sflag:s26] =	ssyncset.done $0x0  }
.Ltmp4:
0x119: {  	s12 =	simm.s32 $0x10;
	[sflag:s26] =	ssyncadd.s32 $0xFFFFD800;
	(pc) =	sbr.rel @p1 .LBB2_1-.Ltmp4, $4  }
0x11a: {  	[hbm:s23@s10], [sflag:s8] =	dma.strided [spmem:s18@s12], $0x50, s4, $0x10   }
0x11b: {  	_ =	swait.ge [sflag:s26], $0x50  }
0x11c: {  	[sflag:s26] =	ssyncset.done $0x0  }
0x11d: {  	[sflag:s26] =	ssyncadd.s32 $0xFFFFFFB0  }
0x11e: {  	_ =	sfence.sel $0x180000  }
0x11f: {  	[bflag:$0x0] =	sbarrier.arrive $0xFFFF  }
0x120: {  	_ =	strace $0x9000004A  }
0x121: {  	s0 =	stileid.u32;
	[bflag:$0x2] =	sbarrier.arrive $0xFFFF  }
0x122: {  	p0 =	sne.s32 s0, $0x0;
	s0 =	rddreg [dreg:$0x4]  }
0x123: {  	s0 =	sadd.s32 @!p0 $0x100000, s0  }
0x124: {  	[sflag:s0] =	ssyncadd.tile.s32 @!p0 $0x1;
	_ =	shalt  }
.Lfunc_end2:
_tile_overlayer_lowered:
.L_overlay_start_2:
0x125: {  	(tag) =	ssettag $0x2  }
0x126: {  	s0 =	rddreg [dreg:$0x0];
	s2 =	stileid.u32  }
0x127: {  	s1 =	rddreg [dreg:$0x1];
	p0 =	sne.s32 s2, $0x0  }
0x128: {  	s3 =	rddreg [dreg:$0x2];
	[bflag:$0x3] =	sbarrier.arrive $0xFFFF;
	s2 =	simm.s32 @!p0 $0x1C02  }
0x129: {  	[timem:s3], [sflag:s2] =	dma.local @!p0 [hbm:s0], s1  }
0x12a: {  	s0 =	simm.s32 @!p0 $0x2  }
0x12b: {  	_ =	swait.ge @!p0 [sflag:s0], s1  }
0x12c: {  	s1 =	ssub.s32 @!p0 $0x0, s1;
	[sflag:s0] =	ssyncset.done @!p0 $0x0  }
0x12d: {  	[sflag:s0] =	ssyncadd.s32 @!p0 s1  }
0x12e: {  	[bflag:$0x3] =	sbarrier.arrive $0xFFFF  }
0x12f: {  	_ =	shalt  }

// kernel: kernel.15.cloned.1.call-start
scs
__scs_entry_jumppad:
0x0: {  	(pc) =	sbr.rel $0x88, $3  }
0x1: {  	(tag) =	ssettag $0x0;
	lr =	simm.s32 $0x1  }
0x2: {  	[smem:$0x3F91] =	sst lr;
	_ =	strace $0xD0000000  }
0x3: {  	_ = 	snop  }
0x4: {  	_ = 	snop  }
0x5: {  	_ = 	snop  }
0x6: {  	_ = 	snop  }
0x7: {  	_ = 	snop  }
__scs_overlays_trampoline_lowered:
0x8: {  	[smem:$0x3FA0] =	sst s0  }
0x9: {  	[smem:$0x3FA1] =	sst s1  }
0xa: {  	[smem:$0x3FA2] =	sst s2  }
0xb: {  	[smem:$0x3FA3] =	sst s3  }
0xc: {  	[smem:$0x3FA4] =	sst s4  }
0xd: {  	[smem:$0x3FA5] =	sst s5  }
0xe: {  	[smem:$0x3FA6] =	sst s6  }
0xf: {  	[smem:$0x3FA7] =	sst s7  }
0x10: {  	[smem:$0x3FA8] =	sst s8  }
0x11: {  	[smem:$0x3FA9] =	sst s9;
	s0 =	simm.s32 @!p0 $0x0  }
0x12: {  	s1 =	sld [smem:$0x3F8F];
	s0 =	simm.s32 @p0 $0x1  }
0x13: {  	[smem:$0x3FAA] =	sst s0;
	s0 =	simm.s32 @!p1 $0x0  }
0x14: {  	s2 =	sld [smem:$0x3F8E];
	s0 =	simm.s32 @p1 $0x1  }
0x15: {  	[smem:$0x3FAB] =	sst s0;
	s0 =	simm.s32 @!p2 $0x0  }
0x16: {  	s3 =	sld [smem:$0x3FDB];
	s0 =	simm.s32 @p2 $0x1  }
0x17: {  	s4 =	simm.s32 $0x1BF5;
	[smem:$0x3FAD] =	sst s0  }
0x18: {  	s0 =	sld [smem:$0x3F90];
	_ =	swait.ge [sflag:s4], $0x0  }
0x19: {  	s7 =	sld [smem:$0x3F91]  }
0x1a: {  	s8 =	sadd.s32 $0xFFFFE003, lr  }
0x1b: {  	s9 =	sadd.s32 $0xFFFFFEF7, lr;
	s5 =	simm.s32 $0xFFFFFFFF;
	p2 =	slt.u32 s8, $0xFFFFF086  }
0x1c: {  	p1 =	slt.u32 s9, $0xF7A;
	s5 =	simm.s32 @!p2 $0x0  }
0x1d: {  	s5 =	simm.s32 @p1 $0x1;
	p0 =	seq.s32 s7, s2  }
0x1e: {  	s7 =	smul.u32 @!p0 $0xF7A, s2;
	p2 =	seq.s32 @!p0 s5, $0x0  }
0x1f: {  	s9 =	smul.u32 $0xF7A, s1;
	s8 =	simm.s32 @!p0 $0x1BF5;
	p2 =	por !p2, p0  }
0x20: {  	[sflag:s8] =	ssyncset.s32 @!p0 $0xFFFFF086;
	s6 =	sadd.s32 @!p0 s3, s7;
	s7 =	simm.s32 @!p0 $0x108  }
0x21: {  	s3 =	sadd.s32 s3, s9;
	s6 =	sadd.s32 @!p0 $0x88, s6;
	s7 =	simm.s32 @p2 $0x1082  }
0x22: {  	[simem:s7], [sflag:s8] =	dma.local @!p0 [hbm:s6], $0xF7A  }
0x23: {  	s9 =	sor.u32 $0xD0000000, s2;
	s6 =	simm.s32 $0x108;
	_ =	swait.ge @!p0 [sflag:s8], $0x0  }
0x24: {  	s3 =	sadd.s32 $0x88, s3;
	s6 =	simm.s32 @!p1 $0x1082;
	[sflag:s4] =	ssyncset.s32 $0xFFFFF086  }
0x25: {  	[simem:s6], [sflag:s4] =	dma.local [hbm:s3], $0xF7A  }
0x26: {  	[smem:$0x3F91] =	sst s1;
	(tag) =	ssettag s2;
	_ =	strace s9  }
0x27: {  	s1 =	sld [smem:$0x3FA1]  }
0x28: {  	s2 =	sld [smem:$0x3FA2]  }
0x29: {  	s4 =	sld [smem:$0x3FA4]  }
0x2a: {  	p0 =	seq.s32 s5, $0x0;
	s5 =	sld [smem:$0x3FA5]  }
0x2b: {  	s6 =	sld [smem:$0x3FA6]  }
0x2c: {  	s7 =	sld [smem:$0x3FA7]  }
0x2d: {  	s3 =	simm.s32 $0x108;
	s8 =	sld [smem:$0x3FA8]  }
0x2e: {  	s3 =	simm.s32 @!p0 $0x1082;
	s9 =	sld [smem:$0x3FA9]  }
0x2f: {  	lr =	sadd.s32 s0, s3;
	s0 =	sld [smem:$0x3FA0]  }
0x30: {  	s3 =	sld [smem:$0x3FA3]  }
0x31: {  	[smem:$0x3FAC] =	sst s10  }
0x32: {  	s10 =	sld [smem:$0x3FAA];
	_ =	sdelay $0x3  }
0x33: {  	p0 =	seq.s32 s10, $0x1;
	s10 =	sld [smem:$0x3FAC];
	_ =	sdelay $0x3  }
0x34: {  	[smem:$0x3FAC] =	sst s10  }
0x35: {  	s10 =	sld [smem:$0x3FAB];
	_ =	sdelay $0x3  }
0x36: {  	p1 =	seq.s32 s10, $0x1;
	s10 =	sld [smem:$0x3FAC];
	_ =	sdelay $0x3  }
0x37: {  	[smem:$0x3FAC] =	sst s10  }
0x38: {  	s10 =	sld [smem:$0x3FAD]  }
0x39: {  	_ = 	snop;
	(pc) =	sbr.ind lr, $3  }
0x3a: {  	_ = 	snop  }
0x3b: {  	_ = 	snop  }
0x3c: {  	p2 =	seq.s32 s10, $0x1;
	s10 =	sld [smem:$0x3FAC]  }
0x3d: {  	_ =	shalt  }
0x3e: {  	_ =	shalt  }
0x3f: {  	_ =	shalt  }
0x40: {  	_ =	shalt  }
0x41: {  	_ =	shalt  }
0x42: {  	_ =	shalt  }
0x43: {  	_ =	shalt  }
0x44: {  	_ =	shalt  }
0x45: {  	_ =	shalt  }
0x46: {  	_ =	shalt  }
0x47: {  	_ =	shalt  }
0x48: {  	_ =	shalt  }
0x49: {  	_ =	shalt  }
0x4a: {  	_ =	shalt  }
0x4b: {  	_ =	shalt  }
0x4c: {  	_ =	shalt  }
0x4d: {  	_ =	shalt  }
0x4e: {  	_ =	shalt  }
0x4f: {  	_ =	shalt  }
0x50: {  	_ =	shalt  }
0x51: {  	_ =	shalt  }
0x52: {  	_ =	shalt  }
0x53: {  	_ =	shalt  }
0x54: {  	_ =	shalt  }
0x55: {  	_ =	shalt  }
0x56: {  	_ =	shalt  }
0x57: {  	_ =	shalt  }
0x58: {  	_ =	shalt  }
0x59: {  	_ =	shalt  }
0x5a: {  	_ =	shalt  }
0x5b: {  	_ =	shalt  }
0x5c: {  	_ =	shalt  }
0x5d: {  	_ =	shalt  }
0x5e: {  	_ =	shalt  }
0x5f: {  	_ =	shalt  }
0x60: {  	_ =	shalt  }
0x61: {  	_ =	shalt  }
0x62: {  	_ =	shalt  }
0x63: {  	_ =	shalt  }
0x64: {  	_ =	shalt  }
0x65: {  	_ =	shalt  }
0x66: {  	_ =	shalt  }
0x67: {  	_ =	shalt  }
0x68: {  	_ =	shalt  }
0x69: {  	_ =	shalt  }
0x6a: {  	_ =	shalt  }
0x6b: {  	_ =	shalt  }
0x6c: {  	_ =	shalt  }
0x6d: {  	_ =	shalt  }
0x6e: {  	_ =	shalt  }
0x6f: {  	_ =	shalt  }
0x70: {  	_ =	shalt  }
0x71: {  	_ =	shalt  }
0x72: {  	_ =	shalt  }
0x73: {  	_ =	shalt  }
0x74: {  	_ =	shalt  }
0x75: {  	_ =	shalt  }
0x76: {  	_ =	shalt  }
0x77: {  	_ =	shalt  }
0x78: {  	_ =	shalt  }
0x79: {  	_ =	shalt  }
0x7a: {  	_ =	shalt  }
0x7b: {  	_ =	shalt  }
0x7c: {  	_ =	shalt  }
0x7d: {  	_ =	shalt  }
0x7e: {  	_ =	shalt  }
0x7f: {  	_ =	shalt  }
0x80: {  	_ =	shalt  }
0x81: {  	_ =	shalt  }
0x82: {  	_ =	shalt  }
0x83: {  	_ =	shalt  }
0x84: {  	_ =	shalt  }
0x85: {  	_ =	shalt  }
0x86: {  	_ =	shalt  }
0x87: {  	_ =	shalt  }
.Lfunc_end0:
.L_simem_size_0:
called_computation.2_lowered:
.L_overlay_start_0:
0x88: {  	s2 =	sld [smem:$0x3FD9]  }
0x89: {  	s3 =	sld [smem:$0x3FFE];
	_ =	sdelay $0x1  }
0x8a: {  	s1 =	srdreg.scid  }
0x8b: {  	s0 =	sand.u32 $0x1, s1  }
0x8c: {  	s17 =	sshll.u32 s0, $0xA;
	s2 =	sadd.s32 s3, s2  }
0x8d: {  	s2 =	sadd.s32 s2, s17  }
0x8e: {  	[smem:$0x3FB8] =	sst s2  }
0x8f: {  	_ = 	snop  }
0x90: {  	s2 =	sld [smem:$0x3FD0];
	(tm) =	ssettm $0x1  }
0x91: {  	s18 =	sld [smem:$0x3FFB];
	_ =	sdelay $0x3  }
0x92: {  	_ =	strace s18  }
0x93: {  	s3 =	sld [smem:$0x3FFC];
	_ =	sdelay $0x3  }
0x94: {  	_ =	strace s3  }
0x95: {  	s3 =	sld [smem:$0x3FFD];
	_ =	sdelay $0x3  }
0x96: {  	_ =	strace s3  }
0x97: {  	_ =	strace $0x8FFFFFFF  }
0x98: {  	s19 =	sld [smem:$0x3FDB];
	_ =	sdelay $0x1  }
0x99: {  	s4 =	simm.s32 $_scs_section_size  }
0x9a: {  	s5 =	simm.s32 $_size__tile_overlayer_lowered;
	s6 =	simm.s32 $_tile_overlayer_lowered  }
0x9b: {  	s22 =	simm.s32 $0x1BFF;
	s21 =	sshll.u32 s6, $0x1;
	s3 =	sadd.s32 s4, s19  }
0x9c: {  	s7 =	simm.s32 $0x0;
	s20 =	sshll.u32 s5, $0x1;
	s5 =	sadd.s32 s21, s3  }
0x9d: {  	[timem:s7], [sflag:s22] =	dma.local [hbm:s5], s20  }
0x9e: {  	_ =	swait.ge [sflag:s22], s20  }
0x9f: {  	s4 =	ssub.s32 $0x0, s20;
	[sflag:s22] =	ssyncset.done $0x0  }
0xa0: {  	[sflag:s22] =	ssyncadd.s32 s4;
	_ =	sdelay $0x1  }
0xa1: {  	s23 =	simm.s32 $0x1B8B  }
0xa2: {  	_ =	swait.ge [sflag:s23], $0x1  }
0xa3: {  	[sflag:s23] =	ssyncset.done $0x0  }
0xa4: {  	s25 =	simm.s32 $0x1B8E;
	s24 =	sld [smem:$0x3FFE];
	[sflag:s23] =	ssyncadd.s32 $0xFFFFFFFF  }
0xa5: {  	s26 =	simm.s32 $execute0_lowered;
	[smem:$0x3FD2] =	sst s25  }
0xa6: {  	s5 =	sshll.u32 s26, $0x1;
	_ =	strace $0x8000004C;
	[dreg:$0x1] =	wrdreg $0xFFFFFFFF  }
0xa7: {  	s28 =	simm.s32 $_size_execute0_lowered;
	s3 =	sadd.s32 s3, s5;
	[dreg:$0x0] =	wrdreg $0x0  }
0xa8: {  	s5 =	sshll.u32 s28, $0x1;
	[dreg:$0x2] =	wrdreg s3  }
0xa9: {  	[dreg:$0x3] =	wrdreg s5  }
0xaa: {  	[dreg:$0x4] =	wrdreg $0xC0  }
0xab: {  	_ =	task [dreg:s7], $0x5FFFF  }
0xac: {  	[dreg:$0x1] =	wrdreg $0xFFFFFFFF  }
0xad: {  	[dreg:$0x0] =	wrdreg $0x60  }
0xae: {  	[dreg:$0x2] =	wrdreg s2  }
0xaf: {  	[dreg:$0x3] =	wrdreg s24  }
0xb0: {  	[dreg:$0x4] =	wrdreg $0xA0000  }
0xb1: {  	[dreg:$0x5] =	wrdreg $0x9  }
0xb2: {  	_ =	task.clear_ibuf [dreg:s7], $0x6FFFF;
	_ =	strace $0x9000004C  }
0xb3: {  	s29 =	simm.s32 $0x9;
	_ =	strace $0x8000004E  }
0xb4: {  	_ =	swait.ge [sflag:s29], $0x1  }
0xb5: {  	[sflag:s29] =	ssyncadd.s32 $0xFFFFFFFF  }
0xb6: {  	_ =	strace $0x9000004E  }
0xb7: {  	_ =	sfence  }
0xb8: {  	s30 =	sld [smem:$0x0];
	_ =	sdelay $0x2  }
0xb9: {  	s31 =	sshll.u32 s1, $0xD;
	s1 =	sshrl.u32 s1, $0x2  }
0xba: {  	s3 =	sand.u32 $0x4000, s31;
	s1 =	sadd.s32 s1, s30  }
0xbb: {  	s0 =	sor.u32 s3, s0;
	s1 =	sshll.u32 s1, $0x11  }
0xbc: {  	s0 =	sor.u32 s1, s0  }
0xbd: {  	s0 =	sadd.s32 $0x8F2B, s0  }
0xbe: {  	[sflag:s0] =	ssyncadd.remote.s32 $0x1  }
0xbf: {  	_ =	sfence.sel $0xFFFF  }
0xc0: {  	[dreg:$0x0] =	wrdreg $0xFFFFFFFF;
	(pc) =	sbr.abs _section_cstart, $3  }
0xc1: {  	[dreg:$0x1] =	wrdreg $0xFFFFFFFF  }
0xc2: {  	_ =	task.clear_ibuf [dreg:s7], $0x2FFFF;
	_ =	strace $0x9FFFFFFF  }
0xc3: {  	(tm) =	ssettm $0x7FFFFFFF  }
tec
execute0_lowered:
.L_overlay_start_1:
0x0: {  	(tag) =	ssettag $0x1  }
0x1: {  	s1 =	rddreg [dreg:$0x0]  }
0x2: {  	s7 =	rddreg [dreg:$0x1]  }
0x3: {  	s2 =	rddreg [dreg:$0x2];
	s3 =	srdreg.scid  }
0x4: {  	s0 =	rddreg [dreg:$0x3];
	s4 =	simm.s32 $0x0;
	s16 =	simm.s32 $0x5  }
0x5: {  	s17 =	simm.s32 $0x1000;
	s18 =	simm.s32 $0x80;
	s19 =	simm.s32 $0x6000  }
0x6: {  	s20 =	simm.s32 $0x1;
	s21 =	simm.s32 $0x2;
	s22 =	simm.s32 $0x3  }
0x7: {  	s23 =	simm.s32 $0x4;
	s24 =	sand.u32 $0x1, s3;
	s3 =	stileid.u32  }
0x8: {  	s25 =	simm.s32 $0x1F80;
	[smem:$0x7FF] =	sst s4;
	s8 =	smul.u32 $0x140000, s24  }
0x9: {  	s5 =	sadd.s32 $0x17400, s7;
	s6 =	sadd.s32 $0xD400, s7;
	s9 =	smul.u32 $0x14000, s3  }
0xa: {  	_ =	strace $0x8000004D;
	s10 =	smul.u32 $0x50000, s3;
	s30 =	ssub.s32 $0x2, s24  }
0xb: {  	s12 =	sshll.u32 s3, $0xC;
	p0 =	seq.s32 s24, $0x0;
	s15 =	sshll.u32 s3, $0xE  }
0xc: {  	s31 =	sshrl.u32 s30, $0x1;
	s12 =	sor.u32 $0x40000, s12;
	s8 =	sadd.s32 s9, s8  }
0xd: {  	s10 =	sshrl.u32 s10, $0x2;
	s14 =	ssub.s32 s30, s31;
	s12 =	smov.u32 @p0 s15  }
0xe: {  	s15 =	simm.s32 $0x2000;
	p0 =	sne.s32 s24, $0x0;
	s8 =	sshrl.u32 s8, $0x3  }
0xf: {  	s24 =	simm.s32 $0x1F00;
	s13 =	sadd.s32 s8, s7;
	s7 =	sadd.s32 s10, s2  }
0x10: {  	s14 =	smax.u32 s14, $0x1;
	s8 =	sadd.s32 $0x4000, s7;
	s9 =	sadd.s32 $0x8000, s7  }
0x11: {  	v0 =	vimm.f32 $0.0e+00;
	s10 =	sadd.s32 $0xC000, s7;
	s11 =	sadd.s32 $0x10000, s7;
	s13 =	sadd.s32 $0x21400, s13  }
.LBB2_1:
0x12: {  	s26 =	simm.s32 $0x0;
	s28 =	simm.s32 $0x200  }
.LBB2_2:
0x13: {  	p1 =	sne.s32 s28, $0xFE00;
	[tilespmem:s26+$0x2070] =	vst v0  }
0x14: {  	[tilespmem:s26+$0x2000] =	vst v0  }
0x15: {  	[tilespmem:s26+$0x2010] =	vst v0  }
.Ltmp0:
0x16: {  	[tilespmem:s26+$0x2020] =	vst v0;
	(pc) =	sbr.rel @p1 .LBB2_2-.Ltmp0, $4  }
0x17: {  	[tilespmem:s26+$0x2030] =	vst v0  }
0x18: {  	[tilespmem:s26+$0x2040] =	vst v0  }
0x19: {  	[tilespmem:s26+$0x2050] =	vst v0  }
0x1a: {  	[tilespmem:s26+$0x2060] =	vst v0;
	s26 =	sshra.s32 s28, $0x2;
	s28 =	sadd.s32 $0x200, s28  }
0x1b: {  	[tilespmem:s26+$0x2070] =	vst v0  }
0x1c: {  	[tilespmem:s26+$0x2000] =	vst v0  }
0x1d: {  	[tilespmem:s26+$0x2010] =	vst v0  }
0x1e: {  	[tilespmem:s26+$0x2020] =	vst v0  }
0x1f: {  	[tilespmem:s26+$0x2030] =	vst v0  }
0x20: {  	[tilespmem:s26+$0x2040] =	vst v0  }
0x21: {  	[tilespmem:s26+$0x2050] =	vst v0  }
0x22: {  	[tilespmem:s26+$0x2060] =	vst v0  }
0x23: {  	[spmem:s7] =	stream.linear.scatter [tilespmem:s15], [sflag:$0x5], $0x4000, $0x38;
	[tilespmem:$0x1E000] =	vst v63  }
0x24: {  	_ =	swait.ge [sflag:s16], $0x4000  }
0x25: {  	[sflag:s16] =	ssyncset.done $0x0  }
0x26: {  	[sflag:s16] =	ssyncadd.s32 $0xFFFFC000  }
0x27: {  	[spmem:s8] =	stream.linear.scatter [tilespmem:s15], [sflag:$0x5], $0x4000, $0x38;
	[tilespmem:$0x1E000] =	vst v63  }
0x28: {  	_ =	swait.ge [sflag:s16], $0x4000  }
0x29: {  	[sflag:s16] =	ssyncset.done $0x0  }
0x2a: {  	[sflag:s16] =	ssyncadd.s32 $0xFFFFC000  }
0x2b: {  	[spmem:s9] =	stream.linear.scatter [tilespmem:s15], [sflag:$0x5], $0x4000, $0x38;
	[tilespmem:$0x1E000] =	vst v63  }
0x2c: {  	_ =	swait.ge [sflag:s16], $0x4000  }
0x2d: {  	[sflag:s16] =	ssyncset.done $0x0  }
0x2e: {  	[sflag:s16] =	ssyncadd.s32 $0xFFFFC000  }
0x2f: {  	[spmem:s10] =	stream.linear.scatter [tilespmem:s15], [sflag:$0x5], $0x4000, $0x38;
	[tilespmem:$0x1E000] =	vst v63  }
0x30: {  	_ =	swait.ge [sflag:s16], $0x4000  }
0x31: {  	[sflag:s16] =	ssyncset.done $0x0  }
0x32: {  	[sflag:s16] =	ssyncadd.s32 $0xFFFFC000  }
0x33: {  	[spmem:s11] =	stream.linear.scatter [tilespmem:s15], [sflag:$0x5], $0x4000, $0x38;
	[tilespmem:$0x1E000] =	vst v63  }
0x34: {  	_ =	swait.ge [sflag:s16], $0x4000  }
0x35: {  	[sflag:s16] =	ssyncset.done $0x0  }
0x36: {  	[sflag:s16] =	ssyncadd.s32 $0xFFFFC000  }
0x37: {  	s26 =	simm.s32 $0x0;
	s28 =	simm.s32 $0x0;
	[bflag:$0x0] =	sbarrier.arrive $0xFFFF  }
.LBB2_4:
0x38: {  	s29 =	sshll.u32 s28, $0xC  }
0x39: {  	s29 =	sadd.s32 s12, s29  }
0x3a: {  	s29 =	sshrl.u32 s29, $0x3  }
0x3b: {  	s30 =	sadd.s32 s5, s29  }
0x3c: {  	[tilespmem:s26], [sflag:$0x5] =	stream.linear.gather [hbm4b:s30+s26], $0x1000, $0x38;
	[tilespmem:$0x1E000] =	vst v63  }
0x3d: {  	_ =	swait.ge [sflag:s16], $0x1000  }
0x3e: {  	[sflag:s16] =	ssyncset.done $0x0  }
0x3f: {  	s29 =	sadd.s32 s6, s29;
	[sflag:s16] =	ssyncadd.s32 $0xFFFFF000  }
0x40: {  	[tilespmem:s17], [sflag:$0x5] =	stream.linear.gather [hbm4b:s29+s26], $0x1000, $0x38;
	[tilespmem:$0x1E000] =	vst v63  }
0x41: {  	_ =	swait.ge [sflag:s16], $0x1000  }
0x42: {  	[sflag:s16] =	ssyncset.done $0x0  }
0x43: {  	[sflag:s16] =	ssyncadd.s32 $0xFFFFF000  }
0x44: {  	[tilespmem:s15], [sflag:$0x1] =	stream.indirect.gather [hbm4b:s1+s18], $0x80, s26, s18, $0xb8;
	[tilespmem:$0x1E000] =	vst v63  }
0x45: {  	_ = 	snop  }
0x46: {  	[tilespmem:s19], [sflag:$0x2] =	stream.indirect.gather [hbm4b:s1+s18], $0x80, s18, s18, $0xb8;
	[tilespmem:$0x1E000] =	vst v63  }
0x47: {  	_ =	swait.ge [sflag:s20], $0x4000  }
0x48: {  	[sflag:s20] =	ssyncset.done $0x0  }
0x49: {  	s29 =	simm.s32 $0x1000;
	[sflag:s20] =	ssyncadd.s32 $0xFFFFC000  }
0x4a: {  	[spmem:s2] =	stream.indirect.scatter.add.f32 [tilespmem:s15], [sflag:$0x3], $0x80, s29, s18, $0xb8;
	[tilespmem:$0x1E000] =	vst v63  }
0x4b: {  	_ =	swait.ge [sflag:s21], $0x4000  }
0x4c: {  	[sflag:s21] =	ssyncset.done $0x0  }
0x4d: {  	s29 =	simm.s32 $0x1080;
	[sflag:s21] =	ssyncadd.s32 $0xFFFFC000  }
0x4e: {  	[spmem:s2] =	stream.indirect.scatter.add.f32 [tilespmem:s19], [sflag:$0x4], $0x80, s29, s18, $0xb8;
	[tilespmem:$0x1E000] =	vst v63  }
0x4f: {  	_ =	swait.ge [sflag:s22], $0x4000  }
0x50: {  	[sflag:s22] =	ssyncset.done $0x0  }
0x51: {  	s29 =	simm.s32 $0x100;
	[sflag:s22] =	ssyncadd.s32 $0xFFFFC000  }
0x52: {  	[tilespmem:s15], [sflag:$0x1] =	stream.indirect.gather [hbm4b:s1+s18], $0x80, s29, s18, $0xb8;
	[tilespmem:$0x1E000] =	vst v63  }
0x53: {  	_ =	swait.ge [sflag:s23], $0x4000  }
0x54: {  	[sflag:s23] =	ssyncset.done $0x0  }
0x55: {  	s30 =	simm.s32 $0x180;
	s29 =	simm.s32 $0x400;
	[sflag:s23] =	ssyncadd.s32 $0xFFFFC000  }
.LBB2_5:
0x56: {  	[tilespmem:s19], [sflag:$0x2] =	stream.indirect.gather [hbm4b:s1+s18], $0x80, s30, s18, $0xb8;
	[tilespmem:$0x1E000] =	vst v63  }
0x57: {  	s30 =	smov.u32 s29  }
0x58: {  	p1 =	sne.s32 s29, $0x3800;
	s29 =	sadd.s32 $0x400, s29;
	_ =	swait.ge [sflag:s20], $0x4000  }
0x59: {  	s30 =	sshra.s32 s30, $0x2;
	[sflag:s20] =	ssyncset.done $0x0  }
0x5a: {  	s31 =	sadd.s32 $0x1000, s30;
	[sflag:s20] =	ssyncadd.s32 $0xFFFFC000  }
0x5b: {  	[spmem:s2] =	stream.indirect.scatter.add.f32 [tilespmem:s15], [sflag:$0x3], $0x80, s31, s18, $0xb8;
	[tilespmem:$0x1E000] =	vst v63  }
0x5c: {  	_ =	swait.ge [sflag:s21], $0x4000  }
0x5d: {  	[sflag:s21] =	ssyncset.done $0x0  }
0x5e: {  	s31 =	sadd.s32 $0x1080, s30;
	[sflag:s21] =	ssyncadd.s32 $0xFFFFC000  }
0x5f: {  	[spmem:s2] =	stream.indirect.scatter.add.f32 [tilespmem:s19], [sflag:$0x4], $0x80, s31, s18, $0xb8;
	[tilespmem:$0x1E000] =	vst v63  }
0x60: {  	_ =	swait.ge [sflag:s22], $0x4000  }
0x61: {  	[sflag:s22] =	ssyncset.done $0x0  }
.Ltmp1:
0x62: {  	s31 =	sadd.s32 $0x100, s30;
	[sflag:s22] =	ssyncadd.s32 $0xFFFFC000;
	(pc) =	sbr.rel @p1 .LBB2_5-.Ltmp1, $4  }
0x63: {  	[tilespmem:s15], [sflag:$0x1] =	stream.indirect.gather [hbm4b:s1+s18], $0x80, s31, s18, $0xb8;
	[tilespmem:$0x1E000] =	vst v63  }
0x64: {  	_ =	swait.ge [sflag:s23], $0x4000  }
0x65: {  	[sflag:s23] =	ssyncset.done $0x0  }
0x66: {  	s30 =	sadd.s32 $0x180, s30;
	[sflag:s23] =	ssyncadd.s32 $0xFFFFC000  }
0x67: {  	[tilespmem:s19], [sflag:$0x2] =	stream.indirect.gather [hbm4b:s1+s18], $0x80, s30, s18, $0xb8;
	[tilespmem:$0x1E000] =	vst v63  }
0x68: {  	_ =	swait.ge [sflag:s20], $0x4000  }
0x69: {  	[sflag:s20] =	ssyncset.done $0x0  }
0x6a: {  	[sflag:s20] =	ssyncadd.s32 $0xFFFFC000  }
0x6b: {  	[spmem:s2] =	stream.indirect.scatter.add.f32 [tilespmem:s15], [sflag:$0x3], $0x80, s24, s18, $0xb8;
	[tilespmem:$0x1E000] =	vst v63  }
0x6c: {  	_ =	swait.ge [sflag:s21], $0x4000  }
0x6d: {  	[sflag:s21] =	ssyncset.done $0x0  }
0x6e: {  	p1 =	slt.u32 @!p0 s28, $0x3;
	[sflag:s21] =	ssyncadd.s32 $0xFFFFC000  }
0x6f: {  	[spmem:s2] =	stream.indirect.scatter.add.f32 [tilespmem:s19], [sflag:$0x4], $0x80, s25, s18, $0xb8;
	[tilespmem:$0x1E000] =	vst v63  }
0x70: {  	p1 =	por p0, !p1;
	_ =	swait.ge [sflag:s22], $0x4000  }
.Ltmp2:
0x71: {  	[sflag:s22] =	ssyncset.done $0x0;
	(pc) =	sbr.rel @!p1 .LBB2_4-.Ltmp2, $4  }
0x72: {  	[sflag:s22] =	ssyncadd.s32 $0xFFFFC000  }
0x73: {  	_ =	swait.ge [sflag:s23], $0x4000  }
0x74: {  	[sflag:s23] =	ssyncset.done $0x0  }
0x75: {  	s28 =	sadd.s32 $0x1, s28;
	[sflag:s23] =	ssyncadd.s32 $0xFFFFC000  }
0x76: {  	s4 =	sadd.s32 $0x1, s4  }
0x77: {  	s26 =	sshll.u32 s3, $0x6;
	[bflag:$0x0] =	sbarrier.arrive $0xFFFF;
	p1 =	sne.s32 s4, s14  }
.Ltmp3:
0x78: {  	s28 =	sshrl.u32 s7, $0x3;
	s26 =	sor.u32 $0x1C05, s26;
	(pc) =	sbr.rel @p1 .LBB2_1-.Ltmp3, $4  }
0x79: {  	[hbm:s13], [sflag:s26] =	dma.local [spmem:s28], $0x2800  }
0x7a: {  	_ =	swait.ge [sflag:s16], $0x2800  }
0x7b: {  	[sflag:s16] =	ssyncset.done $0x0  }
0x7c: {  	[sflag:s16] =	ssyncadd.s32 $0xFFFFD800  }
0x7d: {  	_ =	sfence.sel $0x180000  }
0x7e: {  	[bflag:$0x0] =	sbarrier.arrive $0xFFFF  }
0x7f: {  	p0 =	sne.s32 s3, $0x0;
	_ =	strace $0x9000004D  }
0x80: {  	s0 =	sadd.s32 @!p0 $0x100000, s0;
	[bflag:$0x2] =	sbarrier.arrive $0xFFFF  }
0x81: {  	[sflag:s0] =	ssyncadd.tile.s32 @!p0 $0x1;
	_ =	shalt  }
.Lfunc_end2:
_tile_overlayer_lowered:
.L_overlay_start_2:
0x82: {  	(tag) =	ssettag $0x2  }
0x83: {  	s0 =	rddreg [dreg:$0x0];
	s2 =	stileid.u32  }
0x84: {  	s1 =	rddreg [dreg:$0x1];
	p0 =	sne.s32 s2, $0x0  }
0x85: {  	s3 =	rddreg [dreg:$0x2];
	[bflag:$0x3] =	sbarrier.arrive $0xFFFF;
	s2 =	simm.s32 @!p0 $0x1C05  }
0x86: {  	[timem:s3], [sflag:s2] =	dma.local @!p0 [hbm:s0], s1  }
0x87: {  	s0 =	simm.s32 @!p0 $0x5  }
0x88: {  	_ =	swait.ge @!p0 [sflag:s0], s1  }
0x89: {  	s1 =	ssub.s32 @!p0 $0x0, s1;
	[sflag:s0] =	ssyncset.done @!p0 $0x0  }
0x8a: {  	[sflag:s0] =	ssyncadd.s32 @!p0 s1  }
0x8b: {  	[bflag:$0x3] =	sbarrier.arrive $0xFFFF  }
0x8c: {  	_ =	shalt  }

// kernel: kernel.9.cloned.1.call-start
scs
__scs_entry_jumppad:
0x0: {  	(pc) =	sbr.rel $0x88, $3  }
0x1: {  	(tag) =	ssettag $0x0;
	lr =	simm.s32 $0x1  }
0x2: {  	[smem:$0x3F91] =	sst lr;
	_ =	strace $0xD0000000  }
0x3: {  	_ = 	snop  }
0x4: {  	_ = 	snop  }
0x5: {  	_ = 	snop  }
0x6: {  	_ = 	snop  }
0x7: {  	_ = 	snop  }
__scs_overlays_trampoline_lowered:
0x8: {  	[smem:$0x3FA0] =	sst s0  }
0x9: {  	[smem:$0x3FA1] =	sst s1  }
0xa: {  	[smem:$0x3FA2] =	sst s2  }
0xb: {  	[smem:$0x3FA3] =	sst s3  }
0xc: {  	[smem:$0x3FA4] =	sst s4  }
0xd: {  	[smem:$0x3FA5] =	sst s5  }
0xe: {  	[smem:$0x3FA6] =	sst s6  }
0xf: {  	[smem:$0x3FA7] =	sst s7  }
0x10: {  	[smem:$0x3FA8] =	sst s8  }
0x11: {  	[smem:$0x3FA9] =	sst s9;
	s0 =	simm.s32 @!p0 $0x0  }
0x12: {  	s1 =	sld [smem:$0x3F8F];
	s0 =	simm.s32 @p0 $0x1  }
0x13: {  	[smem:$0x3FAA] =	sst s0;
	s0 =	simm.s32 @!p1 $0x0  }
0x14: {  	s2 =	sld [smem:$0x3F8E];
	s0 =	simm.s32 @p1 $0x1  }
0x15: {  	[smem:$0x3FAB] =	sst s0;
	s0 =	simm.s32 @!p2 $0x0  }
0x16: {  	s3 =	sld [smem:$0x3FDB];
	s0 =	simm.s32 @p2 $0x1  }
0x17: {  	s4 =	simm.s32 $0x1BF5;
	[smem:$0x3FAD] =	sst s0  }
0x18: {  	s0 =	sld [smem:$0x3F90];
	_ =	swait.ge [sflag:s4], $0x0  }
0x19: {  	s7 =	sld [smem:$0x3F91]  }
0x1a: {  	s8 =	sadd.s32 $0xFFFFE003, lr  }
0x1b: {  	s9 =	sadd.s32 $0xFFFFFEF7, lr;
	s5 =	simm.s32 $0xFFFFFFFF;
	p2 =	slt.u32 s8, $0xFFFFF086  }
0x1c: {  	p1 =	slt.u32 s9, $0xF7A;
	s5 =	simm.s32 @!p2 $0x0  }
0x1d: {  	s5 =	simm.s32 @p1 $0x1;
	p0 =	seq.s32 s7, s2  }
0x1e: {  	s7 =	smul.u32 @!p0 $0xF7A, s2;
	p2 =	seq.s32 @!p0 s5, $0x0  }
0x1f: {  	s9 =	smul.u32 $0xF7A, s1;
	s8 =	simm.s32 @!p0 $0x1BF5;
	p2 =	por !p2, p0  }
0x20: {  	[sflag:s8] =	ssyncset.s32 @!p0 $0xFFFFF086;
	s6 =	sadd.s32 @!p0 s3, s7;
	s7 =	simm.s32 @!p0 $0x108  }
0x21: {  	s3 =	sadd.s32 s3, s9;
	s6 =	sadd.s32 @!p0 $0x88, s6;
	s7 =	simm.s32 @p2 $0x1082  }
0x22: {  	[simem:s7], [sflag:s8] =	dma.local @!p0 [hbm:s6], $0xF7A  }
0x23: {  	s9 =	sor.u32 $0xD0000000, s2;
	s6 =	simm.s32 $0x108;
	_ =	swait.ge @!p0 [sflag:s8], $0x0  }
0x24: {  	s3 =	sadd.s32 $0x88, s3;
	s6 =	simm.s32 @!p1 $0x1082;
	[sflag:s4] =	ssyncset.s32 $0xFFFFF086  }
0x25: {  	[simem:s6], [sflag:s4] =	dma.local [hbm:s3], $0xF7A  }
0x26: {  	[smem:$0x3F91] =	sst s1;
	(tag) =	ssettag s2;
	_ =	strace s9  }
0x27: {  	s1 =	sld [smem:$0x3FA1]  }
0x28: {  	s2 =	sld [smem:$0x3FA2]  }
0x29: {  	s4 =	sld [smem:$0x3FA4]  }
0x2a: {  	p0 =	seq.s32 s5, $0x0;
	s5 =	sld [smem:$0x3FA5]  }
0x2b: {  	s6 =	sld [smem:$0x3FA6]  }
0x2c: {  	s7 =	sld [smem:$0x3FA7]  }
0x2d: {  	s3 =	simm.s32 $0x108;
	s8 =	sld [smem:$0x3FA8]  }
0x2e: {  	s3 =	simm.s32 @!p0 $0x1082;
	s9 =	sld [smem:$0x3FA9]  }
0x2f: {  	lr =	sadd.s32 s0, s3;
	s0 =	sld [smem:$0x3FA0]  }
0x30: {  	s3 =	sld [smem:$0x3FA3]  }
0x31: {  	[smem:$0x3FAC] =	sst s10  }
0x32: {  	s10 =	sld [smem:$0x3FAA];
	_ =	sdelay $0x3  }
0x33: {  	p0 =	seq.s32 s10, $0x1;
	s10 =	sld [smem:$0x3FAC];
	_ =	sdelay $0x3  }
0x34: {  	[smem:$0x3FAC] =	sst s10  }
0x35: {  	s10 =	sld [smem:$0x3FAB];
	_ =	sdelay $0x3  }
0x36: {  	p1 =	seq.s32 s10, $0x1;
	s10 =	sld [smem:$0x3FAC];
	_ =	sdelay $0x3  }
0x37: {  	[smem:$0x3FAC] =	sst s10  }
0x38: {  	s10 =	sld [smem:$0x3FAD]  }
0x39: {  	_ = 	snop;
	(pc) =	sbr.ind lr, $3  }
0x3a: {  	_ = 	snop  }
0x3b: {  	_ = 	snop  }
0x3c: {  	p2 =	seq.s32 s10, $0x1;
	s10 =	sld [smem:$0x3FAC]  }
0x3d: {  	_ =	shalt  }
0x3e: {  	_ =	shalt  }
0x3f: {  	_ =	shalt  }
0x40: {  	_ =	shalt  }
0x41: {  	_ =	shalt  }
0x42: {  	_ =	shalt  }
0x43: {  	_ =	shalt  }
0x44: {  	_ =	shalt  }
0x45: {  	_ =	shalt  }
0x46: {  	_ =	shalt  }
0x47: {  	_ =	shalt  }
0x48: {  	_ =	shalt  }
0x49: {  	_ =	shalt  }
0x4a: {  	_ =	shalt  }
0x4b: {  	_ =	shalt  }
0x4c: {  	_ =	shalt  }
0x4d: {  	_ =	shalt  }
0x4e: {  	_ =	shalt  }
0x4f: {  	_ =	shalt  }
0x50: {  	_ =	shalt  }
0x51: {  	_ =	shalt  }
0x52: {  	_ =	shalt  }
0x53: {  	_ =	shalt  }
0x54: {  	_ =	shalt  }
0x55: {  	_ =	shalt  }
0x56: {  	_ =	shalt  }
0x57: {  	_ =	shalt  }
0x58: {  	_ =	shalt  }
0x59: {  	_ =	shalt  }
0x5a: {  	_ =	shalt  }
0x5b: {  	_ =	shalt  }
0x5c: {  	_ =	shalt  }
0x5d: {  	_ =	shalt  }
0x5e: {  	_ =	shalt  }
0x5f: {  	_ =	shalt  }
0x60: {  	_ =	shalt  }
0x61: {  	_ =	shalt  }
0x62: {  	_ =	shalt  }
0x63: {  	_ =	shalt  }
0x64: {  	_ =	shalt  }
0x65: {  	_ =	shalt  }
0x66: {  	_ =	shalt  }
0x67: {  	_ =	shalt  }
0x68: {  	_ =	shalt  }
0x69: {  	_ =	shalt  }
0x6a: {  	_ =	shalt  }
0x6b: {  	_ =	shalt  }
0x6c: {  	_ =	shalt  }
0x6d: {  	_ =	shalt  }
0x6e: {  	_ =	shalt  }
0x6f: {  	_ =	shalt  }
0x70: {  	_ =	shalt  }
0x71: {  	_ =	shalt  }
0x72: {  	_ =	shalt  }
0x73: {  	_ =	shalt  }
0x74: {  	_ =	shalt  }
0x75: {  	_ =	shalt  }
0x76: {  	_ =	shalt  }
0x77: {  	_ =	shalt  }
0x78: {  	_ =	shalt  }
0x79: {  	_ =	shalt  }
0x7a: {  	_ =	shalt  }
0x7b: {  	_ =	shalt  }
0x7c: {  	_ =	shalt  }
0x7d: {  	_ =	shalt  }
0x7e: {  	_ =	shalt  }
0x7f: {  	_ =	shalt  }
0x80: {  	_ =	shalt  }
0x81: {  	_ =	shalt  }
0x82: {  	_ =	shalt  }
0x83: {  	_ =	shalt  }
0x84: {  	_ =	shalt  }
0x85: {  	_ =	shalt  }
0x86: {  	_ =	shalt  }
0x87: {  	_ =	shalt  }
.Lfunc_end0:
.L_simem_size_0:
called_computation_lowered:
.L_overlay_start_0:
0x88: {  	s2 =	sld [smem:$0x3FD9]  }
0x89: {  	s3 =	sld [smem:$0x3FFE];
	_ =	sdelay $0x1  }
0x8a: {  	s1 =	srdreg.scid  }
0x8b: {  	s0 =	sand.u32 $0x1, s1  }
0x8c: {  	s17 =	sshll.u32 s0, $0xA;
	s2 =	sadd.s32 s3, s2  }
0x8d: {  	s2 =	sadd.s32 s2, s17  }
0x8e: {  	[smem:$0x3FB8] =	sst s2  }
0x8f: {  	_ = 	snop  }
0x90: {  	s2 =	sld [smem:$0x3FC9]  }
0x91: {  	s18 =	sld [smem:$0x3FD0];
	(tm) =	ssettm $0x1  }
0x92: {  	s4 =	sld [smem:$0x3FFB];
	_ =	sdelay $0x3  }
0x93: {  	_ =	strace s4  }
0x94: {  	s4 =	sld [smem:$0x3FFC];
	_ =	sdelay $0x3  }
0x95: {  	_ =	strace s4  }
0x96: {  	s4 =	sld [smem:$0x3FFD];
	_ =	sdelay $0x3  }
0x97: {  	_ =	strace s4  }
0x98: {  	_ =	strace $0x8FFFFFFF  }
0x99: {  	s19 =	sld [smem:$0x3FDB];
	_ =	sdelay $0x1  }
0x9a: {  	s5 =	simm.s32 $_scs_section_size  }
0x9b: {  	s6 =	simm.s32 $_size__tile_overlayer_lowered;
	s7 =	simm.s32 $_tile_overlayer_lowered  }
0x9c: {  	s22 =	simm.s32 $0x1BFF;
	s21 =	sshll.u32 s7, $0x1;
	s4 =	sadd.s32 s5, s19  }
0x9d: {  	s8 =	simm.s32 $0x0;
	s20 =	sshll.u32 s6, $0x1;
	s6 =	sadd.s32 s21, s4  }
0x9e: {  	[timem:s8], [sflag:s22] =	dma.local [hbm:s6], s20  }
0x9f: {  	_ =	swait.ge [sflag:s22], s20  }
0xa0: {  	s5 =	ssub.s32 $0x0, s20;
	[sflag:s22] =	ssyncset.done $0x0  }
0xa1: {  	[sflag:s22] =	ssyncadd.s32 s5;
	_ =	sdelay $0x1  }
0xa2: {  	s23 =	simm.s32 $0x1B8B  }
0xa3: {  	_ =	swait.ge [sflag:s23], $0x1  }
0xa4: {  	[sflag:s23] =	ssyncset.done $0x0  }
0xa5: {  	s25 =	simm.s32 $0x1B8E;
	s24 =	sld [smem:$0x3FFE];
	[sflag:s23] =	ssyncadd.s32 $0xFFFFFFFF  }
0xa6: {  	s26 =	simm.s32 $execute0_lowered;
	[smem:$0x3FD2] =	sst s25  }
0xa7: {  	s6 =	sshll.u32 s26, $0x1;
	_ =	strace $0x80000046;
	[dreg:$0x1] =	wrdreg $0xFFFFFFFF  }
0xa8: {  	s28 =	simm.s32 $_size_execute0_lowered;
	s4 =	sadd.s32 s4, s6;
	[dreg:$0x0] =	wrdreg $0x0  }
0xa9: {  	s6 =	sshll.u32 s28, $0x1;
	[dreg:$0x2] =	wrdreg s4  }
0xaa: {  	[dreg:$0x3] =	wrdreg s6  }
0xab: {  	[dreg:$0x4] =	wrdreg $0xC0  }
0xac: {  	_ =	task [dreg:s8], $0x5FFFF  }
0xad: {  	[dreg:$0x1] =	wrdreg $0xFFFFFFFF  }
0xae: {  	[dreg:$0x0] =	wrdreg $0x60  }
0xaf: {  	[dreg:$0x2] =	wrdreg s2  }
0xb0: {  	[dreg:$0x3] =	wrdreg s18  }
0xb1: {  	[dreg:$0x4] =	wrdreg s24  }
0xb2: {  	[dreg:$0x5] =	wrdreg $0xA0000  }
0xb3: {  	[dreg:$0x6] =	wrdreg $0x9  }
0xb4: {  	_ =	task.clear_ibuf [dreg:s8], $0x7FFFF;
	_ =	strace $0x90000046  }
0xb5: {  	s29 =	simm.s32 $0x9;
	_ =	strace $0x80000048  }
0xb6: {  	_ =	swait.ge [sflag:s29], $0x1  }
0xb7: {  	[sflag:s29] =	ssyncadd.s32 $0xFFFFFFFF  }
0xb8: {  	_ =	strace $0x90000048  }
0xb9: {  	_ =	sfence  }
0xba: {  	s30 =	sld [smem:$0x0];
	_ =	sdelay $0x2  }
0xbb: {  	s31 =	sshll.u32 s1, $0xD;
	s1 =	sshrl.u32 s1, $0x2  }
0xbc: {  	s3 =	sand.u32 $0x4000, s31;
	s1 =	sadd.s32 s1, s30  }
0xbd: {  	s0 =	sor.u32 s3, s0;
	s1 =	sshll.u32 s1, $0x11  }
0xbe: {  	s0 =	sor.u32 s1, s0  }
0xbf: {  	s0 =	sadd.s32 $0x8F2B, s0  }
0xc0: {  	[sflag:s0] =	ssyncadd.remote.s32 $0x1  }
0xc1: {  	_ =	sfence.sel $0xFFFF  }
0xc2: {  	[dreg:$0x0] =	wrdreg $0xFFFFFFFF;
	(pc) =	sbr.abs _section_cstart, $3  }
0xc3: {  	[dreg:$0x1] =	wrdreg $0xFFFFFFFF  }
0xc4: {  	_ =	task.clear_ibuf [dreg:s8], $0x2FFFF;
	_ =	strace $0x9FFFFFFF  }
0xc5: {  	(tm) =	ssettm $0x7FFFFFFF  }
tec
execute0_lowered:
.L_overlay_start_1:
0x0: {  	(tag) =	ssettag $0x1  }
0x1: {  	s0 =	rddreg [dreg:$0x0]  }
0x2: {  	s1 =	rddreg [dreg:$0x1]  }
0x3: {  	s7 =	rddreg [dreg:$0x2];
	s2 =	srdreg.scid  }
0x4: {  	s4 =	rddreg [dreg:$0x3];
	s3 =	stileid.u32;
	s5 =	simm.s32 $0x0  }
0x5: {  	s16 =	simm.s32 $0x5;
	s17 =	simm.s32 $0x1000;
	s18 =	simm.s32 $0x80  }
0x6: {  	s19 =	simm.s32 $0x6000;
	s20 =	simm.s32 $0x1;
	s21 =	simm.s32 $0x2  }
0x7: {  	s22 =	simm.s32 $0x3;
	s23 =	simm.s32 $0x4;
	s25 =	simm.s32 $0x1F80  }
0x8: {  	s24 =	sand.u32 $0x1, s2;
	s2 =	rddreg [dreg:$0x4];
	s9 =	smul.u32 $0x14000, s3  }
0x9: {  	[smem:$0x7FF] =	sst s5;
	s10 =	smul.u32 $0x50000, s3;
	s6 =	sadd.s32 $0x3400, s7  }
0xa: {  	s12 =	sshll.u32 s3, $0xC;
	s15 =	sshll.u32 s3, $0xE;
	s8 =	smul.u32 $0x140000, s24  }
0xb: {  	_ =	strace $0x80000047;
	s30 =	ssub.s32 $0x2, s24;
	p0 =	seq.s32 s24, $0x0  }
0xc: {  	s12 =	sor.u32 $0x40000, s12;
	s10 =	sshrl.u32 s10, $0x2;
	s31 =	sshrl.u32 s30, $0x1  }
0xd: {  	s12 =	smov.u32 @p0 s15;
	s15 =	simm.s32 $0x2000;
	s8 =	sadd.s32 s9, s8  }
0xe: {  	p0 =	sne.s32 s24, $0x0;
	s24 =	simm.s32 $0x1F00;
	s8 =	sshrl.u32 s8, $0x3  }
0xf: {  	s14 =	ssub.s32 s30, s31;
	s13 =	sadd.s32 s8, s7;
	s7 =	sadd.s32 s10, s4  }
0x10: {  	s14 =	smax.u32 s14, $0x1;
	s8 =	sadd.s32 $0x4000, s7;
	s9 =	sadd.s32 $0x8000, s7  }
0x11: {  	v0 =	vimm.f32 $0.0e+00;
	s10 =	sadd.s32 $0xC000, s7;
	s11 =	sadd.s32 $0x10000, s7;
	s13 =	sadd.s32 $0x21400, s13  }
.LBB2_1:
0x12: {  	s26 =	simm.s32 $0x0;
	s28 =	simm.s32 $0x200  }
.LBB2_2:
0x13: {  	p1 =	sne.s32 s28, $0xFE00;
	[tilespmem:s26+$0x2070] =	vst v0  }
0x14: {  	[tilespmem:s26+$0x2000] =	vst v0  }
0x15: {  	[tilespmem:s26+$0x2010] =	vst v0  }
.Ltmp0:
0x16: {  	[tilespmem:s26+$0x2020] =	vst v0;
	(pc) =	sbr.rel @p1 .LBB2_2-.Ltmp0, $4  }
0x17: {  	[tilespmem:s26+$0x2030] =	vst v0  }
0x18: {  	[tilespmem:s26+$0x2040] =	vst v0  }
0x19: {  	[tilespmem:s26+$0x2050] =	vst v0  }
0x1a: {  	[tilespmem:s26+$0x2060] =	vst v0;
	s26 =	sshra.s32 s28, $0x2;
	s28 =	sadd.s32 $0x200, s28  }
0x1b: {  	[tilespmem:s26+$0x2070] =	vst v0  }
0x1c: {  	[tilespmem:s26+$0x2000] =	vst v0  }
0x1d: {  	[tilespmem:s26+$0x2010] =	vst v0  }
0x1e: {  	[tilespmem:s26+$0x2020] =	vst v0  }
0x1f: {  	[tilespmem:s26+$0x2030] =	vst v0  }
0x20: {  	[tilespmem:s26+$0x2040] =	vst v0  }
0x21: {  	[tilespmem:s26+$0x2050] =	vst v0  }
0x22: {  	[tilespmem:s26+$0x2060] =	vst v0  }
0x23: {  	[spmem:s7] =	stream.linear.scatter [tilespmem:s15], [sflag:$0x5], $0x4000, $0x38;
	[tilespmem:$0x1E000] =	vst v63  }
0x24: {  	_ =	swait.ge [sflag:s16], $0x4000  }
0x25: {  	[sflag:s16] =	ssyncset.done $0x0  }
0x26: {  	[sflag:s16] =	ssyncadd.s32 $0xFFFFC000  }
0x27: {  	[spmem:s8] =	stream.linear.scatter [tilespmem:s15], [sflag:$0x5], $0x4000, $0x38;
	[tilespmem:$0x1E000] =	vst v63  }
0x28: {  	_ =	swait.ge [sflag:s16], $0x4000  }
0x29: {  	[sflag:s16] =	ssyncset.done $0x0  }
0x2a: {  	[sflag:s16] =	ssyncadd.s32 $0xFFFFC000  }
0x2b: {  	[spmem:s9] =	stream.linear.scatter [tilespmem:s15], [sflag:$0x5], $0x4000, $0x38;
	[tilespmem:$0x1E000] =	vst v63  }
0x2c: {  	_ =	swait.ge [sflag:s16], $0x4000  }
0x2d: {  	[sflag:s16] =	ssyncset.done $0x0  }
0x2e: {  	[sflag:s16] =	ssyncadd.s32 $0xFFFFC000  }
0x2f: {  	[spmem:s10] =	stream.linear.scatter [tilespmem:s15], [sflag:$0x5], $0x4000, $0x38;
	[tilespmem:$0x1E000] =	vst v63  }
0x30: {  	_ =	swait.ge [sflag:s16], $0x4000  }
0x31: {  	[sflag:s16] =	ssyncset.done $0x0  }
0x32: {  	[sflag:s16] =	ssyncadd.s32 $0xFFFFC000  }
0x33: {  	[spmem:s11] =	stream.linear.scatter [tilespmem:s15], [sflag:$0x5], $0x4000, $0x38;
	[tilespmem:$0x1E000] =	vst v63  }
0x34: {  	_ =	swait.ge [sflag:s16], $0x4000  }
0x35: {  	[sflag:s16] =	ssyncset.done $0x0  }
0x36: {  	[sflag:s16] =	ssyncadd.s32 $0xFFFFC000  }
0x37: {  	s26 =	simm.s32 $0x0;
	s28 =	simm.s32 $0x0;
	[bflag:$0x0] =	sbarrier.arrive $0xFFFF  }
.LBB2_4:
0x38: {  	s29 =	sshll.u32 s28, $0xC  }
0x39: {  	s29 =	sadd.s32 s12, s29  }
0x3a: {  	s29 =	sshrl.u32 s29, $0x3  }
0x3b: {  	s30 =	sadd.s32 s1, s29  }
0x3c: {  	[tilespmem:s26], [sflag:$0x5] =	stream.linear.gather [hbm4b:s30+s26], $0x1000, $0x38;
	[tilespmem:$0x1E000] =	vst v63  }
0x3d: {  	_ =	swait.ge [sflag:s16], $0x1000  }
0x3e: {  	[sflag:s16] =	ssyncset.done $0x0  }
0x3f: {  	s29 =	sadd.s32 s6, s29;
	[sflag:s16] =	ssyncadd.s32 $0xFFFFF000  }
0x40: {  	[tilespmem:s17], [sflag:$0x5] =	stream.linear.gather [hbm4b:s29+s26], $0x1000, $0x38;
	[tilespmem:$0x1E000] =	vst v63  }
0x41: {  	_ =	swait.ge [sflag:s16], $0x1000  }
0x42: {  	[sflag:s16] =	ssyncset.done $0x0  }
0x43: {  	[sflag:s16] =	ssyncadd.s32 $0xFFFFF000  }
0x44: {  	[tilespmem:s15], [sflag:$0x1] =	stream.indirect.gather [hbm4b:s0+s18], $0x80, s26, s18, $0xb8;
	[tilespmem:$0x1E000] =	vst v63  }
0x45: {  	_ = 	snop  }
0x46: {  	[tilespmem:s19], [sflag:$0x2] =	stream.indirect.gather [hbm4b:s0+s18], $0x80, s18, s18, $0xb8;
	[tilespmem:$0x1E000] =	vst v63  }
0x47: {  	_ =	swait.ge [sflag:s20], $0x4000  }
0x48: {  	[sflag:s20] =	ssyncset.done $0x0  }
0x49: {  	s29 =	simm.s32 $0x1000;
	[sflag:s20] =	ssyncadd.s32 $0xFFFFC000  }
0x4a: {  	[spmem:s4] =	stream.indirect.scatter.add.f32 [tilespmem:s15], [sflag:$0x3], $0x80, s29, s18, $0xb8;
	[tilespmem:$0x1E000] =	vst v63  }
0x4b: {  	_ =	swait.ge [sflag:s21], $0x4000  }
0x4c: {  	[sflag:s21] =	ssyncset.done $0x0  }
0x4d: {  	s29 =	simm.s32 $0x1080;
	[sflag:s21] =	ssyncadd.s32 $0xFFFFC000  }
0x4e: {  	[spmem:s4] =	stream.indirect.scatter.add.f32 [tilespmem:s19], [sflag:$0x4], $0x80, s29, s18, $0xb8;
	[tilespmem:$0x1E000] =	vst v63  }
0x4f: {  	_ =	swait.ge [sflag:s22], $0x4000  }
0x50: {  	[sflag:s22] =	ssyncset.done $0x0  }
0x51: {  	s29 =	simm.s32 $0x100;
	[sflag:s22] =	ssyncadd.s32 $0xFFFFC000  }
0x52: {  	[tilespmem:s15], [sflag:$0x1] =	stream.indirect.gather [hbm4b:s0+s18], $0x80, s29, s18, $0xb8;
	[tilespmem:$0x1E000] =	vst v63  }
0x53: {  	_ =	swait.ge [sflag:s23], $0x4000  }
0x54: {  	[sflag:s23] =	ssyncset.done $0x0  }
0x55: {  	s30 =	simm.s32 $0x180;
	s29 =	simm.s32 $0x400;
	[sflag:s23] =	ssyncadd.s32 $0xFFFFC000  }
.LBB2_5:
0x56: {  	[tilespmem:s19], [sflag:$0x2] =	stream.indirect.gather [hbm4b:s0+s18], $0x80, s30, s18, $0xb8;
	[tilespmem:$0x1E000] =	vst v63  }
0x57: {  	s30 =	smov.u32 s29  }
0x58: {  	p1 =	sne.s32 s29, $0x3800;
	s29 =	sadd.s32 $0x400, s29;
	_ =	swait.ge [sflag:s20], $0x4000  }
0x59: {  	s30 =	sshra.s32 s30, $0x2;
	[sflag:s20] =	ssyncset.done $0x0  }
0x5a: {  	s31 =	sadd.s32 $0x1000, s30;
	[sflag:s20] =	ssyncadd.s32 $0xFFFFC000  }
0x5b: {  	[spmem:s4] =	stream.indirect.scatter.add.f32 [tilespmem:s15], [sflag:$0x3], $0x80, s31, s18, $0xb8;
	[tilespmem:$0x1E000] =	vst v63  }
0x5c: {  	_ =	swait.ge [sflag:s21], $0x4000  }
0x5d: {  	[sflag:s21] =	ssyncset.done $0x0  }
0x5e: {  	s31 =	sadd.s32 $0x1080, s30;
	[sflag:s21] =	ssyncadd.s32 $0xFFFFC000  }
0x5f: {  	[spmem:s4] =	stream.indirect.scatter.add.f32 [tilespmem:s19], [sflag:$0x4], $0x80, s31, s18, $0xb8;
	[tilespmem:$0x1E000] =	vst v63  }
0x60: {  	_ =	swait.ge [sflag:s22], $0x4000  }
0x61: {  	[sflag:s22] =	ssyncset.done $0x0  }
.Ltmp1:
0x62: {  	s31 =	sadd.s32 $0x100, s30;
	[sflag:s22] =	ssyncadd.s32 $0xFFFFC000;
	(pc) =	sbr.rel @p1 .LBB2_5-.Ltmp1, $4  }
0x63: {  	[tilespmem:s15], [sflag:$0x1] =	stream.indirect.gather [hbm4b:s0+s18], $0x80, s31, s18, $0xb8;
	[tilespmem:$0x1E000] =	vst v63  }
0x64: {  	_ =	swait.ge [sflag:s23], $0x4000  }
0x65: {  	[sflag:s23] =	ssyncset.done $0x0  }
0x66: {  	s30 =	sadd.s32 $0x180, s30;
	[sflag:s23] =	ssyncadd.s32 $0xFFFFC000  }
0x67: {  	[tilespmem:s19], [sflag:$0x2] =	stream.indirect.gather [hbm4b:s0+s18], $0x80, s30, s18, $0xb8;
	[tilespmem:$0x1E000] =	vst v63  }
0x68: {  	_ =	swait.ge [sflag:s20], $0x4000  }
0x69: {  	[sflag:s20] =	ssyncset.done $0x0  }
0x6a: {  	[sflag:s20] =	ssyncadd.s32 $0xFFFFC000  }
0x6b: {  	[spmem:s4] =	stream.indirect.scatter.add.f32 [tilespmem:s15], [sflag:$0x3], $0x80, s24, s18, $0xb8;
	[tilespmem:$0x1E000] =	vst v63  }
0x6c: {  	_ =	swait.ge [sflag:s21], $0x4000  }
0x6d: {  	[sflag:s21] =	ssyncset.done $0x0  }
0x6e: {  	p1 =	slt.u32 @!p0 s28, $0x3;
	[sflag:s21] =	ssyncadd.s32 $0xFFFFC000  }
0x6f: {  	[spmem:s4] =	stream.indirect.scatter.add.f32 [tilespmem:s19], [sflag:$0x4], $0x80, s25, s18, $0xb8;
	[tilespmem:$0x1E000] =	vst v63  }
0x70: {  	p1 =	por p0, !p1;
	_ =	swait.ge [sflag:s22], $0x4000  }
.Ltmp2:
0x71: {  	[sflag:s22] =	ssyncset.done $0x0;
	(pc) =	sbr.rel @!p1 .LBB2_4-.Ltmp2, $4  }
0x72: {  	[sflag:s22] =	ssyncadd.s32 $0xFFFFC000  }
0x73: {  	_ =	swait.ge [sflag:s23], $0x4000  }
0x74: {  	[sflag:s23] =	ssyncset.done $0x0  }
0x75: {  	s28 =	sadd.s32 $0x1, s28;
	[sflag:s23] =	ssyncadd.s32 $0xFFFFC000  }
0x76: {  	s5 =	sadd.s32 $0x1, s5  }
0x77: {  	s26 =	sshll.u32 s3, $0x6;
	[bflag:$0x0] =	sbarrier.arrive $0xFFFF;
	p1 =	sne.s32 s5, s14  }
.Ltmp3:
0x78: {  	s28 =	sshrl.u32 s7, $0x3;
	s26 =	sor.u32 $0x1C05, s26;
	(pc) =	sbr.rel @p1 .LBB2_1-.Ltmp3, $4  }
0x79: {  	[hbm:s13], [sflag:s26] =	dma.local [spmem:s28], $0x2800  }
0x7a: {  	_ =	swait.ge [sflag:s16], $0x2800  }
0x7b: {  	[sflag:s16] =	ssyncset.done $0x0  }
0x7c: {  	[sflag:s16] =	ssyncadd.s32 $0xFFFFD800  }
0x7d: {  	_ =	sfence.sel $0x180000  }
0x7e: {  	[bflag:$0x0] =	sbarrier.arrive $0xFFFF  }
0x7f: {  	p0 =	sne.s32 s3, $0x0;
	_ =	strace $0x90000047  }
0x80: {  	s0 =	sadd.s32 @!p0 $0x100000, s2;
	[bflag:$0x2] =	sbarrier.arrive $0xFFFF  }
0x81: {  	[sflag:s0] =	ssyncadd.tile.s32 @!p0 $0x1;
	_ =	shalt  }
.Lfunc_end2:
_tile_overlayer_lowered:
.L_overlay_start_2:
0x82: {  	(tag) =	ssettag $0x2  }
0x83: {  	s0 =	rddreg [dreg:$0x0];
	s2 =	stileid.u32  }
0x84: {  	s1 =	rddreg [dreg:$0x1];
	p0 =	sne.s32 s2, $0x0  }
0x85: {  	s3 =	rddreg [dreg:$0x2];
	[bflag:$0x3] =	sbarrier.arrive $0xFFFF;
	s2 =	simm.s32 @!p0 $0x1C05  }
0x86: {  	[timem:s3], [sflag:s2] =	dma.local @!p0 [hbm:s0], s1  }
0x87: {  	s0 =	simm.s32 @!p0 $0x5  }
0x88: {  	_ =	swait.ge @!p0 [sflag:s0], s1  }
0x89: {  	s1 =	ssub.s32 @!p0 $0x0, s1;
	[sflag:s0] =	ssyncset.done @!p0 $0x0  }
0x8a: {  	[sflag:s0] =	ssyncadd.s32 @!p0 s1  }
0x8b: {  	[bflag:$0x3] =	sbarrier.arrive $0xFFFF  }
0x8c: {  	_ =	shalt  }

</sc_bundles>
